<compile_context>
chip_gen: v7x
topology: tpu7x:2x2x1
jax: 0.10.2.dev20260603
libtpu: 0.0.44.dev20260713+nightly
codegen_flags: <defaults>
</compile_context>

<pallas_src>
import jax
import jax.numpy as jnp
from jax import lax
from jax.experimental import pallas as pl
from jax.experimental.pallas import tpu as pltpu
from jax.experimental.pallas import tpu_sc as plsc

_B = 16384
_D = 32
_W = 128
_R = _W // _D
_LANES = 16
_NC = 2
_NS = 16
_NW = _NC * _NS
_BPW = _B // _NW
_HALF = 256
_NH = _BPW // _HALF
_CHUNK = 16
_NCH = _HALF // _CHUNK
_NGR = _HALF // _LANES


def _dot_body(uids, iids, utab, itab, out,
              uidx_v, iidx_v, uw_v, iw_v, ubuf, ibuf, out_v, usem, isem):
    wid = lax.axis_index("s") * _NC + lax.axis_index("c")
    base = wid * _BPW
    pltpu.sync_copy(uids.at[pl.ds(base, _BPW)], uidx_v)
    pltpu.sync_copy(iids.at[pl.ds(base, _BPW)], iidx_v)

    def mk_w(r, carry):
        uvec = uidx_v[pl.ds(r * _CHUNK, _CHUNK)]
        ivec = iidx_v[pl.ds(r * _CHUNK, _CHUNK)]
        uw_v[r, pl.ds(0, _CHUNK)] = lax.shift_right_logical(uvec, 2)
        iw_v[r, pl.ds(0, _CHUNK)] = lax.shift_right_logical(ivec, 2)
        return carry

    lax.fori_loop(0, _NH * _NCH, mk_w, 0)

    lane = lax.iota(jnp.int32, _LANES)
    three = jnp.full((_LANES,), _R - 1, jnp.int32)

    def compute(h):
        def group(g, carry):
            rows = lane + g * _LANES
            uvec = uidx_v[pl.ds(h * _HALF + g * _LANES, _LANES)]
            ivec = iidx_v[pl.ds(h * _HALF + g * _LANES, _LANES)]
            ucol = (uvec & three) * _D
            icol = (ivec & three) * _D
            acc = jnp.zeros((_LANES,), jnp.float32)
            for d in range(_D):
                uval = plsc.load_gather(ubuf, [rows, ucol + d])
                ival = plsc.load_gather(ibuf, [rows, icol + d])
                acc = acc + uval * ival
            out_v[pl.ds(h * _HALF + g * _LANES, _LANES)] = acc
            return carry

        lax.fori_loop(0, _NGR, group, 0)

    for h in range(_NH):
        for c in range(_NCH):
            pltpu.async_copy(utab.at[uw_v.at[h * _NCH + c]],
                             ubuf.at[pl.ds(c * _CHUNK, _CHUNK)], usem)
            pltpu.async_copy(itab.at[iw_v.at[h * _NCH + c]],
                             ibuf.at[pl.ds(c * _CHUNK, _CHUNK)], isem)
        for c in range(_NCH):
            pltpu.make_async_copy(utab.at[pl.ds(0, _CHUNK)],
                                  ubuf.at[pl.ds(c * _CHUNK, _CHUNK)],
                                  usem).wait()
            pltpu.make_async_copy(itab.at[pl.ds(0, _CHUNK)],
                                  ibuf.at[pl.ds(c * _CHUNK, _CHUNK)],
                                  isem).wait()
        compute(h)

    pltpu.sync_copy(out_v, out.at[pl.ds(base, _BPW)])


def kernel(user_ids, item_ids, user_table, item_table):
    uids = user_ids.astype(jnp.int32)
    iids = item_ids.astype(jnp.int32)
    utab = user_table.reshape(-1, _W)
    itab = item_table.reshape(-1, _W)
    mesh = plsc.VectorSubcoreMesh(core_axis_name="c", subcore_axis_name="s")
    f = pl.kernel(
        _dot_body,
        mesh=mesh,
        compiler_params=pltpu.CompilerParams(needs_layout_passes=False, use_tc_tiling_on_sc=True),
        out_type=jax.ShapeDtypeStruct((_B,), jnp.float32),
        scratch_types=[
            pltpu.VMEM((_BPW,), jnp.int32),
            pltpu.VMEM((_BPW,), jnp.int32),
            pltpu.VMEM((_NH * _NCH, _CHUNK), jnp.int32),
            pltpu.VMEM((_NH * _NCH, _CHUNK), jnp.int32),
            pltpu.VMEM((_HALF, _W), jnp.float32),
            pltpu.VMEM((_HALF, _W), jnp.float32),
            pltpu.VMEM((_BPW,), jnp.float32),
            pltpu.SemaphoreType.DMA,
            pltpu.SemaphoreType.DMA,
        ],
    )
    return f(uids, iids, utab, itab)

# --- scband reference (transcript-rebuilt; emitter-appended) ---
"""Pipeline reference for scband-matrix-factorization-3633542332909 (READ-ONLY COPY).

The authoritative reference and input builder live on the scoring server;
editing this copy changes nothing except your own understanding.
"""

import jax, jax.numpy as jnp
import numpy as np

NUM_USERS = 1000000
NUM_ITEMS = 1000000
LATENT_DIM = 32
BATCH = 16384


def setup_inputs(seed: int = 0) -> dict:
    key = jax.random.key(seed)
    k1, k2, k3, k4 = jax.random.split(key, 4)
    user_ids = jax.random.randint(k1, (BATCH,), 0, NUM_USERS, dtype=jnp.int64 if jax.config.jax_enable_x64 else jnp.int32)
    item_ids = jax.random.randint(k2, (BATCH,), 0, NUM_ITEMS, dtype=jnp.int64 if jax.config.jax_enable_x64 else jnp.int32)
    user_table = jax.random.normal(k3, (NUM_USERS, LATENT_DIM), dtype=jnp.float32) * 0.05
    item_table = jax.random.normal(k4, (NUM_ITEMS, LATENT_DIM), dtype=jnp.float32) * 0.05
    return {"user_ids": user_ids, "item_ids": item_ids, "user_table": user_table, "item_table": item_table}


def reference(user_ids, item_ids, user_table, item_table):
    # Embedding lookups (gather)
    user_embedding = jnp.take(user_table, user_ids, axis=0)  # [B, D]
    item_embedding = jnp.take(item_table, item_ids, axis=0)  # [B, D]
    # Dot product per example: reduce_sum over latent dim
    return jnp.sum(user_embedding * item_embedding, axis=1)  # [B]

if __name__ == "__main__":
    import jax
    _d = setup_inputs()
    print(jax.jit(kernel)(*tuple(_d.values())))

</pallas_src>

<mosaic_0001>
#map = affine_map<(d0, d1) -> (0)>
#map1 = affine_map<(d0, d1) -> (0, 0)>
module attributes {stable_mosaic.version = 14 : i64} {
  func.func @_dot_body(%arg0: i32, %arg1: i32, %arg2: memref<16384xi32, #tpu.memory_space<hbm>>, %arg3: memref<16384xi32, #tpu.memory_space<hbm>>, %arg4: memref<250000x128xf32, #tpu.memory_space<hbm>>, %arg5: memref<250000x128xf32, #tpu.memory_space<hbm>>, %arg6: memref<16384xf32, #tpu.memory_space<hbm>>, %arg7: memref<512xi32, #tpu.memory_space<vmem>>, %arg8: memref<512xi32, #tpu.memory_space<vmem>>, %arg9: memref<32x16xi32, #tpu.memory_space<vmem>>, %arg10: memref<32x16xi32, #tpu.memory_space<vmem>>, %arg11: memref<256x128xf32, #tpu.memory_space<vmem>>, %arg12: memref<256x128xf32, #tpu.memory_space<vmem>>, %arg13: memref<512xf32, #tpu.memory_space<vmem>>, %arg14: memref<!tpu.dma_semaphore, #tpu.memory_space<semaphore_mem>>, %arg15: memref<!tpu.dma_semaphore, #tpu.memory_space<semaphore_mem>>) attributes {dimension_semantics = [#tpu.dimension_semantics<core_parallel>, #tpu.dimension_semantics<subcore_parallel>], iteration_bounds = array<i64: 2, 16>, scalar_prefetch = 0 : i64, scratch_operands = 9 : i64, tpu.core_type = #tpu.core_type<sc_vector_subcore>, window_params = [{transform_indices = #map}, {transform_indices = #map}, {transform_indices = #map1}, {transform_indices = #map1}, {transform_indices = #map}]} {
    %mul3A = arith.constant 2 : i32
    %mul3A_0 = arith.muli %arg1, %mul3A : i32
    %add3A = arith.addi %mul3A_0, %arg0 : i32
    %mul3A_1 = arith.constant 512 : i32
    %mul3A_2 = arith.muli %add3A, %mul3A_1 : i32
    "tpu.region"() ({
      %run_scoped3A = tpu.sem_alloc : memref<!tpu.dma_semaphore, #tpu.memory_space<semaphore_mem>>
      %dma_start3A_1427 = tpu.memref_slice %arg2[%mul3A_2] : memref<16384xi32, #tpu.memory_space<hbm>> -> memref<512xi32, #tpu.memory_space<hbm>>
      %dma_start3A_1428 = tpu.memref_slice %arg2[%mul3A_2] : memref<16384xi32, #tpu.memory_space<hbm>> -> memref<512xi32, #tpu.memory_space<hbm>>
      tpu.enqueue_dma source(%dma_start3A_1428 : memref<512xi32, #tpu.memory_space<hbm>>) target(%arg7 : memref<512xi32, #tpu.memory_space<vmem>>) target_semaphore(%run_scoped3A : memref<!tpu.dma_semaphore, #tpu.memory_space<semaphore_mem>>)
      %dma_wait3A_1429 = tpu.memref_slice %arg2[%mul3A_2] : memref<16384xi32, #tpu.memory_space<hbm>> -> memref<512xi32, #tpu.memory_space<hbm>>
      %dma_wait3A_1430 = tpu.memref_slice %arg2[%mul3A_2] : memref<16384xi32, #tpu.memory_space<hbm>> -> memref<512xi32, #tpu.memory_space<hbm>>
      tpu.wait_dma2 semaphore(%run_scoped3A : memref<!tpu.dma_semaphore, #tpu.memory_space<semaphore_mem>>) src(%dma_wait3A_1430 : memref<512xi32, #tpu.memory_space<hbm>>) dst(%arg7 : memref<512xi32, #tpu.memory_space<vmem>>)
      tpu.yield
    }) : () -> ()
    "tpu.region"() ({
      %run_scoped3A = tpu.sem_alloc : memref<!tpu.dma_semaphore, #tpu.memory_space<semaphore_mem>>
      %dma_start3A_1427 = tpu.memref_slice %arg3[%mul3A_2] : memref<16384xi32, #tpu.memory_space<hbm>> -> memref<512xi32, #tpu.memory_space<hbm>>
      %dma_start3A_1428 = tpu.memref_slice %arg3[%mul3A_2] : memref<16384xi32, #tpu.memory_space<hbm>> -> memref<512xi32, #tpu.memory_space<hbm>>
      tpu.enqueue_dma source(%dma_start3A_1428 : memref<512xi32, #tpu.memory_space<hbm>>) target(%arg8 : memref<512xi32, #tpu.memory_space<vmem>>) target_semaphore(%run_scoped3A : memref<!tpu.dma_semaphore, #tpu.memory_space<semaphore_mem>>)
      %dma_wait3A_1429 = tpu.memref_slice %arg3[%mul3A_2] : memref<16384xi32, #tpu.memory_space<hbm>> -> memref<512xi32, #tpu.memory_space<hbm>>
      %dma_wait3A_1430 = tpu.memref_slice %arg3[%mul3A_2] : memref<16384xi32, #tpu.memory_space<hbm>> -> memref<512xi32, #tpu.memory_space<hbm>>
      tpu.wait_dma2 semaphore(%run_scoped3A : memref<!tpu.dma_semaphore, #tpu.memory_space<semaphore_mem>>) src(%dma_wait3A_1430 : memref<512xi32, #tpu.memory_space<hbm>>) dst(%arg8 : memref<512xi32, #tpu.memory_space<vmem>>)
      tpu.yield
    }) : () -> ()
    %scan3A = arith.constant 0 : i32
    %scan3A_3 = arith.constant 0 : i32
    %scan3A_4 = arith.constant 32 : i32
    %scan3A_5 = arith.addi %scan3A_3, %scan3A_4 : i32
    %scan3A_6 = arith.constant 1 : i32
    scf.for %scan3A_1427 = %scan3A_3 to %scan3A_5 step %scan3A_6  : i32 {
      %mul3A_1428 = arith.constant 16 : i32
      %mul3A_1429 = arith.muli %scan3A_1427, %mul3A_1428 : i32
      %get3A = arith.index_cast %mul3A_1429 : i32 to index
      %get3A_1430 = tpu.vector_load %arg7[%get3A] {strides = array<i32>} : memref<512xi32, #tpu.memory_space<vmem>>, vector<16xi32>,
      %mul3A_1431 = arith.constant 16 : i32
      %mul3A_1432 = arith.muli %scan3A_1427, %mul3A_1431 : i32
      %get3A_1433 = arith.index_cast %mul3A_1432 : i32 to index
      %get3A_1434 = tpu.vector_load %arg8[%get3A_1433] {strides = array<i32>} : memref<512xi32, #tpu.memory_space<vmem>>, vector<16xi32>,
      %shift_right_logical3A = arith.constant 2 : i32
      %shift_right_logical3A_1435 = vector.broadcast %shift_right_logical3A : i32 to vector<16xi32>
      %shift_right_logical3A_1436 = arith.shrui %get3A_1430, %shift_right_logical3A_1435 : vector<16xi32>
      %swap3A = arith.index_cast %scan3A_1427 : i32 to index
      %swap3A_1437 = arith.constant 0 : index
      %swap3A_1438 = tpu.vector_load %arg9[%swap3A, %swap3A_1437] {strides = array<i32>} : memref<32x16xi32, #tpu.memory_space<vmem>>, vector<16xi32>,
      tpu.vector_store %arg9[%swap3A, %swap3A_1437], %shift_right_logical3A_1436 {strides = array<i32>} : memref<32x16xi32, #tpu.memory_space<vmem>>, vector<16xi32>,
      %shift_right_logical3A_1439 = arith.constant 2 : i32
      %shift_right_logical3A_1440 = vector.broadcast %shift_right_logical3A_1439 : i32 to vector<16xi32>
      %shift_right_logical3A_1441 = arith.shrui %get3A_1434, %shift_right_logical3A_1440 : vector<16xi32>
      %swap3A_1442 = arith.index_cast %scan3A_1427 : i32 to index
      %swap3A_1443 = arith.constant 0 : index
      %swap3A_1444 = tpu.vector_load %arg10[%swap3A_1442, %swap3A_1443] {strides = array<i32>} : memref<32x16xi32, #tpu.memory_space<vmem>>, vector<16xi32>,
      tpu.vector_store %arg10[%swap3A_1442, %swap3A_1443], %shift_right_logical3A_1441 {strides = array<i32>} : memref<32x16xi32, #tpu.memory_space<vmem>>, vector<16xi32>,
    }
    %scan3A_7 = arith.constant 32 : i32
    %iota3A = tpu.iota {dimensions = array<i32: 0>} : vector<16xi32>
    %broadcast_in_dim3A = arith.constant 3 : i32
    %broadcast_in_dim3A_8 = vector.broadcast %broadcast_in_dim3A : i32 to vector<16xi32>
    %dma_start3A = arith.constant 0 : i32
    %dma_start3A_9 = arith.constant 0 : i32
    %dma_start3A_10 = arith.constant 0 : i32
    %dma_start3A_11 = tpu.memref_slice %arg11[%dma_start3A_9, %dma_start3A_10] : memref<256x128xf32, #tpu.memory_space<vmem>> -> memref<16x128xf32, #tpu.memory_space<vmem>>
    %dma_start3A_12 = arith.constant 0 : i32
    %dma_start3A_13 = tpu.memref_slice %arg9[%dma_start3A, %dma_start3A_12] : memref<32x16xi32, #tpu.memory_space<vmem>> -> memref<1x16xi32, #tpu.memory_space<vmem>>
    %dma_start3A_14 = tpu.memref_squeeze %dma_start3A_13 : memref<1x16xi32, #tpu.memory_space<vmem>> -> memref<16xi32, #tpu.memory_space<vmem>>
    %dma_start3A_15 = arith.constant 0 : i32
    %dma_start3A_16 = arith.constant 0 : i32
    %dma_start3A_17 = tpu.memref_slice %arg4[%dma_start3A_15, %dma_start3A_16] : memref<250000x128xf32, #tpu.memory_space<hbm>> -> memref<250000x128xf32, #tpu.memory_space<hbm>>
    tpu.enqueue_indirect_dma source(%dma_start3A_17 : memref<250000x128xf32, #tpu.memory_space<hbm>>) target(%dma_start3A_11 : memref<16x128xf32, #tpu.memory_space<vmem>>) offsets(%dma_start3A_14 : memref<16xi32, #tpu.memory_space<vmem>>) semaphore(%arg14 : memref<!tpu.dma_semaphore, #tpu.memory_space<semaphore_mem>>)
    %dma_start3A_18 = arith.constant 0 : i32
    %dma_start3A_19 = arith.constant 0 : i32
    %dma_start3A_20 = arith.constant 0 : i32
    %dma_start3A_21 = tpu.memref_slice %arg12[%dma_start3A_19, %dma_start3A_20] : memref<256x128xf32, #tpu.memory_space<vmem>> -> memref<16x128xf32, #tpu.memory_space<vmem>>
    %dma_start3A_22 = arith.constant 0 : i32
    %dma_start3A_23 = tpu.memref_slice %arg10[%dma_start3A_18, %dma_start3A_22] : memref<32x16xi32, #tpu.memory_space<vmem>> -> memref<1x16xi32, #tpu.memory_space<vmem>>
    %dma_start3A_24 = tpu.memref_squeeze %dma_start3A_23 : memref<1x16xi32, #tpu.memory_space<vmem>> -> memref<16xi32, #tpu.memory_space<vmem>>
    %dma_start3A_25 = arith.constant 0 : i32
    %dma_start3A_26 = arith.constant 0 : i32
    %dma_start3A_27 = tpu.memref_slice %arg5[%dma_start3A_25, %dma_start3A_26] : memref<250000x128xf32, #tpu.memory_space<hbm>> -> memref<250000x128xf32, #tpu.memory_space<hbm>>
    tpu.enqueue_indirect_dma source(%dma_start3A_27 : memref<250000x128xf32, #tpu.memory_space<hbm>>) target(%dma_start3A_21 : memref<16x128xf32, #tpu.memory_space<vmem>>) offsets(%dma_start3A_24 : memref<16xi32, #tpu.memory_space<vmem>>) semaphore(%arg15 : memref<!tpu.dma_semaphore, #tpu.memory_space<semaphore_mem>>)
    %dma_start3A_28 = arith.constant 1 : i32
    %dma_start3A_29 = arith.constant 16 : i32
    %dma_start3A_30 = arith.constant 0 : i32
    %dma_start3A_31 = tpu.memref_slice %arg11[%dma_start3A_29, %dma_start3A_30] : memref<256x128xf32, #tpu.memory_space<vmem>> -> memref<16x128xf32, #tpu.memory_space<vmem>>
    %dma_start3A_32 = arith.constant 0 : i32
    %dma_start3A_33 = tpu.memref_slice %arg9[%dma_start3A_28, %dma_start3A_32] : memref<32x16xi32, #tpu.memory_space<vmem>> -> memref<1x16xi32, #tpu.memory_space<vmem>>
    %dma_start3A_34 = tpu.memref_squeeze %dma_start3A_33 : memref<1x16xi32, #tpu.memory_space<vmem>> -> memref<16xi32, #tpu.memory_space<vmem>>
    %dma_start3A_35 = arith.constant 0 : i32
    %dma_start3A_36 = arith.constant 0 : i32
    %dma_start3A_37 = tpu.memref_slice %arg4[%dma_start3A_35, %dma_start3A_36] : memref<250000x128xf32, #tpu.memory_space<hbm>> -> memref<250000x128xf32, #tpu.memory_space<hbm>>
    tpu.enqueue_indirect_dma source(%dma_start3A_37 : memref<250000x128xf32, #tpu.memory_space<hbm>>) target(%dma_start3A_31 : memref<16x128xf32, #tpu.memory_space<vmem>>) offsets(%dma_start3A_34 : memref<16xi32, #tpu.memory_space<vmem>>) semaphore(%arg14 : memref<!tpu.dma_semaphore, #tpu.memory_space<semaphore_mem>>)
    %dma_start3A_38 = arith.constant 1 : i32
    %dma_start3A_39 = arith.constant 16 : i32
    %dma_start3A_40 = arith.constant 0 : i32
    %dma_start3A_41 = tpu.memref_slice %arg12[%dma_start3A_39, %dma_start3A_40] : memref<256x128xf32, #tpu.memory_space<vmem>> -> memref<16x128xf32, #tpu.memory_space<vmem>>
    %dma_start3A_42 = arith.constant 0 : i32
    %dma_start3A_43 = tpu.memref_slice %arg10[%dma_start3A_38, %dma_start3A_42] : memref<32x16xi32, #tpu.memory_space<vmem>> -> memref<1x16xi32, #tpu.memory_space<vmem>>
    %dma_start3A_44 = tpu.memref_squeeze %dma_start3A_43 : memref<1x16xi32, #tpu.memory_space<vmem>> -> memref<16xi32, #tpu.memory_space<vmem>>
    %dma_start3A_45 = arith.constant 0 : i32
    %dma_start3A_46 = arith.constant 0 : i32
    %dma_start3A_47 = tpu.memref_slice %arg5[%dma_start3A_45, %dma_start3A_46] : memref<250000x128xf32, #tpu.memory_space<hbm>> -> memref<250000x128xf32, #tpu.memory_space<hbm>>
    tpu.enqueue_indirect_dma source(%dma_start3A_47 : memref<250000x128xf32, #tpu.memory_space<hbm>>) target(%dma_start3A_41 : memref<16x128xf32, #tpu.memory_space<vmem>>) offsets(%dma_start3A_44 : memref<16xi32, #tpu.memory_space<vmem>>) semaphore(%arg15 : memref<!tpu.dma_semaphore, #tpu.memory_space<semaphore_mem>>)
    %dma_start3A_48 = arith.constant 2 : i32
    %dma_start3A_49 = arith.constant 32 : i32
    %dma_start3A_50 = arith.constant 0 : i32
    %dma_start3A_51 = tpu.memref_slice %arg11[%dma_start3A_49, %dma_start3A_50] : memref<256x128xf32, #tpu.memory_space<vmem>> -> memref<16x128xf32, #tpu.memory_space<vmem>>
    %dma_start3A_52 = arith.constant 0 : i32
    %dma_start3A_53 = tpu.memref_slice %arg9[%dma_start3A_48, %dma_start3A_52] : memref<32x16xi32, #tpu.memory_space<vmem>> -> memref<1x16xi32, #tpu.memory_space<vmem>>
    %dma_start3A_54 = tpu.memref_squeeze %dma_start3A_53 : memref<1x16xi32, #tpu.memory_space<vmem>> -> memref<16xi32, #tpu.memory_space<vmem>>
    %dma_start3A_55 = arith.constant 0 : i32
    %dma_start3A_56 = arith.constant 0 : i32
    %dma_start3A_57 = tpu.memref_slice %arg4[%dma_start3A_55, %dma_start3A_56] : memref<250000x128xf32, #tpu.memory_space<hbm>> -> memref<250000x128xf32, #tpu.memory_space<hbm>>
    tpu.enqueue_indirect_dma source(%dma_start3A_57 : memref<250000x128xf32, #tpu.memory_space<hbm>>) target(%dma_start3A_51 : memref<16x128xf32, #tpu.memory_space<vmem>>) offsets(%dma_start3A_54 : memref<16xi32, #tpu.memory_space<vmem>>) semaphore(%arg14 : memref<!tpu.dma_semaphore, #tpu.memory_space<semaphore_mem>>)
    %dma_start3A_58 = arith.constant 2 : i32
    %dma_start3A_59 = arith.constant 32 : i32
    %dma_start3A_60 = arith.constant 0 : i32
    %dma_start3A_61 = tpu.memref_slice %arg12[%dma_start3A_59, %dma_start3A_60] : memref<256x128xf32, #tpu.memory_space<vmem>> -> memref<16x128xf32, #tpu.memory_space<vmem>>
    %dma_start3A_62 = arith.constant 0 : i32
    %dma_start3A_63 = tpu.memref_slice %arg10[%dma_start3A_58, %dma_start3A_62] : memref<32x16xi32, #tpu.memory_space<vmem>> -> memref<1x16xi32, #tpu.memory_space<vmem>>
    %dma_start3A_64 = tpu.memref_squeeze %dma_start3A_63 : memref<1x16xi32, #tpu.memory_space<vmem>> -> memref<16xi32, #tpu.memory_space<vmem>>
    %dma_start3A_65 = arith.constant 0 : i32
    %dma_start3A_66 = arith.constant 0 : i32
    %dma_start3A_67 = tpu.memref_slice %arg5[%dma_start3A_65, %dma_start3A_66] : memref<250000x128xf32, #tpu.memory_space<hbm>> -> memref<250000x128xf32, #tpu.memory_space<hbm>>
    tpu.enqueue_indirect_dma source(%dma_start3A_67 : memref<250000x128xf32, #tpu.memory_space<hbm>>) target(%dma_start3A_61 : memref<16x128xf32, #tpu.memory_space<vmem>>) offsets(%dma_start3A_64 : memref<16xi32, #tpu.memory_space<vmem>>) semaphore(%arg15 : memref<!tpu.dma_semaphore, #tpu.memory_space<semaphore_mem>>)
    %dma_start3A_68 = arith.constant 3 : i32
    %dma_start3A_69 = arith.constant 48 : i32
    %dma_start3A_70 = arith.constant 0 : i32
    %dma_start3A_71 = tpu.memref_slice %arg11[%dma_start3A_69, %dma_start3A_70] : memref<256x128xf32, #tpu.memory_space<vmem>> -> memref<16x128xf32, #tpu.memory_space<vmem>>
    %dma_start3A_72 = arith.constant 0 : i32
    %dma_start3A_73 = tpu.memref_slice %arg9[%dma_start3A_68, %dma_start3A_72] : memref<32x16xi32, #tpu.memory_space<vmem>> -> memref<1x16xi32, #tpu.memory_space<vmem>>
    %dma_start3A_74 = tpu.memref_squeeze %dma_start3A_73 : memref<1x16xi32, #tpu.memory_space<vmem>> -> memref<16xi32, #tpu.memory_space<vmem>>
    %dma_start3A_75 = arith.constant 0 : i32
    %dma_start3A_76 = arith.constant 0 : i32
    %dma_start3A_77 = tpu.memref_slice %arg4[%dma_start3A_75, %dma_start3A_76] : memref<250000x128xf32, #tpu.memory_space<hbm>> -> memref<250000x128xf32, #tpu.memory_space<hbm>>
    tpu.enqueue_indirect_dma source(%dma_start3A_77 : memref<250000x128xf32, #tpu.memory_space<hbm>>) target(%dma_start3A_71 : memref<16x128xf32, #tpu.memory_space<vmem>>) offsets(%dma_start3A_74 : memref<16xi32, #tpu.memory_space<vmem>>) semaphore(%arg14 : memref<!tpu.dma_semaphore, #tpu.memory_space<semaphore_mem>>)
    %dma_start3A_78 = arith.constant 3 : i32
    %dma_start3A_79 = arith.constant 48 : i32
    %dma_start3A_80 = arith.constant 0 : i32
    %dma_start3A_81 = tpu.memref_slice %arg12[%dma_start3A_79, %dma_start3A_80] : memref<256x128xf32, #tpu.memory_space<vmem>> -> memref<16x128xf32, #tpu.memory_space<vmem>>
    %dma_start3A_82 = arith.constant 0 : i32
    %dma_start3A_83 = tpu.memref_slice %arg10[%dma_start3A_78, %dma_start3A_82] : memref<32x16xi32, #tpu.memory_space<vmem>> -> memref<1x16xi32, #tpu.memory_space<vmem>>
    %dma_start3A_84 = tpu.memref_squeeze %dma_start3A_83 : memref<1x16xi32, #tpu.memory_space<vmem>> -> memref<16xi32, #tpu.memory_space<vmem>>
    %dma_start3A_85 = arith.constant 0 : i32
    %dma_start3A_86 = arith.constant 0 : i32
    %dma_start3A_87 = tpu.memref_slice %arg5[%dma_start3A_85, %dma_start3A_86] : memref<250000x128xf32, #tpu.memory_space<hbm>> -> memref<250000x128xf32, #tpu.memory_space<hbm>>
    tpu.enqueue_indirect_dma source(%dma_start3A_87 : memref<250000x128xf32, #tpu.memory_space<hbm>>) target(%dma_start3A_81 : memref<16x128xf32, #tpu.memory_space<vmem>>) offsets(%dma_start3A_84 : memref<16xi32, #tpu.memory_space<vmem>>) semaphore(%arg15 : memref<!tpu.dma_semaphore, #tpu.memory_space<semaphore_mem>>)
    %dma_start3A_88 = arith.constant 4 : i32
    %dma_start3A_89 = arith.constant 64 : i32
    %dma_start3A_90 = arith.constant 0 : i32
    %dma_start3A_91 = tpu.memref_slice %arg11[%dma_start3A_89, %dma_start3A_90] : memref<256x128xf32, #tpu.memory_space<vmem>> -> memref<16x128xf32, #tpu.memory_space<vmem>>
    %dma_start3A_92 = arith.constant 0 : i32
    %dma_start3A_93 = tpu.memref_slice %arg9[%dma_start3A_88, %dma_start3A_92] : memref<32x16xi32, #tpu.memory_space<vmem>> -> memref<1x16xi32, #tpu.memory_space<vmem>>
    %dma_start3A_94 = tpu.memref_squeeze %dma_start3A_93 : memref<1x16xi32, #tpu.memory_space<vmem>> -> memref<16xi32, #tpu.memory_space<vmem>>
    %dma_start3A_95 = arith.constant 0 : i32
    %dma_start3A_96 = arith.constant 0 : i32
    %dma_start3A_97 = tpu.memref_slice %arg4[%dma_start3A_95, %dma_start3A_96] : memref<250000x128xf32, #tpu.memory_space<hbm>> -> memref<250000x128xf32, #tpu.memory_space<hbm>>
    tpu.enqueue_indirect_dma source(%dma_start3A_97 : memref<250000x128xf32, #tpu.memory_space<hbm>>) target(%dma_start3A_91 : memref<16x128xf32, #tpu.memory_space<vmem>>) offsets(%dma_start3A_94 : memref<16xi32, #tpu.memory_space<vmem>>) semaphore(%arg14 : memref<!tpu.dma_semaphore, #tpu.memory_space<semaphore_mem>>)
    %dma_start3A_98 = arith.constant 4 : i32
    %dma_start3A_99 = arith.constant 64 : i32
    %dma_start3A_100 = arith.constant 0 : i32
    %dma_start3A_101 = tpu.memref_slice %arg12[%dma_start3A_99, %dma_start3A_100] : memref<256x128xf32, #tpu.memory_space<vmem>> -> memref<16x128xf32, #tpu.memory_space<vmem>>
    %dma_start3A_102 = arith.constant 0 : i32
    %dma_start3A_103 = tpu.memref_slice %arg10[%dma_start3A_98, %dma_start3A_102] : memref<32x16xi32, #tpu.memory_space<vmem>> -> memref<1x16xi32, #tpu.memory_space<vmem>>
    %dma_start3A_104 = tpu.memref_squeeze %dma_start3A_103 : memref<1x16xi32, #tpu.memory_space<vmem>> -> memref<16xi32, #tpu.memory_space<vmem>>
    %dma_start3A_105 = arith.constant 0 : i32
    %dma_start3A_106 = arith.constant 0 : i32
    %dma_start3A_107 = tpu.memref_slice %arg5[%dma_start3A_105, %dma_start3A_106] : memref<250000x128xf32, #tpu.memory_space<hbm>> -> memref<250000x128xf32, #tpu.memory_space<hbm>>
    tpu.enqueue_indirect_dma source(%dma_start3A_107 : memref<250000x128xf32, #tpu.memory_space<hbm>>) target(%dma_start3A_101 : memref<16x128xf32, #tpu.memory_space<vmem>>) offsets(%dma_start3A_104 : memref<16xi32, #tpu.memory_space<vmem>>) semaphore(%arg15 : memref<!tpu.dma_semaphore, #tpu.memory_space<semaphore_mem>>)
    %dma_start3A_108 = arith.constant 5 : i32
    %dma_start3A_109 = arith.constant 80 : i32
    %dma_start3A_110 = arith.constant 0 : i32
    %dma_start3A_111 = tpu.memref_slice %arg11[%dma_start3A_109, %dma_start3A_110] : memref<256x128xf32, #tpu.memory_space<vmem>> -> memref<16x128xf32, #tpu.memory_space<vmem>>
    %dma_start3A_112 = arith.constant 0 : i32
    %dma_start3A_113 = tpu.memref_slice %arg9[%dma_start3A_108, %dma_start3A_112] : memref<32x16xi32, #tpu.memory_space<vmem>> -> memref<1x16xi32, #tpu.memory_space<vmem>>
    %dma_start3A_114 = tpu.memref_squeeze %dma_start3A_113 : memref<1x16xi32, #tpu.memory_space<vmem>> -> memref<16xi32, #tpu.memory_space<vmem>>
    %dma_start3A_115 = arith.constant 0 : i32
    %dma_start3A_116 = arith.constant 0 : i32
    %dma_start3A_117 = tpu.memref_slice %arg4[%dma_start3A_115, %dma_start3A_116] : memref<250000x128xf32, #tpu.memory_space<hbm>> -> memref<250000x128xf32, #tpu.memory_space<hbm>>
    tpu.enqueue_indirect_dma source(%dma_start3A_117 : memref<250000x128xf32, #tpu.memory_space<hbm>>) target(%dma_start3A_111 : memref<16x128xf32, #tpu.memory_space<vmem>>) offsets(%dma_start3A_114 : memref<16xi32, #tpu.memory_space<vmem>>) semaphore(%arg14 : memref<!tpu.dma_semaphore, #tpu.memory_space<semaphore_mem>>)
    %dma_start3A_118 = arith.constant 5 : i32
    %dma_start3A_119 = arith.constant 80 : i32
    %dma_start3A_120 = arith.constant 0 : i32
    %dma_start3A_121 = tpu.memref_slice %arg12[%dma_start3A_119, %dma_start3A_120] : memref<256x128xf32, #tpu.memory_space<vmem>> -> memref<16x128xf32, #tpu.memory_space<vmem>>
    %dma_start3A_122 = arith.constant 0 : i32
    %dma_start3A_123 = tpu.memref_slice %arg10[%dma_start3A_118, %dma_start3A_122] : memref<32x16xi32, #tpu.memory_space<vmem>> -> memref<1x16xi32, #tpu.memory_space<vmem>>
    %dma_start3A_124 = tpu.memref_squeeze %dma_start3A_123 : memref<1x16xi32, #tpu.memory_space<vmem>> -> memref<16xi32, #tpu.memory_space<vmem>>
    %dma_start3A_125 = arith.constant 0 : i32
    %dma_start3A_126 = arith.constant 0 : i32
    %dma_start3A_127 = tpu.memref_slice %arg5[%dma_start3A_125, %dma_start3A_126] : memref<250000x128xf32, #tpu.memory_space<hbm>> -> memref<250000x128xf32, #tpu.memory_space<hbm>>
    tpu.enqueue_indirect_dma source(%dma_start3A_127 : memref<250000x128xf32, #tpu.memory_space<hbm>>) target(%dma_start3A_121 : memref<16x128xf32, #tpu.memory_space<vmem>>) offsets(%dma_start3A_124 : memref<16xi32, #tpu.memory_space<vmem>>) semaphore(%arg15 : memref<!tpu.dma_semaphore, #tpu.memory_space<semaphore_mem>>)
    %dma_start3A_128 = arith.constant 6 : i32
    %dma_start3A_129 = arith.constant 96 : i32
    %dma_start3A_130 = arith.constant 0 : i32
    %dma_start3A_131 = tpu.memref_slice %arg11[%dma_start3A_129, %dma_start3A_130] : memref<256x128xf32, #tpu.memory_space<vmem>> -> memref<16x128xf32, #tpu.memory_space<vmem>>
    %dma_start3A_132 = arith.constant 0 : i32
    %dma_start3A_133 = tpu.memref_slice %arg9[%dma_start3A_128, %dma_start3A_132] : memref<32x16xi32, #tpu.memory_space<vmem>> -> memref<1x16xi32, #tpu.memory_space<vmem>>
    %dma_start3A_134 = tpu.memref_squeeze %dma_start3A_133 : memref<1x16xi32, #tpu.memory_space<vmem>> -> memref<16xi32, #tpu.memory_space<vmem>>
    %dma_start3A_135 = arith.constant 0 : i32
    %dma_start3A_136 = arith.constant 0 : i32
    %dma_start3A_137 = tpu.memref_slice %arg4[%dma_start3A_135, %dma_start3A_136] : memref<250000x128xf32, #tpu.memory_space<hbm>> -> memref<250000x128xf32, #tpu.memory_space<hbm>>
    tpu.enqueue_indirect_dma source(%dma_start3A_137 : memref<250000x128xf32, #tpu.memory_space<hbm>>) target(%dma_start3A_131 : memref<16x128xf32, #tpu.memory_space<vmem>>) offsets(%dma_start3A_134 : memref<16xi32, #tpu.memory_space<vmem>>) semaphore(%arg14 : memref<!tpu.dma_semaphore, #tpu.memory_space<semaphore_mem>>)
    %dma_start3A_138 = arith.constant 6 : i32
    %dma_start3A_139 = arith.constant 96 : i32
    %dma_start3A_140 = arith.constant 0 : i32
    %dma_start3A_141 = tpu.memref_slice %arg12[%dma_start3A_139, %dma_start3A_140] : memref<256x128xf32, #tpu.memory_space<vmem>> -> memref<16x128xf32, #tpu.memory_space<vmem>>
    %dma_start3A_142 = arith.constant 0 : i32
    %dma_start3A_143 = tpu.memref_slice %arg10[%dma_start3A_138, %dma_start3A_142] : memref<32x16xi32, #tpu.memory_space<vmem>> -> memref<1x16xi32, #tpu.memory_space<vmem>>
    %dma_start3A_144 = tpu.memref_squeeze %dma_start3A_143 : memref<1x16xi32, #tpu.memory_space<vmem>> -> memref<16xi32, #tpu.memory_space<vmem>>
    %dma_start3A_145 = arith.constant 0 : i32
    %dma_start3A_146 = arith.constant 0 : i32
    %dma_start3A_147 = tpu.memref_slice %arg5[%dma_start3A_145, %dma_start3A_146] : memref<250000x128xf32, #tpu.memory_space<hbm>> -> memref<250000x128xf32, #tpu.memory_space<hbm>>
    tpu.enqueue_indirect_dma source(%dma_start3A_147 : memref<250000x128xf32, #tpu.memory_space<hbm>>) target(%dma_start3A_141 : memref<16x128xf32, #tpu.memory_space<vmem>>) offsets(%dma_start3A_144 : memref<16xi32, #tpu.memory_space<vmem>>) semaphore(%arg15 : memref<!tpu.dma_semaphore, #tpu.memory_space<semaphore_mem>>)
    %dma_start3A_148 = arith.constant 7 : i32
    %dma_start3A_149 = arith.constant 112 : i32
    %dma_start3A_150 = arith.constant 0 : i32
    %dma_start3A_151 = tpu.memref_slice %arg11[%dma_start3A_149, %dma_start3A_150] : memref<256x128xf32, #tpu.memory_space<vmem>> -> memref<16x128xf32, #tpu.memory_space<vmem>>
    %dma_start3A_152 = arith.constant 0 : i32
    %dma_start3A_153 = tpu.memref_slice %arg9[%dma_start3A_148, %dma_start3A_152] : memref<32x16xi32, #tpu.memory_space<vmem>> -> memref<1x16xi32, #tpu.memory_space<vmem>>
    %dma_start3A_154 = tpu.memref_squeeze %dma_start3A_153 : memref<1x16xi32, #tpu.memory_space<vmem>> -> memref<16xi32, #tpu.memory_space<vmem>>
    %dma_start3A_155 = arith.constant 0 : i32
    %dma_start3A_156 = arith.constant 0 : i32
    %dma_start3A_157 = tpu.memref_slice %arg4[%dma_start3A_155, %dma_start3A_156] : memref<250000x128xf32, #tpu.memory_space<hbm>> -> memref<250000x128xf32, #tpu.memory_space<hbm>>
    tpu.enqueue_indirect_dma source(%dma_start3A_157 : memref<250000x128xf32, #tpu.memory_space<hbm>>) target(%dma_start3A_151 : memref<16x128xf32, #tpu.memory_space<vmem>>) offsets(%dma_start3A_154 : memref<16xi32, #tpu.memory_space<vmem>>) semaphore(%arg14 : memref<!tpu.dma_semaphore, #tpu.memory_space<semaphore_mem>>)
    %dma_start3A_158 = arith.constant 7 : i32
    %dma_start3A_159 = arith.constant 112 : i32
    %dma_start3A_160 = arith.constant 0 : i32
    %dma_start3A_161 = tpu.memref_slice %arg12[%dma_start3A_159, %dma_start3A_160] : memref<256x128xf32, #tpu.memory_space<vmem>> -> memref<16x128xf32, #tpu.memory_space<vmem>>
    %dma_start3A_162 = arith.constant 0 : i32
    %dma_start3A_163 = tpu.memref_slice %arg10[%dma_start3A_158, %dma_start3A_162] : memref<32x16xi32, #tpu.memory_space<vmem>> -> memref<1x16xi32, #tpu.memory_space<vmem>>
    %dma_start3A_164 = tpu.memref_squeeze %dma_start3A_163 : memref<1x16xi32, #tpu.memory_space<vmem>> -> memref<16xi32, #tpu.memory_space<vmem>>
    %dma_start3A_165 = arith.constant 0 : i32
    %dma_start3A_166 = arith.constant 0 : i32
    %dma_start3A_167 = tpu.memref_slice %arg5[%dma_start3A_165, %dma_start3A_166] : memref<250000x128xf32, #tpu.memory_space<hbm>> -> memref<250000x128xf32, #tpu.memory_space<hbm>>
    tpu.enqueue_indirect_dma source(%dma_start3A_167 : memref<250000x128xf32, #tpu.memory_space<hbm>>) target(%dma_start3A_161 : memref<16x128xf32, #tpu.memory_space<vmem>>) offsets(%dma_start3A_164 : memref<16xi32, #tpu.memory_space<vmem>>) semaphore(%arg15 : memref<!tpu.dma_semaphore, #tpu.memory_space<semaphore_mem>>)
    %dma_start3A_168 = arith.constant 8 : i32
    %dma_start3A_169 = arith.constant 128 : i32
    %dma_start3A_170 = arith.constant 0 : i32
    %dma_start3A_171 = tpu.memref_slice %arg11[%dma_start3A_169, %dma_start3A_170] : memref<256x128xf32, #tpu.memory_space<vmem>> -> memref<16x128xf32, #tpu.memory_space<vmem>>
    %dma_start3A_172 = arith.constant 0 : i32
    %dma_start3A_173 = tpu.memref_slice %arg9[%dma_start3A_168, %dma_start3A_172] : memref<32x16xi32, #tpu.memory_space<vmem>> -> memref<1x16xi32, #tpu.memory_space<vmem>>
    %dma_start3A_174 = tpu.memref_squeeze %dma_start3A_173 : memref<1x16xi32, #tpu.memory_space<vmem>> -> memref<16xi32, #tpu.memory_space<vmem>>
    %dma_start3A_175 = arith.constant 0 : i32
    %dma_start3A_176 = arith.constant 0 : i32
    %dma_start3A_177 = tpu.memref_slice %arg4[%dma_start3A_175, %dma_start3A_176] : memref<250000x128xf32, #tpu.memory_space<hbm>> -> memref<250000x128xf32, #tpu.memory_space<hbm>>
    tpu.enqueue_indirect_dma source(%dma_start3A_177 : memref<250000x128xf32, #tpu.memory_space<hbm>>) target(%dma_start3A_171 : memref<16x128xf32, #tpu.memory_space<vmem>>) offsets(%dma_start3A_174 : memref<16xi32, #tpu.memory_space<vmem>>) semaphore(%arg14 : memref<!tpu.dma_semaphore, #tpu.memory_space<semaphore_mem>>)
    %dma_start3A_178 = arith.constant 8 : i32
    %dma_start3A_179 = arith.constant 128 : i32
    %dma_start3A_180 = arith.constant 0 : i32
    %dma_start3A_181 = tpu.memref_slice %arg12[%dma_start3A_179, %dma_start3A_180] : memref<256x128xf32, #tpu.memory_space<vmem>> -> memref<16x128xf32, #tpu.memory_space<vmem>>
    %dma_start3A_182 = arith.constant 0 : i32
    %dma_start3A_183 = tpu.memref_slice %arg10[%dma_start3A_178, %dma_start3A_182] : memref<32x16xi32, #tpu.memory_space<vmem>> -> memref<1x16xi32, #tpu.memory_space<vmem>>
    %dma_start3A_184 = tpu.memref_squeeze %dma_start3A_183 : memref<1x16xi32, #tpu.memory_space<vmem>> -> memref<16xi32, #tpu.memory_space<vmem>>
    %dma_start3A_185 = arith.constant 0 : i32
    %dma_start3A_186 = arith.constant 0 : i32
    %dma_start3A_187 = tpu.memref_slice %arg5[%dma_start3A_185, %dma_start3A_186] : memref<250000x128xf32, #tpu.memory_space<hbm>> -> memref<250000x128xf32, #tpu.memory_space<hbm>>
    tpu.enqueue_indirect_dma source(%dma_start3A_187 : memref<250000x128xf32, #tpu.memory_space<hbm>>) target(%dma_start3A_181 : memref<16x128xf32, #tpu.memory_space<vmem>>) offsets(%dma_start3A_184 : memref<16xi32, #tpu.memory_space<vmem>>) semaphore(%arg15 : memref<!tpu.dma_semaphore, #tpu.memory_space<semaphore_mem>>)
    %dma_start3A_188 = arith.constant 9 : i32
    %dma_start3A_189 = arith.constant 144 : i32
    %dma_start3A_190 = arith.constant 0 : i32
    %dma_start3A_191 = tpu.memref_slice %arg11[%dma_start3A_189, %dma_start3A_190] : memref<256x128xf32, #tpu.memory_space<vmem>> -> memref<16x128xf32, #tpu.memory_space<vmem>>
    %dma_start3A_192 = arith.constant 0 : i32
    %dma_start3A_193 = tpu.memref_slice %arg9[%dma_start3A_188, %dma_start3A_192] : memref<32x16xi32, #tpu.memory_space<vmem>> -> memref<1x16xi32, #tpu.memory_space<vmem>>
    %dma_start3A_194 = tpu.memref_squeeze %dma_start3A_193 : memref<1x16xi32, #tpu.memory_space<vmem>> -> memref<16xi32, #tpu.memory_space<vmem>>
    %dma_start3A_195 = arith.constant 0 : i32
    %dma_start3A_196 = arith.constant 0 : i32
    %dma_start3A_197 = tpu.memref_slice %arg4[%dma_start3A_195, %dma_start3A_196] : memref<250000x128xf32, #tpu.memory_space<hbm>> -> memref<250000x128xf32, #tpu.memory_space<hbm>>
    tpu.enqueue_indirect_dma source(%dma_start3A_197 : memref<250000x128xf32, #tpu.memory_space<hbm>>) target(%dma_start3A_191 : memref<16x128xf32, #tpu.memory_space<vmem>>) offsets(%dma_start3A_194 : memref<16xi32, #tpu.memory_space<vmem>>) semaphore(%arg14 : memref<!tpu.dma_semaphore, #tpu.memory_space<semaphore_mem>>)
    %dma_start3A_198 = arith.constant 9 : i32
    %dma_start3A_199 = arith.constant 144 : i32
    %dma_start3A_200 = arith.constant 0 : i32
    %dma_start3A_201 = tpu.memref_slice %arg12[%dma_start3A_199, %dma_start3A_200] : memref<256x128xf32, #tpu.memory_space<vmem>> -> memref<16x128xf32, #tpu.memory_space<vmem>>
    %dma_start3A_202 = arith.constant 0 : i32
    %dma_start3A_203 = tpu.memref_slice %arg10[%dma_start3A_198, %dma_start3A_202] : memref<32x16xi32, #tpu.memory_space<vmem>> -> memref<1x16xi32, #tpu.memory_space<vmem>>
    %dma_start3A_204 = tpu.memref_squeeze %dma_start3A_203 : memref<1x16xi32, #tpu.memory_space<vmem>> -> memref<16xi32, #tpu.memory_space<vmem>>
    %dma_start3A_205 = arith.constant 0 : i32
    %dma_start3A_206 = arith.constant 0 : i32
    %dma_start3A_207 = tpu.memref_slice %arg5[%dma_start3A_205, %dma_start3A_206] : memref<250000x128xf32, #tpu.memory_space<hbm>> -> memref<250000x128xf32, #tpu.memory_space<hbm>>
    tpu.enqueue_indirect_dma source(%dma_start3A_207 : memref<250000x128xf32, #tpu.memory_space<hbm>>) target(%dma_start3A_201 : memref<16x128xf32, #tpu.memory_space<vmem>>) offsets(%dma_start3A_204 : memref<16xi32, #tpu.memory_space<vmem>>) semaphore(%arg15 : memref<!tpu.dma_semaphore, #tpu.memory_space<semaphore_mem>>)
    %dma_start3A_208 = arith.constant 10 : i32
    %dma_start3A_209 = arith.constant 160 : i32
    %dma_start3A_210 = arith.constant 0 : i32
    %dma_start3A_211 = tpu.memref_slice %arg11[%dma_start3A_209, %dma_start3A_210] : memref<256x128xf32, #tpu.memory_space<vmem>> -> memref<16x128xf32, #tpu.memory_space<vmem>>
    %dma_start3A_212 = arith.constant 0 : i32
    %dma_start3A_213 = tpu.memref_slice %arg9[%dma_start3A_208, %dma_start3A_212] : memref<32x16xi32, #tpu.memory_space<vmem>> -> memref<1x16xi32, #tpu.memory_space<vmem>>
    %dma_start3A_214 = tpu.memref_squeeze %dma_start3A_213 : memref<1x16xi32, #tpu.memory_space<vmem>> -> memref<16xi32, #tpu.memory_space<vmem>>
    %dma_start3A_215 = arith.constant 0 : i32
    %dma_start3A_216 = arith.constant 0 : i32
    %dma_start3A_217 = tpu.memref_slice %arg4[%dma_start3A_215, %dma_start3A_216] : memref<250000x128xf32, #tpu.memory_space<hbm>> -> memref<250000x128xf32, #tpu.memory_space<hbm>>
    tpu.enqueue_indirect_dma source(%dma_start3A_217 : memref<250000x128xf32, #tpu.memory_space<hbm>>) target(%dma_start3A_211 : memref<16x128xf32, #tpu.memory_space<vmem>>) offsets(%dma_start3A_214 : memref<16xi32, #tpu.memory_space<vmem>>) semaphore(%arg14 : memref<!tpu.dma_semaphore, #tpu.memory_space<semaphore_mem>>)
    %dma_start3A_218 = arith.constant 10 : i32
    %dma_start3A_219 = arith.constant 160 : i32
    %dma_start3A_220 = arith.constant 0 : i32
    %dma_start3A_221 = tpu.memref_slice %arg12[%dma_start3A_219, %dma_start3A_220] : memref<256x128xf32, #tpu.memory_space<vmem>> -> memref<16x128xf32, #tpu.memory_space<vmem>>
    %dma_start3A_222 = arith.constant 0 : i32
    %dma_start3A_223 = tpu.memref_slice %arg10[%dma_start3A_218, %dma_start3A_222] : memref<32x16xi32, #tpu.memory_space<vmem>> -> memref<1x16xi32, #tpu.memory_space<vmem>>
    %dma_start3A_224 = tpu.memref_squeeze %dma_start3A_223 : memref<1x16xi32, #tpu.memory_space<vmem>> -> memref<16xi32, #tpu.memory_space<vmem>>
    %dma_start3A_225 = arith.constant 0 : i32
    %dma_start3A_226 = arith.constant 0 : i32
    %dma_start3A_227 = tpu.memref_slice %arg5[%dma_start3A_225, %dma_start3A_226] : memref<250000x128xf32, #tpu.memory_space<hbm>> -> memref<250000x128xf32, #tpu.memory_space<hbm>>
    tpu.enqueue_indirect_dma source(%dma_start3A_227 : memref<250000x128xf32, #tpu.memory_space<hbm>>) target(%dma_start3A_221 : memref<16x128xf32, #tpu.memory_space<vmem>>) offsets(%dma_start3A_224 : memref<16xi32, #tpu.memory_space<vmem>>) semaphore(%arg15 : memref<!tpu.dma_semaphore, #tpu.memory_space<semaphore_mem>>)
    %dma_start3A_228 = arith.constant 11 : i32
    %dma_start3A_229 = arith.constant 176 : i32
    %dma_start3A_230 = arith.constant 0 : i32
    %dma_start3A_231 = tpu.memref_slice %arg11[%dma_start3A_229, %dma_start3A_230] : memref<256x128xf32, #tpu.memory_space<vmem>> -> memref<16x128xf32, #tpu.memory_space<vmem>>
    %dma_start3A_232 = arith.constant 0 : i32
    %dma_start3A_233 = tpu.memref_slice %arg9[%dma_start3A_228, %dma_start3A_232] : memref<32x16xi32, #tpu.memory_space<vmem>> -> memref<1x16xi32, #tpu.memory_space<vmem>>
    %dma_start3A_234 = tpu.memref_squeeze %dma_start3A_233 : memref<1x16xi32, #tpu.memory_space<vmem>> -> memref<16xi32, #tpu.memory_space<vmem>>
    %dma_start3A_235 = arith.constant 0 : i32
    %dma_start3A_236 = arith.constant 0 : i32
    %dma_start3A_237 = tpu.memref_slice %arg4[%dma_start3A_235, %dma_start3A_236] : memref<250000x128xf32, #tpu.memory_space<hbm>> -> memref<250000x128xf32, #tpu.memory_space<hbm>>
    tpu.enqueue_indirect_dma source(%dma_start3A_237 : memref<250000x128xf32, #tpu.memory_space<hbm>>) target(%dma_start3A_231 : memref<16x128xf32, #tpu.memory_space<vmem>>) offsets(%dma_start3A_234 : memref<16xi32, #tpu.memory_space<vmem>>) semaphore(%arg14 : memref<!tpu.dma_semaphore, #tpu.memory_space<semaphore_mem>>)
    %dma_start3A_238 = arith.constant 11 : i32
    %dma_start3A_239 = arith.constant 176 : i32
    %dma_start3A_240 = arith.constant 0 : i32
    %dma_start3A_241 = tpu.memref_slice %arg12[%dma_start3A_239, %dma_start3A_240] : memref<256x128xf32, #tpu.memory_space<vmem>> -> memref<16x128xf32, #tpu.memory_space<vmem>>
    %dma_start3A_242 = arith.constant 0 : i32
    %dma_start3A_243 = tpu.memref_slice %arg10[%dma_start3A_238, %dma_start3A_242] : memref<32x16xi32, #tpu.memory_space<vmem>> -> memref<1x16xi32, #tpu.memory_space<vmem>>
    %dma_start3A_244 = tpu.memref_squeeze %dma_start3A_243 : memref<1x16xi32, #tpu.memory_space<vmem>> -> memref<16xi32, #tpu.memory_space<vmem>>
    %dma_start3A_245 = arith.constant 0 : i32
    %dma_start3A_246 = arith.constant 0 : i32
    %dma_start3A_247 = tpu.memref_slice %arg5[%dma_start3A_245, %dma_start3A_246] : memref<250000x128xf32, #tpu.memory_space<hbm>> -> memref<250000x128xf32, #tpu.memory_space<hbm>>
    tpu.enqueue_indirect_dma source(%dma_start3A_247 : memref<250000x128xf32, #tpu.memory_space<hbm>>) target(%dma_start3A_241 : memref<16x128xf32, #tpu.memory_space<vmem>>) offsets(%dma_start3A_244 : memref<16xi32, #tpu.memory_space<vmem>>) semaphore(%arg15 : memref<!tpu.dma_semaphore, #tpu.memory_space<semaphore_mem>>)
    %dma_start3A_248 = arith.constant 12 : i32
    %dma_start3A_249 = arith.constant 192 : i32
    %dma_start3A_250 = arith.constant 0 : i32
    %dma_start3A_251 = tpu.memref_slice %arg11[%dma_start3A_249, %dma_start3A_250] : memref<256x128xf32, #tpu.memory_space<vmem>> -> memref<16x128xf32, #tpu.memory_space<vmem>>
    %dma_start3A_252 = arith.constant 0 : i32
    %dma_start3A_253 = tpu.memref_slice %arg9[%dma_start3A_248, %dma_start3A_252] : memref<32x16xi32, #tpu.memory_space<vmem>> -> memref<1x16xi32, #tpu.memory_space<vmem>>
    %dma_start3A_254 = tpu.memref_squeeze %dma_start3A_253 : memref<1x16xi32, #tpu.memory_space<vmem>> -> memref<16xi32, #tpu.memory_space<vmem>>
    %dma_start3A_255 = arith.constant 0 : i32
    %dma_start3A_256 = arith.constant 0 : i32
    %dma_start3A_257 = tpu.memref_slice %arg4[%dma_start3A_255, %dma_start3A_256] : memref<250000x128xf32, #tpu.memory_space<hbm>> -> memref<250000x128xf32, #tpu.memory_space<hbm>>
    tpu.enqueue_indirect_dma source(%dma_start3A_257 : memref<250000x128xf32, #tpu.memory_space<hbm>>) target(%dma_start3A_251 : memref<16x128xf32, #tpu.memory_space<vmem>>) offsets(%dma_start3A_254 : memref<16xi32, #tpu.memory_space<vmem>>) semaphore(%arg14 : memref<!tpu.dma_semaphore, #tpu.memory_space<semaphore_mem>>)
    %dma_start3A_258 = arith.constant 12 : i32
    %dma_start3A_259 = arith.constant 192 : i32
    %dma_start3A_260 = arith.constant 0 : i32
    %dma_start3A_261 = tpu.memref_slice %arg12[%dma_start3A_259, %dma_start3A_260] : memref<256x128xf32, #tpu.memory_space<vmem>> -> memref<16x128xf32, #tpu.memory_space<vmem>>
    %dma_start3A_262 = arith.constant 0 : i32
    %dma_start3A_263 = tpu.memref_slice %arg10[%dma_start3A_258, %dma_start3A_262] : memref<32x16xi32, #tpu.memory_space<vmem>> -> memref<1x16xi32, #tpu.memory_space<vmem>>
    %dma_start3A_264 = tpu.memref_squeeze %dma_start3A_263 : memref<1x16xi32, #tpu.memory_space<vmem>> -> memref<16xi32, #tpu.memory_space<vmem>>
    %dma_start3A_265 = arith.constant 0 : i32
    %dma_start3A_266 = arith.constant 0 : i32
    %dma_start3A_267 = tpu.memref_slice %arg5[%dma_start3A_265, %dma_start3A_266] : memref<250000x128xf32, #tpu.memory_space<hbm>> -> memref<250000x128xf32, #tpu.memory_space<hbm>>
    tpu.enqueue_indirect_dma source(%dma_start3A_267 : memref<250000x128xf32, #tpu.memory_space<hbm>>) target(%dma_start3A_261 : memref<16x128xf32, #tpu.memory_space<vmem>>) offsets(%dma_start3A_264 : memref<16xi32, #tpu.memory_space<vmem>>) semaphore(%arg15 : memref<!tpu.dma_semaphore, #tpu.memory_space<semaphore_mem>>)
    %dma_start3A_268 = arith.constant 13 : i32
    %dma_start3A_269 = arith.constant 208 : i32
    %dma_start3A_270 = arith.constant 0 : i32
    %dma_start3A_271 = tpu.memref_slice %arg11[%dma_start3A_269, %dma_start3A_270] : memref<256x128xf32, #tpu.memory_space<vmem>> -> memref<16x128xf32, #tpu.memory_space<vmem>>
    %dma_start3A_272 = arith.constant 0 : i32
    %dma_start3A_273 = tpu.memref_slice %arg9[%dma_start3A_268, %dma_start3A_272] : memref<32x16xi32, #tpu.memory_space<vmem>> -> memref<1x16xi32, #tpu.memory_space<vmem>>
    %dma_start3A_274 = tpu.memref_squeeze %dma_start3A_273 : memref<1x16xi32, #tpu.memory_space<vmem>> -> memref<16xi32, #tpu.memory_space<vmem>>
    %dma_start3A_275 = arith.constant 0 : i32
    %dma_start3A_276 = arith.constant 0 : i32
    %dma_start3A_277 = tpu.memref_slice %arg4[%dma_start3A_275, %dma_start3A_276] : memref<250000x128xf32, #tpu.memory_space<hbm>> -> memref<250000x128xf32, #tpu.memory_space<hbm>>
    tpu.enqueue_indirect_dma source(%dma_start3A_277 : memref<250000x128xf32, #tpu.memory_space<hbm>>) target(%dma_start3A_271 : memref<16x128xf32, #tpu.memory_space<vmem>>) offsets(%dma_start3A_274 : memref<16xi32, #tpu.memory_space<vmem>>) semaphore(%arg14 : memref<!tpu.dma_semaphore, #tpu.memory_space<semaphore_mem>>)
    %dma_start3A_278 = arith.constant 13 : i32
    %dma_start3A_279 = arith.constant 208 : i32
    %dma_start3A_280 = arith.constant 0 : i32
    %dma_start3A_281 = tpu.memref_slice %arg12[%dma_start3A_279, %dma_start3A_280] : memref<256x128xf32, #tpu.memory_space<vmem>> -> memref<16x128xf32, #tpu.memory_space<vmem>>
    %dma_start3A_282 = arith.constant 0 : i32
    %dma_start3A_283 = tpu.memref_slice %arg10[%dma_start3A_278, %dma_start3A_282] : memref<32x16xi32, #tpu.memory_space<vmem>> -> memref<1x16xi32, #tpu.memory_space<vmem>>
    %dma_start3A_284 = tpu.memref_squeeze %dma_start3A_283 : memref<1x16xi32, #tpu.memory_space<vmem>> -> memref<16xi32, #tpu.memory_space<vmem>>
    %dma_start3A_285 = arith.constant 0 : i32
    %dma_start3A_286 = arith.constant 0 : i32
    %dma_start3A_287 = tpu.memref_slice %arg5[%dma_start3A_285, %dma_start3A_286] : memref<250000x128xf32, #tpu.memory_space<hbm>> -> memref<250000x128xf32, #tpu.memory_space<hbm>>
    tpu.enqueue_indirect_dma source(%dma_start3A_287 : memref<250000x128xf32, #tpu.memory_space<hbm>>) target(%dma_start3A_281 : memref<16x128xf32, #tpu.memory_space<vmem>>) offsets(%dma_start3A_284 : memref<16xi32, #tpu.memory_space<vmem>>) semaphore(%arg15 : memref<!tpu.dma_semaphore, #tpu.memory_space<semaphore_mem>>)
    %dma_start3A_288 = arith.constant 14 : i32
    %dma_start3A_289 = arith.constant 224 : i32
    %dma_start3A_290 = arith.constant 0 : i32
    %dma_start3A_291 = tpu.memref_slice %arg11[%dma_start3A_289, %dma_start3A_290] : memref<256x128xf32, #tpu.memory_space<vmem>> -> memref<16x128xf32, #tpu.memory_space<vmem>>
    %dma_start3A_292 = arith.constant 0 : i32
    %dma_start3A_293 = tpu.memref_slice %arg9[%dma_start3A_288, %dma_start3A_292] : memref<32x16xi32, #tpu.memory_space<vmem>> -> memref<1x16xi32, #tpu.memory_space<vmem>>
    %dma_start3A_294 = tpu.memref_squeeze %dma_start3A_293 : memref<1x16xi32, #tpu.memory_space<vmem>> -> memref<16xi32, #tpu.memory_space<vmem>>
    %dma_start3A_295 = arith.constant 0 : i32
    %dma_start3A_296 = arith.constant 0 : i32
    %dma_start3A_297 = tpu.memref_slice %arg4[%dma_start3A_295, %dma_start3A_296] : memref<250000x128xf32, #tpu.memory_space<hbm>> -> memref<250000x128xf32, #tpu.memory_space<hbm>>
    tpu.enqueue_indirect_dma source(%dma_start3A_297 : memref<250000x128xf32, #tpu.memory_space<hbm>>) target(%dma_start3A_291 : memref<16x128xf32, #tpu.memory_space<vmem>>) offsets(%dma_start3A_294 : memref<16xi32, #tpu.memory_space<vmem>>) semaphore(%arg14 : memref<!tpu.dma_semaphore, #tpu.memory_space<semaphore_mem>>)
    %dma_start3A_298 = arith.constant 14 : i32
    %dma_start3A_299 = arith.constant 224 : i32
    %dma_start3A_300 = arith.constant 0 : i32
    %dma_start3A_301 = tpu.memref_slice %arg12[%dma_start3A_299, %dma_start3A_300] : memref<256x128xf32, #tpu.memory_space<vmem>> -> memref<16x128xf32, #tpu.memory_space<vmem>>
    %dma_start3A_302 = arith.constant 0 : i32
    %dma_start3A_303 = tpu.memref_slice %arg10[%dma_start3A_298, %dma_start3A_302] : memref<32x16xi32, #tpu.memory_space<vmem>> -> memref<1x16xi32, #tpu.memory_space<vmem>>
    %dma_start3A_304 = tpu.memref_squeeze %dma_start3A_303 : memref<1x16xi32, #tpu.memory_space<vmem>> -> memref<16xi32, #tpu.memory_space<vmem>>
    %dma_start3A_305 = arith.constant 0 : i32
    %dma_start3A_306 = arith.constant 0 : i32
    %dma_start3A_307 = tpu.memref_slice %arg5[%dma_start3A_305, %dma_start3A_306] : memref<250000x128xf32, #tpu.memory_space<hbm>> -> memref<250000x128xf32, #tpu.memory_space<hbm>>
    tpu.enqueue_indirect_dma source(%dma_start3A_307 : memref<250000x128xf32, #tpu.memory_space<hbm>>) target(%dma_start3A_301 : memref<16x128xf32, #tpu.memory_space<vmem>>) offsets(%dma_start3A_304 : memref<16xi32, #tpu.memory_space<vmem>>) semaphore(%arg15 : memref<!tpu.dma_semaphore, #tpu.memory_space<semaphore_mem>>)
    %dma_start3A_308 = arith.constant 15 : i32
    %dma_start3A_309 = arith.constant 240 : i32
    %dma_start3A_310 = arith.constant 0 : i32
    %dma_start3A_311 = tpu.memref_slice %arg11[%dma_start3A_309, %dma_start3A_310] : memref<256x128xf32, #tpu.memory_space<vmem>> -> memref<16x128xf32, #tpu.memory_space<vmem>>
    %dma_start3A_312 = arith.constant 0 : i32
    %dma_start3A_313 = tpu.memref_slice %arg9[%dma_start3A_308, %dma_start3A_312] : memref<32x16xi32, #tpu.memory_space<vmem>> -> memref<1x16xi32, #tpu.memory_space<vmem>>
    %dma_start3A_314 = tpu.memref_squeeze %dma_start3A_313 : memref<1x16xi32, #tpu.memory_space<vmem>> -> memref<16xi32, #tpu.memory_space<vmem>>
    %dma_start3A_315 = arith.constant 0 : i32
    %dma_start3A_316 = arith.constant 0 : i32
    %dma_start3A_317 = tpu.memref_slice %arg4[%dma_start3A_315, %dma_start3A_316] : memref<250000x128xf32, #tpu.memory_space<hbm>> -> memref<250000x128xf32, #tpu.memory_space<hbm>>
    tpu.enqueue_indirect_dma source(%dma_start3A_317 : memref<250000x128xf32, #tpu.memory_space<hbm>>) target(%dma_start3A_311 : memref<16x128xf32, #tpu.memory_space<vmem>>) offsets(%dma_start3A_314 : memref<16xi32, #tpu.memory_space<vmem>>) semaphore(%arg14 : memref<!tpu.dma_semaphore, #tpu.memory_space<semaphore_mem>>)
    %dma_start3A_318 = arith.constant 15 : i32
    %dma_start3A_319 = arith.constant 240 : i32
    %dma_start3A_320 = arith.constant 0 : i32
    %dma_start3A_321 = tpu.memref_slice %arg12[%dma_start3A_319, %dma_start3A_320] : memref<256x128xf32, #tpu.memory_space<vmem>> -> memref<16x128xf32, #tpu.memory_space<vmem>>
    %dma_start3A_322 = arith.constant 0 : i32
    %dma_start3A_323 = tpu.memref_slice %arg10[%dma_start3A_318, %dma_start3A_322] : memref<32x16xi32, #tpu.memory_space<vmem>> -> memref<1x16xi32, #tpu.memory_space<vmem>>
    %dma_start3A_324 = tpu.memref_squeeze %dma_start3A_323 : memref<1x16xi32, #tpu.memory_space<vmem>> -> memref<16xi32, #tpu.memory_space<vmem>>
    %dma_start3A_325 = arith.constant 0 : i32
    %dma_start3A_326 = arith.constant 0 : i32
    %dma_start3A_327 = tpu.memref_slice %arg5[%dma_start3A_325, %dma_start3A_326] : memref<250000x128xf32, #tpu.memory_space<hbm>> -> memref<250000x128xf32, #tpu.memory_space<hbm>>
    tpu.enqueue_indirect_dma source(%dma_start3A_327 : memref<250000x128xf32, #tpu.memory_space<hbm>>) target(%dma_start3A_321 : memref<16x128xf32, #tpu.memory_space<vmem>>) offsets(%dma_start3A_324 : memref<16xi32, #tpu.memory_space<vmem>>) semaphore(%arg15 : memref<!tpu.dma_semaphore, #tpu.memory_space<semaphore_mem>>)
    %dma_wait3A = arith.constant 0 : i32
    %dma_wait3A_328 = arith.constant 0 : i32
    %dma_wait3A_329 = tpu.memref_slice %arg11[%dma_wait3A, %dma_wait3A_328] : memref<256x128xf32, #tpu.memory_space<vmem>> -> memref<16x128xf32, #tpu.memory_space<vmem>>
    %dma_wait3A_330 = arith.constant 0 : i32
    %dma_wait3A_331 = arith.constant 0 : i32
    %dma_wait3A_332 = tpu.memref_slice %arg4[%dma_wait3A_330, %dma_wait3A_331] : memref<250000x128xf32, #tpu.memory_space<hbm>> -> memref<16x128xf32, #tpu.memory_space<hbm>>
    %dma_wait3A_333 = arith.constant 0 : i32
    %dma_wait3A_334 = arith.constant 0 : i32
    %dma_wait3A_335 = tpu.memref_slice %arg11[%dma_wait3A_333, %dma_wait3A_334] : memref<256x128xf32, #tpu.memory_space<vmem>> -> memref<16x128xf32, #tpu.memory_space<vmem>>
    %dma_wait3A_336 = arith.constant 0 : i32
    %dma_wait3A_337 = arith.constant 0 : i32
    %dma_wait3A_338 = tpu.memref_slice %arg4[%dma_wait3A_336, %dma_wait3A_337] : memref<250000x128xf32, #tpu.memory_space<hbm>> -> memref<16x128xf32, #tpu.memory_space<hbm>>
    tpu.wait_dma2 semaphore(%arg14 : memref<!tpu.dma_semaphore, #tpu.memory_space<semaphore_mem>>) src(%dma_wait3A_338 : memref<16x128xf32, #tpu.memory_space<hbm>>) dst(%dma_wait3A_335 : memref<16x128xf32, #tpu.memory_space<vmem>>)
    %dma_wait3A_339 = arith.constant 0 : i32
    %dma_wait3A_340 = arith.constant 0 : i32
    %dma_wait3A_341 = tpu.memref_slice %arg12[%dma_wait3A_339, %dma_wait3A_340] : memref<256x128xf32, #tpu.memory_space<vmem>> -> memref<16x128xf32, #tpu.memory_space<vmem>>
    %dma_wait3A_342 = arith.constant 0 : i32
    %dma_wait3A_343 = arith.constant 0 : i32
    %dma_wait3A_344 = tpu.memref_slice %arg5[%dma_wait3A_342, %dma_wait3A_343] : memref<250000x128xf32, #tpu.memory_space<hbm>> -> memref<16x128xf32, #tpu.memory_space<hbm>>
    %dma_wait3A_345 = arith.constant 0 : i32
    %dma_wait3A_346 = arith.constant 0 : i32
    %dma_wait3A_347 = tpu.memref_slice %arg12[%dma_wait3A_345, %dma_wait3A_346] : memref<256x128xf32, #tpu.memory_space<vmem>> -> memref<16x128xf32, #tpu.memory_space<vmem>>
    %dma_wait3A_348 = arith.constant 0 : i32
    %dma_wait3A_349 = arith.constant 0 : i32
    %dma_wait3A_350 = tpu.memref_slice %arg5[%dma_wait3A_348, %dma_wait3A_349] : memref<250000x128xf32, #tpu.memory_space<hbm>> -> memref<16x128xf32, #tpu.memory_space<hbm>>
    tpu.wait_dma2 semaphore(%arg15 : memref<!tpu.dma_semaphore, #tpu.memory_space<semaphore_mem>>) src(%dma_wait3A_350 : memref<16x128xf32, #tpu.memory_space<hbm>>) dst(%dma_wait3A_347 : memref<16x128xf32, #tpu.memory_space<vmem>>)
    %dma_wait3A_351 = arith.constant 16 : i32
    %dma_wait3A_352 = arith.constant 0 : i32
    %dma_wait3A_353 = tpu.memref_slice %arg11[%dma_wait3A_351, %dma_wait3A_352] : memref<256x128xf32, #tpu.memory_space<vmem>> -> memref<16x128xf32, #tpu.memory_space<vmem>>
    %dma_wait3A_354 = arith.constant 0 : i32
    %dma_wait3A_355 = arith.constant 0 : i32
    %dma_wait3A_356 = tpu.memref_slice %arg4[%dma_wait3A_354, %dma_wait3A_355] : memref<250000x128xf32, #tpu.memory_space<hbm>> -> memref<16x128xf32, #tpu.memory_space<hbm>>
    %dma_wait3A_357 = arith.constant 16 : i32
    %dma_wait3A_358 = arith.constant 0 : i32
    %dma_wait3A_359 = tpu.memref_slice %arg11[%dma_wait3A_357, %dma_wait3A_358] : memref<256x128xf32, #tpu.memory_space<vmem>> -> memref<16x128xf32, #tpu.memory_space<vmem>>
    %dma_wait3A_360 = arith.constant 0 : i32
    %dma_wait3A_361 = arith.constant 0 : i32
    %dma_wait3A_362 = tpu.memref_slice %arg4[%dma_wait3A_360, %dma_wait3A_361] : memref<250000x128xf32, #tpu.memory_space<hbm>> -> memref<16x128xf32, #tpu.memory_space<hbm>>
    tpu.wait_dma2 semaphore(%arg14 : memref<!tpu.dma_semaphore, #tpu.memory_space<semaphore_mem>>) src(%dma_wait3A_362 : memref<16x128xf32, #tpu.memory_space<hbm>>) dst(%dma_wait3A_359 : memref<16x128xf32, #tpu.memory_space<vmem>>)
    %dma_wait3A_363 = arith.constant 16 : i32
    %dma_wait3A_364 = arith.constant 0 : i32
    %dma_wait3A_365 = tpu.memref_slice %arg12[%dma_wait3A_363, %dma_wait3A_364] : memref<256x128xf32, #tpu.memory_space<vmem>> -> memref<16x128xf32, #tpu.memory_space<vmem>>
    %dma_wait3A_366 = arith.constant 0 : i32
    %dma_wait3A_367 = arith.constant 0 : i32
    %dma_wait3A_368 = tpu.memref_slice %arg5[%dma_wait3A_366, %dma_wait3A_367] : memref<250000x128xf32, #tpu.memory_space<hbm>> -> memref<16x128xf32, #tpu.memory_space<hbm>>
    %dma_wait3A_369 = arith.constant 16 : i32
    %dma_wait3A_370 = arith.constant 0 : i32
    %dma_wait3A_371 = tpu.memref_slice %arg12[%dma_wait3A_369, %dma_wait3A_370] : memref<256x128xf32, #tpu.memory_space<vmem>> -> memref<16x128xf32, #tpu.memory_space<vmem>>
    %dma_wait3A_372 = arith.constant 0 : i32
    %dma_wait3A_373 = arith.constant 0 : i32
    %dma_wait3A_374 = tpu.memref_slice %arg5[%dma_wait3A_372, %dma_wait3A_373] : memref<250000x128xf32, #tpu.memory_space<hbm>> -> memref<16x128xf32, #tpu.memory_space<hbm>>
    tpu.wait_dma2 semaphore(%arg15 : memref<!tpu.dma_semaphore, #tpu.memory_space<semaphore_mem>>) src(%dma_wait3A_374 : memref<16x128xf32, #tpu.memory_space<hbm>>) dst(%dma_wait3A_371 : memref<16x128xf32, #tpu.memory_space<vmem>>)
    %dma_wait3A_375 = arith.constant 32 : i32
    %dma_wait3A_376 = arith.constant 0 : i32
    %dma_wait3A_377 = tpu.memref_slice %arg11[%dma_wait3A_375, %dma_wait3A_376] : memref<256x128xf32, #tpu.memory_space<vmem>> -> memref<16x128xf32, #tpu.memory_space<vmem>>
    %dma_wait3A_378 = arith.constant 0 : i32
    %dma_wait3A_379 = arith.constant 0 : i32
    %dma_wait3A_380 = tpu.memref_slice %arg4[%dma_wait3A_378, %dma_wait3A_379] : memref<250000x128xf32, #tpu.memory_space<hbm>> -> memref<16x128xf32, #tpu.memory_space<hbm>>
    %dma_wait3A_381 = arith.constant 32 : i32
    %dma_wait3A_382 = arith.constant 0 : i32
    %dma_wait3A_383 = tpu.memref_slice %arg11[%dma_wait3A_381, %dma_wait3A_382] : memref<256x128xf32, #tpu.memory_space<vmem>> -> memref<16x128xf32, #tpu.memory_space<vmem>>
    %dma_wait3A_384 = arith.constant 0 : i32
    %dma_wait3A_385 = arith.constant 0 : i32
    %dma_wait3A_386 = tpu.memref_slice %arg4[%dma_wait3A_384, %dma_wait3A_385] : memref<250000x128xf32, #tpu.memory_space<hbm>> -> memref<16x128xf32, #tpu.memory_space<hbm>>
    tpu.wait_dma2 semaphore(%arg14 : memref<!tpu.dma_semaphore, #tpu.memory_space<semaphore_mem>>) src(%dma_wait3A_386 : memref<16x128xf32, #tpu.memory_space<hbm>>) dst(%dma_wait3A_383 : memref<16x128xf32, #tpu.memory_space<vmem>>)
    %dma_wait3A_387 = arith.constant 32 : i32
    %dma_wait3A_388 = arith.constant 0 : i32
    %dma_wait3A_389 = tpu.memref_slice %arg12[%dma_wait3A_387, %dma_wait3A_388] : memref<256x128xf32, #tpu.memory_space<vmem>> -> memref<16x128xf32, #tpu.memory_space<vmem>>
    %dma_wait3A_390 = arith.constant 0 : i32
    %dma_wait3A_391 = arith.constant 0 : i32
    %dma_wait3A_392 = tpu.memref_slice %arg5[%dma_wait3A_390, %dma_wait3A_391] : memref<250000x128xf32, #tpu.memory_space<hbm>> -> memref<16x128xf32, #tpu.memory_space<hbm>>
    %dma_wait3A_393 = arith.constant 32 : i32
    %dma_wait3A_394 = arith.constant 0 : i32
    %dma_wait3A_395 = tpu.memref_slice %arg12[%dma_wait3A_393, %dma_wait3A_394] : memref<256x128xf32, #tpu.memory_space<vmem>> -> memref<16x128xf32, #tpu.memory_space<vmem>>
    %dma_wait3A_396 = arith.constant 0 : i32
    %dma_wait3A_397 = arith.constant 0 : i32
    %dma_wait3A_398 = tpu.memref_slice %arg5[%dma_wait3A_396, %dma_wait3A_397] : memref<250000x128xf32, #tpu.memory_space<hbm>> -> memref<16x128xf32, #tpu.memory_space<hbm>>
    tpu.wait_dma2 semaphore(%arg15 : memref<!tpu.dma_semaphore, #tpu.memory_space<semaphore_mem>>) src(%dma_wait3A_398 : memref<16x128xf32, #tpu.memory_space<hbm>>) dst(%dma_wait3A_395 : memref<16x128xf32, #tpu.memory_space<vmem>>)
    %dma_wait3A_399 = arith.constant 48 : i32
    %dma_wait3A_400 = arith.constant 0 : i32
    %dma_wait3A_401 = tpu.memref_slice %arg11[%dma_wait3A_399, %dma_wait3A_400] : memref<256x128xf32, #tpu.memory_space<vmem>> -> memref<16x128xf32, #tpu.memory_space<vmem>>
    %dma_wait3A_402 = arith.constant 0 : i32
    %dma_wait3A_403 = arith.constant 0 : i32
    %dma_wait3A_404 = tpu.memref_slice %arg4[%dma_wait3A_402, %dma_wait3A_403] : memref<250000x128xf32, #tpu.memory_space<hbm>> -> memref<16x128xf32, #tpu.memory_space<hbm>>
    %dma_wait3A_405 = arith.constant 48 : i32
    %dma_wait3A_406 = arith.constant 0 : i32
    %dma_wait3A_407 = tpu.memref_slice %arg11[%dma_wait3A_405, %dma_wait3A_406] : memref<256x128xf32, #tpu.memory_space<vmem>> -> memref<16x128xf32, #tpu.memory_space<vmem>>
    %dma_wait3A_408 = arith.constant 0 : i32
    %dma_wait3A_409 = arith.constant 0 : i32
    %dma_wait3A_410 = tpu.memref_slice %arg4[%dma_wait3A_408, %dma_wait3A_409] : memref<250000x128xf32, #tpu.memory_space<hbm>> -> memref<16x128xf32, #tpu.memory_space<hbm>>
    tpu.wait_dma2 semaphore(%arg14 : memref<!tpu.dma_semaphore, #tpu.memory_space<semaphore_mem>>) src(%dma_wait3A_410 : memref<16x128xf32, #tpu.memory_space<hbm>>) dst(%dma_wait3A_407 : memref<16x128xf32, #tpu.memory_space<vmem>>)
    %dma_wait3A_411 = arith.constant 48 : i32
    %dma_wait3A_412 = arith.constant 0 : i32
    %dma_wait3A_413 = tpu.memref_slice %arg12[%dma_wait3A_411, %dma_wait3A_412] : memref<256x128xf32, #tpu.memory_space<vmem>> -> memref<16x128xf32, #tpu.memory_space<vmem>>
    %dma_wait3A_414 = arith.constant 0 : i32
    %dma_wait3A_415 = arith.constant 0 : i32
    %dma_wait3A_416 = tpu.memref_slice %arg5[%dma_wait3A_414, %dma_wait3A_415] : memref<250000x128xf32, #tpu.memory_space<hbm>> -> memref<16x128xf32, #tpu.memory_space<hbm>>
    %dma_wait3A_417 = arith.constant 48 : i32
    %dma_wait3A_418 = arith.constant 0 : i32
    %dma_wait3A_419 = tpu.memref_slice %arg12[%dma_wait3A_417, %dma_wait3A_418] : memref<256x128xf32, #tpu.memory_space<vmem>> -> memref<16x128xf32, #tpu.memory_space<vmem>>
    %dma_wait3A_420 = arith.constant 0 : i32
    %dma_wait3A_421 = arith.constant 0 : i32
    %dma_wait3A_422 = tpu.memref_slice %arg5[%dma_wait3A_420, %dma_wait3A_421] : memref<250000x128xf32, #tpu.memory_space<hbm>> -> memref<16x128xf32, #tpu.memory_space<hbm>>
    tpu.wait_dma2 semaphore(%arg15 : memref<!tpu.dma_semaphore, #tpu.memory_space<semaphore_mem>>) src(%dma_wait3A_422 : memref<16x128xf32, #tpu.memory_space<hbm>>) dst(%dma_wait3A_419 : memref<16x128xf32, #tpu.memory_space<vmem>>)
    %dma_wait3A_423 = arith.constant 64 : i32
    %dma_wait3A_424 = arith.constant 0 : i32
    %dma_wait3A_425 = tpu.memref_slice %arg11[%dma_wait3A_423, %dma_wait3A_424] : memref<256x128xf32, #tpu.memory_space<vmem>> -> memref<16x128xf32, #tpu.memory_space<vmem>>
    %dma_wait3A_426 = arith.constant 0 : i32
    %dma_wait3A_427 = arith.constant 0 : i32
    %dma_wait3A_428 = tpu.memref_slice %arg4[%dma_wait3A_426, %dma_wait3A_427] : memref<250000x128xf32, #tpu.memory_space<hbm>> -> memref<16x128xf32, #tpu.memory_space<hbm>>
    %dma_wait3A_429 = arith.constant 64 : i32
    %dma_wait3A_430 = arith.constant 0 : i32
    %dma_wait3A_431 = tpu.memref_slice %arg11[%dma_wait3A_429, %dma_wait3A_430] : memref<256x128xf32, #tpu.memory_space<vmem>> -> memref<16x128xf32, #tpu.memory_space<vmem>>
    %dma_wait3A_432 = arith.constant 0 : i32
    %dma_wait3A_433 = arith.constant 0 : i32
    %dma_wait3A_434 = tpu.memref_slice %arg4[%dma_wait3A_432, %dma_wait3A_433] : memref<250000x128xf32, #tpu.memory_space<hbm>> -> memref<16x128xf32, #tpu.memory_space<hbm>>
    tpu.wait_dma2 semaphore(%arg14 : memref<!tpu.dma_semaphore, #tpu.memory_space<semaphore_mem>>) src(%dma_wait3A_434 : memref<16x128xf32, #tpu.memory_space<hbm>>) dst(%dma_wait3A_431 : memref<16x128xf32, #tpu.memory_space<vmem>>)
    %dma_wait3A_435 = arith.constant 64 : i32
    %dma_wait3A_436 = arith.constant 0 : i32
    %dma_wait3A_437 = tpu.memref_slice %arg12[%dma_wait3A_435, %dma_wait3A_436] : memref<256x128xf32, #tpu.memory_space<vmem>> -> memref<16x128xf32, #tpu.memory_space<vmem>>
    %dma_wait3A_438 = arith.constant 0 : i32
    %dma_wait3A_439 = arith.constant 0 : i32
    %dma_wait3A_440 = tpu.memref_slice %arg5[%dma_wait3A_438, %dma_wait3A_439] : memref<250000x128xf32, #tpu.memory_space<hbm>> -> memref<16x128xf32, #tpu.memory_space<hbm>>
    %dma_wait3A_441 = arith.constant 64 : i32
    %dma_wait3A_442 = arith.constant 0 : i32
    %dma_wait3A_443 = tpu.memref_slice %arg12[%dma_wait3A_441, %dma_wait3A_442] : memref<256x128xf32, #tpu.memory_space<vmem>> -> memref<16x128xf32, #tpu.memory_space<vmem>>
    %dma_wait3A_444 = arith.constant 0 : i32
    %dma_wait3A_445 = arith.constant 0 : i32
    %dma_wait3A_446 = tpu.memref_slice %arg5[%dma_wait3A_444, %dma_wait3A_445] : memref<250000x128xf32, #tpu.memory_space<hbm>> -> memref<16x128xf32, #tpu.memory_space<hbm>>
    tpu.wait_dma2 semaphore(%arg15 : memref<!tpu.dma_semaphore, #tpu.memory_space<semaphore_mem>>) src(%dma_wait3A_446 : memref<16x128xf32, #tpu.memory_space<hbm>>) dst(%dma_wait3A_443 : memref<16x128xf32, #tpu.memory_space<vmem>>)
    %dma_wait3A_447 = arith.constant 80 : i32
    %dma_wait3A_448 = arith.constant 0 : i32
    %dma_wait3A_449 = tpu.memref_slice %arg11[%dma_wait3A_447, %dma_wait3A_448] : memref<256x128xf32, #tpu.memory_space<vmem>> -> memref<16x128xf32, #tpu.memory_space<vmem>>
    %dma_wait3A_450 = arith.constant 0 : i32
    %dma_wait3A_451 = arith.constant 0 : i32
    %dma_wait3A_452 = tpu.memref_slice %arg4[%dma_wait3A_450, %dma_wait3A_451] : memref<250000x128xf32, #tpu.memory_space<hbm>> -> memref<16x128xf32, #tpu.memory_space<hbm>>
    %dma_wait3A_453 = arith.constant 80 : i32
    %dma_wait3A_454 = arith.constant 0 : i32
    %dma_wait3A_455 = tpu.memref_slice %arg11[%dma_wait3A_453, %dma_wait3A_454] : memref<256x128xf32, #tpu.memory_space<vmem>> -> memref<16x128xf32, #tpu.memory_space<vmem>>
    %dma_wait3A_456 = arith.constant 0 : i32
    %dma_wait3A_457 = arith.constant 0 : i32
    %dma_wait3A_458 = tpu.memref_slice %arg4[%dma_wait3A_456, %dma_wait3A_457] : memref<250000x128xf32, #tpu.memory_space<hbm>> -> memref<16x128xf32, #tpu.memory_space<hbm>>
    tpu.wait_dma2 semaphore(%arg14 : memref<!tpu.dma_semaphore, #tpu.memory_space<semaphore_mem>>) src(%dma_wait3A_458 : memref<16x128xf32, #tpu.memory_space<hbm>>) dst(%dma_wait3A_455 : memref<16x128xf32, #tpu.memory_space<vmem>>)
    %dma_wait3A_459 = arith.constant 80 : i32
    %dma_wait3A_460 = arith.constant 0 : i32
    %dma_wait3A_461 = tpu.memref_slice %arg12[%dma_wait3A_459, %dma_wait3A_460] : memref<256x128xf32, #tpu.memory_space<vmem>> -> memref<16x128xf32, #tpu.memory_space<vmem>>
    %dma_wait3A_462 = arith.constant 0 : i32
    %dma_wait3A_463 = arith.constant 0 : i32
    %dma_wait3A_464 = tpu.memref_slice %arg5[%dma_wait3A_462, %dma_wait3A_463] : memref<250000x128xf32, #tpu.memory_space<hbm>> -> memref<16x128xf32, #tpu.memory_space<hbm>>
    %dma_wait3A_465 = arith.constant 80 : i32
    %dma_wait3A_466 = arith.constant 0 : i32
    %dma_wait3A_467 = tpu.memref_slice %arg12[%dma_wait3A_465, %dma_wait3A_466] : memref<256x128xf32, #tpu.memory_space<vmem>> -> memref<16x128xf32, #tpu.memory_space<vmem>>
    %dma_wait3A_468 = arith.constant 0 : i32
    %dma_wait3A_469 = arith.constant 0 : i32
    %dma_wait3A_470 = tpu.memref_slice %arg5[%dma_wait3A_468, %dma_wait3A_469] : memref<250000x128xf32, #tpu.memory_space<hbm>> -> memref<16x128xf32, #tpu.memory_space<hbm>>
    tpu.wait_dma2 semaphore(%arg15 : memref<!tpu.dma_semaphore, #tpu.memory_space<semaphore_mem>>) src(%dma_wait3A_470 : memref<16x128xf32, #tpu.memory_space<hbm>>) dst(%dma_wait3A_467 : memref<16x128xf32, #tpu.memory_space<vmem>>)
    %dma_wait3A_471 = arith.constant 96 : i32
    %dma_wait3A_472 = arith.constant 0 : i32
    %dma_wait3A_473 = tpu.memref_slice %arg11[%dma_wait3A_471, %dma_wait3A_472] : memref<256x128xf32, #tpu.memory_space<vmem>> -> memref<16x128xf32, #tpu.memory_space<vmem>>
    %dma_wait3A_474 = arith.constant 0 : i32
    %dma_wait3A_475 = arith.constant 0 : i32
    %dma_wait3A_476 = tpu.memref_slice %arg4[%dma_wait3A_474, %dma_wait3A_475] : memref<250000x128xf32, #tpu.memory_space<hbm>> -> memref<16x128xf32, #tpu.memory_space<hbm>>
    %dma_wait3A_477 = arith.constant 96 : i32
    %dma_wait3A_478 = arith.constant 0 : i32
    %dma_wait3A_479 = tpu.memref_slice %arg11[%dma_wait3A_477, %dma_wait3A_478] : memref<256x128xf32, #tpu.memory_space<vmem>> -> memref<16x128xf32, #tpu.memory_space<vmem>>
    %dma_wait3A_480 = arith.constant 0 : i32
    %dma_wait3A_481 = arith.constant 0 : i32
    %dma_wait3A_482 = tpu.memref_slice %arg4[%dma_wait3A_480, %dma_wait3A_481] : memref<250000x128xf32, #tpu.memory_space<hbm>> -> memref<16x128xf32, #tpu.memory_space<hbm>>
    tpu.wait_dma2 semaphore(%arg14 : memref<!tpu.dma_semaphore, #tpu.memory_space<semaphore_mem>>) src(%dma_wait3A_482 : memref<16x128xf32, #tpu.memory_space<hbm>>) dst(%dma_wait3A_479 : memref<16x128xf32, #tpu.memory_space<vmem>>)
    %dma_wait3A_483 = arith.constant 96 : i32
    %dma_wait3A_484 = arith.constant 0 : i32
    %dma_wait3A_485 = tpu.memref_slice %arg12[%dma_wait3A_483, %dma_wait3A_484] : memref<256x128xf32, #tpu.memory_space<vmem>> -> memref<16x128xf32, #tpu.memory_space<vmem>>
    %dma_wait3A_486 = arith.constant 0 : i32
    %dma_wait3A_487 = arith.constant 0 : i32
    %dma_wait3A_488 = tpu.memref_slice %arg5[%dma_wait3A_486, %dma_wait3A_487] : memref<250000x128xf32, #tpu.memory_space<hbm>> -> memref<16x128xf32, #tpu.memory_space<hbm>>
    %dma_wait3A_489 = arith.constant 96 : i32
    %dma_wait3A_490 = arith.constant 0 : i32
    %dma_wait3A_491 = tpu.memref_slice %arg12[%dma_wait3A_489, %dma_wait3A_490] : memref<256x128xf32, #tpu.memory_space<vmem>> -> memref<16x128xf32, #tpu.memory_space<vmem>>
    %dma_wait3A_492 = arith.constant 0 : i32
    %dma_wait3A_493 = arith.constant 0 : i32
    %dma_wait3A_494 = tpu.memref_slice %arg5[%dma_wait3A_492, %dma_wait3A_493] : memref<250000x128xf32, #tpu.memory_space<hbm>> -> memref<16x128xf32, #tpu.memory_space<hbm>>
    tpu.wait_dma2 semaphore(%arg15 : memref<!tpu.dma_semaphore, #tpu.memory_space<semaphore_mem>>) src(%dma_wait3A_494 : memref<16x128xf32, #tpu.memory_space<hbm>>) dst(%dma_wait3A_491 : memref<16x128xf32, #tpu.memory_space<vmem>>)
    %dma_wait3A_495 = arith.constant 112 : i32
    %dma_wait3A_496 = arith.constant 0 : i32
    %dma_wait3A_497 = tpu.memref_slice %arg11[%dma_wait3A_495, %dma_wait3A_496] : memref<256x128xf32, #tpu.memory_space<vmem>> -> memref<16x128xf32, #tpu.memory_space<vmem>>
    %dma_wait3A_498 = arith.constant 0 : i32
    %dma_wait3A_499 = arith.constant 0 : i32
    %dma_wait3A_500 = tpu.memref_slice %arg4[%dma_wait3A_498, %dma_wait3A_499] : memref<250000x128xf32, #tpu.memory_space<hbm>> -> memref<16x128xf32, #tpu.memory_space<hbm>>
    %dma_wait3A_501 = arith.constant 112 : i32
    %dma_wait3A_502 = arith.constant 0 : i32
    %dma_wait3A_503 = tpu.memref_slice %arg11[%dma_wait3A_501, %dma_wait3A_502] : memref<256x128xf32, #tpu.memory_space<vmem>> -> memref<16x128xf32, #tpu.memory_space<vmem>>
    %dma_wait3A_504 = arith.constant 0 : i32
    %dma_wait3A_505 = arith.constant 0 : i32
    %dma_wait3A_506 = tpu.memref_slice %arg4[%dma_wait3A_504, %dma_wait3A_505] : memref<250000x128xf32, #tpu.memory_space<hbm>> -> memref<16x128xf32, #tpu.memory_space<hbm>>
    tpu.wait_dma2 semaphore(%arg14 : memref<!tpu.dma_semaphore, #tpu.memory_space<semaphore_mem>>) src(%dma_wait3A_506 : memref<16x128xf32, #tpu.memory_space<hbm>>) dst(%dma_wait3A_503 : memref<16x128xf32, #tpu.memory_space<vmem>>)
    %dma_wait3A_507 = arith.constant 112 : i32
    %dma_wait3A_508 = arith.constant 0 : i32
    %dma_wait3A_509 = tpu.memref_slice %arg12[%dma_wait3A_507, %dma_wait3A_508] : memref<256x128xf32, #tpu.memory_space<vmem>> -> memref<16x128xf32, #tpu.memory_space<vmem>>
    %dma_wait3A_510 = arith.constant 0 : i32
    %dma_wait3A_511 = arith.constant 0 : i32
    %dma_wait3A_512 = tpu.memref_slice %arg5[%dma_wait3A_510, %dma_wait3A_511] : memref<250000x128xf32, #tpu.memory_space<hbm>> -> memref<16x128xf32, #tpu.memory_space<hbm>>
    %dma_wait3A_513 = arith.constant 112 : i32
    %dma_wait3A_514 = arith.constant 0 : i32
    %dma_wait3A_515 = tpu.memref_slice %arg12[%dma_wait3A_513, %dma_wait3A_514] : memref<256x128xf32, #tpu.memory_space<vmem>> -> memref<16x128xf32, #tpu.memory_space<vmem>>
    %dma_wait3A_516 = arith.constant 0 : i32
    %dma_wait3A_517 = arith.constant 0 : i32
    %dma_wait3A_518 = tpu.memref_slice %arg5[%dma_wait3A_516, %dma_wait3A_517] : memref<250000x128xf32, #tpu.memory_space<hbm>> -> memref<16x128xf32, #tpu.memory_space<hbm>>
    tpu.wait_dma2 semaphore(%arg15 : memref<!tpu.dma_semaphore, #tpu.memory_space<semaphore_mem>>) src(%dma_wait3A_518 : memref<16x128xf32, #tpu.memory_space<hbm>>) dst(%dma_wait3A_515 : memref<16x128xf32, #tpu.memory_space<vmem>>)
    %dma_wait3A_519 = arith.constant 128 : i32
    %dma_wait3A_520 = arith.constant 0 : i32
    %dma_wait3A_521 = tpu.memref_slice %arg11[%dma_wait3A_519, %dma_wait3A_520] : memref<256x128xf32, #tpu.memory_space<vmem>> -> memref<16x128xf32, #tpu.memory_space<vmem>>
    %dma_wait3A_522 = arith.constant 0 : i32
    %dma_wait3A_523 = arith.constant 0 : i32
    %dma_wait3A_524 = tpu.memref_slice %arg4[%dma_wait3A_522, %dma_wait3A_523] : memref<250000x128xf32, #tpu.memory_space<hbm>> -> memref<16x128xf32, #tpu.memory_space<hbm>>
    %dma_wait3A_525 = arith.constant 128 : i32
    %dma_wait3A_526 = arith.constant 0 : i32
    %dma_wait3A_527 = tpu.memref_slice %arg11[%dma_wait3A_525, %dma_wait3A_526] : memref<256x128xf32, #tpu.memory_space<vmem>> -> memref<16x128xf32, #tpu.memory_space<vmem>>
    %dma_wait3A_528 = arith.constant 0 : i32
    %dma_wait3A_529 = arith.constant 0 : i32
    %dma_wait3A_530 = tpu.memref_slice %arg4[%dma_wait3A_528, %dma_wait3A_529] : memref<250000x128xf32, #tpu.memory_space<hbm>> -> memref<16x128xf32, #tpu.memory_space<hbm>>
    tpu.wait_dma2 semaphore(%arg14 : memref<!tpu.dma_semaphore, #tpu.memory_space<semaphore_mem>>) src(%dma_wait3A_530 : memref<16x128xf32, #tpu.memory_space<hbm>>) dst(%dma_wait3A_527 : memref<16x128xf32, #tpu.memory_space<vmem>>)
    %dma_wait3A_531 = arith.constant 128 : i32
    %dma_wait3A_532 = arith.constant 0 : i32
    %dma_wait3A_533 = tpu.memref_slice %arg12[%dma_wait3A_531, %dma_wait3A_532] : memref<256x128xf32, #tpu.memory_space<vmem>> -> memref<16x128xf32, #tpu.memory_space<vmem>>
    %dma_wait3A_534 = arith.constant 0 : i32
    %dma_wait3A_535 = arith.constant 0 : i32
    %dma_wait3A_536 = tpu.memref_slice %arg5[%dma_wait3A_534, %dma_wait3A_535] : memref<250000x128xf32, #tpu.memory_space<hbm>> -> memref<16x128xf32, #tpu.memory_space<hbm>>
    %dma_wait3A_537 = arith.constant 128 : i32
    %dma_wait3A_538 = arith.constant 0 : i32
    %dma_wait3A_539 = tpu.memref_slice %arg12[%dma_wait3A_537, %dma_wait3A_538] : memref<256x128xf32, #tpu.memory_space<vmem>> -> memref<16x128xf32, #tpu.memory_space<vmem>>
    %dma_wait3A_540 = arith.constant 0 : i32
    %dma_wait3A_541 = arith.constant 0 : i32
    %dma_wait3A_542 = tpu.memref_slice %arg5[%dma_wait3A_540, %dma_wait3A_541] : memref<250000x128xf32, #tpu.memory_space<hbm>> -> memref<16x128xf32, #tpu.memory_space<hbm>>
    tpu.wait_dma2 semaphore(%arg15 : memref<!tpu.dma_semaphore, #tpu.memory_space<semaphore_mem>>) src(%dma_wait3A_542 : memref<16x128xf32, #tpu.memory_space<hbm>>) dst(%dma_wait3A_539 : memref<16x128xf32, #tpu.memory_space<vmem>>)
    %dma_wait3A_543 = arith.constant 144 : i32
    %dma_wait3A_544 = arith.constant 0 : i32
    %dma_wait3A_545 = tpu.memref_slice %arg11[%dma_wait3A_543, %dma_wait3A_544] : memref<256x128xf32, #tpu.memory_space<vmem>> -> memref<16x128xf32, #tpu.memory_space<vmem>>
    %dma_wait3A_546 = arith.constant 0 : i32
    %dma_wait3A_547 = arith.constant 0 : i32
    %dma_wait3A_548 = tpu.memref_slice %arg4[%dma_wait3A_546, %dma_wait3A_547] : memref<250000x128xf32, #tpu.memory_space<hbm>> -> memref<16x128xf32, #tpu.memory_space<hbm>>
    %dma_wait3A_549 = arith.constant 144 : i32
    %dma_wait3A_550 = arith.constant 0 : i32
    %dma_wait3A_551 = tpu.memref_slice %arg11[%dma_wait3A_549, %dma_wait3A_550] : memref<256x128xf32, #tpu.memory_space<vmem>> -> memref<16x128xf32, #tpu.memory_space<vmem>>
    %dma_wait3A_552 = arith.constant 0 : i32
    %dma_wait3A_553 = arith.constant 0 : i32
    %dma_wait3A_554 = tpu.memref_slice %arg4[%dma_wait3A_552, %dma_wait3A_553] : memref<250000x128xf32, #tpu.memory_space<hbm>> -> memref<16x128xf32, #tpu.memory_space<hbm>>
    tpu.wait_dma2 semaphore(%arg14 : memref<!tpu.dma_semaphore, #tpu.memory_space<semaphore_mem>>) src(%dma_wait3A_554 : memref<16x128xf32, #tpu.memory_space<hbm>>) dst(%dma_wait3A_551 : memref<16x128xf32, #tpu.memory_space<vmem>>)
    %dma_wait3A_555 = arith.constant 144 : i32
    %dma_wait3A_556 = arith.constant 0 : i32
    %dma_wait3A_557 = tpu.memref_slice %arg12[%dma_wait3A_555, %dma_wait3A_556] : memref<256x128xf32, #tpu.memory_space<vmem>> -> memref<16x128xf32, #tpu.memory_space<vmem>>
    %dma_wait3A_558 = arith.constant 0 : i32
    %dma_wait3A_559 = arith.constant 0 : i32
    %dma_wait3A_560 = tpu.memref_slice %arg5[%dma_wait3A_558, %dma_wait3A_559] : memref<250000x128xf32, #tpu.memory_space<hbm>> -> memref<16x128xf32, #tpu.memory_space<hbm>>
    %dma_wait3A_561 = arith.constant 144 : i32
    %dma_wait3A_562 = arith.constant 0 : i32
    %dma_wait3A_563 = tpu.memref_slice %arg12[%dma_wait3A_561, %dma_wait3A_562] : memref<256x128xf32, #tpu.memory_space<vmem>> -> memref<16x128xf32, #tpu.memory_space<vmem>>
    %dma_wait3A_564 = arith.constant 0 : i32
    %dma_wait3A_565 = arith.constant 0 : i32
    %dma_wait3A_566 = tpu.memref_slice %arg5[%dma_wait3A_564, %dma_wait3A_565] : memref<250000x128xf32, #tpu.memory_space<hbm>> -> memref<16x128xf32, #tpu.memory_space<hbm>>
    tpu.wait_dma2 semaphore(%arg15 : memref<!tpu.dma_semaphore, #tpu.memory_space<semaphore_mem>>) src(%dma_wait3A_566 : memref<16x128xf32, #tpu.memory_space<hbm>>) dst(%dma_wait3A_563 : memref<16x128xf32, #tpu.memory_space<vmem>>)
    %dma_wait3A_567 = arith.constant 160 : i32
    %dma_wait3A_568 = arith.constant 0 : i32
    %dma_wait3A_569 = tpu.memref_slice %arg11[%dma_wait3A_567, %dma_wait3A_568] : memref<256x128xf32, #tpu.memory_space<vmem>> -> memref<16x128xf32, #tpu.memory_space<vmem>>
    %dma_wait3A_570 = arith.constant 0 : i32
    %dma_wait3A_571 = arith.constant 0 : i32
    %dma_wait3A_572 = tpu.memref_slice %arg4[%dma_wait3A_570, %dma_wait3A_571] : memref<250000x128xf32, #tpu.memory_space<hbm>> -> memref<16x128xf32, #tpu.memory_space<hbm>>
    %dma_wait3A_573 = arith.constant 160 : i32
    %dma_wait3A_574 = arith.constant 0 : i32
    %dma_wait3A_575 = tpu.memref_slice %arg11[%dma_wait3A_573, %dma_wait3A_574] : memref<256x128xf32, #tpu.memory_space<vmem>> -> memref<16x128xf32, #tpu.memory_space<vmem>>
    %dma_wait3A_576 = arith.constant 0 : i32
    %dma_wait3A_577 = arith.constant 0 : i32
    %dma_wait3A_578 = tpu.memref_slice %arg4[%dma_wait3A_576, %dma_wait3A_577] : memref<250000x128xf32, #tpu.memory_space<hbm>> -> memref<16x128xf32, #tpu.memory_space<hbm>>
    tpu.wait_dma2 semaphore(%arg14 : memref<!tpu.dma_semaphore, #tpu.memory_space<semaphore_mem>>) src(%dma_wait3A_578 : memref<16x128xf32, #tpu.memory_space<hbm>>) dst(%dma_wait3A_575 : memref<16x128xf32, #tpu.memory_space<vmem>>)
    %dma_wait3A_579 = arith.constant 160 : i32
    %dma_wait3A_580 = arith.constant 0 : i32
    %dma_wait3A_581 = tpu.memref_slice %arg12[%dma_wait3A_579, %dma_wait3A_580] : memref<256x128xf32, #tpu.memory_space<vmem>> -> memref<16x128xf32, #tpu.memory_space<vmem>>
    %dma_wait3A_582 = arith.constant 0 : i32
    %dma_wait3A_583 = arith.constant 0 : i32
    %dma_wait3A_584 = tpu.memref_slice %arg5[%dma_wait3A_582, %dma_wait3A_583] : memref<250000x128xf32, #tpu.memory_space<hbm>> -> memref<16x128xf32, #tpu.memory_space<hbm>>
    %dma_wait3A_585 = arith.constant 160 : i32
    %dma_wait3A_586 = arith.constant 0 : i32
    %dma_wait3A_587 = tpu.memref_slice %arg12[%dma_wait3A_585, %dma_wait3A_586] : memref<256x128xf32, #tpu.memory_space<vmem>> -> memref<16x128xf32, #tpu.memory_space<vmem>>
    %dma_wait3A_588 = arith.constant 0 : i32
    %dma_wait3A_589 = arith.constant 0 : i32
    %dma_wait3A_590 = tpu.memref_slice %arg5[%dma_wait3A_588, %dma_wait3A_589] : memref<250000x128xf32, #tpu.memory_space<hbm>> -> memref<16x128xf32, #tpu.memory_space<hbm>>
    tpu.wait_dma2 semaphore(%arg15 : memref<!tpu.dma_semaphore, #tpu.memory_space<semaphore_mem>>) src(%dma_wait3A_590 : memref<16x128xf32, #tpu.memory_space<hbm>>) dst(%dma_wait3A_587 : memref<16x128xf32, #tpu.memory_space<vmem>>)
    %dma_wait3A_591 = arith.constant 176 : i32
    %dma_wait3A_592 = arith.constant 0 : i32
    %dma_wait3A_593 = tpu.memref_slice %arg11[%dma_wait3A_591, %dma_wait3A_592] : memref<256x128xf32, #tpu.memory_space<vmem>> -> memref<16x128xf32, #tpu.memory_space<vmem>>
    %dma_wait3A_594 = arith.constant 0 : i32
    %dma_wait3A_595 = arith.constant 0 : i32
    %dma_wait3A_596 = tpu.memref_slice %arg4[%dma_wait3A_594, %dma_wait3A_595] : memref<250000x128xf32, #tpu.memory_space<hbm>> -> memref<16x128xf32, #tpu.memory_space<hbm>>
    %dma_wait3A_597 = arith.constant 176 : i32
    %dma_wait3A_598 = arith.constant 0 : i32
    %dma_wait3A_599 = tpu.memref_slice %arg11[%dma_wait3A_597, %dma_wait3A_598] : memref<256x128xf32, #tpu.memory_space<vmem>> -> memref<16x128xf32, #tpu.memory_space<vmem>>
    %dma_wait3A_600 = arith.constant 0 : i32
    %dma_wait3A_601 = arith.constant 0 : i32
    %dma_wait3A_602 = tpu.memref_slice %arg4[%dma_wait3A_600, %dma_wait3A_601] : memref<250000x128xf32, #tpu.memory_space<hbm>> -> memref<16x128xf32, #tpu.memory_space<hbm>>
    tpu.wait_dma2 semaphore(%arg14 : memref<!tpu.dma_semaphore, #tpu.memory_space<semaphore_mem>>) src(%dma_wait3A_602 : memref<16x128xf32, #tpu.memory_space<hbm>>) dst(%dma_wait3A_599 : memref<16x128xf32, #tpu.memory_space<vmem>>)
    %dma_wait3A_603 = arith.constant 176 : i32
    %dma_wait3A_604 = arith.constant 0 : i32
    %dma_wait3A_605 = tpu.memref_slice %arg12[%dma_wait3A_603, %dma_wait3A_604] : memref<256x128xf32, #tpu.memory_space<vmem>> -> memref<16x128xf32, #tpu.memory_space<vmem>>
    %dma_wait3A_606 = arith.constant 0 : i32
    %dma_wait3A_607 = arith.constant 0 : i32
    %dma_wait3A_608 = tpu.memref_slice %arg5[%dma_wait3A_606, %dma_wait3A_607] : memref<250000x128xf32, #tpu.memory_space<hbm>> -> memref<16x128xf32, #tpu.memory_space<hbm>>
    %dma_wait3A_609 = arith.constant 176 : i32
    %dma_wait3A_610 = arith.constant 0 : i32
    %dma_wait3A_611 = tpu.memref_slice %arg12[%dma_wait3A_609, %dma_wait3A_610] : memref<256x128xf32, #tpu.memory_space<vmem>> -> memref<16x128xf32, #tpu.memory_space<vmem>>
    %dma_wait3A_612 = arith.constant 0 : i32
    %dma_wait3A_613 = arith.constant 0 : i32
    %dma_wait3A_614 = tpu.memref_slice %arg5[%dma_wait3A_612, %dma_wait3A_613] : memref<250000x128xf32, #tpu.memory_space<hbm>> -> memref<16x128xf32, #tpu.memory_space<hbm>>
    tpu.wait_dma2 semaphore(%arg15 : memref<!tpu.dma_semaphore, #tpu.memory_space<semaphore_mem>>) src(%dma_wait3A_614 : memref<16x128xf32, #tpu.memory_space<hbm>>) dst(%dma_wait3A_611 : memref<16x128xf32, #tpu.memory_space<vmem>>)
    %dma_wait3A_615 = arith.constant 192 : i32
    %dma_wait3A_616 = arith.constant 0 : i32
    %dma_wait3A_617 = tpu.memref_slice %arg11[%dma_wait3A_615, %dma_wait3A_616] : memref<256x128xf32, #tpu.memory_space<vmem>> -> memref<16x128xf32, #tpu.memory_space<vmem>>
    %dma_wait3A_618 = arith.constant 0 : i32
    %dma_wait3A_619 = arith.constant 0 : i32
    %dma_wait3A_620 = tpu.memref_slice %arg4[%dma_wait3A_618, %dma_wait3A_619] : memref<250000x128xf32, #tpu.memory_space<hbm>> -> memref<16x128xf32, #tpu.memory_space<hbm>>
    %dma_wait3A_621 = arith.constant 192 : i32
    %dma_wait3A_622 = arith.constant 0 : i32
    %dma_wait3A_623 = tpu.memref_slice %arg11[%dma_wait3A_621, %dma_wait3A_622] : memref<256x128xf32, #tpu.memory_space<vmem>> -> memref<16x128xf32, #tpu.memory_space<vmem>>
    %dma_wait3A_624 = arith.constant 0 : i32
    %dma_wait3A_625 = arith.constant 0 : i32
    %dma_wait3A_626 = tpu.memref_slice %arg4[%dma_wait3A_624, %dma_wait3A_625] : memref<250000x128xf32, #tpu.memory_space<hbm>> -> memref<16x128xf32, #tpu.memory_space<hbm>>
    tpu.wait_dma2 semaphore(%arg14 : memref<!tpu.dma_semaphore, #tpu.memory_space<semaphore_mem>>) src(%dma_wait3A_626 : memref<16x128xf32, #tpu.memory_space<hbm>>) dst(%dma_wait3A_623 : memref<16x128xf32, #tpu.memory_space<vmem>>)
    %dma_wait3A_627 = arith.constant 192 : i32
    %dma_wait3A_628 = arith.constant 0 : i32
    %dma_wait3A_629 = tpu.memref_slice %arg12[%dma_wait3A_627, %dma_wait3A_628] : memref<256x128xf32, #tpu.memory_space<vmem>> -> memref<16x128xf32, #tpu.memory_space<vmem>>
    %dma_wait3A_630 = arith.constant 0 : i32
    %dma_wait3A_631 = arith.constant 0 : i32
    %dma_wait3A_632 = tpu.memref_slice %arg5[%dma_wait3A_630, %dma_wait3A_631] : memref<250000x128xf32, #tpu.memory_space<hbm>> -> memref<16x128xf32, #tpu.memory_space<hbm>>
    %dma_wait3A_633 = arith.constant 192 : i32
    %dma_wait3A_634 = arith.constant 0 : i32
    %dma_wait3A_635 = tpu.memref_slice %arg12[%dma_wait3A_633, %dma_wait3A_634] : memref<256x128xf32, #tpu.memory_space<vmem>> -> memref<16x128xf32, #tpu.memory_space<vmem>>
    %dma_wait3A_636 = arith.constant 0 : i32
    %dma_wait3A_637 = arith.constant 0 : i32
    %dma_wait3A_638 = tpu.memref_slice %arg5[%dma_wait3A_636, %dma_wait3A_637] : memref<250000x128xf32, #tpu.memory_space<hbm>> -> memref<16x128xf32, #tpu.memory_space<hbm>>
    tpu.wait_dma2 semaphore(%arg15 : memref<!tpu.dma_semaphore, #tpu.memory_space<semaphore_mem>>) src(%dma_wait3A_638 : memref<16x128xf32, #tpu.memory_space<hbm>>) dst(%dma_wait3A_635 : memref<16x128xf32, #tpu.memory_space<vmem>>)
    %dma_wait3A_639 = arith.constant 208 : i32
    %dma_wait3A_640 = arith.constant 0 : i32
    %dma_wait3A_641 = tpu.memref_slice %arg11[%dma_wait3A_639, %dma_wait3A_640] : memref<256x128xf32, #tpu.memory_space<vmem>> -> memref<16x128xf32, #tpu.memory_space<vmem>>
    %dma_wait3A_642 = arith.constant 0 : i32
    %dma_wait3A_643 = arith.constant 0 : i32
    %dma_wait3A_644 = tpu.memref_slice %arg4[%dma_wait3A_642, %dma_wait3A_643] : memref<250000x128xf32, #tpu.memory_space<hbm>> -> memref<16x128xf32, #tpu.memory_space<hbm>>
    %dma_wait3A_645 = arith.constant 208 : i32
    %dma_wait3A_646 = arith.constant 0 : i32
    %dma_wait3A_647 = tpu.memref_slice %arg11[%dma_wait3A_645, %dma_wait3A_646] : memref<256x128xf32, #tpu.memory_space<vmem>> -> memref<16x128xf32, #tpu.memory_space<vmem>>
    %dma_wait3A_648 = arith.constant 0 : i32
    %dma_wait3A_649 = arith.constant 0 : i32
    %dma_wait3A_650 = tpu.memref_slice %arg4[%dma_wait3A_648, %dma_wait3A_649] : memref<250000x128xf32, #tpu.memory_space<hbm>> -> memref<16x128xf32, #tpu.memory_space<hbm>>
    tpu.wait_dma2 semaphore(%arg14 : memref<!tpu.dma_semaphore, #tpu.memory_space<semaphore_mem>>) src(%dma_wait3A_650 : memref<16x128xf32, #tpu.memory_space<hbm>>) dst(%dma_wait3A_647 : memref<16x128xf32, #tpu.memory_space<vmem>>)
    %dma_wait3A_651 = arith.constant 208 : i32
    %dma_wait3A_652 = arith.constant 0 : i32
    %dma_wait3A_653 = tpu.memref_slice %arg12[%dma_wait3A_651, %dma_wait3A_652] : memref<256x128xf32, #tpu.memory_space<vmem>> -> memref<16x128xf32, #tpu.memory_space<vmem>>
    %dma_wait3A_654 = arith.constant 0 : i32
    %dma_wait3A_655 = arith.constant 0 : i32
    %dma_wait3A_656 = tpu.memref_slice %arg5[%dma_wait3A_654, %dma_wait3A_655] : memref<250000x128xf32, #tpu.memory_space<hbm>> -> memref<16x128xf32, #tpu.memory_space<hbm>>
    %dma_wait3A_657 = arith.constant 208 : i32
    %dma_wait3A_658 = arith.constant 0 : i32
    %dma_wait3A_659 = tpu.memref_slice %arg12[%dma_wait3A_657, %dma_wait3A_658] : memref<256x128xf32, #tpu.memory_space<vmem>> -> memref<16x128xf32, #tpu.memory_space<vmem>>
    %dma_wait3A_660 = arith.constant 0 : i32
    %dma_wait3A_661 = arith.constant 0 : i32
    %dma_wait3A_662 = tpu.memref_slice %arg5[%dma_wait3A_660, %dma_wait3A_661] : memref<250000x128xf32, #tpu.memory_space<hbm>> -> memref<16x128xf32, #tpu.memory_space<hbm>>
    tpu.wait_dma2 semaphore(%arg15 : memref<!tpu.dma_semaphore, #tpu.memory_space<semaphore_mem>>) src(%dma_wait3A_662 : memref<16x128xf32, #tpu.memory_space<hbm>>) dst(%dma_wait3A_659 : memref<16x128xf32, #tpu.memory_space<vmem>>)
    %dma_wait3A_663 = arith.constant 224 : i32
    %dma_wait3A_664 = arith.constant 0 : i32
    %dma_wait3A_665 = tpu.memref_slice %arg11[%dma_wait3A_663, %dma_wait3A_664] : memref<256x128xf32, #tpu.memory_space<vmem>> -> memref<16x128xf32, #tpu.memory_space<vmem>>
    %dma_wait3A_666 = arith.constant 0 : i32
    %dma_wait3A_667 = arith.constant 0 : i32
    %dma_wait3A_668 = tpu.memref_slice %arg4[%dma_wait3A_666, %dma_wait3A_667] : memref<250000x128xf32, #tpu.memory_space<hbm>> -> memref<16x128xf32, #tpu.memory_space<hbm>>
    %dma_wait3A_669 = arith.constant 224 : i32
    %dma_wait3A_670 = arith.constant 0 : i32
    %dma_wait3A_671 = tpu.memref_slice %arg11[%dma_wait3A_669, %dma_wait3A_670] : memref<256x128xf32, #tpu.memory_space<vmem>> -> memref<16x128xf32, #tpu.memory_space<vmem>>
    %dma_wait3A_672 = arith.constant 0 : i32
    %dma_wait3A_673 = arith.constant 0 : i32
    %dma_wait3A_674 = tpu.memref_slice %arg4[%dma_wait3A_672, %dma_wait3A_673] : memref<250000x128xf32, #tpu.memory_space<hbm>> -> memref<16x128xf32, #tpu.memory_space<hbm>>
    tpu.wait_dma2 semaphore(%arg14 : memref<!tpu.dma_semaphore, #tpu.memory_space<semaphore_mem>>) src(%dma_wait3A_674 : memref<16x128xf32, #tpu.memory_space<hbm>>) dst(%dma_wait3A_671 : memref<16x128xf32, #tpu.memory_space<vmem>>)
    %dma_wait3A_675 = arith.constant 224 : i32
    %dma_wait3A_676 = arith.constant 0 : i32
    %dma_wait3A_677 = tpu.memref_slice %arg12[%dma_wait3A_675, %dma_wait3A_676] : memref<256x128xf32, #tpu.memory_space<vmem>> -> memref<16x128xf32, #tpu.memory_space<vmem>>
    %dma_wait3A_678 = arith.constant 0 : i32
    %dma_wait3A_679 = arith.constant 0 : i32
    %dma_wait3A_680 = tpu.memref_slice %arg5[%dma_wait3A_678, %dma_wait3A_679] : memref<250000x128xf32, #tpu.memory_space<hbm>> -> memref<16x128xf32, #tpu.memory_space<hbm>>
    %dma_wait3A_681 = arith.constant 224 : i32
    %dma_wait3A_682 = arith.constant 0 : i32
    %dma_wait3A_683 = tpu.memref_slice %arg12[%dma_wait3A_681, %dma_wait3A_682] : memref<256x128xf32, #tpu.memory_space<vmem>> -> memref<16x128xf32, #tpu.memory_space<vmem>>
    %dma_wait3A_684 = arith.constant 0 : i32
    %dma_wait3A_685 = arith.constant 0 : i32
    %dma_wait3A_686 = tpu.memref_slice %arg5[%dma_wait3A_684, %dma_wait3A_685] : memref<250000x128xf32, #tpu.memory_space<hbm>> -> memref<16x128xf32, #tpu.memory_space<hbm>>
    tpu.wait_dma2 semaphore(%arg15 : memref<!tpu.dma_semaphore, #tpu.memory_space<semaphore_mem>>) src(%dma_wait3A_686 : memref<16x128xf32, #tpu.memory_space<hbm>>) dst(%dma_wait3A_683 : memref<16x128xf32, #tpu.memory_space<vmem>>)
    %dma_wait3A_687 = arith.constant 240 : i32
    %dma_wait3A_688 = arith.constant 0 : i32
    %dma_wait3A_689 = tpu.memref_slice %arg11[%dma_wait3A_687, %dma_wait3A_688] : memref<256x128xf32, #tpu.memory_space<vmem>> -> memref<16x128xf32, #tpu.memory_space<vmem>>
    %dma_wait3A_690 = arith.constant 0 : i32
    %dma_wait3A_691 = arith.constant 0 : i32
    %dma_wait3A_692 = tpu.memref_slice %arg4[%dma_wait3A_690, %dma_wait3A_691] : memref<250000x128xf32, #tpu.memory_space<hbm>> -> memref<16x128xf32, #tpu.memory_space<hbm>>
    %dma_wait3A_693 = arith.constant 240 : i32
    %dma_wait3A_694 = arith.constant 0 : i32
    %dma_wait3A_695 = tpu.memref_slice %arg11[%dma_wait3A_693, %dma_wait3A_694] : memref<256x128xf32, #tpu.memory_space<vmem>> -> memref<16x128xf32, #tpu.memory_space<vmem>>
    %dma_wait3A_696 = arith.constant 0 : i32
    %dma_wait3A_697 = arith.constant 0 : i32
    %dma_wait3A_698 = tpu.memref_slice %arg4[%dma_wait3A_696, %dma_wait3A_697] : memref<250000x128xf32, #tpu.memory_space<hbm>> -> memref<16x128xf32, #tpu.memory_space<hbm>>
    tpu.wait_dma2 semaphore(%arg14 : memref<!tpu.dma_semaphore, #tpu.memory_space<semaphore_mem>>) src(%dma_wait3A_698 : memref<16x128xf32, #tpu.memory_space<hbm>>) dst(%dma_wait3A_695 : memref<16x128xf32, #tpu.memory_space<vmem>>)
    %dma_wait3A_699 = arith.constant 240 : i32
    %dma_wait3A_700 = arith.constant 0 : i32
    %dma_wait3A_701 = tpu.memref_slice %arg12[%dma_wait3A_699, %dma_wait3A_700] : memref<256x128xf32, #tpu.memory_space<vmem>> -> memref<16x128xf32, #tpu.memory_space<vmem>>
    %dma_wait3A_702 = arith.constant 0 : i32
    %dma_wait3A_703 = arith.constant 0 : i32
    %dma_wait3A_704 = tpu.memref_slice %arg5[%dma_wait3A_702, %dma_wait3A_703] : memref<250000x128xf32, #tpu.memory_space<hbm>> -> memref<16x128xf32, #tpu.memory_space<hbm>>
    %dma_wait3A_705 = arith.constant 240 : i32
    %dma_wait3A_706 = arith.constant 0 : i32
    %dma_wait3A_707 = tpu.memref_slice %arg12[%dma_wait3A_705, %dma_wait3A_706] : memref<256x128xf32, #tpu.memory_space<vmem>> -> memref<16x128xf32, #tpu.memory_space<vmem>>
    %dma_wait3A_708 = arith.constant 0 : i32
    %dma_wait3A_709 = arith.constant 0 : i32
    %dma_wait3A_710 = tpu.memref_slice %arg5[%dma_wait3A_708, %dma_wait3A_709] : memref<250000x128xf32, #tpu.memory_space<hbm>> -> memref<16x128xf32, #tpu.memory_space<hbm>>
    tpu.wait_dma2 semaphore(%arg15 : memref<!tpu.dma_semaphore, #tpu.memory_space<semaphore_mem>>) src(%dma_wait3A_710 : memref<16x128xf32, #tpu.memory_space<hbm>>) dst(%dma_wait3A_707 : memref<16x128xf32, #tpu.memory_space<vmem>>)
    %scan3A_711 = arith.constant 0 : i32
    %scan3A_712 = arith.constant 0 : i32
    %scan3A_713 = arith.constant 16 : i32
    %scan3A_714 = arith.addi %scan3A_712, %scan3A_713 : i32
    %scan3A_715 = arith.constant 1 : i32
    scf.for %scan3A_1427 = %scan3A_712 to %scan3A_714 step %scan3A_715  : i32 {
      %mul3A_1428 = arith.constant 16 : i32
      %mul3A_1429 = arith.muli %scan3A_1427, %mul3A_1428 : i32
      %add3A_1430 = vector.broadcast %mul3A_1429 : i32 to vector<16xi32>
      %add3A_1431 = arith.addi %iota3A, %add3A_1430 : vector<16xi32>
      %mul3A_1432 = arith.constant 16 : i32
      %mul3A_1433 = arith.muli %scan3A_1427, %mul3A_1432 : i32
      %add3A_1434 = arith.constant 0 : i32
      %add3A_1435 = arith.addi %add3A_1434, %mul3A_1433 : i32
      %get3A = arith.index_cast %add3A_1435 : i32 to index
      %get3A_1436 = tpu.vector_load %arg7[%get3A] {strides = array<i32>} : memref<512xi32, #tpu.memory_space<vmem>>, vector<16xi32>,
      %mul3A_1437 = arith.constant 16 : i32
      %mul3A_1438 = arith.muli %scan3A_1427, %mul3A_1437 : i32
      %add3A_1439 = arith.constant 0 : i32
      %add3A_1440 = arith.addi %add3A_1439, %mul3A_1438 : i32
      %get3A_1441 = arith.index_cast %add3A_1440 : i32 to index
      %get3A_1442 = tpu.vector_load %arg8[%get3A_1441] {strides = array<i32>} : memref<512xi32, #tpu.memory_space<vmem>>, vector<16xi32>,
      %and3A = arith.andi %get3A_1436, %broadcast_in_dim3A_8 : vector<16xi32>
      %mul3A_1443 = arith.constant 32 : i32
      %mul3A_1444 = vector.broadcast %mul3A_1443 : i32 to vector<16xi32>
      %mul3A_1445 = arith.muli %and3A, %mul3A_1444 : vector<16xi32>
      %and3A_1446 = arith.andi %get3A_1442, %broadcast_in_dim3A_8 : vector<16xi32>
      %mul3A_1447 = arith.constant 32 : i32
      %mul3A_1448 = vector.broadcast %mul3A_1447 : i32 to vector<16xi32>
      %mul3A_1449 = arith.muli %and3A_1446, %mul3A_1448 : vector<16xi32>
      %broadcast_in_dim3A_1450 = arith.constant 0.000000e+00 : f32
      %broadcast_in_dim3A_1451 = vector.broadcast %broadcast_in_dim3A_1450 : f32 to vector<16xf32>
      %add3A_1452 = arith.constant 0 : i32
      %add3A_1453 = vector.broadcast %add3A_1452 : i32 to vector<16xi32>
      %add3A_1454 = arith.addi %mul3A_1445, %add3A_1453 : vector<16xi32>
      %gather3A = tpu.vector_load_idx %arg11[%add3A_1431, %add3A_1454] : memref<256x128xf32, #tpu.memory_space<vmem>>[vector<16xi32>, vector<16xi32>], vector<16xf32>,
      %add3A_1455 = arith.constant 0 : i32
      %add3A_1456 = vector.broadcast %add3A_1455 : i32 to vector<16xi32>
      %add3A_1457 = arith.addi %mul3A_1449, %add3A_1456 : vector<16xi32>
      %gather3A_1458 = tpu.vector_load_idx %arg12[%add3A_1431, %add3A_1457] : memref<256x128xf32, #tpu.memory_space<vmem>>[vector<16xi32>, vector<16xi32>], vector<16xf32>,
      %mul3A_1459 = arith.mulf %gather3A, %gather3A_1458 : vector<16xf32>
      %add3A_1460 = arith.addf %broadcast_in_dim3A_1451, %mul3A_1459 : vector<16xf32>
      %add3A_1461 = arith.constant 1 : i32
      %add3A_1462 = vector.broadcast %add3A_1461 : i32 to vector<16xi32>
      %add3A_1463 = arith.addi %mul3A_1445, %add3A_1462 : vector<16xi32>
      %gather3A_1464 = tpu.vector_load_idx %arg11[%add3A_1431, %add3A_1463] : memref<256x128xf32, #tpu.memory_space<vmem>>[vector<16xi32>, vector<16xi32>], vector<16xf32>,
      %add3A_1465 = arith.constant 1 : i32
      %add3A_1466 = vector.broadcast %add3A_1465 : i32 to vector<16xi32>
      %add3A_1467 = arith.addi %mul3A_1449, %add3A_1466 : vector<16xi32>
      %gather3A_1468 = tpu.vector_load_idx %arg12[%add3A_1431, %add3A_1467] : memref<256x128xf32, #tpu.memory_space<vmem>>[vector<16xi32>, vector<16xi32>], vector<16xf32>,
      %mul3A_1469 = arith.mulf %gather3A_1464, %gather3A_1468 : vector<16xf32>
      %add3A_1470 = arith.addf %add3A_1460, %mul3A_1469 : vector<16xf32>
      %add3A_1471 = arith.constant 2 : i32
      %add3A_1472 = vector.broadcast %add3A_1471 : i32 to vector<16xi32>
      %add3A_1473 = arith.addi %mul3A_1445, %add3A_1472 : vector<16xi32>
      %gather3A_1474 = tpu.vector_load_idx %arg11[%add3A_1431, %add3A_1473] : memref<256x128xf32, #tpu.memory_space<vmem>>[vector<16xi32>, vector<16xi32>], vector<16xf32>,
      %add3A_1475 = arith.constant 2 : i32
      %add3A_1476 = vector.broadcast %add3A_1475 : i32 to vector<16xi32>
      %add3A_1477 = arith.addi %mul3A_1449, %add3A_1476 : vector<16xi32>
      %gather3A_1478 = tpu.vector_load_idx %arg12[%add3A_1431, %add3A_1477] : memref<256x128xf32, #tpu.memory_space<vmem>>[vector<16xi32>, vector<16xi32>], vector<16xf32>,
      %mul3A_1479 = arith.mulf %gather3A_1474, %gather3A_1478 : vector<16xf32>
      %add3A_1480 = arith.addf %add3A_1470, %mul3A_1479 : vector<16xf32>
      %add3A_1481 = arith.constant 3 : i32
      %add3A_1482 = vector.broadcast %add3A_1481 : i32 to vector<16xi32>
      %add3A_1483 = arith.addi %mul3A_1445, %add3A_1482 : vector<16xi32>
      %gather3A_1484 = tpu.vector_load_idx %arg11[%add3A_1431, %add3A_1483] : memref<256x128xf32, #tpu.memory_space<vmem>>[vector<16xi32>, vector<16xi32>], vector<16xf32>,
      %add3A_1485 = arith.constant 3 : i32
      %add3A_1486 = vector.broadcast %add3A_1485 : i32 to vector<16xi32>
      %add3A_1487 = arith.addi %mul3A_1449, %add3A_1486 : vector<16xi32>
      %gather3A_1488 = tpu.vector_load_idx %arg12[%add3A_1431, %add3A_1487] : memref<256x128xf32, #tpu.memory_space<vmem>>[vector<16xi32>, vector<16xi32>], vector<16xf32>,
      %mul3A_1489 = arith.mulf %gather3A_1484, %gather3A_1488 : vector<16xf32>
      %add3A_1490 = arith.addf %add3A_1480, %mul3A_1489 : vector<16xf32>
      %add3A_1491 = arith.constant 4 : i32
      %add3A_1492 = vector.broadcast %add3A_1491 : i32 to vector<16xi32>
      %add3A_1493 = arith.addi %mul3A_1445, %add3A_1492 : vector<16xi32>
      %gather3A_1494 = tpu.vector_load_idx %arg11[%add3A_1431, %add3A_1493] : memref<256x128xf32, #tpu.memory_space<vmem>>[vector<16xi32>, vector<16xi32>], vector<16xf32>,
      %add3A_1495 = arith.constant 4 : i32
      %add3A_1496 = vector.broadcast %add3A_1495 : i32 to vector<16xi32>
      %add3A_1497 = arith.addi %mul3A_1449, %add3A_1496 : vector<16xi32>
      %gather3A_1498 = tpu.vector_load_idx %arg12[%add3A_1431, %add3A_1497] : memref<256x128xf32, #tpu.memory_space<vmem>>[vector<16xi32>, vector<16xi32>], vector<16xf32>,
      %mul3A_1499 = arith.mulf %gather3A_1494, %gather3A_1498 : vector<16xf32>
      %add3A_1500 = arith.addf %add3A_1490, %mul3A_1499 : vector<16xf32>
      %add3A_1501 = arith.constant 5 : i32
      %add3A_1502 = vector.broadcast %add3A_1501 : i32 to vector<16xi32>
      %add3A_1503 = arith.addi %mul3A_1445, %add3A_1502 : vector<16xi32>
      %gather3A_1504 = tpu.vector_load_idx %arg11[%add3A_1431, %add3A_1503] : memref<256x128xf32, #tpu.memory_space<vmem>>[vector<16xi32>, vector<16xi32>], vector<16xf32>,
      %add3A_1505 = arith.constant 5 : i32
      %add3A_1506 = vector.broadcast %add3A_1505 : i32 to vector<16xi32>
      %add3A_1507 = arith.addi %mul3A_1449, %add3A_1506 : vector<16xi32>
      %gather3A_1508 = tpu.vector_load_idx %arg12[%add3A_1431, %add3A_1507] : memref<256x128xf32, #tpu.memory_space<vmem>>[vector<16xi32>, vector<16xi32>], vector<16xf32>,
      %mul3A_1509 = arith.mulf %gather3A_1504, %gather3A_1508 : vector<16xf32>
      %add3A_1510 = arith.addf %add3A_1500, %mul3A_1509 : vector<16xf32>
      %add3A_1511 = arith.constant 6 : i32
      %add3A_1512 = vector.broadcast %add3A_1511 : i32 to vector<16xi32>
      %add3A_1513 = arith.addi %mul3A_1445, %add3A_1512 : vector<16xi32>
      %gather3A_1514 = tpu.vector_load_idx %arg11[%add3A_1431, %add3A_1513] : memref<256x128xf32, #tpu.memory_space<vmem>>[vector<16xi32>, vector<16xi32>], vector<16xf32>,
      %add3A_1515 = arith.constant 6 : i32
      %add3A_1516 = vector.broadcast %add3A_1515 : i32 to vector<16xi32>
      %add3A_1517 = arith.addi %mul3A_1449, %add3A_1516 : vector<16xi32>
      %gather3A_1518 = tpu.vector_load_idx %arg12[%add3A_1431, %add3A_1517] : memref<256x128xf32, #tpu.memory_space<vmem>>[vector<16xi32>, vector<16xi32>], vector<16xf32>,
      %mul3A_1519 = arith.mulf %gather3A_1514, %gather3A_1518 : vector<16xf32>
      %add3A_1520 = arith.addf %add3A_1510, %mul3A_1519 : vector<16xf32>
      %add3A_1521 = arith.constant 7 : i32
      %add3A_1522 = vector.broadcast %add3A_1521 : i32 to vector<16xi32>
      %add3A_1523 = arith.addi %mul3A_1445, %add3A_1522 : vector<16xi32>
      %gather3A_1524 = tpu.vector_load_idx %arg11[%add3A_1431, %add3A_1523] : memref<256x128xf32, #tpu.memory_space<vmem>>[vector<16xi32>, vector<16xi32>], vector<16xf32>,
      %add3A_1525 = arith.constant 7 : i32
      %add3A_1526 = vector.broadcast %add3A_1525 : i32 to vector<16xi32>
      %add3A_1527 = arith.addi %mul3A_1449, %add3A_1526 : vector<16xi32>
      %gather3A_1528 = tpu.vector_load_idx %arg12[%add3A_1431, %add3A_1527] : memref<256x128xf32, #tpu.memory_space<vmem>>[vector<16xi32>, vector<16xi32>], vector<16xf32>,
      %mul3A_1529 = arith.mulf %gather3A_1524, %gather3A_1528 : vector<16xf32>
      %add3A_1530 = arith.addf %add3A_1520, %mul3A_1529 : vector<16xf32>
      %add3A_1531 = arith.constant 8 : i32
      %add3A_1532 = vector.broadcast %add3A_1531 : i32 to vector<16xi32>
      %add3A_1533 = arith.addi %mul3A_1445, %add3A_1532 : vector<16xi32>
      %gather3A_1534 = tpu.vector_load_idx %arg11[%add3A_1431, %add3A_1533] : memref<256x128xf32, #tpu.memory_space<vmem>>[vector<16xi32>, vector<16xi32>], vector<16xf32>,
      %add3A_1535 = arith.constant 8 : i32
      %add3A_1536 = vector.broadcast %add3A_1535 : i32 to vector<16xi32>
      %add3A_1537 = arith.addi %mul3A_1449, %add3A_1536 : vector<16xi32>
      %gather3A_1538 = tpu.vector_load_idx %arg12[%add3A_1431, %add3A_1537] : memref<256x128xf32, #tpu.memory_space<vmem>>[vector<16xi32>, vector<16xi32>], vector<16xf32>,
      %mul3A_1539 = arith.mulf %gather3A_1534, %gather3A_1538 : vector<16xf32>
      %add3A_1540 = arith.addf %add3A_1530, %mul3A_1539 : vector<16xf32>
      %add3A_1541 = arith.constant 9 : i32
      %add3A_1542 = vector.broadcast %add3A_1541 : i32 to vector<16xi32>
      %add3A_1543 = arith.addi %mul3A_1445, %add3A_1542 : vector<16xi32>
      %gather3A_1544 = tpu.vector_load_idx %arg11[%add3A_1431, %add3A_1543] : memref<256x128xf32, #tpu.memory_space<vmem>>[vector<16xi32>, vector<16xi32>], vector<16xf32>,
      %add3A_1545 = arith.constant 9 : i32
      %add3A_1546 = vector.broadcast %add3A_1545 : i32 to vector<16xi32>
      %add3A_1547 = arith.addi %mul3A_1449, %add3A_1546 : vector<16xi32>
      %gather3A_1548 = tpu.vector_load_idx %arg12[%add3A_1431, %add3A_1547] : memref<256x128xf32, #tpu.memory_space<vmem>>[vector<16xi32>, vector<16xi32>], vector<16xf32>,
      %mul3A_1549 = arith.mulf %gather3A_1544, %gather3A_1548 : vector<16xf32>
      %add3A_1550 = arith.addf %add3A_1540, %mul3A_1549 : vector<16xf32>
      %add3A_1551 = arith.constant 10 : i32
      %add3A_1552 = vector.broadcast %add3A_1551 : i32 to vector<16xi32>
      %add3A_1553 = arith.addi %mul3A_1445, %add3A_1552 : vector<16xi32>
      %gather3A_1554 = tpu.vector_load_idx %arg11[%add3A_1431, %add3A_1553] : memref<256x128xf32, #tpu.memory_space<vmem>>[vector<16xi32>, vector<16xi32>], vector<16xf32>,
      %add3A_1555 = arith.constant 10 : i32
      %add3A_1556 = vector.broadcast %add3A_1555 : i32 to vector<16xi32>
      %add3A_1557 = arith.addi %mul3A_1449, %add3A_1556 : vector<16xi32>
      %gather3A_1558 = tpu.vector_load_idx %arg12[%add3A_1431, %add3A_1557] : memref<256x128xf32, #tpu.memory_space<vmem>>[vector<16xi32>, vector<16xi32>], vector<16xf32>,
      %mul3A_1559 = arith.mulf %gather3A_1554, %gather3A_1558 : vector<16xf32>
      %add3A_1560 = arith.addf %add3A_1550, %mul3A_1559 : vector<16xf32>
      %add3A_1561 = arith.constant 11 : i32
      %add3A_1562 = vector.broadcast %add3A_1561 : i32 to vector<16xi32>
      %add3A_1563 = arith.addi %mul3A_1445, %add3A_1562 : vector<16xi32>
      %gather3A_1564 = tpu.vector_load_idx %arg11[%add3A_1431, %add3A_1563] : memref<256x128xf32, #tpu.memory_space<vmem>>[vector<16xi32>, vector<16xi32>], vector<16xf32>,
      %add3A_1565 = arith.constant 11 : i32
      %add3A_1566 = vector.broadcast %add3A_1565 : i32 to vector<16xi32>
      %add3A_1567 = arith.addi %mul3A_1449, %add3A_1566 : vector<16xi32>
      %gather3A_1568 = tpu.vector_load_idx %arg12[%add3A_1431, %add3A_1567] : memref<256x128xf32, #tpu.memory_space<vmem>>[vector<16xi32>, vector<16xi32>], vector<16xf32>,
      %mul3A_1569 = arith.mulf %gather3A_1564, %gather3A_1568 : vector<16xf32>
      %add3A_1570 = arith.addf %add3A_1560, %mul3A_1569 : vector<16xf32>
      %add3A_1571 = arith.constant 12 : i32
      %add3A_1572 = vector.broadcast %add3A_1571 : i32 to vector<16xi32>
      %add3A_1573 = arith.addi %mul3A_1445, %add3A_1572 : vector<16xi32>
      %gather3A_1574 = tpu.vector_load_idx %arg11[%add3A_1431, %add3A_1573] : memref<256x128xf32, #tpu.memory_space<vmem>>[vector<16xi32>, vector<16xi32>], vector<16xf32>,
      %add3A_1575 = arith.constant 12 : i32
      %add3A_1576 = vector.broadcast %add3A_1575 : i32 to vector<16xi32>
      %add3A_1577 = arith.addi %mul3A_1449, %add3A_1576 : vector<16xi32>
      %gather3A_1578 = tpu.vector_load_idx %arg12[%add3A_1431, %add3A_1577] : memref<256x128xf32, #tpu.memory_space<vmem>>[vector<16xi32>, vector<16xi32>], vector<16xf32>,
      %mul3A_1579 = arith.mulf %gather3A_1574, %gather3A_1578 : vector<16xf32>
      %add3A_1580 = arith.addf %add3A_1570, %mul3A_1579 : vector<16xf32>
      %add3A_1581 = arith.constant 13 : i32
      %add3A_1582 = vector.broadcast %add3A_1581 : i32 to vector<16xi32>
      %add3A_1583 = arith.addi %mul3A_1445, %add3A_1582 : vector<16xi32>
      %gather3A_1584 = tpu.vector_load_idx %arg11[%add3A_1431, %add3A_1583] : memref<256x128xf32, #tpu.memory_space<vmem>>[vector<16xi32>, vector<16xi32>], vector<16xf32>,
      %add3A_1585 = arith.constant 13 : i32
      %add3A_1586 = vector.broadcast %add3A_1585 : i32 to vector<16xi32>
      %add3A_1587 = arith.addi %mul3A_1449, %add3A_1586 : vector<16xi32>
      %gather3A_1588 = tpu.vector_load_idx %arg12[%add3A_1431, %add3A_1587] : memref<256x128xf32, #tpu.memory_space<vmem>>[vector<16xi32>, vector<16xi32>], vector<16xf32>,
      %mul3A_1589 = arith.mulf %gather3A_1584, %gather3A_1588 : vector<16xf32>
      %add3A_1590 = arith.addf %add3A_1580, %mul3A_1589 : vector<16xf32>
      %add3A_1591 = arith.constant 14 : i32
      %add3A_1592 = vector.broadcast %add3A_1591 : i32 to vector<16xi32>
      %add3A_1593 = arith.addi %mul3A_1445, %add3A_1592 : vector<16xi32>
      %gather3A_1594 = tpu.vector_load_idx %arg11[%add3A_1431, %add3A_1593] : memref<256x128xf32, #tpu.memory_space<vmem>>[vector<16xi32>, vector<16xi32>], vector<16xf32>,
      %add3A_1595 = arith.constant 14 : i32
      %add3A_1596 = vector.broadcast %add3A_1595 : i32 to vector<16xi32>
      %add3A_1597 = arith.addi %mul3A_1449, %add3A_1596 : vector<16xi32>
      %gather3A_1598 = tpu.vector_load_idx %arg12[%add3A_1431, %add3A_1597] : memref<256x128xf32, #tpu.memory_space<vmem>>[vector<16xi32>, vector<16xi32>], vector<16xf32>,
      %mul3A_1599 = arith.mulf %gather3A_1594, %gather3A_1598 : vector<16xf32>
      %add3A_1600 = arith.addf %add3A_1590, %mul3A_1599 : vector<16xf32>
      %add3A_1601 = arith.constant 15 : i32
      %add3A_1602 = vector.broadcast %add3A_1601 : i32 to vector<16xi32>
      %add3A_1603 = arith.addi %mul3A_1445, %add3A_1602 : vector<16xi32>
      %gather3A_1604 = tpu.vector_load_idx %arg11[%add3A_1431, %add3A_1603] : memref<256x128xf32, #tpu.memory_space<vmem>>[vector<16xi32>, vector<16xi32>], vector<16xf32>,
      %add3A_1605 = arith.constant 15 : i32
      %add3A_1606 = vector.broadcast %add3A_1605 : i32 to vector<16xi32>
      %add3A_1607 = arith.addi %mul3A_1449, %add3A_1606 : vector<16xi32>
      %gather3A_1608 = tpu.vector_load_idx %arg12[%add3A_1431, %add3A_1607] : memref<256x128xf32, #tpu.memory_space<vmem>>[vector<16xi32>, vector<16xi32>], vector<16xf32>,
      %mul3A_1609 = arith.mulf %gather3A_1604, %gather3A_1608 : vector<16xf32>
      %add3A_1610 = arith.addf %add3A_1600, %mul3A_1609 : vector<16xf32>
      %add3A_1611 = arith.constant 16 : i32
      %add3A_1612 = vector.broadcast %add3A_1611 : i32 to vector<16xi32>
      %add3A_1613 = arith.addi %mul3A_1445, %add3A_1612 : vector<16xi32>
      %gather3A_1614 = tpu.vector_load_idx %arg11[%add3A_1431, %add3A_1613] : memref<256x128xf32, #tpu.memory_space<vmem>>[vector<16xi32>, vector<16xi32>], vector<16xf32>,
      %add3A_1615 = arith.constant 16 : i32
      %add3A_1616 = vector.broadcast %add3A_1615 : i32 to vector<16xi32>
      %add3A_1617 = arith.addi %mul3A_1449, %add3A_1616 : vector<16xi32>
      %gather3A_1618 = tpu.vector_load_idx %arg12[%add3A_1431, %add3A_1617] : memref<256x128xf32, #tpu.memory_space<vmem>>[vector<16xi32>, vector<16xi32>], vector<16xf32>,
      %mul3A_1619 = arith.mulf %gather3A_1614, %gather3A_1618 : vector<16xf32>
      %add3A_1620 = arith.addf %add3A_1610, %mul3A_1619 : vector<16xf32>
      %add3A_1621 = arith.constant 17 : i32
      %add3A_1622 = vector.broadcast %add3A_1621 : i32 to vector<16xi32>
      %add3A_1623 = arith.addi %mul3A_1445, %add3A_1622 : vector<16xi32>
      %gather3A_1624 = tpu.vector_load_idx %arg11[%add3A_1431, %add3A_1623] : memref<256x128xf32, #tpu.memory_space<vmem>>[vector<16xi32>, vector<16xi32>], vector<16xf32>,
      %add3A_1625 = arith.constant 17 : i32
      %add3A_1626 = vector.broadcast %add3A_1625 : i32 to vector<16xi32>
      %add3A_1627 = arith.addi %mul3A_1449, %add3A_1626 : vector<16xi32>
      %gather3A_1628 = tpu.vector_load_idx %arg12[%add3A_1431, %add3A_1627] : memref<256x128xf32, #tpu.memory_space<vmem>>[vector<16xi32>, vector<16xi32>], vector<16xf32>,
      %mul3A_1629 = arith.mulf %gather3A_1624, %gather3A_1628 : vector<16xf32>
      %add3A_1630 = arith.addf %add3A_1620, %mul3A_1629 : vector<16xf32>
      %add3A_1631 = arith.constant 18 : i32
      %add3A_1632 = vector.broadcast %add3A_1631 : i32 to vector<16xi32>
      %add3A_1633 = arith.addi %mul3A_1445, %add3A_1632 : vector<16xi32>
      %gather3A_1634 = tpu.vector_load_idx %arg11[%add3A_1431, %add3A_1633] : memref<256x128xf32, #tpu.memory_space<vmem>>[vector<16xi32>, vector<16xi32>], vector<16xf32>,
      %add3A_1635 = arith.constant 18 : i32
      %add3A_1636 = vector.broadcast %add3A_1635 : i32 to vector<16xi32>
      %add3A_1637 = arith.addi %mul3A_1449, %add3A_1636 : vector<16xi32>
      %gather3A_1638 = tpu.vector_load_idx %arg12[%add3A_1431, %add3A_1637] : memref<256x128xf32, #tpu.memory_space<vmem>>[vector<16xi32>, vector<16xi32>], vector<16xf32>,
      %mul3A_1639 = arith.mulf %gather3A_1634, %gather3A_1638 : vector<16xf32>
      %add3A_1640 = arith.addf %add3A_1630, %mul3A_1639 : vector<16xf32>
      %add3A_1641 = arith.constant 19 : i32
      %add3A_1642 = vector.broadcast %add3A_1641 : i32 to vector<16xi32>
      %add3A_1643 = arith.addi %mul3A_1445, %add3A_1642 : vector<16xi32>
      %gather3A_1644 = tpu.vector_load_idx %arg11[%add3A_1431, %add3A_1643] : memref<256x128xf32, #tpu.memory_space<vmem>>[vector<16xi32>, vector<16xi32>], vector<16xf32>,
      %add3A_1645 = arith.constant 19 : i32
      %add3A_1646 = vector.broadcast %add3A_1645 : i32 to vector<16xi32>
      %add3A_1647 = arith.addi %mul3A_1449, %add3A_1646 : vector<16xi32>
      %gather3A_1648 = tpu.vector_load_idx %arg12[%add3A_1431, %add3A_1647] : memref<256x128xf32, #tpu.memory_space<vmem>>[vector<16xi32>, vector<16xi32>], vector<16xf32>,
      %mul3A_1649 = arith.mulf %gather3A_1644, %gather3A_1648 : vector<16xf32>
      %add3A_1650 = arith.addf %add3A_1640, %mul3A_1649 : vector<16xf32>
      %add3A_1651 = arith.constant 20 : i32
      %add3A_1652 = vector.broadcast %add3A_1651 : i32 to vector<16xi32>
      %add3A_1653 = arith.addi %mul3A_1445, %add3A_1652 : vector<16xi32>
      %gather3A_1654 = tpu.vector_load_idx %arg11[%add3A_1431, %add3A_1653] : memref<256x128xf32, #tpu.memory_space<vmem>>[vector<16xi32>, vector<16xi32>], vector<16xf32>,
      %add3A_1655 = arith.constant 20 : i32
      %add3A_1656 = vector.broadcast %add3A_1655 : i32 to vector<16xi32>
      %add3A_1657 = arith.addi %mul3A_1449, %add3A_1656 : vector<16xi32>
      %gather3A_1658 = tpu.vector_load_idx %arg12[%add3A_1431, %add3A_1657] : memref<256x128xf32, #tpu.memory_space<vmem>>[vector<16xi32>, vector<16xi32>], vector<16xf32>,
      %mul3A_1659 = arith.mulf %gather3A_1654, %gather3A_1658 : vector<16xf32>
      %add3A_1660 = arith.addf %add3A_1650, %mul3A_1659 : vector<16xf32>
      %add3A_1661 = arith.constant 21 : i32
      %add3A_1662 = vector.broadcast %add3A_1661 : i32 to vector<16xi32>
      %add3A_1663 = arith.addi %mul3A_1445, %add3A_1662 : vector<16xi32>
      %gather3A_1664 = tpu.vector_load_idx %arg11[%add3A_1431, %add3A_1663] : memref<256x128xf32, #tpu.memory_space<vmem>>[vector<16xi32>, vector<16xi32>], vector<16xf32>,
      %add3A_1665 = arith.constant 21 : i32
      %add3A_1666 = vector.broadcast %add3A_1665 : i32 to vector<16xi32>
      %add3A_1667 = arith.addi %mul3A_1449, %add3A_1666 : vector<16xi32>
      %gather3A_1668 = tpu.vector_load_idx %arg12[%add3A_1431, %add3A_1667] : memref<256x128xf32, #tpu.memory_space<vmem>>[vector<16xi32>, vector<16xi32>], vector<16xf32>,
      %mul3A_1669 = arith.mulf %gather3A_1664, %gather3A_1668 : vector<16xf32>
      %add3A_1670 = arith.addf %add3A_1660, %mul3A_1669 : vector<16xf32>
      %add3A_1671 = arith.constant 22 : i32
      %add3A_1672 = vector.broadcast %add3A_1671 : i32 to vector<16xi32>
      %add3A_1673 = arith.addi %mul3A_1445, %add3A_1672 : vector<16xi32>
      %gather3A_1674 = tpu.vector_load_idx %arg11[%add3A_1431, %add3A_1673] : memref<256x128xf32, #tpu.memory_space<vmem>>[vector<16xi32>, vector<16xi32>], vector<16xf32>,
      %add3A_1675 = arith.constant 22 : i32
      %add3A_1676 = vector.broadcast %add3A_1675 : i32 to vector<16xi32>
      %add3A_1677 = arith.addi %mul3A_1449, %add3A_1676 : vector<16xi32>
      %gather3A_1678 = tpu.vector_load_idx %arg12[%add3A_1431, %add3A_1677] : memref<256x128xf32, #tpu.memory_space<vmem>>[vector<16xi32>, vector<16xi32>], vector<16xf32>,
      %mul3A_1679 = arith.mulf %gather3A_1674, %gather3A_1678 : vector<16xf32>
      %add3A_1680 = arith.addf %add3A_1670, %mul3A_1679 : vector<16xf32>
      %add3A_1681 = arith.constant 23 : i32
      %add3A_1682 = vector.broadcast %add3A_1681 : i32 to vector<16xi32>
      %add3A_1683 = arith.addi %mul3A_1445, %add3A_1682 : vector<16xi32>
      %gather3A_1684 = tpu.vector_load_idx %arg11[%add3A_1431, %add3A_1683] : memref<256x128xf32, #tpu.memory_space<vmem>>[vector<16xi32>, vector<16xi32>], vector<16xf32>,
      %add3A_1685 = arith.constant 23 : i32
      %add3A_1686 = vector.broadcast %add3A_1685 : i32 to vector<16xi32>
      %add3A_1687 = arith.addi %mul3A_1449, %add3A_1686 : vector<16xi32>
      %gather3A_1688 = tpu.vector_load_idx %arg12[%add3A_1431, %add3A_1687] : memref<256x128xf32, #tpu.memory_space<vmem>>[vector<16xi32>, vector<16xi32>], vector<16xf32>,
      %mul3A_1689 = arith.mulf %gather3A_1684, %gather3A_1688 : vector<16xf32>
      %add3A_1690 = arith.addf %add3A_1680, %mul3A_1689 : vector<16xf32>
      %add3A_1691 = arith.constant 24 : i32
      %add3A_1692 = vector.broadcast %add3A_1691 : i32 to vector<16xi32>
      %add3A_1693 = arith.addi %mul3A_1445, %add3A_1692 : vector<16xi32>
      %gather3A_1694 = tpu.vector_load_idx %arg11[%add3A_1431, %add3A_1693] : memref<256x128xf32, #tpu.memory_space<vmem>>[vector<16xi32>, vector<16xi32>], vector<16xf32>,
      %add3A_1695 = arith.constant 24 : i32
      %add3A_1696 = vector.broadcast %add3A_1695 : i32 to vector<16xi32>
      %add3A_1697 = arith.addi %mul3A_1449, %add3A_1696 : vector<16xi32>
      %gather3A_1698 = tpu.vector_load_idx %arg12[%add3A_1431, %add3A_1697] : memref<256x128xf32, #tpu.memory_space<vmem>>[vector<16xi32>, vector<16xi32>], vector<16xf32>,
      %mul3A_1699 = arith.mulf %gather3A_1694, %gather3A_1698 : vector<16xf32>
      %add3A_1700 = arith.addf %add3A_1690, %mul3A_1699 : vector<16xf32>
      %add3A_1701 = arith.constant 25 : i32
      %add3A_1702 = vector.broadcast %add3A_1701 : i32 to vector<16xi32>
      %add3A_1703 = arith.addi %mul3A_1445, %add3A_1702 : vector<16xi32>
      %gather3A_1704 = tpu.vector_load_idx %arg11[%add3A_1431, %add3A_1703] : memref<256x128xf32, #tpu.memory_space<vmem>>[vector<16xi32>, vector<16xi32>], vector<16xf32>,
      %add3A_1705 = arith.constant 25 : i32
      %add3A_1706 = vector.broadcast %add3A_1705 : i32 to vector<16xi32>
      %add3A_1707 = arith.addi %mul3A_1449, %add3A_1706 : vector<16xi32>
      %gather3A_1708 = tpu.vector_load_idx %arg12[%add3A_1431, %add3A_1707] : memref<256x128xf32, #tpu.memory_space<vmem>>[vector<16xi32>, vector<16xi32>], vector<16xf32>,
      %mul3A_1709 = arith.mulf %gather3A_1704, %gather3A_1708 : vector<16xf32>
      %add3A_1710 = arith.addf %add3A_1700, %mul3A_1709 : vector<16xf32>
      %add3A_1711 = arith.constant 26 : i32
      %add3A_1712 = vector.broadcast %add3A_1711 : i32 to vector<16xi32>
      %add3A_1713 = arith.addi %mul3A_1445, %add3A_1712 : vector<16xi32>
      %gather3A_1714 = tpu.vector_load_idx %arg11[%add3A_1431, %add3A_1713] : memref<256x128xf32, #tpu.memory_space<vmem>>[vector<16xi32>, vector<16xi32>], vector<16xf32>,
      %add3A_1715 = arith.constant 26 : i32
      %add3A_1716 = vector.broadcast %add3A_1715 : i32 to vector<16xi32>
      %add3A_1717 = arith.addi %mul3A_1449, %add3A_1716 : vector<16xi32>
      %gather3A_1718 = tpu.vector_load_idx %arg12[%add3A_1431, %add3A_1717] : memref<256x128xf32, #tpu.memory_space<vmem>>[vector<16xi32>, vector<16xi32>], vector<16xf32>,
      %mul3A_1719 = arith.mulf %gather3A_1714, %gather3A_1718 : vector<16xf32>
      %add3A_1720 = arith.addf %add3A_1710, %mul3A_1719 : vector<16xf32>
      %add3A_1721 = arith.constant 27 : i32
      %add3A_1722 = vector.broadcast %add3A_1721 : i32 to vector<16xi32>
      %add3A_1723 = arith.addi %mul3A_1445, %add3A_1722 : vector<16xi32>
      %gather3A_1724 = tpu.vector_load_idx %arg11[%add3A_1431, %add3A_1723] : memref<256x128xf32, #tpu.memory_space<vmem>>[vector<16xi32>, vector<16xi32>], vector<16xf32>,
      %add3A_1725 = arith.constant 27 : i32
      %add3A_1726 = vector.broadcast %add3A_1725 : i32 to vector<16xi32>
      %add3A_1727 = arith.addi %mul3A_1449, %add3A_1726 : vector<16xi32>
      %gather3A_1728 = tpu.vector_load_idx %arg12[%add3A_1431, %add3A_1727] : memref<256x128xf32, #tpu.memory_space<vmem>>[vector<16xi32>, vector<16xi32>], vector<16xf32>,
      %mul3A_1729 = arith.mulf %gather3A_1724, %gather3A_1728 : vector<16xf32>
      %add3A_1730 = arith.addf %add3A_1720, %mul3A_1729 : vector<16xf32>
      %add3A_1731 = arith.constant 28 : i32
      %add3A_1732 = vector.broadcast %add3A_1731 : i32 to vector<16xi32>
      %add3A_1733 = arith.addi %mul3A_1445, %add3A_1732 : vector<16xi32>
      %gather3A_1734 = tpu.vector_load_idx %arg11[%add3A_1431, %add3A_1733] : memref<256x128xf32, #tpu.memory_space<vmem>>[vector<16xi32>, vector<16xi32>], vector<16xf32>,
      %add3A_1735 = arith.constant 28 : i32
      %add3A_1736 = vector.broadcast %add3A_1735 : i32 to vector<16xi32>
      %add3A_1737 = arith.addi %mul3A_1449, %add3A_1736 : vector<16xi32>
      %gather3A_1738 = tpu.vector_load_idx %arg12[%add3A_1431, %add3A_1737] : memref<256x128xf32, #tpu.memory_space<vmem>>[vector<16xi32>, vector<16xi32>], vector<16xf32>,
      %mul3A_1739 = arith.mulf %gather3A_1734, %gather3A_1738 : vector<16xf32>
      %add3A_1740 = arith.addf %add3A_1730, %mul3A_1739 : vector<16xf32>
      %add3A_1741 = arith.constant 29 : i32
      %add3A_1742 = vector.broadcast %add3A_1741 : i32 to vector<16xi32>
      %add3A_1743 = arith.addi %mul3A_1445, %add3A_1742 : vector<16xi32>
      %gather3A_1744 = tpu.vector_load_idx %arg11[%add3A_1431, %add3A_1743] : memref<256x128xf32, #tpu.memory_space<vmem>>[vector<16xi32>, vector<16xi32>], vector<16xf32>,
      %add3A_1745 = arith.constant 29 : i32
      %add3A_1746 = vector.broadcast %add3A_1745 : i32 to vector<16xi32>
      %add3A_1747 = arith.addi %mul3A_1449, %add3A_1746 : vector<16xi32>
      %gather3A_1748 = tpu.vector_load_idx %arg12[%add3A_1431, %add3A_1747] : memref<256x128xf32, #tpu.memory_space<vmem>>[vector<16xi32>, vector<16xi32>], vector<16xf32>,
      %mul3A_1749 = arith.mulf %gather3A_1744, %gather3A_1748 : vector<16xf32>
      %add3A_1750 = arith.addf %add3A_1740, %mul3A_1749 : vector<16xf32>
      %add3A_1751 = arith.constant 30 : i32
      %add3A_1752 = vector.broadcast %add3A_1751 : i32 to vector<16xi32>
      %add3A_1753 = arith.addi %mul3A_1445, %add3A_1752 : vector<16xi32>
      %gather3A_1754 = tpu.vector_load_idx %arg11[%add3A_1431, %add3A_1753] : memref<256x128xf32, #tpu.memory_space<vmem>>[vector<16xi32>, vector<16xi32>], vector<16xf32>,
      %add3A_1755 = arith.constant 30 : i32
      %add3A_1756 = vector.broadcast %add3A_1755 : i32 to vector<16xi32>
      %add3A_1757 = arith.addi %mul3A_1449, %add3A_1756 : vector<16xi32>
      %gather3A_1758 = tpu.vector_load_idx %arg12[%add3A_1431, %add3A_1757] : memref<256x128xf32, #tpu.memory_space<vmem>>[vector<16xi32>, vector<16xi32>], vector<16xf32>,
      %mul3A_1759 = arith.mulf %gather3A_1754, %gather3A_1758 : vector<16xf32>
      %add3A_1760 = arith.addf %add3A_1750, %mul3A_1759 : vector<16xf32>
      %add3A_1761 = arith.constant 31 : i32
      %add3A_1762 = vector.broadcast %add3A_1761 : i32 to vector<16xi32>
      %add3A_1763 = arith.addi %mul3A_1445, %add3A_1762 : vector<16xi32>
      %gather3A_1764 = tpu.vector_load_idx %arg11[%add3A_1431, %add3A_1763] : memref<256x128xf32, #tpu.memory_space<vmem>>[vector<16xi32>, vector<16xi32>], vector<16xf32>,
      %add3A_1765 = arith.constant 31 : i32
      %add3A_1766 = vector.broadcast %add3A_1765 : i32 to vector<16xi32>
      %add3A_1767 = arith.addi %mul3A_1449, %add3A_1766 : vector<16xi32>
      %gather3A_1768 = tpu.vector_load_idx %arg12[%add3A_1431, %add3A_1767] : memref<256x128xf32, #tpu.memory_space<vmem>>[vector<16xi32>, vector<16xi32>], vector<16xf32>,
      %mul3A_1769 = arith.mulf %gather3A_1764, %gather3A_1768 : vector<16xf32>
      %add3A_1770 = arith.addf %add3A_1760, %mul3A_1769 : vector<16xf32>
      %mul3A_1771 = arith.constant 16 : i32
      %mul3A_1772 = arith.muli %scan3A_1427, %mul3A_1771 : i32
      %add3A_1773 = arith.constant 0 : i32
      %add3A_1774 = arith.addi %add3A_1773, %mul3A_1772 : i32
      %swap3A = arith.index_cast %add3A_1774 : i32 to index
      %swap3A_1775 = tpu.vector_load %arg13[%swap3A] {strides = array<i32>} : memref<512xf32, #tpu.memory_space<vmem>>, vector<16xf32>,
      tpu.vector_store %arg13[%swap3A], %add3A_1770 {strides = array<i32>} : memref<512xf32, #tpu.memory_space<vmem>>, vector<16xf32>,
    }
    %scan3A_716 = arith.constant 16 : i32
    %dma_start3A_717 = arith.constant 16 : i32
    %dma_start3A_718 = arith.constant 0 : i32
    %dma_start3A_719 = arith.constant 0 : i32
    %dma_start3A_720 = tpu.memref_slice %arg11[%dma_start3A_718, %dma_start3A_719] : memref<256x128xf32, #tpu.memory_space<vmem>> -> memref<16x128xf32, #tpu.memory_space<vmem>>
    %dma_start3A_721 = arith.constant 0 : i32
    %dma_start3A_722 = tpu.memref_slice %arg9[%dma_start3A_717, %dma_start3A_721] : memref<32x16xi32, #tpu.memory_space<vmem>> -> memref<1x16xi32, #tpu.memory_space<vmem>>
    %dma_start3A_723 = tpu.memref_squeeze %dma_start3A_722 : memref<1x16xi32, #tpu.memory_space<vmem>> -> memref<16xi32, #tpu.memory_space<vmem>>
    %dma_start3A_724 = arith.constant 0 : i32
    %dma_start3A_725 = arith.constant 0 : i32
    %dma_start3A_726 = tpu.memref_slice %arg4[%dma_start3A_724, %dma_start3A_725] : memref<250000x128xf32, #tpu.memory_space<hbm>> -> memref<250000x128xf32, #tpu.memory_space<hbm>>
    tpu.enqueue_indirect_dma source(%dma_start3A_726 : memref<250000x128xf32, #tpu.memory_space<hbm>>) target(%dma_start3A_720 : memref<16x128xf32, #tpu.memory_space<vmem>>) offsets(%dma_start3A_723 : memref<16xi32, #tpu.memory_space<vmem>>) semaphore(%arg14 : memref<!tpu.dma_semaphore, #tpu.memory_space<semaphore_mem>>)
    %dma_start3A_727 = arith.constant 16 : i32
    %dma_start3A_728 = arith.constant 0 : i32
    %dma_start3A_729 = arith.constant 0 : i32
    %dma_start3A_730 = tpu.memref_slice %arg12[%dma_start3A_728, %dma_start3A_729] : memref<256x128xf32, #tpu.memory_space<vmem>> -> memref<16x128xf32, #tpu.memory_space<vmem>>
    %dma_start3A_731 = arith.constant 0 : i32
    %dma_start3A_732 = tpu.memref_slice %arg10[%dma_start3A_727, %dma_start3A_731] : memref<32x16xi32, #tpu.memory_space<vmem>> -> memref<1x16xi32, #tpu.memory_space<vmem>>
    %dma_start3A_733 = tpu.memref_squeeze %dma_start3A_732 : memref<1x16xi32, #tpu.memory_space<vmem>> -> memref<16xi32, #tpu.memory_space<vmem>>
    %dma_start3A_734 = arith.constant 0 : i32
    %dma_start3A_735 = arith.constant 0 : i32
    %dma_start3A_736 = tpu.memref_slice %arg5[%dma_start3A_734, %dma_start3A_735] : memref<250000x128xf32, #tpu.memory_space<hbm>> -> memref<250000x128xf32, #tpu.memory_space<hbm>>
    tpu.enqueue_indirect_dma source(%dma_start3A_736 : memref<250000x128xf32, #tpu.memory_space<hbm>>) target(%dma_start3A_730 : memref<16x128xf32, #tpu.memory_space<vmem>>) offsets(%dma_start3A_733 : memref<16xi32, #tpu.memory_space<vmem>>) semaphore(%arg15 : memref<!tpu.dma_semaphore, #tpu.memory_space<semaphore_mem>>)
    %dma_start3A_737 = arith.constant 17 : i32
    %dma_start3A_738 = arith.constant 16 : i32
    %dma_start3A_739 = arith.constant 0 : i32
    %dma_start3A_740 = tpu.memref_slice %arg11[%dma_start3A_738, %dma_start3A_739] : memref<256x128xf32, #tpu.memory_space<vmem>> -> memref<16x128xf32, #tpu.memory_space<vmem>>
    %dma_start3A_741 = arith.constant 0 : i32
    %dma_start3A_742 = tpu.memref_slice %arg9[%dma_start3A_737, %dma_start3A_741] : memref<32x16xi32, #tpu.memory_space<vmem>> -> memref<1x16xi32, #tpu.memory_space<vmem>>
    %dma_start3A_743 = tpu.memref_squeeze %dma_start3A_742 : memref<1x16xi32, #tpu.memory_space<vmem>> -> memref<16xi32, #tpu.memory_space<vmem>>
    %dma_start3A_744 = arith.constant 0 : i32
    %dma_start3A_745 = arith.constant 0 : i32
    %dma_start3A_746 = tpu.memref_slice %arg4[%dma_start3A_744, %dma_start3A_745] : memref<250000x128xf32, #tpu.memory_space<hbm>> -> memref<250000x128xf32, #tpu.memory_space<hbm>>
    tpu.enqueue_indirect_dma source(%dma_start3A_746 : memref<250000x128xf32, #tpu.memory_space<hbm>>) target(%dma_start3A_740 : memref<16x128xf32, #tpu.memory_space<vmem>>) offsets(%dma_start3A_743 : memref<16xi32, #tpu.memory_space<vmem>>) semaphore(%arg14 : memref<!tpu.dma_semaphore, #tpu.memory_space<semaphore_mem>>)
    %dma_start3A_747 = arith.constant 17 : i32
    %dma_start3A_748 = arith.constant 16 : i32
    %dma_start3A_749 = arith.constant 0 : i32
    %dma_start3A_750 = tpu.memref_slice %arg12[%dma_start3A_748, %dma_start3A_749] : memref<256x128xf32, #tpu.memory_space<vmem>> -> memref<16x128xf32, #tpu.memory_space<vmem>>
    %dma_start3A_751 = arith.constant 0 : i32
    %dma_start3A_752 = tpu.memref_slice %arg10[%dma_start3A_747, %dma_start3A_751] : memref<32x16xi32, #tpu.memory_space<vmem>> -> memref<1x16xi32, #tpu.memory_space<vmem>>
    %dma_start3A_753 = tpu.memref_squeeze %dma_start3A_752 : memref<1x16xi32, #tpu.memory_space<vmem>> -> memref<16xi32, #tpu.memory_space<vmem>>
    %dma_start3A_754 = arith.constant 0 : i32
    %dma_start3A_755 = arith.constant 0 : i32
    %dma_start3A_756 = tpu.memref_slice %arg5[%dma_start3A_754, %dma_start3A_755] : memref<250000x128xf32, #tpu.memory_space<hbm>> -> memref<250000x128xf32, #tpu.memory_space<hbm>>
    tpu.enqueue_indirect_dma source(%dma_start3A_756 : memref<250000x128xf32, #tpu.memory_space<hbm>>) target(%dma_start3A_750 : memref<16x128xf32, #tpu.memory_space<vmem>>) offsets(%dma_start3A_753 : memref<16xi32, #tpu.memory_space<vmem>>) semaphore(%arg15 : memref<!tpu.dma_semaphore, #tpu.memory_space<semaphore_mem>>)
    %dma_start3A_757 = arith.constant 18 : i32
    %dma_start3A_758 = arith.constant 32 : i32
    %dma_start3A_759 = arith.constant 0 : i32
    %dma_start3A_760 = tpu.memref_slice %arg11[%dma_start3A_758, %dma_start3A_759] : memref<256x128xf32, #tpu.memory_space<vmem>> -> memref<16x128xf32, #tpu.memory_space<vmem>>
    %dma_start3A_761 = arith.constant 0 : i32
    %dma_start3A_762 = tpu.memref_slice %arg9[%dma_start3A_757, %dma_start3A_761] : memref<32x16xi32, #tpu.memory_space<vmem>> -> memref<1x16xi32, #tpu.memory_space<vmem>>
    %dma_start3A_763 = tpu.memref_squeeze %dma_start3A_762 : memref<1x16xi32, #tpu.memory_space<vmem>> -> memref<16xi32, #tpu.memory_space<vmem>>
    %dma_start3A_764 = arith.constant 0 : i32
    %dma_start3A_765 = arith.constant 0 : i32
    %dma_start3A_766 = tpu.memref_slice %arg4[%dma_start3A_764, %dma_start3A_765] : memref<250000x128xf32, #tpu.memory_space<hbm>> -> memref<250000x128xf32, #tpu.memory_space<hbm>>
    tpu.enqueue_indirect_dma source(%dma_start3A_766 : memref<250000x128xf32, #tpu.memory_space<hbm>>) target(%dma_start3A_760 : memref<16x128xf32, #tpu.memory_space<vmem>>) offsets(%dma_start3A_763 : memref<16xi32, #tpu.memory_space<vmem>>) semaphore(%arg14 : memref<!tpu.dma_semaphore, #tpu.memory_space<semaphore_mem>>)
    %dma_start3A_767 = arith.constant 18 : i32
    %dma_start3A_768 = arith.constant 32 : i32
    %dma_start3A_769 = arith.constant 0 : i32
    %dma_start3A_770 = tpu.memref_slice %arg12[%dma_start3A_768, %dma_start3A_769] : memref<256x128xf32, #tpu.memory_space<vmem>> -> memref<16x128xf32, #tpu.memory_space<vmem>>
    %dma_start3A_771 = arith.constant 0 : i32
    %dma_start3A_772 = tpu.memref_slice %arg10[%dma_start3A_767, %dma_start3A_771] : memref<32x16xi32, #tpu.memory_space<vmem>> -> memref<1x16xi32, #tpu.memory_space<vmem>>
    %dma_start3A_773 = tpu.memref_squeeze %dma_start3A_772 : memref<1x16xi32, #tpu.memory_space<vmem>> -> memref<16xi32, #tpu.memory_space<vmem>>
    %dma_start3A_774 = arith.constant 0 : i32
    %dma_start3A_775 = arith.constant 0 : i32
    %dma_start3A_776 = tpu.memref_slice %arg5[%dma_start3A_774, %dma_start3A_775] : memref<250000x128xf32, #tpu.memory_space<hbm>> -> memref<250000x128xf32, #tpu.memory_space<hbm>>
    tpu.enqueue_indirect_dma source(%dma_start3A_776 : memref<250000x128xf32, #tpu.memory_space<hbm>>) target(%dma_start3A_770 : memref<16x128xf32, #tpu.memory_space<vmem>>) offsets(%dma_start3A_773 : memref<16xi32, #tpu.memory_space<vmem>>) semaphore(%arg15 : memref<!tpu.dma_semaphore, #tpu.memory_space<semaphore_mem>>)
    %dma_start3A_777 = arith.constant 19 : i32
    %dma_start3A_778 = arith.constant 48 : i32
    %dma_start3A_779 = arith.constant 0 : i32
    %dma_start3A_780 = tpu.memref_slice %arg11[%dma_start3A_778, %dma_start3A_779] : memref<256x128xf32, #tpu.memory_space<vmem>> -> memref<16x128xf32, #tpu.memory_space<vmem>>
    %dma_start3A_781 = arith.constant 0 : i32
    %dma_start3A_782 = tpu.memref_slice %arg9[%dma_start3A_777, %dma_start3A_781] : memref<32x16xi32, #tpu.memory_space<vmem>> -> memref<1x16xi32, #tpu.memory_space<vmem>>
    %dma_start3A_783 = tpu.memref_squeeze %dma_start3A_782 : memref<1x16xi32, #tpu.memory_space<vmem>> -> memref<16xi32, #tpu.memory_space<vmem>>
    %dma_start3A_784 = arith.constant 0 : i32
    %dma_start3A_785 = arith.constant 0 : i32
    %dma_start3A_786 = tpu.memref_slice %arg4[%dma_start3A_784, %dma_start3A_785] : memref<250000x128xf32, #tpu.memory_space<hbm>> -> memref<250000x128xf32, #tpu.memory_space<hbm>>
    tpu.enqueue_indirect_dma source(%dma_start3A_786 : memref<250000x128xf32, #tpu.memory_space<hbm>>) target(%dma_start3A_780 : memref<16x128xf32, #tpu.memory_space<vmem>>) offsets(%dma_start3A_783 : memref<16xi32, #tpu.memory_space<vmem>>) semaphore(%arg14 : memref<!tpu.dma_semaphore, #tpu.memory_space<semaphore_mem>>)
    %dma_start3A_787 = arith.constant 19 : i32
    %dma_start3A_788 = arith.constant 48 : i32
    %dma_start3A_789 = arith.constant 0 : i32
    %dma_start3A_790 = tpu.memref_slice %arg12[%dma_start3A_788, %dma_start3A_789] : memref<256x128xf32, #tpu.memory_space<vmem>> -> memref<16x128xf32, #tpu.memory_space<vmem>>
    %dma_start3A_791 = arith.constant 0 : i32
    %dma_start3A_792 = tpu.memref_slice %arg10[%dma_start3A_787, %dma_start3A_791] : memref<32x16xi32, #tpu.memory_space<vmem>> -> memref<1x16xi32, #tpu.memory_space<vmem>>
    %dma_start3A_793 = tpu.memref_squeeze %dma_start3A_792 : memref<1x16xi32, #tpu.memory_space<vmem>> -> memref<16xi32, #tpu.memory_space<vmem>>
    %dma_start3A_794 = arith.constant 0 : i32
    %dma_start3A_795 = arith.constant 0 : i32
    %dma_start3A_796 = tpu.memref_slice %arg5[%dma_start3A_794, %dma_start3A_795] : memref<250000x128xf32, #tpu.memory_space<hbm>> -> memref<250000x128xf32, #tpu.memory_space<hbm>>
    tpu.enqueue_indirect_dma source(%dma_start3A_796 : memref<250000x128xf32, #tpu.memory_space<hbm>>) target(%dma_start3A_790 : memref<16x128xf32, #tpu.memory_space<vmem>>) offsets(%dma_start3A_793 : memref<16xi32, #tpu.memory_space<vmem>>) semaphore(%arg15 : memref<!tpu.dma_semaphore, #tpu.memory_space<semaphore_mem>>)
    %dma_start3A_797 = arith.constant 20 : i32
    %dma_start3A_798 = arith.constant 64 : i32
    %dma_start3A_799 = arith.constant 0 : i32
    %dma_start3A_800 = tpu.memref_slice %arg11[%dma_start3A_798, %dma_start3A_799] : memref<256x128xf32, #tpu.memory_space<vmem>> -> memref<16x128xf32, #tpu.memory_space<vmem>>
    %dma_start3A_801 = arith.constant 0 : i32
    %dma_start3A_802 = tpu.memref_slice %arg9[%dma_start3A_797, %dma_start3A_801] : memref<32x16xi32, #tpu.memory_space<vmem>> -> memref<1x16xi32, #tpu.memory_space<vmem>>
    %dma_start3A_803 = tpu.memref_squeeze %dma_start3A_802 : memref<1x16xi32, #tpu.memory_space<vmem>> -> memref<16xi32, #tpu.memory_space<vmem>>
    %dma_start3A_804 = arith.constant 0 : i32
    %dma_start3A_805 = arith.constant 0 : i32
    %dma_start3A_806 = tpu.memref_slice %arg4[%dma_start3A_804, %dma_start3A_805] : memref<250000x128xf32, #tpu.memory_space<hbm>> -> memref<250000x128xf32, #tpu.memory_space<hbm>>
    tpu.enqueue_indirect_dma source(%dma_start3A_806 : memref<250000x128xf32, #tpu.memory_space<hbm>>) target(%dma_start3A_800 : memref<16x128xf32, #tpu.memory_space<vmem>>) offsets(%dma_start3A_803 : memref<16xi32, #tpu.memory_space<vmem>>) semaphore(%arg14 : memref<!tpu.dma_semaphore, #tpu.memory_space<semaphore_mem>>)
    %dma_start3A_807 = arith.constant 20 : i32
    %dma_start3A_808 = arith.constant 64 : i32
    %dma_start3A_809 = arith.constant 0 : i32
    %dma_start3A_810 = tpu.memref_slice %arg12[%dma_start3A_808, %dma_start3A_809] : memref<256x128xf32, #tpu.memory_space<vmem>> -> memref<16x128xf32, #tpu.memory_space<vmem>>
    %dma_start3A_811 = arith.constant 0 : i32
    %dma_start3A_812 = tpu.memref_slice %arg10[%dma_start3A_807, %dma_start3A_811] : memref<32x16xi32, #tpu.memory_space<vmem>> -> memref<1x16xi32, #tpu.memory_space<vmem>>
    %dma_start3A_813 = tpu.memref_squeeze %dma_start3A_812 : memref<1x16xi32, #tpu.memory_space<vmem>> -> memref<16xi32, #tpu.memory_space<vmem>>
    %dma_start3A_814 = arith.constant 0 : i32
    %dma_start3A_815 = arith.constant 0 : i32
    %dma_start3A_816 = tpu.memref_slice %arg5[%dma_start3A_814, %dma_start3A_815] : memref<250000x128xf32, #tpu.memory_space<hbm>> -> memref<250000x128xf32, #tpu.memory_space<hbm>>
    tpu.enqueue_indirect_dma source(%dma_start3A_816 : memref<250000x128xf32, #tpu.memory_space<hbm>>) target(%dma_start3A_810 : memref<16x128xf32, #tpu.memory_space<vmem>>) offsets(%dma_start3A_813 : memref<16xi32, #tpu.memory_space<vmem>>) semaphore(%arg15 : memref<!tpu.dma_semaphore, #tpu.memory_space<semaphore_mem>>)
    %dma_start3A_817 = arith.constant 21 : i32
    %dma_start3A_818 = arith.constant 80 : i32
    %dma_start3A_819 = arith.constant 0 : i32
    %dma_start3A_820 = tpu.memref_slice %arg11[%dma_start3A_818, %dma_start3A_819] : memref<256x128xf32, #tpu.memory_space<vmem>> -> memref<16x128xf32, #tpu.memory_space<vmem>>
    %dma_start3A_821 = arith.constant 0 : i32
    %dma_start3A_822 = tpu.memref_slice %arg9[%dma_start3A_817, %dma_start3A_821] : memref<32x16xi32, #tpu.memory_space<vmem>> -> memref<1x16xi32, #tpu.memory_space<vmem>>
    %dma_start3A_823 = tpu.memref_squeeze %dma_start3A_822 : memref<1x16xi32, #tpu.memory_space<vmem>> -> memref<16xi32, #tpu.memory_space<vmem>>
    %dma_start3A_824 = arith.constant 0 : i32
    %dma_start3A_825 = arith.constant 0 : i32
    %dma_start3A_826 = tpu.memref_slice %arg4[%dma_start3A_824, %dma_start3A_825] : memref<250000x128xf32, #tpu.memory_space<hbm>> -> memref<250000x128xf32, #tpu.memory_space<hbm>>
    tpu.enqueue_indirect_dma source(%dma_start3A_826 : memref<250000x128xf32, #tpu.memory_space<hbm>>) target(%dma_start3A_820 : memref<16x128xf32, #tpu.memory_space<vmem>>) offsets(%dma_start3A_823 : memref<16xi32, #tpu.memory_space<vmem>>) semaphore(%arg14 : memref<!tpu.dma_semaphore, #tpu.memory_space<semaphore_mem>>)
    %dma_start3A_827 = arith.constant 21 : i32
    %dma_start3A_828 = arith.constant 80 : i32
    %dma_start3A_829 = arith.constant 0 : i32
    %dma_start3A_830 = tpu.memref_slice %arg12[%dma_start3A_828, %dma_start3A_829] : memref<256x128xf32, #tpu.memory_space<vmem>> -> memref<16x128xf32, #tpu.memory_space<vmem>>
    %dma_start3A_831 = arith.constant 0 : i32
    %dma_start3A_832 = tpu.memref_slice %arg10[%dma_start3A_827, %dma_start3A_831] : memref<32x16xi32, #tpu.memory_space<vmem>> -> memref<1x16xi32, #tpu.memory_space<vmem>>
    %dma_start3A_833 = tpu.memref_squeeze %dma_start3A_832 : memref<1x16xi32, #tpu.memory_space<vmem>> -> memref<16xi32, #tpu.memory_space<vmem>>
    %dma_start3A_834 = arith.constant 0 : i32
    %dma_start3A_835 = arith.constant 0 : i32
    %dma_start3A_836 = tpu.memref_slice %arg5[%dma_start3A_834, %dma_start3A_835] : memref<250000x128xf32, #tpu.memory_space<hbm>> -> memref<250000x128xf32, #tpu.memory_space<hbm>>
    tpu.enqueue_indirect_dma source(%dma_start3A_836 : memref<250000x128xf32, #tpu.memory_space<hbm>>) target(%dma_start3A_830 : memref<16x128xf32, #tpu.memory_space<vmem>>) offsets(%dma_start3A_833 : memref<16xi32, #tpu.memory_space<vmem>>) semaphore(%arg15 : memref<!tpu.dma_semaphore, #tpu.memory_space<semaphore_mem>>)
    %dma_start3A_837 = arith.constant 22 : i32
    %dma_start3A_838 = arith.constant 96 : i32
    %dma_start3A_839 = arith.constant 0 : i32
    %dma_start3A_840 = tpu.memref_slice %arg11[%dma_start3A_838, %dma_start3A_839] : memref<256x128xf32, #tpu.memory_space<vmem>> -> memref<16x128xf32, #tpu.memory_space<vmem>>
    %dma_start3A_841 = arith.constant 0 : i32
    %dma_start3A_842 = tpu.memref_slice %arg9[%dma_start3A_837, %dma_start3A_841] : memref<32x16xi32, #tpu.memory_space<vmem>> -> memref<1x16xi32, #tpu.memory_space<vmem>>
    %dma_start3A_843 = tpu.memref_squeeze %dma_start3A_842 : memref<1x16xi32, #tpu.memory_space<vmem>> -> memref<16xi32, #tpu.memory_space<vmem>>
    %dma_start3A_844 = arith.constant 0 : i32
    %dma_start3A_845 = arith.constant 0 : i32
    %dma_start3A_846 = tpu.memref_slice %arg4[%dma_start3A_844, %dma_start3A_845] : memref<250000x128xf32, #tpu.memory_space<hbm>> -> memref<250000x128xf32, #tpu.memory_space<hbm>>
    tpu.enqueue_indirect_dma source(%dma_start3A_846 : memref<250000x128xf32, #tpu.memory_space<hbm>>) target(%dma_start3A_840 : memref<16x128xf32, #tpu.memory_space<vmem>>) offsets(%dma_start3A_843 : memref<16xi32, #tpu.memory_space<vmem>>) semaphore(%arg14 : memref<!tpu.dma_semaphore, #tpu.memory_space<semaphore_mem>>)
    %dma_start3A_847 = arith.constant 22 : i32
    %dma_start3A_848 = arith.constant 96 : i32
    %dma_start3A_849 = arith.constant 0 : i32
    %dma_start3A_850 = tpu.memref_slice %arg12[%dma_start3A_848, %dma_start3A_849] : memref<256x128xf32, #tpu.memory_space<vmem>> -> memref<16x128xf32, #tpu.memory_space<vmem>>
    %dma_start3A_851 = arith.constant 0 : i32
    %dma_start3A_852 = tpu.memref_slice %arg10[%dma_start3A_847, %dma_start3A_851] : memref<32x16xi32, #tpu.memory_space<vmem>> -> memref<1x16xi32, #tpu.memory_space<vmem>>
    %dma_start3A_853 = tpu.memref_squeeze %dma_start3A_852 : memref<1x16xi32, #tpu.memory_space<vmem>> -> memref<16xi32, #tpu.memory_space<vmem>>
    %dma_start3A_854 = arith.constant 0 : i32
    %dma_start3A_855 = arith.constant 0 : i32
    %dma_start3A_856 = tpu.memref_slice %arg5[%dma_start3A_854, %dma_start3A_855] : memref<250000x128xf32, #tpu.memory_space<hbm>> -> memref<250000x128xf32, #tpu.memory_space<hbm>>
    tpu.enqueue_indirect_dma source(%dma_start3A_856 : memref<250000x128xf32, #tpu.memory_space<hbm>>) target(%dma_start3A_850 : memref<16x128xf32, #tpu.memory_space<vmem>>) offsets(%dma_start3A_853 : memref<16xi32, #tpu.memory_space<vmem>>) semaphore(%arg15 : memref<!tpu.dma_semaphore, #tpu.memory_space<semaphore_mem>>)
    %dma_start3A_857 = arith.constant 23 : i32
    %dma_start3A_858 = arith.constant 112 : i32
    %dma_start3A_859 = arith.constant 0 : i32
    %dma_start3A_860 = tpu.memref_slice %arg11[%dma_start3A_858, %dma_start3A_859] : memref<256x128xf32, #tpu.memory_space<vmem>> -> memref<16x128xf32, #tpu.memory_space<vmem>>
    %dma_start3A_861 = arith.constant 0 : i32
    %dma_start3A_862 = tpu.memref_slice %arg9[%dma_start3A_857, %dma_start3A_861] : memref<32x16xi32, #tpu.memory_space<vmem>> -> memref<1x16xi32, #tpu.memory_space<vmem>>
    %dma_start3A_863 = tpu.memref_squeeze %dma_start3A_862 : memref<1x16xi32, #tpu.memory_space<vmem>> -> memref<16xi32, #tpu.memory_space<vmem>>
    %dma_start3A_864 = arith.constant 0 : i32
    %dma_start3A_865 = arith.constant 0 : i32
    %dma_start3A_866 = tpu.memref_slice %arg4[%dma_start3A_864, %dma_start3A_865] : memref<250000x128xf32, #tpu.memory_space<hbm>> -> memref<250000x128xf32, #tpu.memory_space<hbm>>
    tpu.enqueue_indirect_dma source(%dma_start3A_866 : memref<250000x128xf32, #tpu.memory_space<hbm>>) target(%dma_start3A_860 : memref<16x128xf32, #tpu.memory_space<vmem>>) offsets(%dma_start3A_863 : memref<16xi32, #tpu.memory_space<vmem>>) semaphore(%arg14 : memref<!tpu.dma_semaphore, #tpu.memory_space<semaphore_mem>>)
    %dma_start3A_867 = arith.constant 23 : i32
    %dma_start3A_868 = arith.constant 112 : i32
    %dma_start3A_869 = arith.constant 0 : i32
    %dma_start3A_870 = tpu.memref_slice %arg12[%dma_start3A_868, %dma_start3A_869] : memref<256x128xf32, #tpu.memory_space<vmem>> -> memref<16x128xf32, #tpu.memory_space<vmem>>
    %dma_start3A_871 = arith.constant 0 : i32
    %dma_start3A_872 = tpu.memref_slice %arg10[%dma_start3A_867, %dma_start3A_871] : memref<32x16xi32, #tpu.memory_space<vmem>> -> memref<1x16xi32, #tpu.memory_space<vmem>>
    %dma_start3A_873 = tpu.memref_squeeze %dma_start3A_872 : memref<1x16xi32, #tpu.memory_space<vmem>> -> memref<16xi32, #tpu.memory_space<vmem>>
    %dma_start3A_874 = arith.constant 0 : i32
    %dma_start3A_875 = arith.constant 0 : i32
    %dma_start3A_876 = tpu.memref_slice %arg5[%dma_start3A_874, %dma_start3A_875] : memref<250000x128xf32, #tpu.memory_space<hbm>> -> memref<250000x128xf32, #tpu.memory_space<hbm>>
    tpu.enqueue_indirect_dma source(%dma_start3A_876 : memref<250000x128xf32, #tpu.memory_space<hbm>>) target(%dma_start3A_870 : memref<16x128xf32, #tpu.memory_space<vmem>>) offsets(%dma_start3A_873 : memref<16xi32, #tpu.memory_space<vmem>>) semaphore(%arg15 : memref<!tpu.dma_semaphore, #tpu.memory_space<semaphore_mem>>)
    %dma_start3A_877 = arith.constant 24 : i32
    %dma_start3A_878 = arith.constant 128 : i32
    %dma_start3A_879 = arith.constant 0 : i32
    %dma_start3A_880 = tpu.memref_slice %arg11[%dma_start3A_878, %dma_start3A_879] : memref<256x128xf32, #tpu.memory_space<vmem>> -> memref<16x128xf32, #tpu.memory_space<vmem>>
    %dma_start3A_881 = arith.constant 0 : i32
    %dma_start3A_882 = tpu.memref_slice %arg9[%dma_start3A_877, %dma_start3A_881] : memref<32x16xi32, #tpu.memory_space<vmem>> -> memref<1x16xi32, #tpu.memory_space<vmem>>
    %dma_start3A_883 = tpu.memref_squeeze %dma_start3A_882 : memref<1x16xi32, #tpu.memory_space<vmem>> -> memref<16xi32, #tpu.memory_space<vmem>>
    %dma_start3A_884 = arith.constant 0 : i32
    %dma_start3A_885 = arith.constant 0 : i32
    %dma_start3A_886 = tpu.memref_slice %arg4[%dma_start3A_884, %dma_start3A_885] : memref<250000x128xf32, #tpu.memory_space<hbm>> -> memref<250000x128xf32, #tpu.memory_space<hbm>>
    tpu.enqueue_indirect_dma source(%dma_start3A_886 : memref<250000x128xf32, #tpu.memory_space<hbm>>) target(%dma_start3A_880 : memref<16x128xf32, #tpu.memory_space<vmem>>) offsets(%dma_start3A_883 : memref<16xi32, #tpu.memory_space<vmem>>) semaphore(%arg14 : memref<!tpu.dma_semaphore, #tpu.memory_space<semaphore_mem>>)
    %dma_start3A_887 = arith.constant 24 : i32
    %dma_start3A_888 = arith.constant 128 : i32
    %dma_start3A_889 = arith.constant 0 : i32
    %dma_start3A_890 = tpu.memref_slice %arg12[%dma_start3A_888, %dma_start3A_889] : memref<256x128xf32, #tpu.memory_space<vmem>> -> memref<16x128xf32, #tpu.memory_space<vmem>>
    %dma_start3A_891 = arith.constant 0 : i32
    %dma_start3A_892 = tpu.memref_slice %arg10[%dma_start3A_887, %dma_start3A_891] : memref<32x16xi32, #tpu.memory_space<vmem>> -> memref<1x16xi32, #tpu.memory_space<vmem>>
    %dma_start3A_893 = tpu.memref_squeeze %dma_start3A_892 : memref<1x16xi32, #tpu.memory_space<vmem>> -> memref<16xi32, #tpu.memory_space<vmem>>
    %dma_start3A_894 = arith.constant 0 : i32
    %dma_start3A_895 = arith.constant 0 : i32
    %dma_start3A_896 = tpu.memref_slice %arg5[%dma_start3A_894, %dma_start3A_895] : memref<250000x128xf32, #tpu.memory_space<hbm>> -> memref<250000x128xf32, #tpu.memory_space<hbm>>
    tpu.enqueue_indirect_dma source(%dma_start3A_896 : memref<250000x128xf32, #tpu.memory_space<hbm>>) target(%dma_start3A_890 : memref<16x128xf32, #tpu.memory_space<vmem>>) offsets(%dma_start3A_893 : memref<16xi32, #tpu.memory_space<vmem>>) semaphore(%arg15 : memref<!tpu.dma_semaphore, #tpu.memory_space<semaphore_mem>>)
    %dma_start3A_897 = arith.constant 25 : i32
    %dma_start3A_898 = arith.constant 144 : i32
    %dma_start3A_899 = arith.constant 0 : i32
    %dma_start3A_900 = tpu.memref_slice %arg11[%dma_start3A_898, %dma_start3A_899] : memref<256x128xf32, #tpu.memory_space<vmem>> -> memref<16x128xf32, #tpu.memory_space<vmem>>
    %dma_start3A_901 = arith.constant 0 : i32
    %dma_start3A_902 = tpu.memref_slice %arg9[%dma_start3A_897, %dma_start3A_901] : memref<32x16xi32, #tpu.memory_space<vmem>> -> memref<1x16xi32, #tpu.memory_space<vmem>>
    %dma_start3A_903 = tpu.memref_squeeze %dma_start3A_902 : memref<1x16xi32, #tpu.memory_space<vmem>> -> memref<16xi32, #tpu.memory_space<vmem>>
    %dma_start3A_904 = arith.constant 0 : i32
    %dma_start3A_905 = arith.constant 0 : i32
    %dma_start3A_906 = tpu.memref_slice %arg4[%dma_start3A_904, %dma_start3A_905] : memref<250000x128xf32, #tpu.memory_space<hbm>> -> memref<250000x128xf32, #tpu.memory_space<hbm>>
    tpu.enqueue_indirect_dma source(%dma_start3A_906 : memref<250000x128xf32, #tpu.memory_space<hbm>>) target(%dma_start3A_900 : memref<16x128xf32, #tpu.memory_space<vmem>>) offsets(%dma_start3A_903 : memref<16xi32, #tpu.memory_space<vmem>>) semaphore(%arg14 : memref<!tpu.dma_semaphore, #tpu.memory_space<semaphore_mem>>)
    %dma_start3A_907 = arith.constant 25 : i32
    %dma_start3A_908 = arith.constant 144 : i32
    %dma_start3A_909 = arith.constant 0 : i32
    %dma_start3A_910 = tpu.memref_slice %arg12[%dma_start3A_908, %dma_start3A_909] : memref<256x128xf32, #tpu.memory_space<vmem>> -> memref<16x128xf32, #tpu.memory_space<vmem>>
    %dma_start3A_911 = arith.constant 0 : i32
    %dma_start3A_912 = tpu.memref_slice %arg10[%dma_start3A_907, %dma_start3A_911] : memref<32x16xi32, #tpu.memory_space<vmem>> -> memref<1x16xi32, #tpu.memory_space<vmem>>
    %dma_start3A_913 = tpu.memref_squeeze %dma_start3A_912 : memref<1x16xi32, #tpu.memory_space<vmem>> -> memref<16xi32, #tpu.memory_space<vmem>>
    %dma_start3A_914 = arith.constant 0 : i32
    %dma_start3A_915 = arith.constant 0 : i32
    %dma_start3A_916 = tpu.memref_slice %arg5[%dma_start3A_914, %dma_start3A_915] : memref<250000x128xf32, #tpu.memory_space<hbm>> -> memref<250000x128xf32, #tpu.memory_space<hbm>>
    tpu.enqueue_indirect_dma source(%dma_start3A_916 : memref<250000x128xf32, #tpu.memory_space<hbm>>) target(%dma_start3A_910 : memref<16x128xf32, #tpu.memory_space<vmem>>) offsets(%dma_start3A_913 : memref<16xi32, #tpu.memory_space<vmem>>) semaphore(%arg15 : memref<!tpu.dma_semaphore, #tpu.memory_space<semaphore_mem>>)
    %dma_start3A_917 = arith.constant 26 : i32
    %dma_start3A_918 = arith.constant 160 : i32
    %dma_start3A_919 = arith.constant 0 : i32
    %dma_start3A_920 = tpu.memref_slice %arg11[%dma_start3A_918, %dma_start3A_919] : memref<256x128xf32, #tpu.memory_space<vmem>> -> memref<16x128xf32, #tpu.memory_space<vmem>>
    %dma_start3A_921 = arith.constant 0 : i32
    %dma_start3A_922 = tpu.memref_slice %arg9[%dma_start3A_917, %dma_start3A_921] : memref<32x16xi32, #tpu.memory_space<vmem>> -> memref<1x16xi32, #tpu.memory_space<vmem>>
    %dma_start3A_923 = tpu.memref_squeeze %dma_start3A_922 : memref<1x16xi32, #tpu.memory_space<vmem>> -> memref<16xi32, #tpu.memory_space<vmem>>
    %dma_start3A_924 = arith.constant 0 : i32
    %dma_start3A_925 = arith.constant 0 : i32
    %dma_start3A_926 = tpu.memref_slice %arg4[%dma_start3A_924, %dma_start3A_925] : memref<250000x128xf32, #tpu.memory_space<hbm>> -> memref<250000x128xf32, #tpu.memory_space<hbm>>
    tpu.enqueue_indirect_dma source(%dma_start3A_926 : memref<250000x128xf32, #tpu.memory_space<hbm>>) target(%dma_start3A_920 : memref<16x128xf32, #tpu.memory_space<vmem>>) offsets(%dma_start3A_923 : memref<16xi32, #tpu.memory_space<vmem>>) semaphore(%arg14 : memref<!tpu.dma_semaphore, #tpu.memory_space<semaphore_mem>>)
    %dma_start3A_927 = arith.constant 26 : i32
    %dma_start3A_928 = arith.constant 160 : i32
    %dma_start3A_929 = arith.constant 0 : i32
    %dma_start3A_930 = tpu.memref_slice %arg12[%dma_start3A_928, %dma_start3A_929] : memref<256x128xf32, #tpu.memory_space<vmem>> -> memref<16x128xf32, #tpu.memory_space<vmem>>
    %dma_start3A_931 = arith.constant 0 : i32
    %dma_start3A_932 = tpu.memref_slice %arg10[%dma_start3A_927, %dma_start3A_931] : memref<32x16xi32, #tpu.memory_space<vmem>> -> memref<1x16xi32, #tpu.memory_space<vmem>>
    %dma_start3A_933 = tpu.memref_squeeze %dma_start3A_932 : memref<1x16xi32, #tpu.memory_space<vmem>> -> memref<16xi32, #tpu.memory_space<vmem>>
    %dma_start3A_934 = arith.constant 0 : i32
    %dma_start3A_935 = arith.constant 0 : i32
    %dma_start3A_936 = tpu.memref_slice %arg5[%dma_start3A_934, %dma_start3A_935] : memref<250000x128xf32, #tpu.memory_space<hbm>> -> memref<250000x128xf32, #tpu.memory_space<hbm>>
    tpu.enqueue_indirect_dma source(%dma_start3A_936 : memref<250000x128xf32, #tpu.memory_space<hbm>>) target(%dma_start3A_930 : memref<16x128xf32, #tpu.memory_space<vmem>>) offsets(%dma_start3A_933 : memref<16xi32, #tpu.memory_space<vmem>>) semaphore(%arg15 : memref<!tpu.dma_semaphore, #tpu.memory_space<semaphore_mem>>)
    %dma_start3A_937 = arith.constant 27 : i32
    %dma_start3A_938 = arith.constant 176 : i32
    %dma_start3A_939 = arith.constant 0 : i32
    %dma_start3A_940 = tpu.memref_slice %arg11[%dma_start3A_938, %dma_start3A_939] : memref<256x128xf32, #tpu.memory_space<vmem>> -> memref<16x128xf32, #tpu.memory_space<vmem>>
    %dma_start3A_941 = arith.constant 0 : i32
    %dma_start3A_942 = tpu.memref_slice %arg9[%dma_start3A_937, %dma_start3A_941] : memref<32x16xi32, #tpu.memory_space<vmem>> -> memref<1x16xi32, #tpu.memory_space<vmem>>
    %dma_start3A_943 = tpu.memref_squeeze %dma_start3A_942 : memref<1x16xi32, #tpu.memory_space<vmem>> -> memref<16xi32, #tpu.memory_space<vmem>>
    %dma_start3A_944 = arith.constant 0 : i32
    %dma_start3A_945 = arith.constant 0 : i32
    %dma_start3A_946 = tpu.memref_slice %arg4[%dma_start3A_944, %dma_start3A_945] : memref<250000x128xf32, #tpu.memory_space<hbm>> -> memref<250000x128xf32, #tpu.memory_space<hbm>>
    tpu.enqueue_indirect_dma source(%dma_start3A_946 : memref<250000x128xf32, #tpu.memory_space<hbm>>) target(%dma_start3A_940 : memref<16x128xf32, #tpu.memory_space<vmem>>) offsets(%dma_start3A_943 : memref<16xi32, #tpu.memory_space<vmem>>) semaphore(%arg14 : memref<!tpu.dma_semaphore, #tpu.memory_space<semaphore_mem>>)
    %dma_start3A_947 = arith.constant 27 : i32
    %dma_start3A_948 = arith.constant 176 : i32
    %dma_start3A_949 = arith.constant 0 : i32
    %dma_start3A_950 = tpu.memref_slice %arg12[%dma_start3A_948, %dma_start3A_949] : memref<256x128xf32, #tpu.memory_space<vmem>> -> memref<16x128xf32, #tpu.memory_space<vmem>>
    %dma_start3A_951 = arith.constant 0 : i32
    %dma_start3A_952 = tpu.memref_slice %arg10[%dma_start3A_947, %dma_start3A_951] : memref<32x16xi32, #tpu.memory_space<vmem>> -> memref<1x16xi32, #tpu.memory_space<vmem>>
    %dma_start3A_953 = tpu.memref_squeeze %dma_start3A_952 : memref<1x16xi32, #tpu.memory_space<vmem>> -> memref<16xi32, #tpu.memory_space<vmem>>
    %dma_start3A_954 = arith.constant 0 : i32
    %dma_start3A_955 = arith.constant 0 : i32
    %dma_start3A_956 = tpu.memref_slice %arg5[%dma_start3A_954, %dma_start3A_955] : memref<250000x128xf32, #tpu.memory_space<hbm>> -> memref<250000x128xf32, #tpu.memory_space<hbm>>
    tpu.enqueue_indirect_dma source(%dma_start3A_956 : memref<250000x128xf32, #tpu.memory_space<hbm>>) target(%dma_start3A_950 : memref<16x128xf32, #tpu.memory_space<vmem>>) offsets(%dma_start3A_953 : memref<16xi32, #tpu.memory_space<vmem>>) semaphore(%arg15 : memref<!tpu.dma_semaphore, #tpu.memory_space<semaphore_mem>>)
    %dma_start3A_957 = arith.constant 28 : i32
    %dma_start3A_958 = arith.constant 192 : i32
    %dma_start3A_959 = arith.constant 0 : i32
    %dma_start3A_960 = tpu.memref_slice %arg11[%dma_start3A_958, %dma_start3A_959] : memref<256x128xf32, #tpu.memory_space<vmem>> -> memref<16x128xf32, #tpu.memory_space<vmem>>
    %dma_start3A_961 = arith.constant 0 : i32
    %dma_start3A_962 = tpu.memref_slice %arg9[%dma_start3A_957, %dma_start3A_961] : memref<32x16xi32, #tpu.memory_space<vmem>> -> memref<1x16xi32, #tpu.memory_space<vmem>>
    %dma_start3A_963 = tpu.memref_squeeze %dma_start3A_962 : memref<1x16xi32, #tpu.memory_space<vmem>> -> memref<16xi32, #tpu.memory_space<vmem>>
    %dma_start3A_964 = arith.constant 0 : i32
    %dma_start3A_965 = arith.constant 0 : i32
    %dma_start3A_966 = tpu.memref_slice %arg4[%dma_start3A_964, %dma_start3A_965] : memref<250000x128xf32, #tpu.memory_space<hbm>> -> memref<250000x128xf32, #tpu.memory_space<hbm>>
    tpu.enqueue_indirect_dma source(%dma_start3A_966 : memref<250000x128xf32, #tpu.memory_space<hbm>>) target(%dma_start3A_960 : memref<16x128xf32, #tpu.memory_space<vmem>>) offsets(%dma_start3A_963 : memref<16xi32, #tpu.memory_space<vmem>>) semaphore(%arg14 : memref<!tpu.dma_semaphore, #tpu.memory_space<semaphore_mem>>)
    %dma_start3A_967 = arith.constant 28 : i32
    %dma_start3A_968 = arith.constant 192 : i32
    %dma_start3A_969 = arith.constant 0 : i32
    %dma_start3A_970 = tpu.memref_slice %arg12[%dma_start3A_968, %dma_start3A_969] : memref<256x128xf32, #tpu.memory_space<vmem>> -> memref<16x128xf32, #tpu.memory_space<vmem>>
    %dma_start3A_971 = arith.constant 0 : i32
    %dma_start3A_972 = tpu.memref_slice %arg10[%dma_start3A_967, %dma_start3A_971] : memref<32x16xi32, #tpu.memory_space<vmem>> -> memref<1x16xi32, #tpu.memory_space<vmem>>
    %dma_start3A_973 = tpu.memref_squeeze %dma_start3A_972 : memref<1x16xi32, #tpu.memory_space<vmem>> -> memref<16xi32, #tpu.memory_space<vmem>>
    %dma_start3A_974 = arith.constant 0 : i32
    %dma_start3A_975 = arith.constant 0 : i32
    %dma_start3A_976 = tpu.memref_slice %arg5[%dma_start3A_974, %dma_start3A_975] : memref<250000x128xf32, #tpu.memory_space<hbm>> -> memref<250000x128xf32, #tpu.memory_space<hbm>>
    tpu.enqueue_indirect_dma source(%dma_start3A_976 : memref<250000x128xf32, #tpu.memory_space<hbm>>) target(%dma_start3A_970 : memref<16x128xf32, #tpu.memory_space<vmem>>) offsets(%dma_start3A_973 : memref<16xi32, #tpu.memory_space<vmem>>) semaphore(%arg15 : memref<!tpu.dma_semaphore, #tpu.memory_space<semaphore_mem>>)
    %dma_start3A_977 = arith.constant 29 : i32
    %dma_start3A_978 = arith.constant 208 : i32
    %dma_start3A_979 = arith.constant 0 : i32
    %dma_start3A_980 = tpu.memref_slice %arg11[%dma_start3A_978, %dma_start3A_979] : memref<256x128xf32, #tpu.memory_space<vmem>> -> memref<16x128xf32, #tpu.memory_space<vmem>>
    %dma_start3A_981 = arith.constant 0 : i32
    %dma_start3A_982 = tpu.memref_slice %arg9[%dma_start3A_977, %dma_start3A_981] : memref<32x16xi32, #tpu.memory_space<vmem>> -> memref<1x16xi32, #tpu.memory_space<vmem>>
    %dma_start3A_983 = tpu.memref_squeeze %dma_start3A_982 : memref<1x16xi32, #tpu.memory_space<vmem>> -> memref<16xi32, #tpu.memory_space<vmem>>
    %dma_start3A_984 = arith.constant 0 : i32
    %dma_start3A_985 = arith.constant 0 : i32
    %dma_start3A_986 = tpu.memref_slice %arg4[%dma_start3A_984, %dma_start3A_985] : memref<250000x128xf32, #tpu.memory_space<hbm>> -> memref<250000x128xf32, #tpu.memory_space<hbm>>
    tpu.enqueue_indirect_dma source(%dma_start3A_986 : memref<250000x128xf32, #tpu.memory_space<hbm>>) target(%dma_start3A_980 : memref<16x128xf32, #tpu.memory_space<vmem>>) offsets(%dma_start3A_983 : memref<16xi32, #tpu.memory_space<vmem>>) semaphore(%arg14 : memref<!tpu.dma_semaphore, #tpu.memory_space<semaphore_mem>>)
    %dma_start3A_987 = arith.constant 29 : i32
    %dma_start3A_988 = arith.constant 208 : i32
    %dma_start3A_989 = arith.constant 0 : i32
    %dma_start3A_990 = tpu.memref_slice %arg12[%dma_start3A_988, %dma_start3A_989] : memref<256x128xf32, #tpu.memory_space<vmem>> -> memref<16x128xf32, #tpu.memory_space<vmem>>
    %dma_start3A_991 = arith.constant 0 : i32
    %dma_start3A_992 = tpu.memref_slice %arg10[%dma_start3A_987, %dma_start3A_991] : memref<32x16xi32, #tpu.memory_space<vmem>> -> memref<1x16xi32, #tpu.memory_space<vmem>>
    %dma_start3A_993 = tpu.memref_squeeze %dma_start3A_992 : memref<1x16xi32, #tpu.memory_space<vmem>> -> memref<16xi32, #tpu.memory_space<vmem>>
    %dma_start3A_994 = arith.constant 0 : i32
    %dma_start3A_995 = arith.constant 0 : i32
    %dma_start3A_996 = tpu.memref_slice %arg5[%dma_start3A_994, %dma_start3A_995] : memref<250000x128xf32, #tpu.memory_space<hbm>> -> memref<250000x128xf32, #tpu.memory_space<hbm>>
    tpu.enqueue_indirect_dma source(%dma_start3A_996 : memref<250000x128xf32, #tpu.memory_space<hbm>>) target(%dma_start3A_990 : memref<16x128xf32, #tpu.memory_space<vmem>>) offsets(%dma_start3A_993 : memref<16xi32, #tpu.memory_space<vmem>>) semaphore(%arg15 : memref<!tpu.dma_semaphore, #tpu.memory_space<semaphore_mem>>)
    %dma_start3A_997 = arith.constant 30 : i32
    %dma_start3A_998 = arith.constant 224 : i32
    %dma_start3A_999 = arith.constant 0 : i32
    %dma_start3A_1000 = tpu.memref_slice %arg11[%dma_start3A_998, %dma_start3A_999] : memref<256x128xf32, #tpu.memory_space<vmem>> -> memref<16x128xf32, #tpu.memory_space<vmem>>
    %dma_start3A_1001 = arith.constant 0 : i32
    %dma_start3A_1002 = tpu.memref_slice %arg9[%dma_start3A_997, %dma_start3A_1001] : memref<32x16xi32, #tpu.memory_space<vmem>> -> memref<1x16xi32, #tpu.memory_space<vmem>>
    %dma_start3A_1003 = tpu.memref_squeeze %dma_start3A_1002 : memref<1x16xi32, #tpu.memory_space<vmem>> -> memref<16xi32, #tpu.memory_space<vmem>>
    %dma_start3A_1004 = arith.constant 0 : i32
    %dma_start3A_1005 = arith.constant 0 : i32
    %dma_start3A_1006 = tpu.memref_slice %arg4[%dma_start3A_1004, %dma_start3A_1005] : memref<250000x128xf32, #tpu.memory_space<hbm>> -> memref<250000x128xf32, #tpu.memory_space<hbm>>
    tpu.enqueue_indirect_dma source(%dma_start3A_1006 : memref<250000x128xf32, #tpu.memory_space<hbm>>) target(%dma_start3A_1000 : memref<16x128xf32, #tpu.memory_space<vmem>>) offsets(%dma_start3A_1003 : memref<16xi32, #tpu.memory_space<vmem>>) semaphore(%arg14 : memref<!tpu.dma_semaphore, #tpu.memory_space<semaphore_mem>>)
    %dma_start3A_1007 = arith.constant 30 : i32
    %dma_start3A_1008 = arith.constant 224 : i32
    %dma_start3A_1009 = arith.constant 0 : i32
    %dma_start3A_1010 = tpu.memref_slice %arg12[%dma_start3A_1008, %dma_start3A_1009] : memref<256x128xf32, #tpu.memory_space<vmem>> -> memref<16x128xf32, #tpu.memory_space<vmem>>
    %dma_start3A_1011 = arith.constant 0 : i32
    %dma_start3A_1012 = tpu.memref_slice %arg10[%dma_start3A_1007, %dma_start3A_1011] : memref<32x16xi32, #tpu.memory_space<vmem>> -> memref<1x16xi32, #tpu.memory_space<vmem>>
    %dma_start3A_1013 = tpu.memref_squeeze %dma_start3A_1012 : memref<1x16xi32, #tpu.memory_space<vmem>> -> memref<16xi32, #tpu.memory_space<vmem>>
    %dma_start3A_1014 = arith.constant 0 : i32
    %dma_start3A_1015 = arith.constant 0 : i32
    %dma_start3A_1016 = tpu.memref_slice %arg5[%dma_start3A_1014, %dma_start3A_1015] : memref<250000x128xf32, #tpu.memory_space<hbm>> -> memref<250000x128xf32, #tpu.memory_space<hbm>>
    tpu.enqueue_indirect_dma source(%dma_start3A_1016 : memref<250000x128xf32, #tpu.memory_space<hbm>>) target(%dma_start3A_1010 : memref<16x128xf32, #tpu.memory_space<vmem>>) offsets(%dma_start3A_1013 : memref<16xi32, #tpu.memory_space<vmem>>) semaphore(%arg15 : memref<!tpu.dma_semaphore, #tpu.memory_space<semaphore_mem>>)
    %dma_start3A_1017 = arith.constant 31 : i32
    %dma_start3A_1018 = arith.constant 240 : i32
    %dma_start3A_1019 = arith.constant 0 : i32
    %dma_start3A_1020 = tpu.memref_slice %arg11[%dma_start3A_1018, %dma_start3A_1019] : memref<256x128xf32, #tpu.memory_space<vmem>> -> memref<16x128xf32, #tpu.memory_space<vmem>>
    %dma_start3A_1021 = arith.constant 0 : i32
    %dma_start3A_1022 = tpu.memref_slice %arg9[%dma_start3A_1017, %dma_start3A_1021] : memref<32x16xi32, #tpu.memory_space<vmem>> -> memref<1x16xi32, #tpu.memory_space<vmem>>
    %dma_start3A_1023 = tpu.memref_squeeze %dma_start3A_1022 : memref<1x16xi32, #tpu.memory_space<vmem>> -> memref<16xi32, #tpu.memory_space<vmem>>
    %dma_start3A_1024 = arith.constant 0 : i32
    %dma_start3A_1025 = arith.constant 0 : i32
    %dma_start3A_1026 = tpu.memref_slice %arg4[%dma_start3A_1024, %dma_start3A_1025] : memref<250000x128xf32, #tpu.memory_space<hbm>> -> memref<250000x128xf32, #tpu.memory_space<hbm>>
    tpu.enqueue_indirect_dma source(%dma_start3A_1026 : memref<250000x128xf32, #tpu.memory_space<hbm>>) target(%dma_start3A_1020 : memref<16x128xf32, #tpu.memory_space<vmem>>) offsets(%dma_start3A_1023 : memref<16xi32, #tpu.memory_space<vmem>>) semaphore(%arg14 : memref<!tpu.dma_semaphore, #tpu.memory_space<semaphore_mem>>)
    %dma_start3A_1027 = arith.constant 31 : i32
    %dma_start3A_1028 = arith.constant 240 : i32
    %dma_start3A_1029 = arith.constant 0 : i32
    %dma_start3A_1030 = tpu.memref_slice %arg12[%dma_start3A_1028, %dma_start3A_1029] : memref<256x128xf32, #tpu.memory_space<vmem>> -> memref<16x128xf32, #tpu.memory_space<vmem>>
    %dma_start3A_1031 = arith.constant 0 : i32
    %dma_start3A_1032 = tpu.memref_slice %arg10[%dma_start3A_1027, %dma_start3A_1031] : memref<32x16xi32, #tpu.memory_space<vmem>> -> memref<1x16xi32, #tpu.memory_space<vmem>>
    %dma_start3A_1033 = tpu.memref_squeeze %dma_start3A_1032 : memref<1x16xi32, #tpu.memory_space<vmem>> -> memref<16xi32, #tpu.memory_space<vmem>>
    %dma_start3A_1034 = arith.constant 0 : i32
    %dma_start3A_1035 = arith.constant 0 : i32
    %dma_start3A_1036 = tpu.memref_slice %arg5[%dma_start3A_1034, %dma_start3A_1035] : memref<250000x128xf32, #tpu.memory_space<hbm>> -> memref<250000x128xf32, #tpu.memory_space<hbm>>
    tpu.enqueue_indirect_dma source(%dma_start3A_1036 : memref<250000x128xf32, #tpu.memory_space<hbm>>) target(%dma_start3A_1030 : memref<16x128xf32, #tpu.memory_space<vmem>>) offsets(%dma_start3A_1033 : memref<16xi32, #tpu.memory_space<vmem>>) semaphore(%arg15 : memref<!tpu.dma_semaphore, #tpu.memory_space<semaphore_mem>>)
    %dma_wait3A_1037 = arith.constant 0 : i32
    %dma_wait3A_1038 = arith.constant 0 : i32
    %dma_wait3A_1039 = tpu.memref_slice %arg11[%dma_wait3A_1037, %dma_wait3A_1038] : memref<256x128xf32, #tpu.memory_space<vmem>> -> memref<16x128xf32, #tpu.memory_space<vmem>>
    %dma_wait3A_1040 = arith.constant 0 : i32
    %dma_wait3A_1041 = arith.constant 0 : i32
    %dma_wait3A_1042 = tpu.memref_slice %arg4[%dma_wait3A_1040, %dma_wait3A_1041] : memref<250000x128xf32, #tpu.memory_space<hbm>> -> memref<16x128xf32, #tpu.memory_space<hbm>>
    %dma_wait3A_1043 = arith.constant 0 : i32
    %dma_wait3A_1044 = arith.constant 0 : i32
    %dma_wait3A_1045 = tpu.memref_slice %arg11[%dma_wait3A_1043, %dma_wait3A_1044] : memref<256x128xf32, #tpu.memory_space<vmem>> -> memref<16x128xf32, #tpu.memory_space<vmem>>
    %dma_wait3A_1046 = arith.constant 0 : i32
    %dma_wait3A_1047 = arith.constant 0 : i32
    %dma_wait3A_1048 = tpu.memref_slice %arg4[%dma_wait3A_1046, %dma_wait3A_1047] : memref<250000x128xf32, #tpu.memory_space<hbm>> -> memref<16x128xf32, #tpu.memory_space<hbm>>
    tpu.wait_dma2 semaphore(%arg14 : memref<!tpu.dma_semaphore, #tpu.memory_space<semaphore_mem>>) src(%dma_wait3A_1048 : memref<16x128xf32, #tpu.memory_space<hbm>>) dst(%dma_wait3A_1045 : memref<16x128xf32, #tpu.memory_space<vmem>>)
    %dma_wait3A_1049 = arith.constant 0 : i32
    %dma_wait3A_1050 = arith.constant 0 : i32
    %dma_wait3A_1051 = tpu.memref_slice %arg12[%dma_wait3A_1049, %dma_wait3A_1050] : memref<256x128xf32, #tpu.memory_space<vmem>> -> memref<16x128xf32, #tpu.memory_space<vmem>>
    %dma_wait3A_1052 = arith.constant 0 : i32
    %dma_wait3A_1053 = arith.constant 0 : i32
    %dma_wait3A_1054 = tpu.memref_slice %arg5[%dma_wait3A_1052, %dma_wait3A_1053] : memref<250000x128xf32, #tpu.memory_space<hbm>> -> memref<16x128xf32, #tpu.memory_space<hbm>>
    %dma_wait3A_1055 = arith.constant 0 : i32
    %dma_wait3A_1056 = arith.constant 0 : i32
    %dma_wait3A_1057 = tpu.memref_slice %arg12[%dma_wait3A_1055, %dma_wait3A_1056] : memref<256x128xf32, #tpu.memory_space<vmem>> -> memref<16x128xf32, #tpu.memory_space<vmem>>
    %dma_wait3A_1058 = arith.constant 0 : i32
    %dma_wait3A_1059 = arith.constant 0 : i32
    %dma_wait3A_1060 = tpu.memref_slice %arg5[%dma_wait3A_1058, %dma_wait3A_1059] : memref<250000x128xf32, #tpu.memory_space<hbm>> -> memref<16x128xf32, #tpu.memory_space<hbm>>
    tpu.wait_dma2 semaphore(%arg15 : memref<!tpu.dma_semaphore, #tpu.memory_space<semaphore_mem>>) src(%dma_wait3A_1060 : memref<16x128xf32, #tpu.memory_space<hbm>>) dst(%dma_wait3A_1057 : memref<16x128xf32, #tpu.memory_space<vmem>>)
    %dma_wait3A_1061 = arith.constant 16 : i32
    %dma_wait3A_1062 = arith.constant 0 : i32
    %dma_wait3A_1063 = tpu.memref_slice %arg11[%dma_wait3A_1061, %dma_wait3A_1062] : memref<256x128xf32, #tpu.memory_space<vmem>> -> memref<16x128xf32, #tpu.memory_space<vmem>>
    %dma_wait3A_1064 = arith.constant 0 : i32
    %dma_wait3A_1065 = arith.constant 0 : i32
    %dma_wait3A_1066 = tpu.memref_slice %arg4[%dma_wait3A_1064, %dma_wait3A_1065] : memref<250000x128xf32, #tpu.memory_space<hbm>> -> memref<16x128xf32, #tpu.memory_space<hbm>>
    %dma_wait3A_1067 = arith.constant 16 : i32
    %dma_wait3A_1068 = arith.constant 0 : i32
    %dma_wait3A_1069 = tpu.memref_slice %arg11[%dma_wait3A_1067, %dma_wait3A_1068] : memref<256x128xf32, #tpu.memory_space<vmem>> -> memref<16x128xf32, #tpu.memory_space<vmem>>
    %dma_wait3A_1070 = arith.constant 0 : i32
    %dma_wait3A_1071 = arith.constant 0 : i32
    %dma_wait3A_1072 = tpu.memref_slice %arg4[%dma_wait3A_1070, %dma_wait3A_1071] : memref<250000x128xf32, #tpu.memory_space<hbm>> -> memref<16x128xf32, #tpu.memory_space<hbm>>
    tpu.wait_dma2 semaphore(%arg14 : memref<!tpu.dma_semaphore, #tpu.memory_space<semaphore_mem>>) src(%dma_wait3A_1072 : memref<16x128xf32, #tpu.memory_space<hbm>>) dst(%dma_wait3A_1069 : memref<16x128xf32, #tpu.memory_space<vmem>>)
    %dma_wait3A_1073 = arith.constant 16 : i32
    %dma_wait3A_1074 = arith.constant 0 : i32
    %dma_wait3A_1075 = tpu.memref_slice %arg12[%dma_wait3A_1073, %dma_wait3A_1074] : memref<256x128xf32, #tpu.memory_space<vmem>> -> memref<16x128xf32, #tpu.memory_space<vmem>>
    %dma_wait3A_1076 = arith.constant 0 : i32
    %dma_wait3A_1077 = arith.constant 0 : i32
    %dma_wait3A_1078 = tpu.memref_slice %arg5[%dma_wait3A_1076, %dma_wait3A_1077] : memref<250000x128xf32, #tpu.memory_space<hbm>> -> memref<16x128xf32, #tpu.memory_space<hbm>>
    %dma_wait3A_1079 = arith.constant 16 : i32
    %dma_wait3A_1080 = arith.constant 0 : i32
    %dma_wait3A_1081 = tpu.memref_slice %arg12[%dma_wait3A_1079, %dma_wait3A_1080] : memref<256x128xf32, #tpu.memory_space<vmem>> -> memref<16x128xf32, #tpu.memory_space<vmem>>
    %dma_wait3A_1082 = arith.constant 0 : i32
    %dma_wait3A_1083 = arith.constant 0 : i32
    %dma_wait3A_1084 = tpu.memref_slice %arg5[%dma_wait3A_1082, %dma_wait3A_1083] : memref<250000x128xf32, #tpu.memory_space<hbm>> -> memref<16x128xf32, #tpu.memory_space<hbm>>
    tpu.wait_dma2 semaphore(%arg15 : memref<!tpu.dma_semaphore, #tpu.memory_space<semaphore_mem>>) src(%dma_wait3A_1084 : memref<16x128xf32, #tpu.memory_space<hbm>>) dst(%dma_wait3A_1081 : memref<16x128xf32, #tpu.memory_space<vmem>>)
    %dma_wait3A_1085 = arith.constant 32 : i32
    %dma_wait3A_1086 = arith.constant 0 : i32
    %dma_wait3A_1087 = tpu.memref_slice %arg11[%dma_wait3A_1085, %dma_wait3A_1086] : memref<256x128xf32, #tpu.memory_space<vmem>> -> memref<16x128xf32, #tpu.memory_space<vmem>>
    %dma_wait3A_1088 = arith.constant 0 : i32
    %dma_wait3A_1089 = arith.constant 0 : i32
    %dma_wait3A_1090 = tpu.memref_slice %arg4[%dma_wait3A_1088, %dma_wait3A_1089] : memref<250000x128xf32, #tpu.memory_space<hbm>> -> memref<16x128xf32, #tpu.memory_space<hbm>>
    %dma_wait3A_1091 = arith.constant 32 : i32
    %dma_wait3A_1092 = arith.constant 0 : i32
    %dma_wait3A_1093 = tpu.memref_slice %arg11[%dma_wait3A_1091, %dma_wait3A_1092] : memref<256x128xf32, #tpu.memory_space<vmem>> -> memref<16x128xf32, #tpu.memory_space<vmem>>
    %dma_wait3A_1094 = arith.constant 0 : i32
    %dma_wait3A_1095 = arith.constant 0 : i32
    %dma_wait3A_1096 = tpu.memref_slice %arg4[%dma_wait3A_1094, %dma_wait3A_1095] : memref<250000x128xf32, #tpu.memory_space<hbm>> -> memref<16x128xf32, #tpu.memory_space<hbm>>
    tpu.wait_dma2 semaphore(%arg14 : memref<!tpu.dma_semaphore, #tpu.memory_space<semaphore_mem>>) src(%dma_wait3A_1096 : memref<16x128xf32, #tpu.memory_space<hbm>>) dst(%dma_wait3A_1093 : memref<16x128xf32, #tpu.memory_space<vmem>>)
    %dma_wait3A_1097 = arith.constant 32 : i32
    %dma_wait3A_1098 = arith.constant 0 : i32
    %dma_wait3A_1099 = tpu.memref_slice %arg12[%dma_wait3A_1097, %dma_wait3A_1098] : memref<256x128xf32, #tpu.memory_space<vmem>> -> memref<16x128xf32, #tpu.memory_space<vmem>>
    %dma_wait3A_1100 = arith.constant 0 : i32
    %dma_wait3A_1101 = arith.constant 0 : i32
    %dma_wait3A_1102 = tpu.memref_slice %arg5[%dma_wait3A_1100, %dma_wait3A_1101] : memref<250000x128xf32, #tpu.memory_space<hbm>> -> memref<16x128xf32, #tpu.memory_space<hbm>>
    %dma_wait3A_1103 = arith.constant 32 : i32
    %dma_wait3A_1104 = arith.constant 0 : i32
    %dma_wait3A_1105 = tpu.memref_slice %arg12[%dma_wait3A_1103, %dma_wait3A_1104] : memref<256x128xf32, #tpu.memory_space<vmem>> -> memref<16x128xf32, #tpu.memory_space<vmem>>
    %dma_wait3A_1106 = arith.constant 0 : i32
    %dma_wait3A_1107 = arith.constant 0 : i32
    %dma_wait3A_1108 = tpu.memref_slice %arg5[%dma_wait3A_1106, %dma_wait3A_1107] : memref<250000x128xf32, #tpu.memory_space<hbm>> -> memref<16x128xf32, #tpu.memory_space<hbm>>
    tpu.wait_dma2 semaphore(%arg15 : memref<!tpu.dma_semaphore, #tpu.memory_space<semaphore_mem>>) src(%dma_wait3A_1108 : memref<16x128xf32, #tpu.memory_space<hbm>>) dst(%dma_wait3A_1105 : memref<16x128xf32, #tpu.memory_space<vmem>>)
    %dma_wait3A_1109 = arith.constant 48 : i32
    %dma_wait3A_1110 = arith.constant 0 : i32
    %dma_wait3A_1111 = tpu.memref_slice %arg11[%dma_wait3A_1109, %dma_wait3A_1110] : memref<256x128xf32, #tpu.memory_space<vmem>> -> memref<16x128xf32, #tpu.memory_space<vmem>>
    %dma_wait3A_1112 = arith.constant 0 : i32
    %dma_wait3A_1113 = arith.constant 0 : i32
    %dma_wait3A_1114 = tpu.memref_slice %arg4[%dma_wait3A_1112, %dma_wait3A_1113] : memref<250000x128xf32, #tpu.memory_space<hbm>> -> memref<16x128xf32, #tpu.memory_space<hbm>>
    %dma_wait3A_1115 = arith.constant 48 : i32
    %dma_wait3A_1116 = arith.constant 0 : i32
    %dma_wait3A_1117 = tpu.memref_slice %arg11[%dma_wait3A_1115, %dma_wait3A_1116] : memref<256x128xf32, #tpu.memory_space<vmem>> -> memref<16x128xf32, #tpu.memory_space<vmem>>
    %dma_wait3A_1118 = arith.constant 0 : i32
    %dma_wait3A_1119 = arith.constant 0 : i32
    %dma_wait3A_1120 = tpu.memref_slice %arg4[%dma_wait3A_1118, %dma_wait3A_1119] : memref<250000x128xf32, #tpu.memory_space<hbm>> -> memref<16x128xf32, #tpu.memory_space<hbm>>
    tpu.wait_dma2 semaphore(%arg14 : memref<!tpu.dma_semaphore, #tpu.memory_space<semaphore_mem>>) src(%dma_wait3A_1120 : memref<16x128xf32, #tpu.memory_space<hbm>>) dst(%dma_wait3A_1117 : memref<16x128xf32, #tpu.memory_space<vmem>>)
    %dma_wait3A_1121 = arith.constant 48 : i32
    %dma_wait3A_1122 = arith.constant 0 : i32
    %dma_wait3A_1123 = tpu.memref_slice %arg12[%dma_wait3A_1121, %dma_wait3A_1122] : memref<256x128xf32, #tpu.memory_space<vmem>> -> memref<16x128xf32, #tpu.memory_space<vmem>>
    %dma_wait3A_1124 = arith.constant 0 : i32
    %dma_wait3A_1125 = arith.constant 0 : i32
    %dma_wait3A_1126 = tpu.memref_slice %arg5[%dma_wait3A_1124, %dma_wait3A_1125] : memref<250000x128xf32, #tpu.memory_space<hbm>> -> memref<16x128xf32, #tpu.memory_space<hbm>>
    %dma_wait3A_1127 = arith.constant 48 : i32
    %dma_wait3A_1128 = arith.constant 0 : i32
    %dma_wait3A_1129 = tpu.memref_slice %arg12[%dma_wait3A_1127, %dma_wait3A_1128] : memref<256x128xf32, #tpu.memory_space<vmem>> -> memref<16x128xf32, #tpu.memory_space<vmem>>
    %dma_wait3A_1130 = arith.constant 0 : i32
    %dma_wait3A_1131 = arith.constant 0 : i32
    %dma_wait3A_1132 = tpu.memref_slice %arg5[%dma_wait3A_1130, %dma_wait3A_1131] : memref<250000x128xf32, #tpu.memory_space<hbm>> -> memref<16x128xf32, #tpu.memory_space<hbm>>
    tpu.wait_dma2 semaphore(%arg15 : memref<!tpu.dma_semaphore, #tpu.memory_space<semaphore_mem>>) src(%dma_wait3A_1132 : memref<16x128xf32, #tpu.memory_space<hbm>>) dst(%dma_wait3A_1129 : memref<16x128xf32, #tpu.memory_space<vmem>>)
    %dma_wait3A_1133 = arith.constant 64 : i32
    %dma_wait3A_1134 = arith.constant 0 : i32
    %dma_wait3A_1135 = tpu.memref_slice %arg11[%dma_wait3A_1133, %dma_wait3A_1134] : memref<256x128xf32, #tpu.memory_space<vmem>> -> memref<16x128xf32, #tpu.memory_space<vmem>>
    %dma_wait3A_1136 = arith.constant 0 : i32
    %dma_wait3A_1137 = arith.constant 0 : i32
    %dma_wait3A_1138 = tpu.memref_slice %arg4[%dma_wait3A_1136, %dma_wait3A_1137] : memref<250000x128xf32, #tpu.memory_space<hbm>> -> memref<16x128xf32, #tpu.memory_space<hbm>>
    %dma_wait3A_1139 = arith.constant 64 : i32
    %dma_wait3A_1140 = arith.constant 0 : i32
    %dma_wait3A_1141 = tpu.memref_slice %arg11[%dma_wait3A_1139, %dma_wait3A_1140] : memref<256x128xf32, #tpu.memory_space<vmem>> -> memref<16x128xf32, #tpu.memory_space<vmem>>
    %dma_wait3A_1142 = arith.constant 0 : i32
    %dma_wait3A_1143 = arith.constant 0 : i32
    %dma_wait3A_1144 = tpu.memref_slice %arg4[%dma_wait3A_1142, %dma_wait3A_1143] : memref<250000x128xf32, #tpu.memory_space<hbm>> -> memref<16x128xf32, #tpu.memory_space<hbm>>
    tpu.wait_dma2 semaphore(%arg14 : memref<!tpu.dma_semaphore, #tpu.memory_space<semaphore_mem>>) src(%dma_wait3A_1144 : memref<16x128xf32, #tpu.memory_space<hbm>>) dst(%dma_wait3A_1141 : memref<16x128xf32, #tpu.memory_space<vmem>>)
    %dma_wait3A_1145 = arith.constant 64 : i32
    %dma_wait3A_1146 = arith.constant 0 : i32
    %dma_wait3A_1147 = tpu.memref_slice %arg12[%dma_wait3A_1145, %dma_wait3A_1146] : memref<256x128xf32, #tpu.memory_space<vmem>> -> memref<16x128xf32, #tpu.memory_space<vmem>>
    %dma_wait3A_1148 = arith.constant 0 : i32
    %dma_wait3A_1149 = arith.constant 0 : i32
    %dma_wait3A_1150 = tpu.memref_slice %arg5[%dma_wait3A_1148, %dma_wait3A_1149] : memref<250000x128xf32, #tpu.memory_space<hbm>> -> memref<16x128xf32, #tpu.memory_space<hbm>>
    %dma_wait3A_1151 = arith.constant 64 : i32
    %dma_wait3A_1152 = arith.constant 0 : i32
    %dma_wait3A_1153 = tpu.memref_slice %arg12[%dma_wait3A_1151, %dma_wait3A_1152] : memref<256x128xf32, #tpu.memory_space<vmem>> -> memref<16x128xf32, #tpu.memory_space<vmem>>
    %dma_wait3A_1154 = arith.constant 0 : i32
    %dma_wait3A_1155 = arith.constant 0 : i32
    %dma_wait3A_1156 = tpu.memref_slice %arg5[%dma_wait3A_1154, %dma_wait3A_1155] : memref<250000x128xf32, #tpu.memory_space<hbm>> -> memref<16x128xf32, #tpu.memory_space<hbm>>
    tpu.wait_dma2 semaphore(%arg15 : memref<!tpu.dma_semaphore, #tpu.memory_space<semaphore_mem>>) src(%dma_wait3A_1156 : memref<16x128xf32, #tpu.memory_space<hbm>>) dst(%dma_wait3A_1153 : memref<16x128xf32, #tpu.memory_space<vmem>>)
    %dma_wait3A_1157 = arith.constant 80 : i32
    %dma_wait3A_1158 = arith.constant 0 : i32
    %dma_wait3A_1159 = tpu.memref_slice %arg11[%dma_wait3A_1157, %dma_wait3A_1158] : memref<256x128xf32, #tpu.memory_space<vmem>> -> memref<16x128xf32, #tpu.memory_space<vmem>>
    %dma_wait3A_1160 = arith.constant 0 : i32
    %dma_wait3A_1161 = arith.constant 0 : i32
    %dma_wait3A_1162 = tpu.memref_slice %arg4[%dma_wait3A_1160, %dma_wait3A_1161] : memref<250000x128xf32, #tpu.memory_space<hbm>> -> memref<16x128xf32, #tpu.memory_space<hbm>>
    %dma_wait3A_1163 = arith.constant 80 : i32
    %dma_wait3A_1164 = arith.constant 0 : i32
    %dma_wait3A_1165 = tpu.memref_slice %arg11[%dma_wait3A_1163, %dma_wait3A_1164] : memref<256x128xf32, #tpu.memory_space<vmem>> -> memref<16x128xf32, #tpu.memory_space<vmem>>
    %dma_wait3A_1166 = arith.constant 0 : i32
    %dma_wait3A_1167 = arith.constant 0 : i32
    %dma_wait3A_1168 = tpu.memref_slice %arg4[%dma_wait3A_1166, %dma_wait3A_1167] : memref<250000x128xf32, #tpu.memory_space<hbm>> -> memref<16x128xf32, #tpu.memory_space<hbm>>
    tpu.wait_dma2 semaphore(%arg14 : memref<!tpu.dma_semaphore, #tpu.memory_space<semaphore_mem>>) src(%dma_wait3A_1168 : memref<16x128xf32, #tpu.memory_space<hbm>>) dst(%dma_wait3A_1165 : memref<16x128xf32, #tpu.memory_space<vmem>>)
    %dma_wait3A_1169 = arith.constant 80 : i32
    %dma_wait3A_1170 = arith.constant 0 : i32
    %dma_wait3A_1171 = tpu.memref_slice %arg12[%dma_wait3A_1169, %dma_wait3A_1170] : memref<256x128xf32, #tpu.memory_space<vmem>> -> memref<16x128xf32, #tpu.memory_space<vmem>>
    %dma_wait3A_1172 = arith.constant 0 : i32
    %dma_wait3A_1173 = arith.constant 0 : i32
    %dma_wait3A_1174 = tpu.memref_slice %arg5[%dma_wait3A_1172, %dma_wait3A_1173] : memref<250000x128xf32, #tpu.memory_space<hbm>> -> memref<16x128xf32, #tpu.memory_space<hbm>>
    %dma_wait3A_1175 = arith.constant 80 : i32
    %dma_wait3A_1176 = arith.constant 0 : i32
    %dma_wait3A_1177 = tpu.memref_slice %arg12[%dma_wait3A_1175, %dma_wait3A_1176] : memref<256x128xf32, #tpu.memory_space<vmem>> -> memref<16x128xf32, #tpu.memory_space<vmem>>
    %dma_wait3A_1178 = arith.constant 0 : i32
    %dma_wait3A_1179 = arith.constant 0 : i32
    %dma_wait3A_1180 = tpu.memref_slice %arg5[%dma_wait3A_1178, %dma_wait3A_1179] : memref<250000x128xf32, #tpu.memory_space<hbm>> -> memref<16x128xf32, #tpu.memory_space<hbm>>
    tpu.wait_dma2 semaphore(%arg15 : memref<!tpu.dma_semaphore, #tpu.memory_space<semaphore_mem>>) src(%dma_wait3A_1180 : memref<16x128xf32, #tpu.memory_space<hbm>>) dst(%dma_wait3A_1177 : memref<16x128xf32, #tpu.memory_space<vmem>>)
    %dma_wait3A_1181 = arith.constant 96 : i32
    %dma_wait3A_1182 = arith.constant 0 : i32
    %dma_wait3A_1183 = tpu.memref_slice %arg11[%dma_wait3A_1181, %dma_wait3A_1182] : memref<256x128xf32, #tpu.memory_space<vmem>> -> memref<16x128xf32, #tpu.memory_space<vmem>>
    %dma_wait3A_1184 = arith.constant 0 : i32
    %dma_wait3A_1185 = arith.constant 0 : i32
    %dma_wait3A_1186 = tpu.memref_slice %arg4[%dma_wait3A_1184, %dma_wait3A_1185] : memref<250000x128xf32, #tpu.memory_space<hbm>> -> memref<16x128xf32, #tpu.memory_space<hbm>>
    %dma_wait3A_1187 = arith.constant 96 : i32
    %dma_wait3A_1188 = arith.constant 0 : i32
    %dma_wait3A_1189 = tpu.memref_slice %arg11[%dma_wait3A_1187, %dma_wait3A_1188] : memref<256x128xf32, #tpu.memory_space<vmem>> -> memref<16x128xf32, #tpu.memory_space<vmem>>
    %dma_wait3A_1190 = arith.constant 0 : i32
    %dma_wait3A_1191 = arith.constant 0 : i32
    %dma_wait3A_1192 = tpu.memref_slice %arg4[%dma_wait3A_1190, %dma_wait3A_1191] : memref<250000x128xf32, #tpu.memory_space<hbm>> -> memref<16x128xf32, #tpu.memory_space<hbm>>
    tpu.wait_dma2 semaphore(%arg14 : memref<!tpu.dma_semaphore, #tpu.memory_space<semaphore_mem>>) src(%dma_wait3A_1192 : memref<16x128xf32, #tpu.memory_space<hbm>>) dst(%dma_wait3A_1189 : memref<16x128xf32, #tpu.memory_space<vmem>>)
    %dma_wait3A_1193 = arith.constant 96 : i32
    %dma_wait3A_1194 = arith.constant 0 : i32
    %dma_wait3A_1195 = tpu.memref_slice %arg12[%dma_wait3A_1193, %dma_wait3A_1194] : memref<256x128xf32, #tpu.memory_space<vmem>> -> memref<16x128xf32, #tpu.memory_space<vmem>>
    %dma_wait3A_1196 = arith.constant 0 : i32
    %dma_wait3A_1197 = arith.constant 0 : i32
    %dma_wait3A_1198 = tpu.memref_slice %arg5[%dma_wait3A_1196, %dma_wait3A_1197] : memref<250000x128xf32, #tpu.memory_space<hbm>> -> memref<16x128xf32, #tpu.memory_space<hbm>>
    %dma_wait3A_1199 = arith.constant 96 : i32
    %dma_wait3A_1200 = arith.constant 0 : i32
    %dma_wait3A_1201 = tpu.memref_slice %arg12[%dma_wait3A_1199, %dma_wait3A_1200] : memref<256x128xf32, #tpu.memory_space<vmem>> -> memref<16x128xf32, #tpu.memory_space<vmem>>
    %dma_wait3A_1202 = arith.constant 0 : i32
    %dma_wait3A_1203 = arith.constant 0 : i32
    %dma_wait3A_1204 = tpu.memref_slice %arg5[%dma_wait3A_1202, %dma_wait3A_1203] : memref<250000x128xf32, #tpu.memory_space<hbm>> -> memref<16x128xf32, #tpu.memory_space<hbm>>
    tpu.wait_dma2 semaphore(%arg15 : memref<!tpu.dma_semaphore, #tpu.memory_space<semaphore_mem>>) src(%dma_wait3A_1204 : memref<16x128xf32, #tpu.memory_space<hbm>>) dst(%dma_wait3A_1201 : memref<16x128xf32, #tpu.memory_space<vmem>>)
    %dma_wait3A_1205 = arith.constant 112 : i32
    %dma_wait3A_1206 = arith.constant 0 : i32
    %dma_wait3A_1207 = tpu.memref_slice %arg11[%dma_wait3A_1205, %dma_wait3A_1206] : memref<256x128xf32, #tpu.memory_space<vmem>> -> memref<16x128xf32, #tpu.memory_space<vmem>>
    %dma_wait3A_1208 = arith.constant 0 : i32
    %dma_wait3A_1209 = arith.constant 0 : i32
    %dma_wait3A_1210 = tpu.memref_slice %arg4[%dma_wait3A_1208, %dma_wait3A_1209] : memref<250000x128xf32, #tpu.memory_space<hbm>> -> memref<16x128xf32, #tpu.memory_space<hbm>>
    %dma_wait3A_1211 = arith.constant 112 : i32
    %dma_wait3A_1212 = arith.constant 0 : i32
    %dma_wait3A_1213 = tpu.memref_slice %arg11[%dma_wait3A_1211, %dma_wait3A_1212] : memref<256x128xf32, #tpu.memory_space<vmem>> -> memref<16x128xf32, #tpu.memory_space<vmem>>
    %dma_wait3A_1214 = arith.constant 0 : i32
    %dma_wait3A_1215 = arith.constant 0 : i32
    %dma_wait3A_1216 = tpu.memref_slice %arg4[%dma_wait3A_1214, %dma_wait3A_1215] : memref<250000x128xf32, #tpu.memory_space<hbm>> -> memref<16x128xf32, #tpu.memory_space<hbm>>
    tpu.wait_dma2 semaphore(%arg14 : memref<!tpu.dma_semaphore, #tpu.memory_space<semaphore_mem>>) src(%dma_wait3A_1216 : memref<16x128xf32, #tpu.memory_space<hbm>>) dst(%dma_wait3A_1213 : memref<16x128xf32, #tpu.memory_space<vmem>>)
    %dma_wait3A_1217 = arith.constant 112 : i32
    %dma_wait3A_1218 = arith.constant 0 : i32
    %dma_wait3A_1219 = tpu.memref_slice %arg12[%dma_wait3A_1217, %dma_wait3A_1218] : memref<256x128xf32, #tpu.memory_space<vmem>> -> memref<16x128xf32, #tpu.memory_space<vmem>>
    %dma_wait3A_1220 = arith.constant 0 : i32
    %dma_wait3A_1221 = arith.constant 0 : i32
    %dma_wait3A_1222 = tpu.memref_slice %arg5[%dma_wait3A_1220, %dma_wait3A_1221] : memref<250000x128xf32, #tpu.memory_space<hbm>> -> memref<16x128xf32, #tpu.memory_space<hbm>>
    %dma_wait3A_1223 = arith.constant 112 : i32
    %dma_wait3A_1224 = arith.constant 0 : i32
    %dma_wait3A_1225 = tpu.memref_slice %arg12[%dma_wait3A_1223, %dma_wait3A_1224] : memref<256x128xf32, #tpu.memory_space<vmem>> -> memref<16x128xf32, #tpu.memory_space<vmem>>
    %dma_wait3A_1226 = arith.constant 0 : i32
    %dma_wait3A_1227 = arith.constant 0 : i32
    %dma_wait3A_1228 = tpu.memref_slice %arg5[%dma_wait3A_1226, %dma_wait3A_1227] : memref<250000x128xf32, #tpu.memory_space<hbm>> -> memref<16x128xf32, #tpu.memory_space<hbm>>
    tpu.wait_dma2 semaphore(%arg15 : memref<!tpu.dma_semaphore, #tpu.memory_space<semaphore_mem>>) src(%dma_wait3A_1228 : memref<16x128xf32, #tpu.memory_space<hbm>>) dst(%dma_wait3A_1225 : memref<16x128xf32, #tpu.memory_space<vmem>>)
    %dma_wait3A_1229 = arith.constant 128 : i32
    %dma_wait3A_1230 = arith.constant 0 : i32
    %dma_wait3A_1231 = tpu.memref_slice %arg11[%dma_wait3A_1229, %dma_wait3A_1230] : memref<256x128xf32, #tpu.memory_space<vmem>> -> memref<16x128xf32, #tpu.memory_space<vmem>>
    %dma_wait3A_1232 = arith.constant 0 : i32
    %dma_wait3A_1233 = arith.constant 0 : i32
    %dma_wait3A_1234 = tpu.memref_slice %arg4[%dma_wait3A_1232, %dma_wait3A_1233] : memref<250000x128xf32, #tpu.memory_space<hbm>> -> memref<16x128xf32, #tpu.memory_space<hbm>>
    %dma_wait3A_1235 = arith.constant 128 : i32
    %dma_wait3A_1236 = arith.constant 0 : i32
    %dma_wait3A_1237 = tpu.memref_slice %arg11[%dma_wait3A_1235, %dma_wait3A_1236] : memref<256x128xf32, #tpu.memory_space<vmem>> -> memref<16x128xf32, #tpu.memory_space<vmem>>
    %dma_wait3A_1238 = arith.constant 0 : i32
    %dma_wait3A_1239 = arith.constant 0 : i32
    %dma_wait3A_1240 = tpu.memref_slice %arg4[%dma_wait3A_1238, %dma_wait3A_1239] : memref<250000x128xf32, #tpu.memory_space<hbm>> -> memref<16x128xf32, #tpu.memory_space<hbm>>
    tpu.wait_dma2 semaphore(%arg14 : memref<!tpu.dma_semaphore, #tpu.memory_space<semaphore_mem>>) src(%dma_wait3A_1240 : memref<16x128xf32, #tpu.memory_space<hbm>>) dst(%dma_wait3A_1237 : memref<16x128xf32, #tpu.memory_space<vmem>>)
    %dma_wait3A_1241 = arith.constant 128 : i32
    %dma_wait3A_1242 = arith.constant 0 : i32
    %dma_wait3A_1243 = tpu.memref_slice %arg12[%dma_wait3A_1241, %dma_wait3A_1242] : memref<256x128xf32, #tpu.memory_space<vmem>> -> memref<16x128xf32, #tpu.memory_space<vmem>>
    %dma_wait3A_1244 = arith.constant 0 : i32
    %dma_wait3A_1245 = arith.constant 0 : i32
    %dma_wait3A_1246 = tpu.memref_slice %arg5[%dma_wait3A_1244, %dma_wait3A_1245] : memref<250000x128xf32, #tpu.memory_space<hbm>> -> memref<16x128xf32, #tpu.memory_space<hbm>>
    %dma_wait3A_1247 = arith.constant 128 : i32
    %dma_wait3A_1248 = arith.constant 0 : i32
    %dma_wait3A_1249 = tpu.memref_slice %arg12[%dma_wait3A_1247, %dma_wait3A_1248] : memref<256x128xf32, #tpu.memory_space<vmem>> -> memref<16x128xf32, #tpu.memory_space<vmem>>
    %dma_wait3A_1250 = arith.constant 0 : i32
    %dma_wait3A_1251 = arith.constant 0 : i32
    %dma_wait3A_1252 = tpu.memref_slice %arg5[%dma_wait3A_1250, %dma_wait3A_1251] : memref<250000x128xf32, #tpu.memory_space<hbm>> -> memref<16x128xf32, #tpu.memory_space<hbm>>
    tpu.wait_dma2 semaphore(%arg15 : memref<!tpu.dma_semaphore, #tpu.memory_space<semaphore_mem>>) src(%dma_wait3A_1252 : memref<16x128xf32, #tpu.memory_space<hbm>>) dst(%dma_wait3A_1249 : memref<16x128xf32, #tpu.memory_space<vmem>>)
    %dma_wait3A_1253 = arith.constant 144 : i32
    %dma_wait3A_1254 = arith.constant 0 : i32
    %dma_wait3A_1255 = tpu.memref_slice %arg11[%dma_wait3A_1253, %dma_wait3A_1254] : memref<256x128xf32, #tpu.memory_space<vmem>> -> memref<16x128xf32, #tpu.memory_space<vmem>>
    %dma_wait3A_1256 = arith.constant 0 : i32
    %dma_wait3A_1257 = arith.constant 0 : i32
    %dma_wait3A_1258 = tpu.memref_slice %arg4[%dma_wait3A_1256, %dma_wait3A_1257] : memref<250000x128xf32, #tpu.memory_space<hbm>> -> memref<16x128xf32, #tpu.memory_space<hbm>>
    %dma_wait3A_1259 = arith.constant 144 : i32
    %dma_wait3A_1260 = arith.constant 0 : i32
    %dma_wait3A_1261 = tpu.memref_slice %arg11[%dma_wait3A_1259, %dma_wait3A_1260] : memref<256x128xf32, #tpu.memory_space<vmem>> -> memref<16x128xf32, #tpu.memory_space<vmem>>
    %dma_wait3A_1262 = arith.constant 0 : i32
    %dma_wait3A_1263 = arith.constant 0 : i32
    %dma_wait3A_1264 = tpu.memref_slice %arg4[%dma_wait3A_1262, %dma_wait3A_1263] : memref<250000x128xf32, #tpu.memory_space<hbm>> -> memref<16x128xf32, #tpu.memory_space<hbm>>
    tpu.wait_dma2 semaphore(%arg14 : memref<!tpu.dma_semaphore, #tpu.memory_space<semaphore_mem>>) src(%dma_wait3A_1264 : memref<16x128xf32, #tpu.memory_space<hbm>>) dst(%dma_wait3A_1261 : memref<16x128xf32, #tpu.memory_space<vmem>>)
    %dma_wait3A_1265 = arith.constant 144 : i32
    %dma_wait3A_1266 = arith.constant 0 : i32
    %dma_wait3A_1267 = tpu.memref_slice %arg12[%dma_wait3A_1265, %dma_wait3A_1266] : memref<256x128xf32, #tpu.memory_space<vmem>> -> memref<16x128xf32, #tpu.memory_space<vmem>>
    %dma_wait3A_1268 = arith.constant 0 : i32
    %dma_wait3A_1269 = arith.constant 0 : i32
    %dma_wait3A_1270 = tpu.memref_slice %arg5[%dma_wait3A_1268, %dma_wait3A_1269] : memref<250000x128xf32, #tpu.memory_space<hbm>> -> memref<16x128xf32, #tpu.memory_space<hbm>>
    %dma_wait3A_1271 = arith.constant 144 : i32
    %dma_wait3A_1272 = arith.constant 0 : i32
    %dma_wait3A_1273 = tpu.memref_slice %arg12[%dma_wait3A_1271, %dma_wait3A_1272] : memref<256x128xf32, #tpu.memory_space<vmem>> -> memref<16x128xf32, #tpu.memory_space<vmem>>
    %dma_wait3A_1274 = arith.constant 0 : i32
    %dma_wait3A_1275 = arith.constant 0 : i32
    %dma_wait3A_1276 = tpu.memref_slice %arg5[%dma_wait3A_1274, %dma_wait3A_1275] : memref<250000x128xf32, #tpu.memory_space<hbm>> -> memref<16x128xf32, #tpu.memory_space<hbm>>
    tpu.wait_dma2 semaphore(%arg15 : memref<!tpu.dma_semaphore, #tpu.memory_space<semaphore_mem>>) src(%dma_wait3A_1276 : memref<16x128xf32, #tpu.memory_space<hbm>>) dst(%dma_wait3A_1273 : memref<16x128xf32, #tpu.memory_space<vmem>>)
    %dma_wait3A_1277 = arith.constant 160 : i32
    %dma_wait3A_1278 = arith.constant 0 : i32
    %dma_wait3A_1279 = tpu.memref_slice %arg11[%dma_wait3A_1277, %dma_wait3A_1278] : memref<256x128xf32, #tpu.memory_space<vmem>> -> memref<16x128xf32, #tpu.memory_space<vmem>>
    %dma_wait3A_1280 = arith.constant 0 : i32
    %dma_wait3A_1281 = arith.constant 0 : i32
    %dma_wait3A_1282 = tpu.memref_slice %arg4[%dma_wait3A_1280, %dma_wait3A_1281] : memref<250000x128xf32, #tpu.memory_space<hbm>> -> memref<16x128xf32, #tpu.memory_space<hbm>>
    %dma_wait3A_1283 = arith.constant 160 : i32
    %dma_wait3A_1284 = arith.constant 0 : i32
    %dma_wait3A_1285 = tpu.memref_slice %arg11[%dma_wait3A_1283, %dma_wait3A_1284] : memref<256x128xf32, #tpu.memory_space<vmem>> -> memref<16x128xf32, #tpu.memory_space<vmem>>
    %dma_wait3A_1286 = arith.constant 0 : i32
    %dma_wait3A_1287 = arith.constant 0 : i32
    %dma_wait3A_1288 = tpu.memref_slice %arg4[%dma_wait3A_1286, %dma_wait3A_1287] : memref<250000x128xf32, #tpu.memory_space<hbm>> -> memref<16x128xf32, #tpu.memory_space<hbm>>
    tpu.wait_dma2 semaphore(%arg14 : memref<!tpu.dma_semaphore, #tpu.memory_space<semaphore_mem>>) src(%dma_wait3A_1288 : memref<16x128xf32, #tpu.memory_space<hbm>>) dst(%dma_wait3A_1285 : memref<16x128xf32, #tpu.memory_space<vmem>>)
    %dma_wait3A_1289 = arith.constant 160 : i32
    %dma_wait3A_1290 = arith.constant 0 : i32
    %dma_wait3A_1291 = tpu.memref_slice %arg12[%dma_wait3A_1289, %dma_wait3A_1290] : memref<256x128xf32, #tpu.memory_space<vmem>> -> memref<16x128xf32, #tpu.memory_space<vmem>>
    %dma_wait3A_1292 = arith.constant 0 : i32
    %dma_wait3A_1293 = arith.constant 0 : i32
    %dma_wait3A_1294 = tpu.memref_slice %arg5[%dma_wait3A_1292, %dma_wait3A_1293] : memref<250000x128xf32, #tpu.memory_space<hbm>> -> memref<16x128xf32, #tpu.memory_space<hbm>>
    %dma_wait3A_1295 = arith.constant 160 : i32
    %dma_wait3A_1296 = arith.constant 0 : i32
    %dma_wait3A_1297 = tpu.memref_slice %arg12[%dma_wait3A_1295, %dma_wait3A_1296] : memref<256x128xf32, #tpu.memory_space<vmem>> -> memref<16x128xf32, #tpu.memory_space<vmem>>
    %dma_wait3A_1298 = arith.constant 0 : i32
    %dma_wait3A_1299 = arith.constant 0 : i32
    %dma_wait3A_1300 = tpu.memref_slice %arg5[%dma_wait3A_1298, %dma_wait3A_1299] : memref<250000x128xf32, #tpu.memory_space<hbm>> -> memref<16x128xf32, #tpu.memory_space<hbm>>
    tpu.wait_dma2 semaphore(%arg15 : memref<!tpu.dma_semaphore, #tpu.memory_space<semaphore_mem>>) src(%dma_wait3A_1300 : memref<16x128xf32, #tpu.memory_space<hbm>>) dst(%dma_wait3A_1297 : memref<16x128xf32, #tpu.memory_space<vmem>>)
    %dma_wait3A_1301 = arith.constant 176 : i32
    %dma_wait3A_1302 = arith.constant 0 : i32
    %dma_wait3A_1303 = tpu.memref_slice %arg11[%dma_wait3A_1301, %dma_wait3A_1302] : memref<256x128xf32, #tpu.memory_space<vmem>> -> memref<16x128xf32, #tpu.memory_space<vmem>>
    %dma_wait3A_1304 = arith.constant 0 : i32
    %dma_wait3A_1305 = arith.constant 0 : i32
    %dma_wait3A_1306 = tpu.memref_slice %arg4[%dma_wait3A_1304, %dma_wait3A_1305] : memref<250000x128xf32, #tpu.memory_space<hbm>> -> memref<16x128xf32, #tpu.memory_space<hbm>>
    %dma_wait3A_1307 = arith.constant 176 : i32
    %dma_wait3A_1308 = arith.constant 0 : i32
    %dma_wait3A_1309 = tpu.memref_slice %arg11[%dma_wait3A_1307, %dma_wait3A_1308] : memref<256x128xf32, #tpu.memory_space<vmem>> -> memref<16x128xf32, #tpu.memory_space<vmem>>
    %dma_wait3A_1310 = arith.constant 0 : i32
    %dma_wait3A_1311 = arith.constant 0 : i32
    %dma_wait3A_1312 = tpu.memref_slice %arg4[%dma_wait3A_1310, %dma_wait3A_1311] : memref<250000x128xf32, #tpu.memory_space<hbm>> -> memref<16x128xf32, #tpu.memory_space<hbm>>
    tpu.wait_dma2 semaphore(%arg14 : memref<!tpu.dma_semaphore, #tpu.memory_space<semaphore_mem>>) src(%dma_wait3A_1312 : memref<16x128xf32, #tpu.memory_space<hbm>>) dst(%dma_wait3A_1309 : memref<16x128xf32, #tpu.memory_space<vmem>>)
    %dma_wait3A_1313 = arith.constant 176 : i32
    %dma_wait3A_1314 = arith.constant 0 : i32
    %dma_wait3A_1315 = tpu.memref_slice %arg12[%dma_wait3A_1313, %dma_wait3A_1314] : memref<256x128xf32, #tpu.memory_space<vmem>> -> memref<16x128xf32, #tpu.memory_space<vmem>>
    %dma_wait3A_1316 = arith.constant 0 : i32
    %dma_wait3A_1317 = arith.constant 0 : i32
    %dma_wait3A_1318 = tpu.memref_slice %arg5[%dma_wait3A_1316, %dma_wait3A_1317] : memref<250000x128xf32, #tpu.memory_space<hbm>> -> memref<16x128xf32, #tpu.memory_space<hbm>>
    %dma_wait3A_1319 = arith.constant 176 : i32
    %dma_wait3A_1320 = arith.constant 0 : i32
    %dma_wait3A_1321 = tpu.memref_slice %arg12[%dma_wait3A_1319, %dma_wait3A_1320] : memref<256x128xf32, #tpu.memory_space<vmem>> -> memref<16x128xf32, #tpu.memory_space<vmem>>
    %dma_wait3A_1322 = arith.constant 0 : i32
    %dma_wait3A_1323 = arith.constant 0 : i32
    %dma_wait3A_1324 = tpu.memref_slice %arg5[%dma_wait3A_1322, %dma_wait3A_1323] : memref<250000x128xf32, #tpu.memory_space<hbm>> -> memref<16x128xf32, #tpu.memory_space<hbm>>
    tpu.wait_dma2 semaphore(%arg15 : memref<!tpu.dma_semaphore, #tpu.memory_space<semaphore_mem>>) src(%dma_wait3A_1324 : memref<16x128xf32, #tpu.memory_space<hbm>>) dst(%dma_wait3A_1321 : memref<16x128xf32, #tpu.memory_space<vmem>>)
    %dma_wait3A_1325 = arith.constant 192 : i32
    %dma_wait3A_1326 = arith.constant 0 : i32
    %dma_wait3A_1327 = tpu.memref_slice %arg11[%dma_wait3A_1325, %dma_wait3A_1326] : memref<256x128xf32, #tpu.memory_space<vmem>> -> memref<16x128xf32, #tpu.memory_space<vmem>>
    %dma_wait3A_1328 = arith.constant 0 : i32
    %dma_wait3A_1329 = arith.constant 0 : i32
    %dma_wait3A_1330 = tpu.memref_slice %arg4[%dma_wait3A_1328, %dma_wait3A_1329] : memref<250000x128xf32, #tpu.memory_space<hbm>> -> memref<16x128xf32, #tpu.memory_space<hbm>>
    %dma_wait3A_1331 = arith.constant 192 : i32
    %dma_wait3A_1332 = arith.constant 0 : i32
    %dma_wait3A_1333 = tpu.memref_slice %arg11[%dma_wait3A_1331, %dma_wait3A_1332] : memref<256x128xf32, #tpu.memory_space<vmem>> -> memref<16x128xf32, #tpu.memory_space<vmem>>
    %dma_wait3A_1334 = arith.constant 0 : i32
    %dma_wait3A_1335 = arith.constant 0 : i32
    %dma_wait3A_1336 = tpu.memref_slice %arg4[%dma_wait3A_1334, %dma_wait3A_1335] : memref<250000x128xf32, #tpu.memory_space<hbm>> -> memref<16x128xf32, #tpu.memory_space<hbm>>
    tpu.wait_dma2 semaphore(%arg14 : memref<!tpu.dma_semaphore, #tpu.memory_space<semaphore_mem>>) src(%dma_wait3A_1336 : memref<16x128xf32, #tpu.memory_space<hbm>>) dst(%dma_wait3A_1333 : memref<16x128xf32, #tpu.memory_space<vmem>>)
    %dma_wait3A_1337 = arith.constant 192 : i32
    %dma_wait3A_1338 = arith.constant 0 : i32
    %dma_wait3A_1339 = tpu.memref_slice %arg12[%dma_wait3A_1337, %dma_wait3A_1338] : memref<256x128xf32, #tpu.memory_space<vmem>> -> memref<16x128xf32, #tpu.memory_space<vmem>>
    %dma_wait3A_1340 = arith.constant 0 : i32
    %dma_wait3A_1341 = arith.constant 0 : i32
    %dma_wait3A_1342 = tpu.memref_slice %arg5[%dma_wait3A_1340, %dma_wait3A_1341] : memref<250000x128xf32, #tpu.memory_space<hbm>> -> memref<16x128xf32, #tpu.memory_space<hbm>>
    %dma_wait3A_1343 = arith.constant 192 : i32
    %dma_wait3A_1344 = arith.constant 0 : i32
    %dma_wait3A_1345 = tpu.memref_slice %arg12[%dma_wait3A_1343, %dma_wait3A_1344] : memref<256x128xf32, #tpu.memory_space<vmem>> -> memref<16x128xf32, #tpu.memory_space<vmem>>
    %dma_wait3A_1346 = arith.constant 0 : i32
    %dma_wait3A_1347 = arith.constant 0 : i32
    %dma_wait3A_1348 = tpu.memref_slice %arg5[%dma_wait3A_1346, %dma_wait3A_1347] : memref<250000x128xf32, #tpu.memory_space<hbm>> -> memref<16x128xf32, #tpu.memory_space<hbm>>
    tpu.wait_dma2 semaphore(%arg15 : memref<!tpu.dma_semaphore, #tpu.memory_space<semaphore_mem>>) src(%dma_wait3A_1348 : memref<16x128xf32, #tpu.memory_space<hbm>>) dst(%dma_wait3A_1345 : memref<16x128xf32, #tpu.memory_space<vmem>>)
    %dma_wait3A_1349 = arith.constant 208 : i32
    %dma_wait3A_1350 = arith.constant 0 : i32
    %dma_wait3A_1351 = tpu.memref_slice %arg11[%dma_wait3A_1349, %dma_wait3A_1350] : memref<256x128xf32, #tpu.memory_space<vmem>> -> memref<16x128xf32, #tpu.memory_space<vmem>>
    %dma_wait3A_1352 = arith.constant 0 : i32
    %dma_wait3A_1353 = arith.constant 0 : i32
    %dma_wait3A_1354 = tpu.memref_slice %arg4[%dma_wait3A_1352, %dma_wait3A_1353] : memref<250000x128xf32, #tpu.memory_space<hbm>> -> memref<16x128xf32, #tpu.memory_space<hbm>>
    %dma_wait3A_1355 = arith.constant 208 : i32
    %dma_wait3A_1356 = arith.constant 0 : i32
    %dma_wait3A_1357 = tpu.memref_slice %arg11[%dma_wait3A_1355, %dma_wait3A_1356] : memref<256x128xf32, #tpu.memory_space<vmem>> -> memref<16x128xf32, #tpu.memory_space<vmem>>
    %dma_wait3A_1358 = arith.constant 0 : i32
    %dma_wait3A_1359 = arith.constant 0 : i32
    %dma_wait3A_1360 = tpu.memref_slice %arg4[%dma_wait3A_1358, %dma_wait3A_1359] : memref<250000x128xf32, #tpu.memory_space<hbm>> -> memref<16x128xf32, #tpu.memory_space<hbm>>
    tpu.wait_dma2 semaphore(%arg14 : memref<!tpu.dma_semaphore, #tpu.memory_space<semaphore_mem>>) src(%dma_wait3A_1360 : memref<16x128xf32, #tpu.memory_space<hbm>>) dst(%dma_wait3A_1357 : memref<16x128xf32, #tpu.memory_space<vmem>>)
    %dma_wait3A_1361 = arith.constant 208 : i32
    %dma_wait3A_1362 = arith.constant 0 : i32
    %dma_wait3A_1363 = tpu.memref_slice %arg12[%dma_wait3A_1361, %dma_wait3A_1362] : memref<256x128xf32, #tpu.memory_space<vmem>> -> memref<16x128xf32, #tpu.memory_space<vmem>>
    %dma_wait3A_1364 = arith.constant 0 : i32
    %dma_wait3A_1365 = arith.constant 0 : i32
    %dma_wait3A_1366 = tpu.memref_slice %arg5[%dma_wait3A_1364, %dma_wait3A_1365] : memref<250000x128xf32, #tpu.memory_space<hbm>> -> memref<16x128xf32, #tpu.memory_space<hbm>>
    %dma_wait3A_1367 = arith.constant 208 : i32
    %dma_wait3A_1368 = arith.constant 0 : i32
    %dma_wait3A_1369 = tpu.memref_slice %arg12[%dma_wait3A_1367, %dma_wait3A_1368] : memref<256x128xf32, #tpu.memory_space<vmem>> -> memref<16x128xf32, #tpu.memory_space<vmem>>
    %dma_wait3A_1370 = arith.constant 0 : i32
    %dma_wait3A_1371 = arith.constant 0 : i32
    %dma_wait3A_1372 = tpu.memref_slice %arg5[%dma_wait3A_1370, %dma_wait3A_1371] : memref<250000x128xf32, #tpu.memory_space<hbm>> -> memref<16x128xf32, #tpu.memory_space<hbm>>
    tpu.wait_dma2 semaphore(%arg15 : memref<!tpu.dma_semaphore, #tpu.memory_space<semaphore_mem>>) src(%dma_wait3A_1372 : memref<16x128xf32, #tpu.memory_space<hbm>>) dst(%dma_wait3A_1369 : memref<16x128xf32, #tpu.memory_space<vmem>>)
    %dma_wait3A_1373 = arith.constant 224 : i32
    %dma_wait3A_1374 = arith.constant 0 : i32
    %dma_wait3A_1375 = tpu.memref_slice %arg11[%dma_wait3A_1373, %dma_wait3A_1374] : memref<256x128xf32, #tpu.memory_space<vmem>> -> memref<16x128xf32, #tpu.memory_space<vmem>>
    %dma_wait3A_1376 = arith.constant 0 : i32
    %dma_wait3A_1377 = arith.constant 0 : i32
    %dma_wait3A_1378 = tpu.memref_slice %arg4[%dma_wait3A_1376, %dma_wait3A_1377] : memref<250000x128xf32, #tpu.memory_space<hbm>> -> memref<16x128xf32, #tpu.memory_space<hbm>>
    %dma_wait3A_1379 = arith.constant 224 : i32
    %dma_wait3A_1380 = arith.constant 0 : i32
    %dma_wait3A_1381 = tpu.memref_slice %arg11[%dma_wait3A_1379, %dma_wait3A_1380] : memref<256x128xf32, #tpu.memory_space<vmem>> -> memref<16x128xf32, #tpu.memory_space<vmem>>
    %dma_wait3A_1382 = arith.constant 0 : i32
    %dma_wait3A_1383 = arith.constant 0 : i32
    %dma_wait3A_1384 = tpu.memref_slice %arg4[%dma_wait3A_1382, %dma_wait3A_1383] : memref<250000x128xf32, #tpu.memory_space<hbm>> -> memref<16x128xf32, #tpu.memory_space<hbm>>
    tpu.wait_dma2 semaphore(%arg14 : memref<!tpu.dma_semaphore, #tpu.memory_space<semaphore_mem>>) src(%dma_wait3A_1384 : memref<16x128xf32, #tpu.memory_space<hbm>>) dst(%dma_wait3A_1381 : memref<16x128xf32, #tpu.memory_space<vmem>>)
    %dma_wait3A_1385 = arith.constant 224 : i32
    %dma_wait3A_1386 = arith.constant 0 : i32
    %dma_wait3A_1387 = tpu.memref_slice %arg12[%dma_wait3A_1385, %dma_wait3A_1386] : memref<256x128xf32, #tpu.memory_space<vmem>> -> memref<16x128xf32, #tpu.memory_space<vmem>>
    %dma_wait3A_1388 = arith.constant 0 : i32
    %dma_wait3A_1389 = arith.constant 0 : i32
    %dma_wait3A_1390 = tpu.memref_slice %arg5[%dma_wait3A_1388, %dma_wait3A_1389] : memref<250000x128xf32, #tpu.memory_space<hbm>> -> memref<16x128xf32, #tpu.memory_space<hbm>>
    %dma_wait3A_1391 = arith.constant 224 : i32
    %dma_wait3A_1392 = arith.constant 0 : i32
    %dma_wait3A_1393 = tpu.memref_slice %arg12[%dma_wait3A_1391, %dma_wait3A_1392] : memref<256x128xf32, #tpu.memory_space<vmem>> -> memref<16x128xf32, #tpu.memory_space<vmem>>
    %dma_wait3A_1394 = arith.constant 0 : i32
    %dma_wait3A_1395 = arith.constant 0 : i32
    %dma_wait3A_1396 = tpu.memref_slice %arg5[%dma_wait3A_1394, %dma_wait3A_1395] : memref<250000x128xf32, #tpu.memory_space<hbm>> -> memref<16x128xf32, #tpu.memory_space<hbm>>
    tpu.wait_dma2 semaphore(%arg15 : memref<!tpu.dma_semaphore, #tpu.memory_space<semaphore_mem>>) src(%dma_wait3A_1396 : memref<16x128xf32, #tpu.memory_space<hbm>>) dst(%dma_wait3A_1393 : memref<16x128xf32, #tpu.memory_space<vmem>>)
    %dma_wait3A_1397 = arith.constant 240 : i32
    %dma_wait3A_1398 = arith.constant 0 : i32
    %dma_wait3A_1399 = tpu.memref_slice %arg11[%dma_wait3A_1397, %dma_wait3A_1398] : memref<256x128xf32, #tpu.memory_space<vmem>> -> memref<16x128xf32, #tpu.memory_space<vmem>>
    %dma_wait3A_1400 = arith.constant 0 : i32
    %dma_wait3A_1401 = arith.constant 0 : i32
    %dma_wait3A_1402 = tpu.memref_slice %arg4[%dma_wait3A_1400, %dma_wait3A_1401] : memref<250000x128xf32, #tpu.memory_space<hbm>> -> memref<16x128xf32, #tpu.memory_space<hbm>>
    %dma_wait3A_1403 = arith.constant 240 : i32
    %dma_wait3A_1404 = arith.constant 0 : i32
    %dma_wait3A_1405 = tpu.memref_slice %arg11[%dma_wait3A_1403, %dma_wait3A_1404] : memref<256x128xf32, #tpu.memory_space<vmem>> -> memref<16x128xf32, #tpu.memory_space<vmem>>
    %dma_wait3A_1406 = arith.constant 0 : i32
    %dma_wait3A_1407 = arith.constant 0 : i32
    %dma_wait3A_1408 = tpu.memref_slice %arg4[%dma_wait3A_1406, %dma_wait3A_1407] : memref<250000x128xf32, #tpu.memory_space<hbm>> -> memref<16x128xf32, #tpu.memory_space<hbm>>
    tpu.wait_dma2 semaphore(%arg14 : memref<!tpu.dma_semaphore, #tpu.memory_space<semaphore_mem>>) src(%dma_wait3A_1408 : memref<16x128xf32, #tpu.memory_space<hbm>>) dst(%dma_wait3A_1405 : memref<16x128xf32, #tpu.memory_space<vmem>>)
    %dma_wait3A_1409 = arith.constant 240 : i32
    %dma_wait3A_1410 = arith.constant 0 : i32
    %dma_wait3A_1411 = tpu.memref_slice %arg12[%dma_wait3A_1409, %dma_wait3A_1410] : memref<256x128xf32, #tpu.memory_space<vmem>> -> memref<16x128xf32, #tpu.memory_space<vmem>>
    %dma_wait3A_1412 = arith.constant 0 : i32
    %dma_wait3A_1413 = arith.constant 0 : i32
    %dma_wait3A_1414 = tpu.memref_slice %arg5[%dma_wait3A_1412, %dma_wait3A_1413] : memref<250000x128xf32, #tpu.memory_space<hbm>> -> memref<16x128xf32, #tpu.memory_space<hbm>>
    %dma_wait3A_1415 = arith.constant 240 : i32
    %dma_wait3A_1416 = arith.constant 0 : i32
    %dma_wait3A_1417 = tpu.memref_slice %arg12[%dma_wait3A_1415, %dma_wait3A_1416] : memref<256x128xf32, #tpu.memory_space<vmem>> -> memref<16x128xf32, #tpu.memory_space<vmem>>
    %dma_wait3A_1418 = arith.constant 0 : i32
    %dma_wait3A_1419 = arith.constant 0 : i32
    %dma_wait3A_1420 = tpu.memref_slice %arg5[%dma_wait3A_1418, %dma_wait3A_1419] : memref<250000x128xf32, #tpu.memory_space<hbm>> -> memref<16x128xf32, #tpu.memory_space<hbm>>
    tpu.wait_dma2 semaphore(%arg15 : memref<!tpu.dma_semaphore, #tpu.memory_space<semaphore_mem>>) src(%dma_wait3A_1420 : memref<16x128xf32, #tpu.memory_space<hbm>>) dst(%dma_wait3A_1417 : memref<16x128xf32, #tpu.memory_space<vmem>>)
    %scan3A_1421 = arith.constant 0 : i32
    %scan3A_1422 = arith.constant 0 : i32
    %scan3A_1423 = arith.constant 16 : i32
    %scan3A_1424 = arith.addi %scan3A_1422, %scan3A_1423 : i32
    %scan3A_1425 = arith.constant 1 : i32
    scf.for %scan3A_1427 = %scan3A_1422 to %scan3A_1424 step %scan3A_1425  : i32 {
      %mul3A_1428 = arith.constant 16 : i32
      %mul3A_1429 = arith.muli %scan3A_1427, %mul3A_1428 : i32
      %add3A_1430 = vector.broadcast %mul3A_1429 : i32 to vector<16xi32>
      %add3A_1431 = arith.addi %iota3A, %add3A_1430 : vector<16xi32>
      %mul3A_1432 = arith.constant 16 : i32
      %mul3A_1433 = arith.muli %scan3A_1427, %mul3A_1432 : i32
      %add3A_1434 = arith.constant 256 : i32
      %add3A_1435 = arith.addi %add3A_1434, %mul3A_1433 : i32
      %get3A = arith.index_cast %add3A_1435 : i32 to index
      %get3A_1436 = tpu.vector_load %arg7[%get3A] {strides = array<i32>} : memref<512xi32, #tpu.memory_space<vmem>>, vector<16xi32>,
      %mul3A_1437 = arith.constant 16 : i32
      %mul3A_1438 = arith.muli %scan3A_1427, %mul3A_1437 : i32
      %add3A_1439 = arith.constant 256 : i32
      %add3A_1440 = arith.addi %add3A_1439, %mul3A_1438 : i32
      %get3A_1441 = arith.index_cast %add3A_1440 : i32 to index
      %get3A_1442 = tpu.vector_load %arg8[%get3A_1441] {strides = array<i32>} : memref<512xi32, #tpu.memory_space<vmem>>, vector<16xi32>,
      %and3A = arith.andi %get3A_1436, %broadcast_in_dim3A_8 : vector<16xi32>
      %mul3A_1443 = arith.constant 32 : i32
      %mul3A_1444 = vector.broadcast %mul3A_1443 : i32 to vector<16xi32>
      %mul3A_1445 = arith.muli %and3A, %mul3A_1444 : vector<16xi32>
      %and3A_1446 = arith.andi %get3A_1442, %broadcast_in_dim3A_8 : vector<16xi32>
      %mul3A_1447 = arith.constant 32 : i32
      %mul3A_1448 = vector.broadcast %mul3A_1447 : i32 to vector<16xi32>
      %mul3A_1449 = arith.muli %and3A_1446, %mul3A_1448 : vector<16xi32>
      %broadcast_in_dim3A_1450 = arith.constant 0.000000e+00 : f32
      %broadcast_in_dim3A_1451 = vector.broadcast %broadcast_in_dim3A_1450 : f32 to vector<16xf32>
      %add3A_1452 = arith.constant 0 : i32
      %add3A_1453 = vector.broadcast %add3A_1452 : i32 to vector<16xi32>
      %add3A_1454 = arith.addi %mul3A_1445, %add3A_1453 : vector<16xi32>
      %gather3A = tpu.vector_load_idx %arg11[%add3A_1431, %add3A_1454] : memref<256x128xf32, #tpu.memory_space<vmem>>[vector<16xi32>, vector<16xi32>], vector<16xf32>,
      %add3A_1455 = arith.constant 0 : i32
      %add3A_1456 = vector.broadcast %add3A_1455 : i32 to vector<16xi32>
      %add3A_1457 = arith.addi %mul3A_1449, %add3A_1456 : vector<16xi32>
      %gather3A_1458 = tpu.vector_load_idx %arg12[%add3A_1431, %add3A_1457] : memref<256x128xf32, #tpu.memory_space<vmem>>[vector<16xi32>, vector<16xi32>], vector<16xf32>,
      %mul3A_1459 = arith.mulf %gather3A, %gather3A_1458 : vector<16xf32>
      %add3A_1460 = arith.addf %broadcast_in_dim3A_1451, %mul3A_1459 : vector<16xf32>
      %add3A_1461 = arith.constant 1 : i32
      %add3A_1462 = vector.broadcast %add3A_1461 : i32 to vector<16xi32>
      %add3A_1463 = arith.addi %mul3A_1445, %add3A_1462 : vector<16xi32>
      %gather3A_1464 = tpu.vector_load_idx %arg11[%add3A_1431, %add3A_1463] : memref<256x128xf32, #tpu.memory_space<vmem>>[vector<16xi32>, vector<16xi32>], vector<16xf32>,
      %add3A_1465 = arith.constant 1 : i32
      %add3A_1466 = vector.broadcast %add3A_1465 : i32 to vector<16xi32>
      %add3A_1467 = arith.addi %mul3A_1449, %add3A_1466 : vector<16xi32>
      %gather3A_1468 = tpu.vector_load_idx %arg12[%add3A_1431, %add3A_1467] : memref<256x128xf32, #tpu.memory_space<vmem>>[vector<16xi32>, vector<16xi32>], vector<16xf32>,
      %mul3A_1469 = arith.mulf %gather3A_1464, %gather3A_1468 : vector<16xf32>
      %add3A_1470 = arith.addf %add3A_1460, %mul3A_1469 : vector<16xf32>
      %add3A_1471 = arith.constant 2 : i32
      %add3A_1472 = vector.broadcast %add3A_1471 : i32 to vector<16xi32>
      %add3A_1473 = arith.addi %mul3A_1445, %add3A_1472 : vector<16xi32>
      %gather3A_1474 = tpu.vector_load_idx %arg11[%add3A_1431, %add3A_1473] : memref<256x128xf32, #tpu.memory_space<vmem>>[vector<16xi32>, vector<16xi32>], vector<16xf32>,
      %add3A_1475 = arith.constant 2 : i32
      %add3A_1476 = vector.broadcast %add3A_1475 : i32 to vector<16xi32>
      %add3A_1477 = arith.addi %mul3A_1449, %add3A_1476 : vector<16xi32>
      %gather3A_1478 = tpu.vector_load_idx %arg12[%add3A_1431, %add3A_1477] : memref<256x128xf32, #tpu.memory_space<vmem>>[vector<16xi32>, vector<16xi32>], vector<16xf32>,
      %mul3A_1479 = arith.mulf %gather3A_1474, %gather3A_1478 : vector<16xf32>
      %add3A_1480 = arith.addf %add3A_1470, %mul3A_1479 : vector<16xf32>
      %add3A_1481 = arith.constant 3 : i32
      %add3A_1482 = vector.broadcast %add3A_1481 : i32 to vector<16xi32>
      %add3A_1483 = arith.addi %mul3A_1445, %add3A_1482 : vector<16xi32>
      %gather3A_1484 = tpu.vector_load_idx %arg11[%add3A_1431, %add3A_1483] : memref<256x128xf32, #tpu.memory_space<vmem>>[vector<16xi32>, vector<16xi32>], vector<16xf32>,
      %add3A_1485 = arith.constant 3 : i32
      %add3A_1486 = vector.broadcast %add3A_1485 : i32 to vector<16xi32>
      %add3A_1487 = arith.addi %mul3A_1449, %add3A_1486 : vector<16xi32>
      %gather3A_1488 = tpu.vector_load_idx %arg12[%add3A_1431, %add3A_1487] : memref<256x128xf32, #tpu.memory_space<vmem>>[vector<16xi32>, vector<16xi32>], vector<16xf32>,
      %mul3A_1489 = arith.mulf %gather3A_1484, %gather3A_1488 : vector<16xf32>
      %add3A_1490 = arith.addf %add3A_1480, %mul3A_1489 : vector<16xf32>
      %add3A_1491 = arith.constant 4 : i32
      %add3A_1492 = vector.broadcast %add3A_1491 : i32 to vector<16xi32>
      %add3A_1493 = arith.addi %mul3A_1445, %add3A_1492 : vector<16xi32>
      %gather3A_1494 = tpu.vector_load_idx %arg11[%add3A_1431, %add3A_1493] : memref<256x128xf32, #tpu.memory_space<vmem>>[vector<16xi32>, vector<16xi32>], vector<16xf32>,
      %add3A_1495 = arith.constant 4 : i32
      %add3A_1496 = vector.broadcast %add3A_1495 : i32 to vector<16xi32>
      %add3A_1497 = arith.addi %mul3A_1449, %add3A_1496 : vector<16xi32>
      %gather3A_1498 = tpu.vector_load_idx %arg12[%add3A_1431, %add3A_1497] : memref<256x128xf32, #tpu.memory_space<vmem>>[vector<16xi32>, vector<16xi32>], vector<16xf32>,
      %mul3A_1499 = arith.mulf %gather3A_1494, %gather3A_1498 : vector<16xf32>
      %add3A_1500 = arith.addf %add3A_1490, %mul3A_1499 : vector<16xf32>
      %add3A_1501 = arith.constant 5 : i32
      %add3A_1502 = vector.broadcast %add3A_1501 : i32 to vector<16xi32>
      %add3A_1503 = arith.addi %mul3A_1445, %add3A_1502 : vector<16xi32>
      %gather3A_1504 = tpu.vector_load_idx %arg11[%add3A_1431, %add3A_1503] : memref<256x128xf32, #tpu.memory_space<vmem>>[vector<16xi32>, vector<16xi32>], vector<16xf32>,
      %add3A_1505 = arith.constant 5 : i32
      %add3A_1506 = vector.broadcast %add3A_1505 : i32 to vector<16xi32>
      %add3A_1507 = arith.addi %mul3A_1449, %add3A_1506 : vector<16xi32>
      %gather3A_1508 = tpu.vector_load_idx %arg12[%add3A_1431, %add3A_1507] : memref<256x128xf32, #tpu.memory_space<vmem>>[vector<16xi32>, vector<16xi32>], vector<16xf32>,
      %mul3A_1509 = arith.mulf %gather3A_1504, %gather3A_1508 : vector<16xf32>
      %add3A_1510 = arith.addf %add3A_1500, %mul3A_1509 : vector<16xf32>
      %add3A_1511 = arith.constant 6 : i32
      %add3A_1512 = vector.broadcast %add3A_1511 : i32 to vector<16xi32>
      %add3A_1513 = arith.addi %mul3A_1445, %add3A_1512 : vector<16xi32>
      %gather3A_1514 = tpu.vector_load_idx %arg11[%add3A_1431, %add3A_1513] : memref<256x128xf32, #tpu.memory_space<vmem>>[vector<16xi32>, vector<16xi32>], vector<16xf32>,
      %add3A_1515 = arith.constant 6 : i32
      %add3A_1516 = vector.broadcast %add3A_1515 : i32 to vector<16xi32>
      %add3A_1517 = arith.addi %mul3A_1449, %add3A_1516 : vector<16xi32>
      %gather3A_1518 = tpu.vector_load_idx %arg12[%add3A_1431, %add3A_1517] : memref<256x128xf32, #tpu.memory_space<vmem>>[vector<16xi32>, vector<16xi32>], vector<16xf32>,
      %mul3A_1519 = arith.mulf %gather3A_1514, %gather3A_1518 : vector<16xf32>
      %add3A_1520 = arith.addf %add3A_1510, %mul3A_1519 : vector<16xf32>
      %add3A_1521 = arith.constant 7 : i32
      %add3A_1522 = vector.broadcast %add3A_1521 : i32 to vector<16xi32>
      %add3A_1523 = arith.addi %mul3A_1445, %add3A_1522 : vector<16xi32>
      %gather3A_1524 = tpu.vector_load_idx %arg11[%add3A_1431, %add3A_1523] : memref<256x128xf32, #tpu.memory_space<vmem>>[vector<16xi32>, vector<16xi32>], vector<16xf32>,
      %add3A_1525 = arith.constant 7 : i32
      %add3A_1526 = vector.broadcast %add3A_1525 : i32 to vector<16xi32>
      %add3A_1527 = arith.addi %mul3A_1449, %add3A_1526 : vector<16xi32>
      %gather3A_1528 = tpu.vector_load_idx %arg12[%add3A_1431, %add3A_1527] : memref<256x128xf32, #tpu.memory_space<vmem>>[vector<16xi32>, vector<16xi32>], vector<16xf32>,
      %mul3A_1529 = arith.mulf %gather3A_1524, %gather3A_1528 : vector<16xf32>
      %add3A_1530 = arith.addf %add3A_1520, %mul3A_1529 : vector<16xf32>
      %add3A_1531 = arith.constant 8 : i32
      %add3A_1532 = vector.broadcast %add3A_1531 : i32 to vector<16xi32>
      %add3A_1533 = arith.addi %mul3A_1445, %add3A_1532 : vector<16xi32>
      %gather3A_1534 = tpu.vector_load_idx %arg11[%add3A_1431, %add3A_1533] : memref<256x128xf32, #tpu.memory_space<vmem>>[vector<16xi32>, vector<16xi32>], vector<16xf32>,
      %add3A_1535 = arith.constant 8 : i32
      %add3A_1536 = vector.broadcast %add3A_1535 : i32 to vector<16xi32>
      %add3A_1537 = arith.addi %mul3A_1449, %add3A_1536 : vector<16xi32>
      %gather3A_1538 = tpu.vector_load_idx %arg12[%add3A_1431, %add3A_1537] : memref<256x128xf32, #tpu.memory_space<vmem>>[vector<16xi32>, vector<16xi32>], vector<16xf32>,
      %mul3A_1539 = arith.mulf %gather3A_1534, %gather3A_1538 : vector<16xf32>
      %add3A_1540 = arith.addf %add3A_1530, %mul3A_1539 : vector<16xf32>
      %add3A_1541 = arith.constant 9 : i32
      %add3A_1542 = vector.broadcast %add3A_1541 : i32 to vector<16xi32>
      %add3A_1543 = arith.addi %mul3A_1445, %add3A_1542 : vector<16xi32>
      %gather3A_1544 = tpu.vector_load_idx %arg11[%add3A_1431, %add3A_1543] : memref<256x128xf32, #tpu.memory_space<vmem>>[vector<16xi32>, vector<16xi32>], vector<16xf32>,
      %add3A_1545 = arith.constant 9 : i32
      %add3A_1546 = vector.broadcast %add3A_1545 : i32 to vector<16xi32>
      %add3A_1547 = arith.addi %mul3A_1449, %add3A_1546 : vector<16xi32>
      %gather3A_1548 = tpu.vector_load_idx %arg12[%add3A_1431, %add3A_1547] : memref<256x128xf32, #tpu.memory_space<vmem>>[vector<16xi32>, vector<16xi32>], vector<16xf32>,
      %mul3A_1549 = arith.mulf %gather3A_1544, %gather3A_1548 : vector<16xf32>
      %add3A_1550 = arith.addf %add3A_1540, %mul3A_1549 : vector<16xf32>
      %add3A_1551 = arith.constant 10 : i32
      %add3A_1552 = vector.broadcast %add3A_1551 : i32 to vector<16xi32>
      %add3A_1553 = arith.addi %mul3A_1445, %add3A_1552 : vector<16xi32>
      %gather3A_1554 = tpu.vector_load_idx %arg11[%add3A_1431, %add3A_1553] : memref<256x128xf32, #tpu.memory_space<vmem>>[vector<16xi32>, vector<16xi32>], vector<16xf32>,
      %add3A_1555 = arith.constant 10 : i32
      %add3A_1556 = vector.broadcast %add3A_1555 : i32 to vector<16xi32>
      %add3A_1557 = arith.addi %mul3A_1449, %add3A_1556 : vector<16xi32>
      %gather3A_1558 = tpu.vector_load_idx %arg12[%add3A_1431, %add3A_1557] : memref<256x128xf32, #tpu.memory_space<vmem>>[vector<16xi32>, vector<16xi32>], vector<16xf32>,
      %mul3A_1559 = arith.mulf %gather3A_1554, %gather3A_1558 : vector<16xf32>
      %add3A_1560 = arith.addf %add3A_1550, %mul3A_1559 : vector<16xf32>
      %add3A_1561 = arith.constant 11 : i32
      %add3A_1562 = vector.broadcast %add3A_1561 : i32 to vector<16xi32>
      %add3A_1563 = arith.addi %mul3A_1445, %add3A_1562 : vector<16xi32>
      %gather3A_1564 = tpu.vector_load_idx %arg11[%add3A_1431, %add3A_1563] : memref<256x128xf32, #tpu.memory_space<vmem>>[vector<16xi32>, vector<16xi32>], vector<16xf32>,
      %add3A_1565 = arith.constant 11 : i32
      %add3A_1566 = vector.broadcast %add3A_1565 : i32 to vector<16xi32>
      %add3A_1567 = arith.addi %mul3A_1449, %add3A_1566 : vector<16xi32>
      %gather3A_1568 = tpu.vector_load_idx %arg12[%add3A_1431, %add3A_1567] : memref<256x128xf32, #tpu.memory_space<vmem>>[vector<16xi32>, vector<16xi32>], vector<16xf32>,
      %mul3A_1569 = arith.mulf %gather3A_1564, %gather3A_1568 : vector<16xf32>
      %add3A_1570 = arith.addf %add3A_1560, %mul3A_1569 : vector<16xf32>
      %add3A_1571 = arith.constant 12 : i32
      %add3A_1572 = vector.broadcast %add3A_1571 : i32 to vector<16xi32>
      %add3A_1573 = arith.addi %mul3A_1445, %add3A_1572 : vector<16xi32>
      %gather3A_1574 = tpu.vector_load_idx %arg11[%add3A_1431, %add3A_1573] : memref<256x128xf32, #tpu.memory_space<vmem>>[vector<16xi32>, vector<16xi32>], vector<16xf32>,
      %add3A_1575 = arith.constant 12 : i32
      %add3A_1576 = vector.broadcast %add3A_1575 : i32 to vector<16xi32>
      %add3A_1577 = arith.addi %mul3A_1449, %add3A_1576 : vector<16xi32>
      %gather3A_1578 = tpu.vector_load_idx %arg12[%add3A_1431, %add3A_1577] : memref<256x128xf32, #tpu.memory_space<vmem>>[vector<16xi32>, vector<16xi32>], vector<16xf32>,
      %mul3A_1579 = arith.mulf %gather3A_1574, %gather3A_1578 : vector<16xf32>
      %add3A_1580 = arith.addf %add3A_1570, %mul3A_1579 : vector<16xf32>
      %add3A_1581 = arith.constant 13 : i32
      %add3A_1582 = vector.broadcast %add3A_1581 : i32 to vector<16xi32>
      %add3A_1583 = arith.addi %mul3A_1445, %add3A_1582 : vector<16xi32>
      %gather3A_1584 = tpu.vector_load_idx %arg11[%add3A_1431, %add3A_1583] : memref<256x128xf32, #tpu.memory_space<vmem>>[vector<16xi32>, vector<16xi32>], vector<16xf32>,
      %add3A_1585 = arith.constant 13 : i32
      %add3A_1586 = vector.broadcast %add3A_1585 : i32 to vector<16xi32>
      %add3A_1587 = arith.addi %mul3A_1449, %add3A_1586 : vector<16xi32>
      %gather3A_1588 = tpu.vector_load_idx %arg12[%add3A_1431, %add3A_1587] : memref<256x128xf32, #tpu.memory_space<vmem>>[vector<16xi32>, vector<16xi32>], vector<16xf32>,
      %mul3A_1589 = arith.mulf %gather3A_1584, %gather3A_1588 : vector<16xf32>
      %add3A_1590 = arith.addf %add3A_1580, %mul3A_1589 : vector<16xf32>
      %add3A_1591 = arith.constant 14 : i32
      %add3A_1592 = vector.broadcast %add3A_1591 : i32 to vector<16xi32>
      %add3A_1593 = arith.addi %mul3A_1445, %add3A_1592 : vector<16xi32>
      %gather3A_1594 = tpu.vector_load_idx %arg11[%add3A_1431, %add3A_1593] : memref<256x128xf32, #tpu.memory_space<vmem>>[vector<16xi32>, vector<16xi32>], vector<16xf32>,
      %add3A_1595 = arith.constant 14 : i32
      %add3A_1596 = vector.broadcast %add3A_1595 : i32 to vector<16xi32>
      %add3A_1597 = arith.addi %mul3A_1449, %add3A_1596 : vector<16xi32>
      %gather3A_1598 = tpu.vector_load_idx %arg12[%add3A_1431, %add3A_1597] : memref<256x128xf32, #tpu.memory_space<vmem>>[vector<16xi32>, vector<16xi32>], vector<16xf32>,
      %mul3A_1599 = arith.mulf %gather3A_1594, %gather3A_1598 : vector<16xf32>
      %add3A_1600 = arith.addf %add3A_1590, %mul3A_1599 : vector<16xf32>
      %add3A_1601 = arith.constant 15 : i32
      %add3A_1602 = vector.broadcast %add3A_1601 : i32 to vector<16xi32>
      %add3A_1603 = arith.addi %mul3A_1445, %add3A_1602 : vector<16xi32>
      %gather3A_1604 = tpu.vector_load_idx %arg11[%add3A_1431, %add3A_1603] : memref<256x128xf32, #tpu.memory_space<vmem>>[vector<16xi32>, vector<16xi32>], vector<16xf32>,
      %add3A_1605 = arith.constant 15 : i32
      %add3A_1606 = vector.broadcast %add3A_1605 : i32 to vector<16xi32>
      %add3A_1607 = arith.addi %mul3A_1449, %add3A_1606 : vector<16xi32>
      %gather3A_1608 = tpu.vector_load_idx %arg12[%add3A_1431, %add3A_1607] : memref<256x128xf32, #tpu.memory_space<vmem>>[vector<16xi32>, vector<16xi32>], vector<16xf32>,
      %mul3A_1609 = arith.mulf %gather3A_1604, %gather3A_1608 : vector<16xf32>
      %add3A_1610 = arith.addf %add3A_1600, %mul3A_1609 : vector<16xf32>
      %add3A_1611 = arith.constant 16 : i32
      %add3A_1612 = vector.broadcast %add3A_1611 : i32 to vector<16xi32>
      %add3A_1613 = arith.addi %mul3A_1445, %add3A_1612 : vector<16xi32>
      %gather3A_1614 = tpu.vector_load_idx %arg11[%add3A_1431, %add3A_1613] : memref<256x128xf32, #tpu.memory_space<vmem>>[vector<16xi32>, vector<16xi32>], vector<16xf32>,
      %add3A_1615 = arith.constant 16 : i32
      %add3A_1616 = vector.broadcast %add3A_1615 : i32 to vector<16xi32>
      %add3A_1617 = arith.addi %mul3A_1449, %add3A_1616 : vector<16xi32>
      %gather3A_1618 = tpu.vector_load_idx %arg12[%add3A_1431, %add3A_1617] : memref<256x128xf32, #tpu.memory_space<vmem>>[vector<16xi32>, vector<16xi32>], vector<16xf32>,
      %mul3A_1619 = arith.mulf %gather3A_1614, %gather3A_1618 : vector<16xf32>
      %add3A_1620 = arith.addf %add3A_1610, %mul3A_1619 : vector<16xf32>
      %add3A_1621 = arith.constant 17 : i32
      %add3A_1622 = vector.broadcast %add3A_1621 : i32 to vector<16xi32>
      %add3A_1623 = arith.addi %mul3A_1445, %add3A_1622 : vector<16xi32>
      %gather3A_1624 = tpu.vector_load_idx %arg11[%add3A_1431, %add3A_1623] : memref<256x128xf32, #tpu.memory_space<vmem>>[vector<16xi32>, vector<16xi32>], vector<16xf32>,
      %add3A_1625 = arith.constant 17 : i32
      %add3A_1626 = vector.broadcast %add3A_1625 : i32 to vector<16xi32>
      %add3A_1627 = arith.addi %mul3A_1449, %add3A_1626 : vector<16xi32>
      %gather3A_1628 = tpu.vector_load_idx %arg12[%add3A_1431, %add3A_1627] : memref<256x128xf32, #tpu.memory_space<vmem>>[vector<16xi32>, vector<16xi32>], vector<16xf32>,
      %mul3A_1629 = arith.mulf %gather3A_1624, %gather3A_1628 : vector<16xf32>
      %add3A_1630 = arith.addf %add3A_1620, %mul3A_1629 : vector<16xf32>
      %add3A_1631 = arith.constant 18 : i32
      %add3A_1632 = vector.broadcast %add3A_1631 : i32 to vector<16xi32>
      %add3A_1633 = arith.addi %mul3A_1445, %add3A_1632 : vector<16xi32>
      %gather3A_1634 = tpu.vector_load_idx %arg11[%add3A_1431, %add3A_1633] : memref<256x128xf32, #tpu.memory_space<vmem>>[vector<16xi32>, vector<16xi32>], vector<16xf32>,
      %add3A_1635 = arith.constant 18 : i32
      %add3A_1636 = vector.broadcast %add3A_1635 : i32 to vector<16xi32>
      %add3A_1637 = arith.addi %mul3A_1449, %add3A_1636 : vector<16xi32>
      %gather3A_1638 = tpu.vector_load_idx %arg12[%add3A_1431, %add3A_1637] : memref<256x128xf32, #tpu.memory_space<vmem>>[vector<16xi32>, vector<16xi32>], vector<16xf32>,
      %mul3A_1639 = arith.mulf %gather3A_1634, %gather3A_1638 : vector<16xf32>
      %add3A_1640 = arith.addf %add3A_1630, %mul3A_1639 : vector<16xf32>
      %add3A_1641 = arith.constant 19 : i32
      %add3A_1642 = vector.broadcast %add3A_1641 : i32 to vector<16xi32>
      %add3A_1643 = arith.addi %mul3A_1445, %add3A_1642 : vector<16xi32>
      %gather3A_1644 = tpu.vector_load_idx %arg11[%add3A_1431, %add3A_1643] : memref<256x128xf32, #tpu.memory_space<vmem>>[vector<16xi32>, vector<16xi32>], vector<16xf32>,
      %add3A_1645 = arith.constant 19 : i32
      %add3A_1646 = vector.broadcast %add3A_1645 : i32 to vector<16xi32>
      %add3A_1647 = arith.addi %mul3A_1449, %add3A_1646 : vector<16xi32>
      %gather3A_1648 = tpu.vector_load_idx %arg12[%add3A_1431, %add3A_1647] : memref<256x128xf32, #tpu.memory_space<vmem>>[vector<16xi32>, vector<16xi32>], vector<16xf32>,
      %mul3A_1649 = arith.mulf %gather3A_1644, %gather3A_1648 : vector<16xf32>
      %add3A_1650 = arith.addf %add3A_1640, %mul3A_1649 : vector<16xf32>
      %add3A_1651 = arith.constant 20 : i32
      %add3A_1652 = vector.broadcast %add3A_1651 : i32 to vector<16xi32>
      %add3A_1653 = arith.addi %mul3A_1445, %add3A_1652 : vector<16xi32>
      %gather3A_1654 = tpu.vector_load_idx %arg11[%add3A_1431, %add3A_1653] : memref<256x128xf32, #tpu.memory_space<vmem>>[vector<16xi32>, vector<16xi32>], vector<16xf32>,
      %add3A_1655 = arith.constant 20 : i32
      %add3A_1656 = vector.broadcast %add3A_1655 : i32 to vector<16xi32>
      %add3A_1657 = arith.addi %mul3A_1449, %add3A_1656 : vector<16xi32>
      %gather3A_1658 = tpu.vector_load_idx %arg12[%add3A_1431, %add3A_1657] : memref<256x128xf32, #tpu.memory_space<vmem>>[vector<16xi32>, vector<16xi32>], vector<16xf32>,
      %mul3A_1659 = arith.mulf %gather3A_1654, %gather3A_1658 : vector<16xf32>
      %add3A_1660 = arith.addf %add3A_1650, %mul3A_1659 : vector<16xf32>
      %add3A_1661 = arith.constant 21 : i32
      %add3A_1662 = vector.broadcast %add3A_1661 : i32 to vector<16xi32>
      %add3A_1663 = arith.addi %mul3A_1445, %add3A_1662 : vector<16xi32>
      %gather3A_1664 = tpu.vector_load_idx %arg11[%add3A_1431, %add3A_1663] : memref<256x128xf32, #tpu.memory_space<vmem>>[vector<16xi32>, vector<16xi32>], vector<16xf32>,
      %add3A_1665 = arith.constant 21 : i32
      %add3A_1666 = vector.broadcast %add3A_1665 : i32 to vector<16xi32>
      %add3A_1667 = arith.addi %mul3A_1449, %add3A_1666 : vector<16xi32>
      %gather3A_1668 = tpu.vector_load_idx %arg12[%add3A_1431, %add3A_1667] : memref<256x128xf32, #tpu.memory_space<vmem>>[vector<16xi32>, vector<16xi32>], vector<16xf32>,
      %mul3A_1669 = arith.mulf %gather3A_1664, %gather3A_1668 : vector<16xf32>
      %add3A_1670 = arith.addf %add3A_1660, %mul3A_1669 : vector<16xf32>
      %add3A_1671 = arith.constant 22 : i32
      %add3A_1672 = vector.broadcast %add3A_1671 : i32 to vector<16xi32>
      %add3A_1673 = arith.addi %mul3A_1445, %add3A_1672 : vector<16xi32>
      %gather3A_1674 = tpu.vector_load_idx %arg11[%add3A_1431, %add3A_1673] : memref<256x128xf32, #tpu.memory_space<vmem>>[vector<16xi32>, vector<16xi32>], vector<16xf32>,
      %add3A_1675 = arith.constant 22 : i32
      %add3A_1676 = vector.broadcast %add3A_1675 : i32 to vector<16xi32>
      %add3A_1677 = arith.addi %mul3A_1449, %add3A_1676 : vector<16xi32>
      %gather3A_1678 = tpu.vector_load_idx %arg12[%add3A_1431, %add3A_1677] : memref<256x128xf32, #tpu.memory_space<vmem>>[vector<16xi32>, vector<16xi32>], vector<16xf32>,
      %mul3A_1679 = arith.mulf %gather3A_1674, %gather3A_1678 : vector<16xf32>
      %add3A_1680 = arith.addf %add3A_1670, %mul3A_1679 : vector<16xf32>
      %add3A_1681 = arith.constant 23 : i32
      %add3A_1682 = vector.broadcast %add3A_1681 : i32 to vector<16xi32>
      %add3A_1683 = arith.addi %mul3A_1445, %add3A_1682 : vector<16xi32>
      %gather3A_1684 = tpu.vector_load_idx %arg11[%add3A_1431, %add3A_1683] : memref<256x128xf32, #tpu.memory_space<vmem>>[vector<16xi32>, vector<16xi32>], vector<16xf32>,
      %add3A_1685 = arith.constant 23 : i32
      %add3A_1686 = vector.broadcast %add3A_1685 : i32 to vector<16xi32>
      %add3A_1687 = arith.addi %mul3A_1449, %add3A_1686 : vector<16xi32>
      %gather3A_1688 = tpu.vector_load_idx %arg12[%add3A_1431, %add3A_1687] : memref<256x128xf32, #tpu.memory_space<vmem>>[vector<16xi32>, vector<16xi32>], vector<16xf32>,
      %mul3A_1689 = arith.mulf %gather3A_1684, %gather3A_1688 : vector<16xf32>
      %add3A_1690 = arith.addf %add3A_1680, %mul3A_1689 : vector<16xf32>
      %add3A_1691 = arith.constant 24 : i32
      %add3A_1692 = vector.broadcast %add3A_1691 : i32 to vector<16xi32>
      %add3A_1693 = arith.addi %mul3A_1445, %add3A_1692 : vector<16xi32>
      %gather3A_1694 = tpu.vector_load_idx %arg11[%add3A_1431, %add3A_1693] : memref<256x128xf32, #tpu.memory_space<vmem>>[vector<16xi32>, vector<16xi32>], vector<16xf32>,
      %add3A_1695 = arith.constant 24 : i32
      %add3A_1696 = vector.broadcast %add3A_1695 : i32 to vector<16xi32>
      %add3A_1697 = arith.addi %mul3A_1449, %add3A_1696 : vector<16xi32>
      %gather3A_1698 = tpu.vector_load_idx %arg12[%add3A_1431, %add3A_1697] : memref<256x128xf32, #tpu.memory_space<vmem>>[vector<16xi32>, vector<16xi32>], vector<16xf32>,
      %mul3A_1699 = arith.mulf %gather3A_1694, %gather3A_1698 : vector<16xf32>
      %add3A_1700 = arith.addf %add3A_1690, %mul3A_1699 : vector<16xf32>
      %add3A_1701 = arith.constant 25 : i32
      %add3A_1702 = vector.broadcast %add3A_1701 : i32 to vector<16xi32>
      %add3A_1703 = arith.addi %mul3A_1445, %add3A_1702 : vector<16xi32>
      %gather3A_1704 = tpu.vector_load_idx %arg11[%add3A_1431, %add3A_1703] : memref<256x128xf32, #tpu.memory_space<vmem>>[vector<16xi32>, vector<16xi32>], vector<16xf32>,
      %add3A_1705 = arith.constant 25 : i32
      %add3A_1706 = vector.broadcast %add3A_1705 : i32 to vector<16xi32>
      %add3A_1707 = arith.addi %mul3A_1449, %add3A_1706 : vector<16xi32>
      %gather3A_1708 = tpu.vector_load_idx %arg12[%add3A_1431, %add3A_1707] : memref<256x128xf32, #tpu.memory_space<vmem>>[vector<16xi32>, vector<16xi32>], vector<16xf32>,
      %mul3A_1709 = arith.mulf %gather3A_1704, %gather3A_1708 : vector<16xf32>
      %add3A_1710 = arith.addf %add3A_1700, %mul3A_1709 : vector<16xf32>
      %add3A_1711 = arith.constant 26 : i32
      %add3A_1712 = vector.broadcast %add3A_1711 : i32 to vector<16xi32>
      %add3A_1713 = arith.addi %mul3A_1445, %add3A_1712 : vector<16xi32>
      %gather3A_1714 = tpu.vector_load_idx %arg11[%add3A_1431, %add3A_1713] : memref<256x128xf32, #tpu.memory_space<vmem>>[vector<16xi32>, vector<16xi32>], vector<16xf32>,
      %add3A_1715 = arith.constant 26 : i32
      %add3A_1716 = vector.broadcast %add3A_1715 : i32 to vector<16xi32>
      %add3A_1717 = arith.addi %mul3A_1449, %add3A_1716 : vector<16xi32>
      %gather3A_1718 = tpu.vector_load_idx %arg12[%add3A_1431, %add3A_1717] : memref<256x128xf32, #tpu.memory_space<vmem>>[vector<16xi32>, vector<16xi32>], vector<16xf32>,
      %mul3A_1719 = arith.mulf %gather3A_1714, %gather3A_1718 : vector<16xf32>
      %add3A_1720 = arith.addf %add3A_1710, %mul3A_1719 : vector<16xf32>
      %add3A_1721 = arith.constant 27 : i32
      %add3A_1722 = vector.broadcast %add3A_1721 : i32 to vector<16xi32>
      %add3A_1723 = arith.addi %mul3A_1445, %add3A_1722 : vector<16xi32>
      %gather3A_1724 = tpu.vector_load_idx %arg11[%add3A_1431, %add3A_1723] : memref<256x128xf32, #tpu.memory_space<vmem>>[vector<16xi32>, vector<16xi32>], vector<16xf32>,
      %add3A_1725 = arith.constant 27 : i32
      %add3A_1726 = vector.broadcast %add3A_1725 : i32 to vector<16xi32>
      %add3A_1727 = arith.addi %mul3A_1449, %add3A_1726 : vector<16xi32>
      %gather3A_1728 = tpu.vector_load_idx %arg12[%add3A_1431, %add3A_1727] : memref<256x128xf32, #tpu.memory_space<vmem>>[vector<16xi32>, vector<16xi32>], vector<16xf32>,
      %mul3A_1729 = arith.mulf %gather3A_1724, %gather3A_1728 : vector<16xf32>
      %add3A_1730 = arith.addf %add3A_1720, %mul3A_1729 : vector<16xf32>
      %add3A_1731 = arith.constant 28 : i32
      %add3A_1732 = vector.broadcast %add3A_1731 : i32 to vector<16xi32>
      %add3A_1733 = arith.addi %mul3A_1445, %add3A_1732 : vector<16xi32>
      %gather3A_1734 = tpu.vector_load_idx %arg11[%add3A_1431, %add3A_1733] : memref<256x128xf32, #tpu.memory_space<vmem>>[vector<16xi32>, vector<16xi32>], vector<16xf32>,
      %add3A_1735 = arith.constant 28 : i32
      %add3A_1736 = vector.broadcast %add3A_1735 : i32 to vector<16xi32>
      %add3A_1737 = arith.addi %mul3A_1449, %add3A_1736 : vector<16xi32>
      %gather3A_1738 = tpu.vector_load_idx %arg12[%add3A_1431, %add3A_1737] : memref<256x128xf32, #tpu.memory_space<vmem>>[vector<16xi32>, vector<16xi32>], vector<16xf32>,
      %mul3A_1739 = arith.mulf %gather3A_1734, %gather3A_1738 : vector<16xf32>
      %add3A_1740 = arith.addf %add3A_1730, %mul3A_1739 : vector<16xf32>
      %add3A_1741 = arith.constant 29 : i32
      %add3A_1742 = vector.broadcast %add3A_1741 : i32 to vector<16xi32>
      %add3A_1743 = arith.addi %mul3A_1445, %add3A_1742 : vector<16xi32>
      %gather3A_1744 = tpu.vector_load_idx %arg11[%add3A_1431, %add3A_1743] : memref<256x128xf32, #tpu.memory_space<vmem>>[vector<16xi32>, vector<16xi32>], vector<16xf32>,
      %add3A_1745 = arith.constant 29 : i32
      %add3A_1746 = vector.broadcast %add3A_1745 : i32 to vector<16xi32>
      %add3A_1747 = arith.addi %mul3A_1449, %add3A_1746 : vector<16xi32>
      %gather3A_1748 = tpu.vector_load_idx %arg12[%add3A_1431, %add3A_1747] : memref<256x128xf32, #tpu.memory_space<vmem>>[vector<16xi32>, vector<16xi32>], vector<16xf32>,
      %mul3A_1749 = arith.mulf %gather3A_1744, %gather3A_1748 : vector<16xf32>
      %add3A_1750 = arith.addf %add3A_1740, %mul3A_1749 : vector<16xf32>
      %add3A_1751 = arith.constant 30 : i32
      %add3A_1752 = vector.broadcast %add3A_1751 : i32 to vector<16xi32>
      %add3A_1753 = arith.addi %mul3A_1445, %add3A_1752 : vector<16xi32>
      %gather3A_1754 = tpu.vector_load_idx %arg11[%add3A_1431, %add3A_1753] : memref<256x128xf32, #tpu.memory_space<vmem>>[vector<16xi32>, vector<16xi32>], vector<16xf32>,
      %add3A_1755 = arith.constant 30 : i32
      %add3A_1756 = vector.broadcast %add3A_1755 : i32 to vector<16xi32>
      %add3A_1757 = arith.addi %mul3A_1449, %add3A_1756 : vector<16xi32>
      %gather3A_1758 = tpu.vector_load_idx %arg12[%add3A_1431, %add3A_1757] : memref<256x128xf32, #tpu.memory_space<vmem>>[vector<16xi32>, vector<16xi32>], vector<16xf32>,
      %mul3A_1759 = arith.mulf %gather3A_1754, %gather3A_1758 : vector<16xf32>
      %add3A_1760 = arith.addf %add3A_1750, %mul3A_1759 : vector<16xf32>
      %add3A_1761 = arith.constant 31 : i32
      %add3A_1762 = vector.broadcast %add3A_1761 : i32 to vector<16xi32>
      %add3A_1763 = arith.addi %mul3A_1445, %add3A_1762 : vector<16xi32>
      %gather3A_1764 = tpu.vector_load_idx %arg11[%add3A_1431, %add3A_1763] : memref<256x128xf32, #tpu.memory_space<vmem>>[vector<16xi32>, vector<16xi32>], vector<16xf32>,
      %add3A_1765 = arith.constant 31 : i32
      %add3A_1766 = vector.broadcast %add3A_1765 : i32 to vector<16xi32>
      %add3A_1767 = arith.addi %mul3A_1449, %add3A_1766 : vector<16xi32>
      %gather3A_1768 = tpu.vector_load_idx %arg12[%add3A_1431, %add3A_1767] : memref<256x128xf32, #tpu.memory_space<vmem>>[vector<16xi32>, vector<16xi32>], vector<16xf32>,
      %mul3A_1769 = arith.mulf %gather3A_1764, %gather3A_1768 : vector<16xf32>
      %add3A_1770 = arith.addf %add3A_1760, %mul3A_1769 : vector<16xf32>
      %mul3A_1771 = arith.constant 16 : i32
      %mul3A_1772 = arith.muli %scan3A_1427, %mul3A_1771 : i32
      %add3A_1773 = arith.constant 256 : i32
      %add3A_1774 = arith.addi %add3A_1773, %mul3A_1772 : i32
      %swap3A = arith.index_cast %add3A_1774 : i32 to index
      %swap3A_1775 = tpu.vector_load %arg13[%swap3A] {strides = array<i32>} : memref<512xf32, #tpu.memory_space<vmem>>, vector<16xf32>,
      tpu.vector_store %arg13[%swap3A], %add3A_1770 {strides = array<i32>} : memref<512xf32, #tpu.memory_space<vmem>>, vector<16xf32>,
    }
    %scan3A_1426 = arith.constant 16 : i32
    "tpu.region"() ({
      %run_scoped3A = tpu.sem_alloc : memref<!tpu.dma_semaphore, #tpu.memory_space<semaphore_mem>>
      %dma_start3A_1427 = tpu.memref_slice %arg6[%mul3A_2] : memref<16384xf32, #tpu.memory_space<hbm>> -> memref<512xf32, #tpu.memory_space<hbm>>
      %dma_start3A_1428 = tpu.memref_slice %arg6[%mul3A_2] : memref<16384xf32, #tpu.memory_space<hbm>> -> memref<512xf32, #tpu.memory_space<hbm>>
      tpu.enqueue_dma source(%arg13 : memref<512xf32, #tpu.memory_space<vmem>>) target(%dma_start3A_1428 : memref<512xf32, #tpu.memory_space<hbm>>) target_semaphore(%run_scoped3A : memref<!tpu.dma_semaphore, #tpu.memory_space<semaphore_mem>>)
      %dma_wait3A_1429 = tpu.memref_slice %arg6[%mul3A_2] : memref<16384xf32, #tpu.memory_space<hbm>> -> memref<512xf32, #tpu.memory_space<hbm>>
      %dma_wait3A_1430 = tpu.memref_slice %arg6[%mul3A_2] : memref<16384xf32, #tpu.memory_space<hbm>> -> memref<512xf32, #tpu.memory_space<hbm>>
      tpu.wait_dma2 semaphore(%run_scoped3A : memref<!tpu.dma_semaphore, #tpu.memory_space<semaphore_mem>>) src(%arg13 : memref<512xf32, #tpu.memory_space<vmem>>) dst(%dma_wait3A_1430 : memref<512xf32, #tpu.memory_space<hbm>>)
      tpu.yield
    }) : () -> ()
    return
  }
}

</mosaic_0001>

<sc_bundles>
// kernel: kernel.3.cloned.1.call-start
scs
__scs_entry_jumppad:
0x0: {  	(pc) =	sbr.rel $0x88, $3  }
0x1: {  	(tag) =	ssettag $0x0;
	lr =	simm.s32 $0x1  }
0x2: {  	[smem:$0x3F9D] =	sst lr;
	_ =	strace $0xD0000000  }
0x3: {  	_ = 	snop  }
0x4: {  	_ = 	snop  }
0x5: {  	_ = 	snop  }
0x6: {  	_ = 	snop  }
0x7: {  	_ = 	snop  }
__scs_overlays_trampoline_lowered:
0x8: {  	[smem:$0x3FAC] =	sst s0  }
0x9: {  	[smem:$0x3FAD] =	sst s1  }
0xa: {  	[smem:$0x3FAE] =	sst s2  }
0xb: {  	[smem:$0x3FAF] =	sst s3  }
0xc: {  	[smem:$0x3FB0] =	sst s4  }
0xd: {  	[smem:$0x3FB1] =	sst s5  }
0xe: {  	[smem:$0x3FB2] =	sst s6  }
0xf: {  	[smem:$0x3FB3] =	sst s7  }
0x10: {  	[smem:$0x3FB4] =	sst s8  }
0x11: {  	[smem:$0x3FB5] =	sst s9;
	s0 =	simm.s32 @!p0 $0x0  }
0x12: {  	s1 =	sld [smem:$0x3F9B];
	s0 =	simm.s32 @p0 $0x1  }
0x13: {  	[smem:$0x3FB6] =	sst s0;
	s0 =	simm.s32 @!p1 $0x0  }
0x14: {  	s2 =	sld [smem:$0x3F9A];
	s0 =	simm.s32 @p1 $0x1  }
0x15: {  	[smem:$0x3FB7] =	sst s0;
	s0 =	simm.s32 @!p2 $0x0  }
0x16: {  	s3 =	sld [smem:$0x3FDB];
	s0 =	simm.s32 @p2 $0x1  }
0x17: {  	s4 =	simm.s32 $0x1BF5;
	[smem:$0x3FB9] =	sst s0  }
0x18: {  	s0 =	sld [smem:$0x3F9C];
	_ =	swait.ge [sflag:s4], $0x0  }
0x19: {  	s7 =	sld [smem:$0x3F9D]  }
0x1a: {  	s8 =	sadd.s32 $0xFFFFE003, lr  }
0x1b: {  	s9 =	sadd.s32 $0xFFFFFEF7, lr;
	s5 =	simm.s32 $0xFFFFFFFF;
	p2 =	slt.u32 s8, $0xFFFFF086  }
0x1c: {  	p1 =	slt.u32 s9, $0xF7A;
	s5 =	simm.s32 @!p2 $0x0  }
0x1d: {  	s5 =	simm.s32 @p1 $0x1;
	p0 =	seq.s32 s7, s2  }
0x1e: {  	s7 =	smul.u32 @!p0 $0xF7A, s2;
	p2 =	seq.s32 @!p0 s5, $0x0  }
0x1f: {  	s9 =	smul.u32 $0xF7A, s1;
	s8 =	simm.s32 @!p0 $0x1BF5;
	p2 =	por !p2, p0  }
0x20: {  	[sflag:s8] =	ssyncset.s32 @!p0 $0xFFFFF086;
	s6 =	sadd.s32 @!p0 s3, s7;
	s7 =	simm.s32 @!p0 $0x108  }
0x21: {  	s3 =	sadd.s32 s3, s9;
	s6 =	sadd.s32 @!p0 $0x88, s6;
	s7 =	simm.s32 @p2 $0x1082  }
0x22: {  	[simem:s7], [sflag:s8] =	dma.local @!p0 [hbm:s6], $0xF7A  }
0x23: {  	s9 =	sor.u32 $0xD0000000, s2;
	s6 =	simm.s32 $0x108;
	_ =	swait.ge @!p0 [sflag:s8], $0x0  }
0x24: {  	s3 =	sadd.s32 $0x88, s3;
	s6 =	simm.s32 @!p1 $0x1082;
	[sflag:s4] =	ssyncset.s32 $0xFFFFF086  }
0x25: {  	[simem:s6], [sflag:s4] =	dma.local [hbm:s3], $0xF7A  }
0x26: {  	[smem:$0x3F9D] =	sst s1;
	(tag) =	ssettag s2;
	_ =	strace s9  }
0x27: {  	s1 =	sld [smem:$0x3FAD]  }
0x28: {  	s2 =	sld [smem:$0x3FAE]  }
0x29: {  	s4 =	sld [smem:$0x3FB0]  }
0x2a: {  	p0 =	seq.s32 s5, $0x0;
	s5 =	sld [smem:$0x3FB1]  }
0x2b: {  	s6 =	sld [smem:$0x3FB2]  }
0x2c: {  	s7 =	sld [smem:$0x3FB3]  }
0x2d: {  	s3 =	simm.s32 $0x108;
	s8 =	sld [smem:$0x3FB4]  }
0x2e: {  	s3 =	simm.s32 @!p0 $0x1082;
	s9 =	sld [smem:$0x3FB5]  }
0x2f: {  	lr =	sadd.s32 s0, s3;
	s0 =	sld [smem:$0x3FAC]  }
0x30: {  	s3 =	sld [smem:$0x3FAF]  }
0x31: {  	[smem:$0x3FB8] =	sst s10  }
0x32: {  	s10 =	sld [smem:$0x3FB6];
	_ =	sdelay $0x3  }
0x33: {  	p0 =	seq.s32 s10, $0x1;
	s10 =	sld [smem:$0x3FB8];
	_ =	sdelay $0x3  }
0x34: {  	[smem:$0x3FB8] =	sst s10  }
0x35: {  	s10 =	sld [smem:$0x3FB7];
	_ =	sdelay $0x3  }
0x36: {  	p1 =	seq.s32 s10, $0x1;
	s10 =	sld [smem:$0x3FB8];
	_ =	sdelay $0x3  }
0x37: {  	[smem:$0x3FB8] =	sst s10  }
0x38: {  	s10 =	sld [smem:$0x3FB9]  }
0x39: {  	_ = 	snop;
	(pc) =	sbr.ind lr, $3  }
0x3a: {  	_ = 	snop  }
0x3b: {  	_ = 	snop  }
0x3c: {  	p2 =	seq.s32 s10, $0x1;
	s10 =	sld [smem:$0x3FB8]  }
0x3d: {  	_ =	shalt  }
0x3e: {  	_ =	shalt  }
0x3f: {  	_ =	shalt  }
0x40: {  	_ =	shalt  }
0x41: {  	_ =	shalt  }
0x42: {  	_ =	shalt  }
0x43: {  	_ =	shalt  }
0x44: {  	_ =	shalt  }
0x45: {  	_ =	shalt  }
0x46: {  	_ =	shalt  }
0x47: {  	_ =	shalt  }
0x48: {  	_ =	shalt  }
0x49: {  	_ =	shalt  }
0x4a: {  	_ =	shalt  }
0x4b: {  	_ =	shalt  }
0x4c: {  	_ =	shalt  }
0x4d: {  	_ =	shalt  }
0x4e: {  	_ =	shalt  }
0x4f: {  	_ =	shalt  }
0x50: {  	_ =	shalt  }
0x51: {  	_ =	shalt  }
0x52: {  	_ =	shalt  }
0x53: {  	_ =	shalt  }
0x54: {  	_ =	shalt  }
0x55: {  	_ =	shalt  }
0x56: {  	_ =	shalt  }
0x57: {  	_ =	shalt  }
0x58: {  	_ =	shalt  }
0x59: {  	_ =	shalt  }
0x5a: {  	_ =	shalt  }
0x5b: {  	_ =	shalt  }
0x5c: {  	_ =	shalt  }
0x5d: {  	_ =	shalt  }
0x5e: {  	_ =	shalt  }
0x5f: {  	_ =	shalt  }
0x60: {  	_ =	shalt  }
0x61: {  	_ =	shalt  }
0x62: {  	_ =	shalt  }
0x63: {  	_ =	shalt  }
0x64: {  	_ =	shalt  }
0x65: {  	_ =	shalt  }
0x66: {  	_ =	shalt  }
0x67: {  	_ =	shalt  }
0x68: {  	_ =	shalt  }
0x69: {  	_ =	shalt  }
0x6a: {  	_ =	shalt  }
0x6b: {  	_ =	shalt  }
0x6c: {  	_ =	shalt  }
0x6d: {  	_ =	shalt  }
0x6e: {  	_ =	shalt  }
0x6f: {  	_ =	shalt  }
0x70: {  	_ =	shalt  }
0x71: {  	_ =	shalt  }
0x72: {  	_ =	shalt  }
0x73: {  	_ =	shalt  }
0x74: {  	_ =	shalt  }
0x75: {  	_ =	shalt  }
0x76: {  	_ =	shalt  }
0x77: {  	_ =	shalt  }
0x78: {  	_ =	shalt  }
0x79: {  	_ =	shalt  }
0x7a: {  	_ =	shalt  }
0x7b: {  	_ =	shalt  }
0x7c: {  	_ =	shalt  }
0x7d: {  	_ =	shalt  }
0x7e: {  	_ =	shalt  }
0x7f: {  	_ =	shalt  }
0x80: {  	_ =	shalt  }
0x81: {  	_ =	shalt  }
0x82: {  	_ =	shalt  }
0x83: {  	_ =	shalt  }
0x84: {  	_ =	shalt  }
0x85: {  	_ =	shalt  }
0x86: {  	_ =	shalt  }
0x87: {  	_ =	shalt  }
.Lfunc_end0:
.L_simem_size_0:
called_computation_lowered:
.L_overlay_start_0:
0x88: {  	s2 =	sld [smem:$0x3FD9]  }
0x89: {  	s3 =	sld [smem:$0x3FFE];
	_ =	sdelay $0x1  }
0x8a: {  	s1 =	srdreg.scid  }
0x8b: {  	s0 =	sand.u32 $0x1, s1  }
0x8c: {  	s17 =	sshll.u32 s0, $0xA;
	s2 =	sadd.s32 s3, s2  }
0x8d: {  	s2 =	sadd.s32 s2, s17  }
0x8e: {  	[smem:$0x3FC4] =	sst s2  }
0x8f: {  	_ = 	snop  }
0x90: {  	s2 =	sld [smem:$0x3FC9]  }
0x91: {  	s18 =	sld [smem:$0x3FC8]  }
0x92: {  	s4 =	sld [smem:$0x3FD0];
	(tm) =	ssettm $0x1  }
0x93: {  	s5 =	sld [smem:$0x3FFB];
	_ =	sdelay $0x3  }
0x94: {  	_ =	strace s5  }
0x95: {  	s5 =	sld [smem:$0x3FFC];
	_ =	sdelay $0x3  }
0x96: {  	_ =	strace s5  }
0x97: {  	s5 =	sld [smem:$0x3FFD];
	_ =	sdelay $0x3  }
0x98: {  	_ =	strace s5  }
0x99: {  	_ =	strace $0x8FFFFFFF  }
0x9a: {  	s19 =	sld [smem:$0x3FDB];
	_ =	sdelay $0x1  }
0x9b: {  	s6 =	simm.s32 $_scs_section_size  }
0x9c: {  	s7 =	simm.s32 $_size__tile_overlayer_lowered;
	s8 =	simm.s32 $_tile_overlayer_lowered  }
0x9d: {  	s22 =	simm.s32 $0x1BFF;
	s21 =	sshll.u32 s8, $0x1;
	s5 =	sadd.s32 s6, s19  }
0x9e: {  	s9 =	simm.s32 $0x0;
	s20 =	sshll.u32 s7, $0x1;
	s7 =	sadd.s32 s21, s5  }
0x9f: {  	[timem:s9], [sflag:s22] =	dma.local [hbm:s7], s20  }
0xa0: {  	_ =	swait.ge [sflag:s22], s20  }
0xa1: {  	s6 =	ssub.s32 $0x0, s20;
	[sflag:s22] =	ssyncset.done $0x0  }
0xa2: {  	[sflag:s22] =	ssyncadd.s32 s6;
	_ =	sdelay $0x1  }
0xa3: {  	s23 =	simm.s32 $0x1B8B  }
0xa4: {  	_ =	swait.ge [sflag:s23], $0x1  }
0xa5: {  	[sflag:s23] =	ssyncset.done $0x0  }
0xa6: {  	s25 =	simm.s32 $0x1B8E;
	s24 =	sld [smem:$0x3FFE];
	[sflag:s23] =	ssyncadd.s32 $0xFFFFFFFF  }
0xa7: {  	s26 =	simm.s32 $execute0_lowered;
	[smem:$0x3FD2] =	sst s25  }
0xa8: {  	s7 =	sshll.u32 s26, $0x1;
	_ =	strace $0x80000046;
	[dreg:$0x1] =	wrdreg $0xFFFFFFFF  }
0xa9: {  	s28 =	simm.s32 $_size_execute0_lowered;
	s5 =	sadd.s32 s5, s7;
	[dreg:$0x0] =	wrdreg $0x0  }
0xaa: {  	s7 =	sshll.u32 s28, $0x1;
	[dreg:$0x2] =	wrdreg s5  }
0xab: {  	[dreg:$0x3] =	wrdreg s7  }
0xac: {  	[dreg:$0x4] =	wrdreg $0xC0  }
0xad: {  	_ =	task [dreg:s9], $0x5FFFF  }
0xae: {  	[dreg:$0x1] =	wrdreg $0xFFFFFFFF  }
0xaf: {  	[dreg:$0x0] =	wrdreg $0x60  }
0xb0: {  	[dreg:$0x2] =	wrdreg s2  }
0xb1: {  	[dreg:$0x3] =	wrdreg s18  }
0xb2: {  	[dreg:$0x4] =	wrdreg s24  }
0xb3: {  	[dreg:$0x5] =	wrdreg s4  }
0xb4: {  	[dreg:$0x6] =	wrdreg $0x9  }
0xb5: {  	_ =	task.clear_ibuf [dreg:s9], $0x7FFFF;
	_ =	strace $0x90000046  }
0xb6: {  	s29 =	simm.s32 $0x9;
	_ =	strace $0x80000048  }
0xb7: {  	_ =	swait.ge [sflag:s29], $0x1  }
0xb8: {  	[sflag:s29] =	ssyncadd.s32 $0xFFFFFFFF  }
0xb9: {  	_ =	strace $0x90000048  }
0xba: {  	_ =	sfence  }
0xbb: {  	s30 =	sld [smem:$0x0];
	_ =	sdelay $0x2  }
0xbc: {  	s31 =	sshll.u32 s1, $0xD;
	s1 =	sshrl.u32 s1, $0x2  }
0xbd: {  	s3 =	sand.u32 $0x4000, s31;
	s1 =	sadd.s32 s1, s30  }
0xbe: {  	s0 =	sor.u32 s3, s0;
	s1 =	sshll.u32 s1, $0x11  }
0xbf: {  	s0 =	sor.u32 s1, s0  }
0xc0: {  	s0 =	sadd.s32 $0x8F2B, s0  }
0xc1: {  	[sflag:s0] =	ssyncadd.remote.s32 $0x1  }
0xc2: {  	_ =	sfence.sel $0xFFFF  }
0xc3: {  	[dreg:$0x0] =	wrdreg $0xFFFFFFFF;
	(pc) =	sbr.abs _section_cstart, $3  }
0xc4: {  	[dreg:$0x1] =	wrdreg $0xFFFFFFFF  }
0xc5: {  	_ =	task.clear_ibuf [dreg:s9], $0x2FFFF;
	_ =	strace $0x9FFFFFFF  }
0xc6: {  	(tm) =	ssettm $0x7FFFFFFF  }
0xc7: {  	_ =	shalt  }
tec
execute0_lowered:
.L_overlay_start_1:
0x0: {  	(tag) =	ssettag $0x1  }
0x1: {  	s0 =	rddreg [dreg:$0x0]  }
0x2: {  	s2 =	rddreg [dreg:$0x1]  }
0x3: {  	s4 =	rddreg [dreg:$0x2]  }
0x4: {  	s5 =	rddreg [dreg:$0x3];
	s1 =	simm.s32 $0x0  }
0x5: {  	s6 =	srdreg.scid;
	s8 =	stileid.u32;
	s11 =	simm.s32 $0x10  }
0x6: {  	s31 =	simm.s32 $0x400;
	s13 =	simm.s32 $0x2400;
	s15 =	simm.s32 $0xA400  }
0x7: {  	s29 =	simm.s32 $0x6C00;
	s20 =	simm.s32 $0xEC00;
	s12 =	simm.s32 $0x7400  }
0x8: {  	s14 =	simm.s32 $0xF400;
	s17 =	simm.s32 $0x7C00;
	s19 =	simm.s32 $0xFC00  }
0x9: {  	s21 =	simm.s32 $0x8400;
	s23 =	simm.s32 $0x10400;
	s28 =	simm.s32 $0x10C00  }
0xa: {  	s30 =	simm.s32 $0x9400;
	s10 =	simm.s32 $0x9C00;
	s18 =	simm.s32 $0x2  }
0xb: {  	[smem:$0x7FF] =	sst s1;
	s3 =	sadd.s32 $0xF42800, s4;
	s6 =	sand.u32 $0x1, s6  }
0xc: {  	s8 =	sshll.u32 s8, $0x7;
	s7 =	ssub.s32 $0x2, s6;
	s6 =	sshll.u32 s6, $0x6  }
0xd: {  	s4 =	sadd.s32 $0x1313200, s4;
	s9 =	sshrl.u32 s7, $0x1;
	s6 =	sor.u32 s6, s8  }
0xe: {  	_ =	strace $0x80000047;
	s7 =	ssub.s32 s7, s9;
	s0 =	sadd.s32 s0, s6  }
0xf: {  	s24 =	sadd.s32 s2, s6;
	s25 =	sadd.s32 s5, s6;
	[dreg:$0x5] =	wrdreg s0  }
0x10: {  	s9 =	simm.s32 $0x3;
	s2 =	simm.s32 $0xE400;
	[dreg:$0x6] =	wrdreg s24  }
0x11: {  	s5 =	simm.s32 $0x11C00;
	s6 =	simm.s32 $0x1;
	[dreg:$0x7] =	wrdreg s25  }
0x12: {  	v0 =	vlaneseq.u32;
	s26 =	smax.u32 s7, $0x1;
	s24 =	simm.s32 $0x6400;
	s25 =	simm.s32 $0x8C00  }
0x13: {  	v0 =	vmul.u32 $0x80, v0;
	s0 =	simm.s32 $0x11400;
	s7 =	simm.s32 $0x0;
	[dreg:$0x8] =	wrdreg s26  }
.LBB2_1:
0x14: {  	s8 =	rddreg [dreg:$0x5]  }
0x15: {  	[tilespmem:s1], [sflag:$0x3] =	stream.linear.gather [hbm4b:s8+s1], $0x200, $0x38;
	[tilespmem:$0x12600] =	vst v63  }
0x16: {  	_ =	swait.ge [sflag:s9], $0x200  }
0x17: {  	[sflag:s9] =	ssyncset.done $0x0  }
0x18: {  	s16 =	simm.s32 $0x200;
	s26 =	rddreg [dreg:$0x6];
	[sflag:s9] =	ssyncadd.s32 $0xFFFFFE00  }
0x19: {  	[tilespmem:s16], [sflag:$0x3] =	stream.linear.gather [hbm4b:s26+s1], $0x200, $0x38;
	[tilespmem:$0x12600] =	vst v63  }
0x1a: {  	_ =	swait.ge [sflag:s9], $0x200  }
0x1b: {  	[sflag:s9] =	ssyncset.done $0x0  }
0x1c: {  	s16 =	simm.s32 $0x0;
	[sflag:s9] =	ssyncadd.s32 $0xFFFFFE00  }
0x1d: {  	v1 =	vld [tilespmem:s16+$0x0]  }
0x1e: {  	v2 =	vld [tilespmem:s16+$0x200];
	_ =	sdelay $0x3  }
0x1f: {  	v1 =	vshrl.u32 v1, $0x2  }
0x20: {  	s22 =	simm.s32 $0x1400;
	[tilespmem:s31+$0x0] =	vst v1;
	v1 =	vshrl.u32 v2, $0x2  }
0x21: {  	s26 =	simm.s32 $0x10;
	[tilespmem:s22+$0x0] =	vst v1  }
0x22: {  	s8 =	simm.s32 $0x1400;
	s16 =	simm.s32 $0x400;
	s22 =	simm.s32 $0x80;
	v1 =	vld [tilespmem:s26+$0x0]  }
.LBB2_2:
0x23: {  	p0 =	sne.s32 s22, $0x7C0;
	v2 =	vld [tilespmem:s26+$0x200];
	_ =	sdelay $0x2  }
.Ltmp0:
0x24: {  	(pc) =	sbr.rel @p0 .LBB2_2-.Ltmp0, $4  }
0x25: {  	s16 =	sadd.s32 $0x80, s16;
	v1 =	vshrl.u32 v1, $0x2  }
0x26: {  	s8 =	sadd.s32 $0x80, s8;
	[tilespmem:s16+$0x0] =	vst v1;
	v1 =	vshrl.u32 v2, $0x2  }
0x27: {  	s26 =	sshra.s32 s22, $0x2;
	[tilespmem:s8+$0x0] =	vst v1  }
0x28: {  	s22 =	sadd.s32 $0x40, s22;
	v1 =	vld [tilespmem:s26+$0x0]  }
0x29: {  	v2 =	vld [tilespmem:s26+$0x200];
	_ =	sdelay $0x3  }
0x2a: {  	s16 =	sadd.s32 $0x80, s16;
	v1 =	vshrl.u32 v1, $0x2  }
0x2b: {  	s8 =	sadd.s32 $0x80, s8;
	[tilespmem:s16+$0x0] =	vst v1;
	v1 =	vshrl.u32 v2, $0x2  }
0x2c: {  	[tilespmem:s8+$0x0] =	vst v1  }
0x2d: {  	[tilespmem:s13], [sflag:$0x1] =	stream.indirect.gather [hbm4b:s3+s11], $0x80, s31, s11, $0xb8;
	[tilespmem:$0x12600] =	vst v63  }
0x2e: {  	s16 =	simm.s32 $0x1400  }
0x2f: {  	[tilespmem:s15], [sflag:$0x2] =	stream.indirect.gather [hbm4b:s4+s11], $0x80, s16, s11, $0xb8;
	[tilespmem:$0x12600] =	vst v63  }
0x30: {  	s22 =	simm.s32 $0x480;
	s26 =	simm.s32 $0x2C00  }
0x31: {  	[tilespmem:s26], [sflag:$0x1] =	stream.indirect.gather [hbm4b:s3+s11], $0x80, s22, s11, $0xb8;
	[tilespmem:$0x12600] =	vst v63  }
0x32: {  	s22 =	simm.s32 $0x1480;
	s26 =	simm.s32 $0xAC00  }
0x33: {  	[tilespmem:s26], [sflag:$0x2] =	stream.indirect.gather [hbm4b:s4+s11], $0x80, s22, s11, $0xb8;
	[tilespmem:$0x12600] =	vst v63  }
0x34: {  	s22 =	simm.s32 $0x500;
	s26 =	simm.s32 $0x3400  }
0x35: {  	[tilespmem:s26], [sflag:$0x1] =	stream.indirect.gather [hbm4b:s3+s11], $0x80, s22, s11, $0xb8;
	[tilespmem:$0x12600] =	vst v63  }
0x36: {  	s22 =	simm.s32 $0x1500;
	s26 =	simm.s32 $0xB400  }
0x37: {  	[tilespmem:s26], [sflag:$0x2] =	stream.indirect.gather [hbm4b:s4+s11], $0x80, s22, s11, $0xb8;
	[tilespmem:$0x12600] =	vst v63  }
0x38: {  	s22 =	simm.s32 $0x580;
	s26 =	simm.s32 $0x3C00  }
0x39: {  	[tilespmem:s26], [sflag:$0x1] =	stream.indirect.gather [hbm4b:s3+s11], $0x80, s22, s11, $0xb8;
	[tilespmem:$0x12600] =	vst v63  }
0x3a: {  	s22 =	simm.s32 $0x1580;
	s26 =	simm.s32 $0xBC00  }
0x3b: {  	[tilespmem:s26], [sflag:$0x2] =	stream.indirect.gather [hbm4b:s4+s11], $0x80, s22, s11, $0xb8;
	[tilespmem:$0x12600] =	vst v63  }
0x3c: {  	s22 =	simm.s32 $0x600;
	s26 =	simm.s32 $0x4400  }
0x3d: {  	[tilespmem:s26], [sflag:$0x1] =	stream.indirect.gather [hbm4b:s3+s11], $0x80, s22, s11, $0xb8;
	[tilespmem:$0x12600] =	vst v63  }
0x3e: {  	s22 =	simm.s32 $0x1600;
	s26 =	simm.s32 $0xC400  }
0x3f: {  	[tilespmem:s26], [sflag:$0x2] =	stream.indirect.gather [hbm4b:s4+s11], $0x80, s22, s11, $0xb8;
	[tilespmem:$0x12600] =	vst v63  }
0x40: {  	s22 =	simm.s32 $0x680;
	s26 =	simm.s32 $0x4C00  }
0x41: {  	[tilespmem:s26], [sflag:$0x1] =	stream.indirect.gather [hbm4b:s3+s11], $0x80, s22, s11, $0xb8;
	[tilespmem:$0x12600] =	vst v63  }
0x42: {  	s22 =	simm.s32 $0x1680;
	s26 =	simm.s32 $0xCC00  }
0x43: {  	[tilespmem:s26], [sflag:$0x2] =	stream.indirect.gather [hbm4b:s4+s11], $0x80, s22, s11, $0xb8;
	[tilespmem:$0x12600] =	vst v63  }
0x44: {  	s22 =	simm.s32 $0x700;
	s26 =	simm.s32 $0x5400  }
0x45: {  	[tilespmem:s26], [sflag:$0x1] =	stream.indirect.gather [hbm4b:s3+s11], $0x80, s22, s11, $0xb8;
	[tilespmem:$0x12600] =	vst v63  }
0x46: {  	s22 =	simm.s32 $0x1700;
	s26 =	simm.s32 $0xD400  }
0x47: {  	[tilespmem:s26], [sflag:$0x2] =	stream.indirect.gather [hbm4b:s4+s11], $0x80, s22, s11, $0xb8;
	[tilespmem:$0x12600] =	vst v63  }
0x48: {  	s22 =	simm.s32 $0x780;
	s26 =	simm.s32 $0x5C00  }
0x49: {  	[tilespmem:s26], [sflag:$0x1] =	stream.indirect.gather [hbm4b:s3+s11], $0x80, s22, s11, $0xb8;
	[tilespmem:$0x12600] =	vst v63  }
0x4a: {  	s22 =	simm.s32 $0x1780;
	s26 =	simm.s32 $0xDC00  }
0x4b: {  	[tilespmem:s26], [sflag:$0x2] =	stream.indirect.gather [hbm4b:s4+s11], $0x80, s22, s11, $0xb8;
	[tilespmem:$0x12600] =	vst v63  }
0x4c: {  	s16 =	simm.s32 $0x800  }
0x4d: {  	[tilespmem:s24], [sflag:$0x1] =	stream.indirect.gather [hbm4b:s3+s11], $0x80, s16, s11, $0xb8;
	[tilespmem:$0x12600] =	vst v63  }
0x4e: {  	s22 =	simm.s32 $0x1800  }
0x4f: {  	[tilespmem:s2], [sflag:$0x2] =	stream.indirect.gather [hbm4b:s4+s11], $0x80, s22, s11, $0xb8;
	[tilespmem:$0x12600] =	vst v63  }
0x50: {  	s26 =	simm.s32 $0x880  }
0x51: {  	[tilespmem:s29], [sflag:$0x1] =	stream.indirect.gather [hbm4b:s3+s11], $0x80, s26, s11, $0xb8;
	[tilespmem:$0x12600] =	vst v63  }
0x52: {  	s16 =	simm.s32 $0x1880  }
0x53: {  	[tilespmem:s20], [sflag:$0x2] =	stream.indirect.gather [hbm4b:s4+s11], $0x80, s16, s11, $0xb8;
	[tilespmem:$0x12600] =	vst v63  }
0x54: {  	s22 =	simm.s32 $0x900  }
0x55: {  	[tilespmem:s12], [sflag:$0x1] =	stream.indirect.gather [hbm4b:s3+s11], $0x80, s22, s11, $0xb8;
	[tilespmem:$0x12600] =	vst v63  }
0x56: {  	s26 =	simm.s32 $0x1900  }
0x57: {  	[tilespmem:s14], [sflag:$0x2] =	stream.indirect.gather [hbm4b:s4+s11], $0x80, s26, s11, $0xb8;
	[tilespmem:$0x12600] =	vst v63  }
0x58: {  	s16 =	simm.s32 $0x980  }
0x59: {  	[tilespmem:s17], [sflag:$0x1] =	stream.indirect.gather [hbm4b:s3+s11], $0x80, s16, s11, $0xb8;
	[tilespmem:$0x12600] =	vst v63  }
0x5a: {  	s22 =	simm.s32 $0x1980  }
0x5b: {  	[tilespmem:s19], [sflag:$0x2] =	stream.indirect.gather [hbm4b:s4+s11], $0x80, s22, s11, $0xb8;
	[tilespmem:$0x12600] =	vst v63  }
0x5c: {  	s26 =	simm.s32 $0xA00  }
0x5d: {  	[tilespmem:s21], [sflag:$0x1] =	stream.indirect.gather [hbm4b:s3+s11], $0x80, s26, s11, $0xb8;
	[tilespmem:$0x12600] =	vst v63  }
0x5e: {  	s16 =	simm.s32 $0x1A00  }
0x5f: {  	[tilespmem:s23], [sflag:$0x2] =	stream.indirect.gather [hbm4b:s4+s11], $0x80, s16, s11, $0xb8;
	[tilespmem:$0x12600] =	vst v63  }
0x60: {  	s22 =	simm.s32 $0xA80  }
0x61: {  	[tilespmem:s25], [sflag:$0x1] =	stream.indirect.gather [hbm4b:s3+s11], $0x80, s22, s11, $0xb8;
	[tilespmem:$0x12600] =	vst v63  }
0x62: {  	s26 =	simm.s32 $0x1A80  }
0x63: {  	[tilespmem:s28], [sflag:$0x2] =	stream.indirect.gather [hbm4b:s4+s11], $0x80, s26, s11, $0xb8;
	[tilespmem:$0x12600] =	vst v63  }
0x64: {  	s16 =	simm.s32 $0xB00  }
0x65: {  	[tilespmem:s30], [sflag:$0x1] =	stream.indirect.gather [hbm4b:s3+s11], $0x80, s16, s11, $0xb8;
	[tilespmem:$0x12600] =	vst v63  }
0x66: {  	s22 =	simm.s32 $0x1B00  }
0x67: {  	[tilespmem:s0], [sflag:$0x2] =	stream.indirect.gather [hbm4b:s4+s11], $0x80, s22, s11, $0xb8;
	[tilespmem:$0x12600] =	vst v63  }
0x68: {  	s26 =	simm.s32 $0xB80  }
0x69: {  	[tilespmem:s10], [sflag:$0x1] =	stream.indirect.gather [hbm4b:s3+s11], $0x80, s26, s11, $0xb8;
	[tilespmem:$0x12600] =	vst v63  }
0x6a: {  	s16 =	simm.s32 $0x1B80  }
0x6b: {  	[tilespmem:s5], [sflag:$0x2] =	stream.indirect.gather [hbm4b:s4+s11], $0x80, s16, s11, $0xb8;
	[tilespmem:$0x12600] =	vst v63  }
0x6c: {  	_ =	swait.ge [sflag:s6], $0x800  }
0x6d: {  	[sflag:s6] =	ssyncset.done $0x0  }
0x6e: {  	[sflag:s6] =	ssyncadd.s32 $0xFFFFF800  }
0x6f: {  	_ =	swait.ge [sflag:s18], $0x800  }
0x70: {  	[sflag:s18] =	ssyncset.done $0x0  }
0x71: {  	[sflag:s18] =	ssyncadd.s32 $0xFFFFF800  }
0x72: {  	_ =	swait.ge [sflag:s6], $0x800  }
0x73: {  	[sflag:s6] =	ssyncset.done $0x0  }
0x74: {  	[sflag:s6] =	ssyncadd.s32 $0xFFFFF800  }
0x75: {  	_ =	swait.ge [sflag:s18], $0x800  }
0x76: {  	[sflag:s18] =	ssyncset.done $0x0  }
0x77: {  	[sflag:s18] =	ssyncadd.s32 $0xFFFFF800  }
0x78: {  	_ =	swait.ge [sflag:s6], $0x800  }
0x79: {  	[sflag:s6] =	ssyncset.done $0x0  }
0x7a: {  	[sflag:s6] =	ssyncadd.s32 $0xFFFFF800  }
0x7b: {  	_ =	swait.ge [sflag:s18], $0x800  }
0x7c: {  	[sflag:s18] =	ssyncset.done $0x0  }
0x7d: {  	[sflag:s18] =	ssyncadd.s32 $0xFFFFF800  }
0x7e: {  	_ =	swait.ge [sflag:s6], $0x800  }
0x7f: {  	[sflag:s6] =	ssyncset.done $0x0  }
0x80: {  	[sflag:s6] =	ssyncadd.s32 $0xFFFFF800  }
0x81: {  	_ =	swait.ge [sflag:s18], $0x800  }
0x82: {  	[sflag:s18] =	ssyncset.done $0x0  }
0x83: {  	[sflag:s18] =	ssyncadd.s32 $0xFFFFF800  }
0x84: {  	_ =	swait.ge [sflag:s6], $0x800  }
0x85: {  	[sflag:s6] =	ssyncset.done $0x0  }
0x86: {  	[sflag:s6] =	ssyncadd.s32 $0xFFFFF800  }
0x87: {  	_ =	swait.ge [sflag:s18], $0x800  }
0x88: {  	[sflag:s18] =	ssyncset.done $0x0  }
0x89: {  	[sflag:s18] =	ssyncadd.s32 $0xFFFFF800  }
0x8a: {  	_ =	swait.ge [sflag:s6], $0x800  }
0x8b: {  	[sflag:s6] =	ssyncset.done $0x0  }
0x8c: {  	[sflag:s6] =	ssyncadd.s32 $0xFFFFF800  }
0x8d: {  	_ =	swait.ge [sflag:s18], $0x800  }
0x8e: {  	[sflag:s18] =	ssyncset.done $0x0  }
0x8f: {  	[sflag:s18] =	ssyncadd.s32 $0xFFFFF800  }
0x90: {  	_ =	swait.ge [sflag:s6], $0x800  }
0x91: {  	[sflag:s6] =	ssyncset.done $0x0  }
0x92: {  	[sflag:s6] =	ssyncadd.s32 $0xFFFFF800  }
0x93: {  	_ =	swait.ge [sflag:s18], $0x800  }
0x94: {  	[sflag:s18] =	ssyncset.done $0x0  }
0x95: {  	[sflag:s18] =	ssyncadd.s32 $0xFFFFF800  }
0x96: {  	_ =	swait.ge [sflag:s6], $0x800  }
0x97: {  	[sflag:s6] =	ssyncset.done $0x0  }
0x98: {  	[sflag:s6] =	ssyncadd.s32 $0xFFFFF800  }
0x99: {  	_ =	swait.ge [sflag:s18], $0x800  }
0x9a: {  	[sflag:s18] =	ssyncset.done $0x0  }
0x9b: {  	[sflag:s18] =	ssyncadd.s32 $0xFFFFF800  }
0x9c: {  	_ =	swait.ge [sflag:s6], $0x800  }
0x9d: {  	[sflag:s6] =	ssyncset.done $0x0  }
0x9e: {  	[sflag:s6] =	ssyncadd.s32 $0xFFFFF800  }
0x9f: {  	_ =	swait.ge [sflag:s18], $0x800  }
0xa0: {  	[sflag:s18] =	ssyncset.done $0x0  }
0xa1: {  	[sflag:s18] =	ssyncadd.s32 $0xFFFFF800  }
0xa2: {  	_ =	swait.ge [sflag:s6], $0x800  }
0xa3: {  	[sflag:s6] =	ssyncset.done $0x0  }
0xa4: {  	[sflag:s6] =	ssyncadd.s32 $0xFFFFF800  }
0xa5: {  	_ =	swait.ge [sflag:s18], $0x800  }
0xa6: {  	[sflag:s18] =	ssyncset.done $0x0  }
0xa7: {  	[sflag:s18] =	ssyncadd.s32 $0xFFFFF800  }
0xa8: {  	_ =	swait.ge [sflag:s6], $0x800  }
0xa9: {  	[sflag:s6] =	ssyncset.done $0x0  }
0xaa: {  	[sflag:s6] =	ssyncadd.s32 $0xFFFFF800  }
0xab: {  	_ =	swait.ge [sflag:s18], $0x800  }
0xac: {  	[sflag:s18] =	ssyncset.done $0x0  }
0xad: {  	[sflag:s18] =	ssyncadd.s32 $0xFFFFF800  }
0xae: {  	_ =	swait.ge [sflag:s6], $0x800  }
0xaf: {  	[sflag:s6] =	ssyncset.done $0x0  }
0xb0: {  	[sflag:s6] =	ssyncadd.s32 $0xFFFFF800  }
0xb1: {  	_ =	swait.ge [sflag:s18], $0x800  }
0xb2: {  	[sflag:s18] =	ssyncset.done $0x0  }
0xb3: {  	[sflag:s18] =	ssyncadd.s32 $0xFFFFF800  }
0xb4: {  	_ =	swait.ge [sflag:s6], $0x800  }
0xb5: {  	[sflag:s6] =	ssyncset.done $0x0  }
0xb6: {  	[sflag:s6] =	ssyncadd.s32 $0xFFFFF800  }
0xb7: {  	_ =	swait.ge [sflag:s18], $0x800  }
0xb8: {  	[sflag:s18] =	ssyncset.done $0x0  }
0xb9: {  	[sflag:s18] =	ssyncadd.s32 $0xFFFFF800  }
0xba: {  	_ =	swait.ge [sflag:s6], $0x800  }
0xbb: {  	[sflag:s6] =	ssyncset.done $0x0  }
0xbc: {  	[sflag:s6] =	ssyncadd.s32 $0xFFFFF800  }
0xbd: {  	_ =	swait.ge [sflag:s18], $0x800  }
0xbe: {  	[sflag:s18] =	ssyncset.done $0x0  }
0xbf: {  	[sflag:s18] =	ssyncadd.s32 $0xFFFFF800  }
0xc0: {  	_ =	swait.ge [sflag:s6], $0x800  }
0xc1: {  	[sflag:s6] =	ssyncset.done $0x0  }
0xc2: {  	[sflag:s6] =	ssyncadd.s32 $0xFFFFF800  }
0xc3: {  	_ =	swait.ge [sflag:s18], $0x800  }
0xc4: {  	[sflag:s18] =	ssyncset.done $0x0  }
0xc5: {  	[sflag:s18] =	ssyncadd.s32 $0xFFFFF800  }
0xc6: {  	_ =	swait.ge [sflag:s6], $0x800  }
0xc7: {  	[sflag:s6] =	ssyncset.done $0x0  }
0xc8: {  	[sflag:s6] =	ssyncadd.s32 $0xFFFFF800  }
0xc9: {  	_ =	swait.ge [sflag:s18], $0x800  }
0xca: {  	[sflag:s18] =	ssyncset.done $0x0  }
0xcb: {  	s22 =	simm.s32 $0x0;
	[sflag:s18] =	ssyncadd.s32 $0xFFFFF800  }
0xcc: {  	s26 =	simm.s32 $0x200;
	v1 =	vld [tilespmem:s22+$0x0]  }
0xcd: {  	v2 =	vld [tilespmem:s26+$0x0];
	_ =	sdelay $0x2  }
0xce: {  	v3 =	vmov s22  }
0xcf: {  	v3 =	vshll.u32 v3, $0x7;
	v1 =	vshll.u32 v1, $0x5  }
0xd0: {  	v3 =	vor.u32 v0, v3;
	v2 =	vshll.u32 v2, $0x5;
	v1 =	vand.u32 $0x60, v1  }
0xd1: {  	v4 =	vand.u32 $0x60, v2;
	v2 =	vor.u32 v3, v1  }
0xd2: {  	v1 =	vor.u32 v3, v4  }
0xd3: {  	v3 =	vor.u32 $0x1, v2  }
0xd4: {  	v4 =	vor.u32 $0x1, v1  }
0xd5: {  	v5 =	vor.u32 $0x2, v2  }
0xd6: {  	v7 =	vor.u32 $0x2, v1;
	v6 =	vld.idx.msk [tilespmem:v2+s13+$0x0], $0xffff  }
0xd7: {  	v9 =	vor.u32 $0x3, v2;
	v8 =	vld.idx.msk [tilespmem:v1+s15+$0x0], $0xffff  }
0xd8: {  	v10 =	vor.u32 $0x3, v1;
	v3 =	vld.idx.msk [tilespmem:v3+s13+$0x0], $0xffff  }
0xd9: {  	v11 =	vor.u32 $0x4, v2;
	v4 =	vld.idx.msk [tilespmem:v4+s15+$0x0], $0xffff  }
0xda: {  	v12 =	vor.u32 $0x4, v1;
	v5 =	vld.idx.msk [tilespmem:v5+s13+$0x0], $0xffff  }
0xdb: {  	v13 =	vor.u32 $0x5, v2;
	v7 =	vld.idx.msk [tilespmem:v7+s15+$0x0], $0xffff  }
0xdc: {  	v14 =	vor.u32 $0x5, v1;
	v9 =	vld.idx.msk [tilespmem:v9+s13+$0x0], $0xffff;
	v6 =	vmul.f32 v8, v6  }
0xdd: {  	v49 =	vor.u32 $0x6, v2;
	v48 =	vld.idx.msk [tilespmem:v10+s15+$0x0], $0xffff  }
0xde: {  	v15 =	vor.u32 $0x6, v1;
	v11 =	vld.idx.msk [tilespmem:v11+s13+$0x0], $0xffff;
	v3 =	vmul.f32 v4, v3;
	v6 =	vadd.f32 $0.0e+00, v6  }
0xdf: {  	v51 =	vor.u32 $0x7, v2;
	v50 =	vld.idx.msk [tilespmem:v12+s15+$0x0], $0xffff  }
0xe0: {  	v16 =	vor.u32 $0x7, v1;
	v13 =	vld.idx.msk [tilespmem:v13+s13+$0x0], $0xffff;
	v5 =	vmul.f32 v7, v5;
	v3 =	vadd.f32 v3, v6  }
0xe1: {  	v54 =	vor.u32 $0x8, v1;
	v52 =	vld.idx.msk [tilespmem:v14+s15+$0x0], $0xffff  }
0xe2: {  	v53 =	vor.u32 $0x8, v2;
	v10 =	vld.idx.msk [tilespmem:v49+s13+$0x0], $0xffff;
	v55 =	vmul.f32 v48, v9;
	v3 =	vadd.f32 v5, v3  }
0xe3: {  	v58 =	vor.u32 $0x9, v1;
	v56 =	vld.idx.msk [tilespmem:v15+s15+$0x0], $0xffff  }
0xe4: {  	v57 =	vor.u32 $0x9, v2;
	v12 =	vld.idx.msk [tilespmem:v51+s13+$0x0], $0xffff;
	v4 =	vmul.f32 v50, v11;
	v3 =	vadd.f32 v55, v3  }
0xe5: {  	v61 =	vor.u32 $0xA, v1;
	v59 =	vld.idx.msk [tilespmem:v16+s15+$0x0], $0xffff  }
0xe6: {  	v60 =	vor.u32 $0xA, v2;
	v63 =	vld.idx.msk [tilespmem:v54+s15+$0x0], $0xffff;
	v62 =	vmul.f32 v52, v13;
	v3 =	vadd.f32 v4, v3  }
0xe7: {  	v20 =	vor.u32 $0xB, v1;
	v7 =	vld.idx.msk [tilespmem:v53+s13+$0x0], $0xffff  }
0xe8: {  	v19 =	vor.u32 $0xB, v2;
	v22 =	vld.idx.msk [tilespmem:v58+s15+$0x0], $0xffff;
	v21 =	vmul.f32 v56, v10;
	v3 =	vadd.f32 v62, v3  }
0xe9: {  	v24 =	vor.u32 $0xC, v1;
	v9 =	vld.idx.msk [tilespmem:v57+s13+$0x0], $0xffff  }
0xea: {  	v23 =	vor.u32 $0xC, v2;
	v26 =	vld.idx.msk [tilespmem:v61+s15+$0x0], $0xffff;
	v25 =	vmul.f32 v59, v12;
	v3 =	vadd.f32 v21, v3  }
0xeb: {  	v28 =	vor.u32 $0xD, v1;
	v11 =	vld.idx.msk [tilespmem:v60+s13+$0x0], $0xffff  }
0xec: {  	v27 =	vor.u32 $0xD, v2;
	v30 =	vld.idx.msk [tilespmem:v20+s15+$0x0], $0xffff;
	v29 =	vmul.f32 v63, v7;
	v3 =	vadd.f32 v25, v3  }
0xed: {  	v32 =	vor.u32 $0xE, v1;
	v13 =	vld.idx.msk [tilespmem:v19+s13+$0x0], $0xffff  }
0xee: {  	v31 =	vor.u32 $0xE, v2;
	v34 =	vld.idx.msk [tilespmem:v24+s15+$0x0], $0xffff;
	v33 =	vmul.f32 v22, v9;
	v3 =	vadd.f32 v29, v3  }
0xef: {  	v36 =	vor.u32 $0xF, v1;
	v10 =	vld.idx.msk [tilespmem:v23+s13+$0x0], $0xffff  }
0xf0: {  	v35 =	vor.u32 $0xF, v2;
	v38 =	vld.idx.msk [tilespmem:v28+s15+$0x0], $0xffff;
	v37 =	vmul.f32 v26, v11;
	v3 =	vadd.f32 v33, v3  }
0xf1: {  	v40 =	vor.u32 $0x10, v1;
	v12 =	vld.idx.msk [tilespmem:v27+s13+$0x0], $0xffff  }
0xf2: {  	v39 =	vor.u32 $0x10, v2;
	v42 =	vld.idx.msk [tilespmem:v32+s15+$0x0], $0xffff;
	v41 =	vmul.f32 v30, v13;
	v3 =	vadd.f32 v37, v3  }
0xf3: {  	v44 =	vor.u32 $0x11, v1;
	v7 =	vld.idx.msk [tilespmem:v31+s13+$0x0], $0xffff  }
0xf4: {  	v43 =	vor.u32 $0x11, v2;
	v46 =	vld.idx.msk [tilespmem:v36+s15+$0x0], $0xffff;
	v45 =	vmul.f32 v34, v10;
	v3 =	vadd.f32 v41, v3  }
0xf5: {  	v47 =	vor.u32 $0x12, v2;
	v9 =	vld.idx.msk [tilespmem:v35+s13+$0x0], $0xffff  }
0xf6: {  	v48 =	vor.u32 $0x12, v1;
	v50 =	vld.idx.msk [tilespmem:v40+s15+$0x0], $0xffff;
	v49 =	vmul.f32 v38, v12;
	v3 =	vadd.f32 v45, v3  }
0xf7: {  	v51 =	vor.u32 $0x13, v2;
	v11 =	vld.idx.msk [tilespmem:v39+s13+$0x0], $0xffff  }
0xf8: {  	v54 =	vld.idx.msk [tilespmem:v44+s15+$0x0], $0xffff;
	v52 =	vor.u32 $0x13, v1;
	v53 =	vmul.f32 v42, v7;
	v3 =	vadd.f32 v49, v3  }
0xf9: {  	v56 =	vor.u32 $0x14, v1;
	v13 =	vld.idx.msk [tilespmem:v43+s13+$0x0], $0xffff  }
0xfa: {  	v10 =	vld.idx.msk [tilespmem:v47+s13+$0x0], $0xffff;
	v55 =	vor.u32 $0x14, v2;
	v57 =	vmul.f32 v46, v9;
	v3 =	vadd.f32 v53, v3  }
0xfb: {  	v60 =	vor.u32 $0x15, v1;
	v58 =	vld.idx.msk [tilespmem:v48+s15+$0x0], $0xffff  }
0xfc: {  	v59 =	vor.u32 $0x15, v2;
	v12 =	vld.idx.msk [tilespmem:v51+s13+$0x0], $0xffff;
	v61 =	vmul.f32 v50, v11;
	v3 =	vadd.f32 v57, v3  }
0xfd: {  	v20 =	vor.u32 $0x16, v1;
	v62 =	vld.idx.msk [tilespmem:v52+s15+$0x0], $0xffff  }
0xfe: {  	v63 =	vor.u32 $0x16, v2;
	v22 =	vld.idx.msk [tilespmem:v56+s15+$0x0], $0xffff;
	v21 =	vmul.f32 v54, v13;
	v3 =	vadd.f32 v61, v3  }
0xff: {  	v24 =	vor.u32 $0x17, v1;
	v7 =	vld.idx.msk [tilespmem:v55+s13+$0x0], $0xffff  }
0x100: {  	v23 =	vor.u32 $0x17, v2;
	v26 =	vld.idx.msk [tilespmem:v60+s15+$0x0], $0xffff;
	v25 =	vmul.f32 v58, v10;
	v3 =	vadd.f32 v21, v3  }
0x101: {  	v28 =	vor.u32 $0x18, v1;
	v9 =	vld.idx.msk [tilespmem:v59+s13+$0x0], $0xffff  }
0x102: {  	v27 =	vor.u32 $0x18, v2;
	v30 =	vld.idx.msk [tilespmem:v20+s15+$0x0], $0xffff;
	v29 =	vmul.f32 v62, v12;
	v3 =	vadd.f32 v25, v3  }
0x103: {  	v32 =	vor.u32 $0x19, v1;
	v11 =	vld.idx.msk [tilespmem:v63+s13+$0x0], $0xffff  }
0x104: {  	v31 =	vor.u32 $0x19, v2;
	v34 =	vld.idx.msk [tilespmem:v24+s15+$0x0], $0xffff;
	v33 =	vmul.f32 v22, v7;
	v3 =	vadd.f32 v29, v3  }
0x105: {  	v36 =	vor.u32 $0x1A, v1;
	v13 =	vld.idx.msk [tilespmem:v23+s13+$0x0], $0xffff  }
0x106: {  	v35 =	vor.u32 $0x1A, v2;
	v38 =	vld.idx.msk [tilespmem:v28+s15+$0x0], $0xffff;
	v37 =	vmul.f32 v26, v9;
	v3 =	vadd.f32 v33, v3  }
0x107: {  	v40 =	vor.u32 $0x1B, v1;
	v10 =	vld.idx.msk [tilespmem:v27+s13+$0x0], $0xffff  }
0x108: {  	v39 =	vor.u32 $0x1B, v2;
	v42 =	vld.idx.msk [tilespmem:v32+s15+$0x0], $0xffff;
	v41 =	vmul.f32 v30, v11;
	v3 =	vadd.f32 v37, v3  }
0x109: {  	v44 =	vor.u32 $0x1C, v1;
	v12 =	vld.idx.msk [tilespmem:v31+s13+$0x0], $0xffff  }
0x10a: {  	v43 =	vor.u32 $0x1C, v2;
	v46 =	vld.idx.msk [tilespmem:v36+s15+$0x0], $0xffff;
	v45 =	vmul.f32 v34, v13;
	v3 =	vadd.f32 v41, v3  }
0x10b: {  	v47 =	vor.u32 $0x1D, v2;
	v7 =	vld.idx.msk [tilespmem:v35+s13+$0x0], $0xffff  }
0x10c: {  	v48 =	vor.u32 $0x1D, v1;
	v50 =	vld.idx.msk [tilespmem:v40+s15+$0x0], $0xffff;
	v49 =	vmul.f32 v38, v10;
	v3 =	vadd.f32 v45, v3  }
0x10d: {  	v51 =	vor.u32 $0x1E, v2;
	v9 =	vld.idx.msk [tilespmem:v39+s13+$0x0], $0xffff  }
0x10e: {  	v52 =	vor.u32 $0x1E, v1;
	v54 =	vld.idx.msk [tilespmem:v44+s15+$0x0], $0xffff;
	v53 =	vmul.f32 v42, v12;
	v3 =	vadd.f32 v49, v3  }
0x10f: {  	v2 =	vor.u32 $0x1F, v2;
	v11 =	vld.idx.msk [tilespmem:v43+s13+$0x0], $0xffff  }
0x110: {  	v1 =	vor.u32 $0x1F, v1;
	v55 =	vld.idx.msk [tilespmem:v47+s13+$0x0], $0xffff;
	v56 =	vmul.f32 v46, v7;
	v3 =	vadd.f32 v53, v3  }
0x111: {  	v57 =	vld.idx.msk [tilespmem:v48+s15+$0x0], $0xffff  }
0x112: {  	v58 =	vld.idx.msk [tilespmem:v51+s13+$0x0], $0xffff;
	v59 =	vmul.f32 v50, v9;
	v3 =	vadd.f32 v56, v3  }
0x113: {  	v60 =	vld.idx.msk [tilespmem:v52+s15+$0x0], $0xffff  }
0x114: {  	v2 =	vld.idx.msk [tilespmem:v2+s13+$0x0], $0xffff;
	v61 =	vmul.f32 v54, v11;
	v3 =	vadd.f32 v59, v3  }
0x115: {  	v1 =	vld.idx.msk [tilespmem:v1+s15+$0x0], $0xffff  }
0x116: {  	v62 =	vmul.f32 v57, v55;
	v3 =	vadd.f32 v61, v3;
	_ =	sdelay $0x1  }
0x117: {  	v63 =	vmul.f32 v60, v58;
	v3 =	vadd.f32 v62, v3;
	_ =	sdelay $0x1  }
0x118: {  	v1 =	vmul.f32 v1, v2;
	v3 =	vadd.f32 v63, v3;
	_ =	sdelay $0x1  }
0x119: {  	v1 =	vadd.f32 v1, v3  }
0x11a: {  	s8 =	simm.s32 $0x12400  }
0x11b: {  	s22 =	simm.s32 $0x10;
	[tilespmem:s8+$0x0] =	vst v1  }
0x11c: {  	s26 =	simm.s32 $0x210;
	v1 =	vld [tilespmem:s22+$0x0]  }
0x11d: {  	s31 =	simm.s32 $0x20;
	s16 =	simm.s32 $0x10;
	v2 =	vld [tilespmem:s26+$0x0]  }
.LBB2_4:
0x11e: {  	p0 =	sne.s32 s31, $0xF0;
	_ =	sdelay $0x1  }
0x11f: {  	v3 =	vmov s22;
	s22 =	smov.u32 s31  }
0x120: {  	v3 =	vshll.u32 v3, $0x7;
	v1 =	vshll.u32 v1, $0x5  }
0x121: {  	v3 =	vor.u32 v0, v3;
	v1 =	vand.u32 $0x60, v1;
	v2 =	vshll.u32 v2, $0x5  }
0x122: {  	v4 =	vand.u32 $0x60, v2;
	v2 =	vor.u32 v3, v1  }
0x123: {  	v1 =	vor.u32 v3, v4  }
0x124: {  	v3 =	vor.u32 $0x1, v2  }
0x125: {  	v4 =	vor.u32 $0x1, v1  }
0x126: {  	v5 =	vor.u32 $0x2, v2  }
0x127: {  	v7 =	vor.u32 $0x2, v1;
	v6 =	vld.idx.msk [tilespmem:v2+s13+$0x0], $0xffff  }
0x128: {  	v9 =	vor.u32 $0x3, v2;
	v8 =	vld.idx.msk [tilespmem:v1+s15+$0x0], $0xffff  }
0x129: {  	v10 =	vor.u32 $0x3, v1;
	v3 =	vld.idx.msk [tilespmem:v3+s13+$0x0], $0xffff  }
0x12a: {  	v11 =	vor.u32 $0x4, v2;
	v4 =	vld.idx.msk [tilespmem:v4+s15+$0x0], $0xffff  }
0x12b: {  	v12 =	vor.u32 $0x4, v1;
	v5 =	vld.idx.msk [tilespmem:v5+s13+$0x0], $0xffff  }
0x12c: {  	v13 =	vor.u32 $0x5, v2;
	v7 =	vld.idx.msk [tilespmem:v7+s15+$0x0], $0xffff  }
0x12d: {  	v14 =	vor.u32 $0x5, v1;
	v9 =	vld.idx.msk [tilespmem:v9+s13+$0x0], $0xffff  }
0x12e: {  	v6 =	vmul.f32 v8, v6;
	v8 =	vld.idx.msk [tilespmem:v10+s15+$0x0], $0xffff;
	v10 =	vor.u32 $0x6, v2  }
0x12f: {  	v15 =	vor.u32 $0x6, v1;
	v11 =	vld.idx.msk [tilespmem:v11+s13+$0x0], $0xffff  }
0x130: {  	v6 =	vadd.f32 $0.0e+00, v6;
	v3 =	vmul.f32 v4, v3;
	v4 =	vld.idx.msk [tilespmem:v12+s15+$0x0], $0xffff;
	v12 =	vor.u32 $0x7, v2  }
0x131: {  	v16 =	vor.u32 $0x7, v1;
	v13 =	vld.idx.msk [tilespmem:v13+s13+$0x0], $0xffff  }
0x132: {  	v3 =	vadd.f32 v3, v6;
	v5 =	vmul.f32 v7, v5;
	v7 =	vor.u32 $0x8, v2;
	v6 =	vld.idx.msk [tilespmem:v14+s15+$0x0], $0xffff  }
0x133: {  	v14 =	vor.u32 $0x8, v1;
	v10 =	vld.idx.msk [tilespmem:v10+s13+$0x0], $0xffff  }
0x134: {  	v3 =	vadd.f32 v5, v3;
	v5 =	vmul.f32 v8, v9;
	v9 =	vor.u32 $0x9, v2;
	v8 =	vld.idx.msk [tilespmem:v15+s15+$0x0], $0xffff  }
0x135: {  	v15 =	vor.u32 $0x9, v1;
	v12 =	vld.idx.msk [tilespmem:v12+s13+$0x0], $0xffff  }
0x136: {  	v3 =	vadd.f32 v5, v3;
	v4 =	vmul.f32 v4, v11;
	v11 =	vor.u32 $0xA, v2;
	v5 =	vld.idx.msk [tilespmem:v16+s15+$0x0], $0xffff  }
0x137: {  	v16 =	vor.u32 $0xA, v1;
	v7 =	vld.idx.msk [tilespmem:v7+s13+$0x0], $0xffff  }
0x138: {  	v3 =	vadd.f32 v4, v3;
	v4 =	vmul.f32 v6, v13;
	v13 =	vor.u32 $0xB, v2;
	v6 =	vld.idx.msk [tilespmem:v14+s15+$0x0], $0xffff  }
0x139: {  	v14 =	vor.u32 $0xB, v1;
	v9 =	vld.idx.msk [tilespmem:v9+s13+$0x0], $0xffff  }
0x13a: {  	v3 =	vadd.f32 v4, v3;
	v4 =	vmul.f32 v8, v10;
	v10 =	vor.u32 $0xC, v2;
	v8 =	vld.idx.msk [tilespmem:v15+s15+$0x0], $0xffff  }
0x13b: {  	v15 =	vor.u32 $0xC, v1;
	v11 =	vld.idx.msk [tilespmem:v11+s13+$0x0], $0xffff  }
0x13c: {  	v3 =	vadd.f32 v4, v3;
	v4 =	vmul.f32 v5, v12;
	v12 =	vor.u32 $0xD, v2;
	v5 =	vld.idx.msk [tilespmem:v16+s15+$0x0], $0xffff  }
0x13d: {  	v16 =	vor.u32 $0xD, v1;
	v13 =	vld.idx.msk [tilespmem:v13+s13+$0x0], $0xffff  }
0x13e: {  	v3 =	vadd.f32 v4, v3;
	v4 =	vmul.f32 v6, v7;
	v7 =	vor.u32 $0xE, v2;
	v6 =	vld.idx.msk [tilespmem:v14+s15+$0x0], $0xffff  }
0x13f: {  	v14 =	vor.u32 $0xE, v1;
	v10 =	vld.idx.msk [tilespmem:v10+s13+$0x0], $0xffff  }
0x140: {  	v3 =	vadd.f32 v4, v3;
	v4 =	vmul.f32 v8, v9;
	v9 =	vor.u32 $0xF, v2;
	v8 =	vld.idx.msk [tilespmem:v15+s15+$0x0], $0xffff  }
0x141: {  	v15 =	vor.u32 $0xF, v1;
	v12 =	vld.idx.msk [tilespmem:v12+s13+$0x0], $0xffff  }
0x142: {  	v3 =	vadd.f32 v4, v3;
	v4 =	vmul.f32 v5, v11;
	v11 =	vor.u32 $0x10, v2;
	v5 =	vld.idx.msk [tilespmem:v16+s15+$0x0], $0xffff  }
0x143: {  	v16 =	vor.u32 $0x10, v1;
	v7 =	vld.idx.msk [tilespmem:v7+s13+$0x0], $0xffff  }
0x144: {  	v3 =	vadd.f32 v4, v3;
	v4 =	vmul.f32 v6, v13;
	v13 =	vor.u32 $0x11, v2;
	v6 =	vld.idx.msk [tilespmem:v14+s15+$0x0], $0xffff  }
0x145: {  	v14 =	vor.u32 $0x11, v1;
	v9 =	vld.idx.msk [tilespmem:v9+s13+$0x0], $0xffff  }
0x146: {  	v3 =	vadd.f32 v4, v3;
	v4 =	vmul.f32 v8, v10;
	v10 =	vor.u32 $0x12, v2;
	v8 =	vld.idx.msk [tilespmem:v15+s15+$0x0], $0xffff  }
0x147: {  	v15 =	vor.u32 $0x12, v1;
	v11 =	vld.idx.msk [tilespmem:v11+s13+$0x0], $0xffff  }
0x148: {  	v3 =	vadd.f32 v4, v3;
	v4 =	vmul.f32 v5, v12;
	v12 =	vor.u32 $0x13, v2;
	v5 =	vld.idx.msk [tilespmem:v16+s15+$0x0], $0xffff  }
0x149: {  	v16 =	vor.u32 $0x13, v1;
	v13 =	vld.idx.msk [tilespmem:v13+s13+$0x0], $0xffff  }
0x14a: {  	v3 =	vadd.f32 v4, v3;
	v4 =	vmul.f32 v6, v7;
	v7 =	vor.u32 $0x14, v2;
	v6 =	vld.idx.msk [tilespmem:v14+s15+$0x0], $0xffff  }
0x14b: {  	v14 =	vor.u32 $0x14, v1;
	v10 =	vld.idx.msk [tilespmem:v10+s13+$0x0], $0xffff  }
0x14c: {  	v3 =	vadd.f32 v4, v3;
	v4 =	vmul.f32 v8, v9;
	v9 =	vor.u32 $0x15, v2;
	v8 =	vld.idx.msk [tilespmem:v15+s15+$0x0], $0xffff  }
0x14d: {  	v15 =	vor.u32 $0x15, v1;
	v12 =	vld.idx.msk [tilespmem:v12+s13+$0x0], $0xffff  }
0x14e: {  	v3 =	vadd.f32 v4, v3;
	v4 =	vmul.f32 v5, v11;
	v11 =	vor.u32 $0x16, v2;
	v5 =	vld.idx.msk [tilespmem:v16+s15+$0x0], $0xffff  }
0x14f: {  	v16 =	vor.u32 $0x16, v1;
	v7 =	vld.idx.msk [tilespmem:v7+s13+$0x0], $0xffff  }
0x150: {  	v3 =	vadd.f32 v4, v3;
	v4 =	vmul.f32 v6, v13;
	v13 =	vor.u32 $0x17, v2;
	v6 =	vld.idx.msk [tilespmem:v14+s15+$0x0], $0xffff  }
0x151: {  	v14 =	vor.u32 $0x17, v1;
	v9 =	vld.idx.msk [tilespmem:v9+s13+$0x0], $0xffff  }
0x152: {  	v3 =	vadd.f32 v4, v3;
	v4 =	vmul.f32 v8, v10;
	v10 =	vor.u32 $0x18, v2;
	v8 =	vld.idx.msk [tilespmem:v15+s15+$0x0], $0xffff  }
0x153: {  	v15 =	vor.u32 $0x18, v1;
	v11 =	vld.idx.msk [tilespmem:v11+s13+$0x0], $0xffff  }
0x154: {  	v3 =	vadd.f32 v4, v3;
	v4 =	vmul.f32 v5, v12;
	v12 =	vor.u32 $0x19, v2;
	v5 =	vld.idx.msk [tilespmem:v16+s15+$0x0], $0xffff  }
0x155: {  	v16 =	vor.u32 $0x19, v1;
	v13 =	vld.idx.msk [tilespmem:v13+s13+$0x0], $0xffff  }
0x156: {  	v3 =	vadd.f32 v4, v3;
	v4 =	vmul.f32 v6, v7;
	v7 =	vor.u32 $0x1A, v2;
	v6 =	vld.idx.msk [tilespmem:v14+s15+$0x0], $0xffff  }
0x157: {  	v14 =	vor.u32 $0x1A, v1;
	v10 =	vld.idx.msk [tilespmem:v10+s13+$0x0], $0xffff  }
0x158: {  	v3 =	vadd.f32 v4, v3;
	v4 =	vmul.f32 v8, v9;
	v9 =	vor.u32 $0x1B, v2;
	v8 =	vld.idx.msk [tilespmem:v15+s15+$0x0], $0xffff  }
0x159: {  	v15 =	vor.u32 $0x1B, v1;
	v12 =	vld.idx.msk [tilespmem:v12+s13+$0x0], $0xffff  }
0x15a: {  	v3 =	vadd.f32 v4, v3;
	v4 =	vmul.f32 v5, v11;
	v11 =	vor.u32 $0x1C, v2;
	v5 =	vld.idx.msk [tilespmem:v16+s15+$0x0], $0xffff  }
0x15b: {  	v16 =	vor.u32 $0x1C, v1;
	v7 =	vld.idx.msk [tilespmem:v7+s13+$0x0], $0xffff  }
0x15c: {  	v3 =	vadd.f32 v4, v3;
	v4 =	vmul.f32 v6, v13;
	v13 =	vor.u32 $0x1D, v2;
	v6 =	vld.idx.msk [tilespmem:v14+s15+$0x0], $0xffff  }
0x15d: {  	v14 =	vor.u32 $0x1D, v1;
	v9 =	vld.idx.msk [tilespmem:v9+s13+$0x0], $0xffff  }
0x15e: {  	v3 =	vadd.f32 v4, v3;
	v4 =	vmul.f32 v8, v10;
	v10 =	vor.u32 $0x1E, v2;
	v8 =	vld.idx.msk [tilespmem:v15+s15+$0x0], $0xffff  }
0x15f: {  	v15 =	vor.u32 $0x1E, v1;
	v11 =	vld.idx.msk [tilespmem:v11+s13+$0x0], $0xffff  }
0x160: {  	v2 =	vor.u32 $0x1F, v2;
	v3 =	vadd.f32 v4, v3;
	v4 =	vmul.f32 v5, v12;
	v5 =	vld.idx.msk [tilespmem:v16+s15+$0x0], $0xffff  }
0x161: {  	v1 =	vor.u32 $0x1F, v1;
	v12 =	vld.idx.msk [tilespmem:v13+s13+$0x0], $0xffff  }
0x162: {  	v3 =	vadd.f32 v4, v3;
	v4 =	vmul.f32 v6, v7;
	v6 =	vld.idx.msk [tilespmem:v14+s15+$0x0], $0xffff  }
0x163: {  	v7 =	vld.idx.msk [tilespmem:v10+s13+$0x0], $0xffff  }
0x164: {  	v3 =	vadd.f32 v4, v3;
	v4 =	vmul.f32 v8, v9;
	v8 =	vld.idx.msk [tilespmem:v15+s15+$0x0], $0xffff  }
0x165: {  	v2 =	vld.idx.msk [tilespmem:v2+s13+$0x0], $0xffff  }
0x166: {  	v3 =	vadd.f32 v4, v3;
	v4 =	vmul.f32 v5, v11;
	v1 =	vld.idx.msk [tilespmem:v1+s15+$0x0], $0xffff;
	_ =	sdelay $0x1  }
0x167: {  	v3 =	vadd.f32 v4, v3;
	v4 =	vmul.f32 v6, v12;
	_ =	sdelay $0x1  }
0x168: {  	v3 =	vadd.f32 v4, v3;
	v4 =	vmul.f32 v8, v7;
	_ =	sdelay $0x1  }
0x169: {  	v3 =	vadd.f32 v4, v3;
	v1 =	vmul.f32 v1, v2;
	_ =	sdelay $0x1  }
.Ltmp1:
0x16a: {  	v1 =	vadd.f32 v1, v3;
	(pc) =	sbr.rel @p0 .LBB2_4-.Ltmp1, $4  }
0x16b: {  	s8 =	sadd.s32 $0x10, s8  }
0x16c: {  	s16 =	sadd.s32 $0x10, s16;
	[tilespmem:s8+$0x0] =	vst v1  }
0x16d: {  	s26 =	sadd.s32 $0x10, s26;
	v1 =	vld [tilespmem:s16+$0x0]  }
0x16e: {  	s31 =	sadd.s32 $0x10, s31;
	v2 =	vld [tilespmem:s26+$0x0]  }
0x16f: {  	_ =	sdelay $0x1  }
0x170: {  	v3 =	vmov s22  }
0x171: {  	v3 =	vshll.u32 v3, $0x7;
	v1 =	vshll.u32 v1, $0x5  }
0x172: {  	v3 =	vor.u32 v0, v3;
	v1 =	vand.u32 $0x60, v1;
	v2 =	vshll.u32 v2, $0x5  }
0x173: {  	v4 =	vand.u32 $0x60, v2;
	v2 =	vor.u32 v3, v1  }
0x174: {  	v1 =	vor.u32 v3, v4  }
0x175: {  	v3 =	vor.u32 $0x1, v2  }
0x176: {  	v4 =	vor.u32 $0x1, v1  }
0x177: {  	v5 =	vor.u32 $0x2, v2  }
0x178: {  	v7 =	vor.u32 $0x2, v1;
	v6 =	vld.idx.msk [tilespmem:v2+s13+$0x0], $0xffff  }
0x179: {  	v9 =	vor.u32 $0x3, v2;
	v8 =	vld.idx.msk [tilespmem:v1+s15+$0x0], $0xffff  }
0x17a: {  	v10 =	vor.u32 $0x3, v1;
	v3 =	vld.idx.msk [tilespmem:v3+s13+$0x0], $0xffff  }
0x17b: {  	v11 =	vor.u32 $0x4, v2;
	v4 =	vld.idx.msk [tilespmem:v4+s15+$0x0], $0xffff  }
0x17c: {  	v12 =	vor.u32 $0x4, v1;
	v5 =	vld.idx.msk [tilespmem:v5+s13+$0x0], $0xffff  }
0x17d: {  	v13 =	vor.u32 $0x5, v2;
	v7 =	vld.idx.msk [tilespmem:v7+s15+$0x0], $0xffff  }
0x17e: {  	v14 =	vor.u32 $0x5, v1;
	v9 =	vld.idx.msk [tilespmem:v9+s13+$0x0], $0xffff;
	v6 =	vmul.f32 v8, v6  }
0x17f: {  	v21 =	vor.u32 $0x6, v2;
	v20 =	vld.idx.msk [tilespmem:v10+s15+$0x0], $0xffff  }
0x180: {  	v15 =	vor.u32 $0x6, v1;
	v11 =	vld.idx.msk [tilespmem:v11+s13+$0x0], $0xffff;
	v3 =	vmul.f32 v4, v3;
	v6 =	vadd.f32 $0.0e+00, v6  }
0x181: {  	v23 =	vor.u32 $0x7, v2;
	v22 =	vld.idx.msk [tilespmem:v12+s15+$0x0], $0xffff  }
0x182: {  	v16 =	vor.u32 $0x7, v1;
	v13 =	vld.idx.msk [tilespmem:v13+s13+$0x0], $0xffff;
	v5 =	vmul.f32 v7, v5;
	v3 =	vadd.f32 v3, v6  }
0x183: {  	v26 =	vor.u32 $0x8, v1;
	v24 =	vld.idx.msk [tilespmem:v14+s15+$0x0], $0xffff  }
0x184: {  	v25 =	vor.u32 $0x8, v2;
	v10 =	vld.idx.msk [tilespmem:v21+s13+$0x0], $0xffff;
	v27 =	vmul.f32 v20, v9;
	v3 =	vadd.f32 v5, v3  }
0x185: {  	v30 =	vor.u32 $0x9, v1;
	v28 =	vld.idx.msk [tilespmem:v15+s15+$0x0], $0xffff  }
0x186: {  	v29 =	vor.u32 $0x9, v2;
	v12 =	vld.idx.msk [tilespmem:v23+s13+$0x0], $0xffff;
	v4 =	vmul.f32 v22, v11;
	v3 =	vadd.f32 v27, v3  }
0x187: {  	v33 =	vor.u32 $0xA, v1;
	v31 =	vld.idx.msk [tilespmem:v16+s15+$0x0], $0xffff  }
0x188: {  	v32 =	vor.u32 $0xA, v2;
	v35 =	vld.idx.msk [tilespmem:v26+s15+$0x0], $0xffff;
	v34 =	vmul.f32 v24, v13;
	v3 =	vadd.f32 v4, v3  }
0x189: {  	v37 =	vor.u32 $0xB, v1;
	v7 =	vld.idx.msk [tilespmem:v25+s13+$0x0], $0xffff  }
0x18a: {  	v36 =	vor.u32 $0xB, v2;
	v39 =	vld.idx.msk [tilespmem:v30+s15+$0x0], $0xffff;
	v38 =	vmul.f32 v28, v10;
	v3 =	vadd.f32 v34, v3  }
0x18b: {  	v41 =	vor.u32 $0xC, v1;
	v9 =	vld.idx.msk [tilespmem:v29+s13+$0x0], $0xffff  }
0x18c: {  	v40 =	vor.u32 $0xC, v2;
	v43 =	vld.idx.msk [tilespmem:v33+s15+$0x0], $0xffff;
	v42 =	vmul.f32 v31, v12;
	v3 =	vadd.f32 v38, v3  }
0x18d: {  	v45 =	vor.u32 $0xD, v1;
	v11 =	vld.idx.msk [tilespmem:v32+s13+$0x0], $0xffff  }
0x18e: {  	v44 =	vor.u32 $0xD, v2;
	v47 =	vld.idx.msk [tilespmem:v37+s15+$0x0], $0xffff;
	v46 =	vmul.f32 v35, v7;
	v3 =	vadd.f32 v42, v3  }
0x18f: {  	v49 =	vor.u32 $0xE, v1;
	v13 =	vld.idx.msk [tilespmem:v36+s13+$0x0], $0xffff  }
0x190: {  	v48 =	vor.u32 $0xE, v2;
	v51 =	vld.idx.msk [tilespmem:v41+s15+$0x0], $0xffff;
	v50 =	vmul.f32 v39, v9;
	v3 =	vadd.f32 v46, v3  }
0x191: {  	v53 =	vor.u32 $0xF, v1;
	v10 =	vld.idx.msk [tilespmem:v40+s13+$0x0], $0xffff  }
0x192: {  	v52 =	vor.u32 $0xF, v2;
	v55 =	vld.idx.msk [tilespmem:v45+s15+$0x0], $0xffff;
	v54 =	vmul.f32 v43, v11;
	v3 =	vadd.f32 v50, v3  }
0x193: {  	v57 =	vor.u32 $0x10, v1;
	v12 =	vld.idx.msk [tilespmem:v44+s13+$0x0], $0xffff  }
0x194: {  	v56 =	vor.u32 $0x10, v2;
	v59 =	vld.idx.msk [tilespmem:v49+s15+$0x0], $0xffff;
	v58 =	vmul.f32 v47, v13;
	v3 =	vadd.f32 v54, v3  }
0x195: {  	v60 =	vor.u32 $0x11, v2;
	v7 =	vld.idx.msk [tilespmem:v48+s13+$0x0], $0xffff  }
0x196: {  	v61 =	vor.u32 $0x11, v1;
	v63 =	vld.idx.msk [tilespmem:v53+s15+$0x0], $0xffff;
	v62 =	vmul.f32 v51, v10;
	v3 =	vadd.f32 v58, v3  }
0x197: {  	v21 =	vor.u32 $0x12, v1;
	v9 =	vld.idx.msk [tilespmem:v52+s13+$0x0], $0xffff  }
0x198: {  	v23 =	vld.idx.msk [tilespmem:v57+s15+$0x0], $0xffff;
	v20 =	vor.u32 $0x12, v2;
	v22 =	vmul.f32 v55, v12;
	v3 =	vadd.f32 v62, v3  }
0x199: {  	v24 =	vor.u32 $0x13, v2;
	v11 =	vld.idx.msk [tilespmem:v56+s13+$0x0], $0xffff  }
0x19a: {  	v25 =	vor.u32 $0x13, v1;
	v13 =	vld.idx.msk [tilespmem:v60+s13+$0x0], $0xffff;
	v26 =	vmul.f32 v59, v7;
	v3 =	vadd.f32 v22, v3  }
0x19b: {  	v29 =	vor.u32 $0x14, v1;
	v27 =	vld.idx.msk [tilespmem:v61+s15+$0x0], $0xffff  }
0x19c: {  	v28 =	vor.u32 $0x14, v2;
	v31 =	vld.idx.msk [tilespmem:v21+s15+$0x0], $0xffff;
	v30 =	vmul.f32 v63, v9;
	v3 =	vadd.f32 v26, v3  }
0x19d: {  	v33 =	vor.u32 $0x15, v1;
	v10 =	vld.idx.msk [tilespmem:v20+s13+$0x0], $0xffff  }
0x19e: {  	v32 =	vor.u32 $0x15, v2;
	v12 =	vld.idx.msk [tilespmem:v24+s13+$0x0], $0xffff;
	v34 =	vmul.f32 v23, v11;
	v3 =	vadd.f32 v30, v3  }
0x19f: {  	v37 =	vor.u32 $0x16, v1;
	v35 =	vld.idx.msk [tilespmem:v25+s15+$0x0], $0xffff  }
0x1a0: {  	v36 =	vor.u32 $0x16, v2;
	v39 =	vld.idx.msk [tilespmem:v29+s15+$0x0], $0xffff;
	v38 =	vmul.f32 v27, v13;
	v3 =	vadd.f32 v34, v3  }
0x1a1: {  	v41 =	vor.u32 $0x17, v1;
	v7 =	vld.idx.msk [tilespmem:v28+s13+$0x0], $0xffff  }
0x1a2: {  	v40 =	vor.u32 $0x17, v2;
	v43 =	vld.idx.msk [tilespmem:v33+s15+$0x0], $0xffff;
	v42 =	vmul.f32 v31, v10;
	v3 =	vadd.f32 v38, v3  }
0x1a3: {  	v45 =	vor.u32 $0x18, v1;
	v9 =	vld.idx.msk [tilespmem:v32+s13+$0x0], $0xffff  }
0x1a4: {  	v44 =	vor.u32 $0x18, v2;
	v47 =	vld.idx.msk [tilespmem:v37+s15+$0x0], $0xffff;
	v46 =	vmul.f32 v35, v12;
	v3 =	vadd.f32 v42, v3  }
0x1a5: {  	v49 =	vor.u32 $0x19, v1;
	v11 =	vld.idx.msk [tilespmem:v36+s13+$0x0], $0xffff  }
0x1a6: {  	v48 =	vor.u32 $0x19, v2;
	v51 =	vld.idx.msk [tilespmem:v41+s15+$0x0], $0xffff;
	v50 =	vmul.f32 v39, v7;
	v3 =	vadd.f32 v46, v3  }
0x1a7: {  	v53 =	vor.u32 $0x1A, v1;
	v13 =	vld.idx.msk [tilespmem:v40+s13+$0x0], $0xffff  }
0x1a8: {  	v52 =	vor.u32 $0x1A, v2;
	v55 =	vld.idx.msk [tilespmem:v45+s15+$0x0], $0xffff;
	v54 =	vmul.f32 v43, v9;
	v3 =	vadd.f32 v50, v3  }
0x1a9: {  	v57 =	vor.u32 $0x1B, v1;
	v10 =	vld.idx.msk [tilespmem:v44+s13+$0x0], $0xffff  }
0x1aa: {  	v56 =	vor.u32 $0x1B, v2;
	v59 =	vld.idx.msk [tilespmem:v49+s15+$0x0], $0xffff;
	v58 =	vmul.f32 v47, v11;
	v3 =	vadd.f32 v54, v3  }
0x1ab: {  	v61 =	vor.u32 $0x1C, v1;
	v12 =	vld.idx.msk [tilespmem:v48+s13+$0x0], $0xffff  }
0x1ac: {  	v60 =	vor.u32 $0x1C, v2;
	v63 =	vld.idx.msk [tilespmem:v53+s15+$0x0], $0xffff;
	v62 =	vmul.f32 v51, v13;
	v3 =	vadd.f32 v58, v3  }
0x1ad: {  	v19 =	vor.u32 $0x1D, v1;
	v7 =	vld.idx.msk [tilespmem:v52+s13+$0x0], $0xffff  }
0x1ae: {  	v18 =	vor.u32 $0x1D, v2;
	v21 =	vld.idx.msk [tilespmem:v57+s15+$0x0], $0xffff;
	v20 =	vmul.f32 v55, v10;
	v3 =	vadd.f32 v62, v3  }
0x1af: {  	v23 =	vor.u32 $0x1E, v1;
	v9 =	vld.idx.msk [tilespmem:v56+s13+$0x0], $0xffff  }
0x1b0: {  	v25 =	vld.idx.msk [tilespmem:v61+s15+$0x0], $0xffff;
	v24 =	vmul.f32 v59, v12;
	v22 =	vor.u32 $0x1E, v2;
	v3 =	vadd.f32 v20, v3  }
0x1b1: {  	v1 =	vor.u32 $0x1F, v1;
	v11 =	vld.idx.msk [tilespmem:v60+s13+$0x0], $0xffff  }
0x1b2: {  	v28 =	vld.idx.msk [tilespmem:v19+s15+$0x0], $0xffff;
	v27 =	vmul.f32 v63, v7;
	v2 =	vor.u32 $0x1F, v2;
	v3 =	vadd.f32 v24, v3  }
0x1b3: {  	v26 =	vld.idx.msk [tilespmem:v18+s13+$0x0], $0xffff  }
0x1b4: {  	v31 =	vld.idx.msk [tilespmem:v23+s15+$0x0], $0xffff;
	v30 =	vmul.f32 v21, v9;
	v3 =	vadd.f32 v27, v3  }
0x1b5: {  	v29 =	vld.idx.msk [tilespmem:v22+s13+$0x0], $0xffff  }
0x1b6: {  	v1 =	vld.idx.msk [tilespmem:v1+s15+$0x0], $0xffff;
	v32 =	vmul.f32 v25, v11;
	v3 =	vadd.f32 v30, v3  }
0x1b7: {  	v2 =	vld.idx.msk [tilespmem:v2+s13+$0x0], $0xffff  }
0x1b8: {  	v33 =	vmul.f32 v28, v26;
	v3 =	vadd.f32 v32, v3;
	_ =	sdelay $0x1  }
0x1b9: {  	v34 =	vmul.f32 v31, v29;
	v3 =	vadd.f32 v33, v3;
	_ =	sdelay $0x1  }
0x1ba: {  	v1 =	vmul.f32 v1, v2;
	v3 =	vadd.f32 v34, v3;
	_ =	sdelay $0x1  }
0x1bb: {  	v1 =	vadd.f32 v1, v3  }
0x1bc: {  	s8 =	sadd.s32 $0x10, s8  }
0x1bd: {  	s16 =	simm.s32 $0xC00;
	[tilespmem:s8+$0x0] =	vst v1  }
0x1be: {  	[tilespmem:s13], [sflag:$0x1] =	stream.indirect.gather [hbm4b:s3+s11], $0x80, s16, s11, $0xb8;
	[tilespmem:$0x12600] =	vst v63  }
0x1bf: {  	s22 =	simm.s32 $0x1C00  }
0x1c0: {  	[tilespmem:s15], [sflag:$0x2] =	stream.indirect.gather [hbm4b:s4+s11], $0x80, s22, s11, $0xb8;
	[tilespmem:$0x12600] =	vst v63  }
0x1c1: {  	s26 =	simm.s32 $0x2C00;
	s16 =	simm.s32 $0xC80  }
0x1c2: {  	[tilespmem:s26], [sflag:$0x1] =	stream.indirect.gather [hbm4b:s3+s11], $0x80, s16, s11, $0xb8;
	[tilespmem:$0x12600] =	vst v63  }
0x1c3: {  	s22 =	simm.s32 $0xAC00;
	s26 =	simm.s32 $0x1C80  }
0x1c4: {  	[tilespmem:s22], [sflag:$0x2] =	stream.indirect.gather [hbm4b:s4+s11], $0x80, s26, s11, $0xb8;
	[tilespmem:$0x12600] =	vst v63  }
0x1c5: {  	s22 =	simm.s32 $0x3400;
	s26 =	simm.s32 $0xD00  }
0x1c6: {  	[tilespmem:s22], [sflag:$0x1] =	stream.indirect.gather [hbm4b:s3+s11], $0x80, s26, s11, $0xb8;
	[tilespmem:$0x12600] =	vst v63  }
0x1c7: {  	s22 =	simm.s32 $0xB400;
	s26 =	simm.s32 $0x1D00  }
0x1c8: {  	[tilespmem:s22], [sflag:$0x2] =	stream.indirect.gather [hbm4b:s4+s11], $0x80, s26, s11, $0xb8;
	[tilespmem:$0x12600] =	vst v63  }
0x1c9: {  	s22 =	simm.s32 $0x3C00;
	s26 =	simm.s32 $0xD80  }
0x1ca: {  	[tilespmem:s22], [sflag:$0x1] =	stream.indirect.gather [hbm4b:s3+s11], $0x80, s26, s11, $0xb8;
	[tilespmem:$0x12600] =	vst v63  }
0x1cb: {  	s22 =	simm.s32 $0xBC00;
	s26 =	simm.s32 $0x1D80  }
0x1cc: {  	[tilespmem:s22], [sflag:$0x2] =	stream.indirect.gather [hbm4b:s4+s11], $0x80, s26, s11, $0xb8;
	[tilespmem:$0x12600] =	vst v63  }
0x1cd: {  	s22 =	simm.s32 $0x4400;
	s26 =	simm.s32 $0xE00  }
0x1ce: {  	[tilespmem:s22], [sflag:$0x1] =	stream.indirect.gather [hbm4b:s3+s11], $0x80, s26, s11, $0xb8;
	[tilespmem:$0x12600] =	vst v63  }
0x1cf: {  	s22 =	simm.s32 $0xC400;
	s26 =	simm.s32 $0x1E00  }
0x1d0: {  	[tilespmem:s22], [sflag:$0x2] =	stream.indirect.gather [hbm4b:s4+s11], $0x80, s26, s11, $0xb8;
	[tilespmem:$0x12600] =	vst v63  }
0x1d1: {  	s22 =	simm.s32 $0x4C00;
	s26 =	simm.s32 $0xE80  }
0x1d2: {  	[tilespmem:s22], [sflag:$0x1] =	stream.indirect.gather [hbm4b:s3+s11], $0x80, s26, s11, $0xb8;
	[tilespmem:$0x12600] =	vst v63  }
0x1d3: {  	s22 =	simm.s32 $0xCC00;
	s26 =	simm.s32 $0x1E80  }
0x1d4: {  	[tilespmem:s22], [sflag:$0x2] =	stream.indirect.gather [hbm4b:s4+s11], $0x80, s26, s11, $0xb8;
	[tilespmem:$0x12600] =	vst v63  }
0x1d5: {  	s22 =	simm.s32 $0x5400;
	s26 =	simm.s32 $0xF00  }
0x1d6: {  	[tilespmem:s22], [sflag:$0x1] =	stream.indirect.gather [hbm4b:s3+s11], $0x80, s26, s11, $0xb8;
	[tilespmem:$0x12600] =	vst v63  }
0x1d7: {  	s22 =	simm.s32 $0xD400;
	s26 =	simm.s32 $0x1F00  }
0x1d8: {  	[tilespmem:s22], [sflag:$0x2] =	stream.indirect.gather [hbm4b:s4+s11], $0x80, s26, s11, $0xb8;
	[tilespmem:$0x12600] =	vst v63  }
0x1d9: {  	s22 =	simm.s32 $0x5C00;
	s26 =	simm.s32 $0xF80  }
0x1da: {  	[tilespmem:s22], [sflag:$0x1] =	stream.indirect.gather [hbm4b:s3+s11], $0x80, s26, s11, $0xb8;
	[tilespmem:$0x12600] =	vst v63  }
0x1db: {  	s16 =	simm.s32 $0xDC00;
	s22 =	simm.s32 $0x1F80  }
0x1dc: {  	[tilespmem:s16], [sflag:$0x2] =	stream.indirect.gather [hbm4b:s4+s11], $0x80, s22, s11, $0xb8;
	[tilespmem:$0x12600] =	vst v63  }
0x1dd: {  	s26 =	simm.s32 $0x1000  }
0x1de: {  	[tilespmem:s24], [sflag:$0x1] =	stream.indirect.gather [hbm4b:s3+s11], $0x80, s26, s11, $0xb8;
	[tilespmem:$0x12600] =	vst v63  }
0x1df: {  	s16 =	simm.s32 $0x2000  }
0x1e0: {  	[tilespmem:s2], [sflag:$0x2] =	stream.indirect.gather [hbm4b:s4+s11], $0x80, s16, s11, $0xb8;
	[tilespmem:$0x12600] =	vst v63  }
0x1e1: {  	s22 =	simm.s32 $0x1080  }
0x1e2: {  	[tilespmem:s29], [sflag:$0x1] =	stream.indirect.gather [hbm4b:s3+s11], $0x80, s22, s11, $0xb8;
	[tilespmem:$0x12600] =	vst v63  }
0x1e3: {  	s26 =	simm.s32 $0x2080  }
0x1e4: {  	[tilespmem:s20], [sflag:$0x2] =	stream.indirect.gather [hbm4b:s4+s11], $0x80, s26, s11, $0xb8;
	[tilespmem:$0x12600] =	vst v63  }
0x1e5: {  	s16 =	simm.s32 $0x1100  }
0x1e6: {  	[tilespmem:s12], [sflag:$0x1] =	stream.indirect.gather [hbm4b:s3+s11], $0x80, s16, s11, $0xb8;
	[tilespmem:$0x12600] =	vst v63  }
0x1e7: {  	s22 =	simm.s32 $0x2100  }
0x1e8: {  	[tilespmem:s14], [sflag:$0x2] =	stream.indirect.gather [hbm4b:s4+s11], $0x80, s22, s11, $0xb8;
	[tilespmem:$0x12600] =	vst v63  }
0x1e9: {  	s26 =	simm.s32 $0x1180  }
0x1ea: {  	[tilespmem:s17], [sflag:$0x1] =	stream.indirect.gather [hbm4b:s3+s11], $0x80, s26, s11, $0xb8;
	[tilespmem:$0x12600] =	vst v63  }
0x1eb: {  	s16 =	simm.s32 $0x2180  }
0x1ec: {  	[tilespmem:s19], [sflag:$0x2] =	stream.indirect.gather [hbm4b:s4+s11], $0x80, s16, s11, $0xb8;
	[tilespmem:$0x12600] =	vst v63  }
0x1ed: {  	s22 =	simm.s32 $0x1200  }
0x1ee: {  	[tilespmem:s21], [sflag:$0x1] =	stream.indirect.gather [hbm4b:s3+s11], $0x80, s22, s11, $0xb8;
	[tilespmem:$0x12600] =	vst v63  }
0x1ef: {  	s26 =	simm.s32 $0x2200  }
0x1f0: {  	[tilespmem:s23], [sflag:$0x2] =	stream.indirect.gather [hbm4b:s4+s11], $0x80, s26, s11, $0xb8;
	[tilespmem:$0x12600] =	vst v63  }
0x1f1: {  	s16 =	simm.s32 $0x1280  }
0x1f2: {  	[tilespmem:s25], [sflag:$0x1] =	stream.indirect.gather [hbm4b:s3+s11], $0x80, s16, s11, $0xb8;
	[tilespmem:$0x12600] =	vst v63  }
0x1f3: {  	s22 =	simm.s32 $0x2280  }
0x1f4: {  	[tilespmem:s28], [sflag:$0x2] =	stream.indirect.gather [hbm4b:s4+s11], $0x80, s22, s11, $0xb8;
	[tilespmem:$0x12600] =	vst v63  }
0x1f5: {  	s26 =	simm.s32 $0x1300  }
0x1f6: {  	[tilespmem:s30], [sflag:$0x1] =	stream.indirect.gather [hbm4b:s3+s11], $0x80, s26, s11, $0xb8;
	[tilespmem:$0x12600] =	vst v63  }
0x1f7: {  	s16 =	simm.s32 $0x2300  }
0x1f8: {  	[tilespmem:s0], [sflag:$0x2] =	stream.indirect.gather [hbm4b:s4+s11], $0x80, s16, s11, $0xb8;
	[tilespmem:$0x12600] =	vst v63  }
0x1f9: {  	s22 =	simm.s32 $0x1380  }
0x1fa: {  	[tilespmem:s10], [sflag:$0x1] =	stream.indirect.gather [hbm4b:s3+s11], $0x80, s22, s11, $0xb8;
	[tilespmem:$0x12600] =	vst v63  }
0x1fb: {  	s26 =	simm.s32 $0x2380  }
0x1fc: {  	[tilespmem:s5], [sflag:$0x2] =	stream.indirect.gather [hbm4b:s4+s11], $0x80, s26, s11, $0xb8;
	[tilespmem:$0x12600] =	vst v63  }
0x1fd: {  	_ =	swait.ge [sflag:s6], $0x800  }
0x1fe: {  	[sflag:s6] =	ssyncset.done $0x0  }
0x1ff: {  	[sflag:s6] =	ssyncadd.s32 $0xFFFFF800  }
0x200: {  	_ =	swait.ge [sflag:s18], $0x800  }
0x201: {  	[sflag:s18] =	ssyncset.done $0x0  }
0x202: {  	[sflag:s18] =	ssyncadd.s32 $0xFFFFF800  }
0x203: {  	_ =	swait.ge [sflag:s6], $0x800  }
0x204: {  	[sflag:s6] =	ssyncset.done $0x0  }
0x205: {  	[sflag:s6] =	ssyncadd.s32 $0xFFFFF800  }
0x206: {  	_ =	swait.ge [sflag:s18], $0x800  }
0x207: {  	[sflag:s18] =	ssyncset.done $0x0  }
0x208: {  	[sflag:s18] =	ssyncadd.s32 $0xFFFFF800  }
0x209: {  	_ =	swait.ge [sflag:s6], $0x800  }
0x20a: {  	[sflag:s6] =	ssyncset.done $0x0  }
0x20b: {  	[sflag:s6] =	ssyncadd.s32 $0xFFFFF800  }
0x20c: {  	_ =	swait.ge [sflag:s18], $0x800  }
0x20d: {  	[sflag:s18] =	ssyncset.done $0x0  }
0x20e: {  	[sflag:s18] =	ssyncadd.s32 $0xFFFFF800  }
0x20f: {  	_ =	swait.ge [sflag:s6], $0x800  }
0x210: {  	[sflag:s6] =	ssyncset.done $0x0  }
0x211: {  	[sflag:s6] =	ssyncadd.s32 $0xFFFFF800  }
0x212: {  	_ =	swait.ge [sflag:s18], $0x800  }
0x213: {  	[sflag:s18] =	ssyncset.done $0x0  }
0x214: {  	[sflag:s18] =	ssyncadd.s32 $0xFFFFF800  }
0x215: {  	_ =	swait.ge [sflag:s6], $0x800  }
0x216: {  	[sflag:s6] =	ssyncset.done $0x0  }
0x217: {  	[sflag:s6] =	ssyncadd.s32 $0xFFFFF800  }
0x218: {  	_ =	swait.ge [sflag:s18], $0x800  }
0x219: {  	[sflag:s18] =	ssyncset.done $0x0  }
0x21a: {  	[sflag:s18] =	ssyncadd.s32 $0xFFFFF800  }
0x21b: {  	_ =	swait.ge [sflag:s6], $0x800  }
0x21c: {  	[sflag:s6] =	ssyncset.done $0x0  }
0x21d: {  	[sflag:s6] =	ssyncadd.s32 $0xFFFFF800  }
0x21e: {  	_ =	swait.ge [sflag:s18], $0x800  }
0x21f: {  	[sflag:s18] =	ssyncset.done $0x0  }
0x220: {  	[sflag:s18] =	ssyncadd.s32 $0xFFFFF800  }
0x221: {  	_ =	swait.ge [sflag:s6], $0x800  }
0x222: {  	[sflag:s6] =	ssyncset.done $0x0  }
0x223: {  	[sflag:s6] =	ssyncadd.s32 $0xFFFFF800  }
0x224: {  	_ =	swait.ge [sflag:s18], $0x800  }
0x225: {  	[sflag:s18] =	ssyncset.done $0x0  }
0x226: {  	[sflag:s18] =	ssyncadd.s32 $0xFFFFF800  }
0x227: {  	_ =	swait.ge [sflag:s6], $0x800  }
0x228: {  	[sflag:s6] =	ssyncset.done $0x0  }
0x229: {  	[sflag:s6] =	ssyncadd.s32 $0xFFFFF800  }
0x22a: {  	_ =	swait.ge [sflag:s18], $0x800  }
0x22b: {  	[sflag:s18] =	ssyncset.done $0x0  }
0x22c: {  	[sflag:s18] =	ssyncadd.s32 $0xFFFFF800  }
0x22d: {  	_ =	swait.ge [sflag:s6], $0x800  }
0x22e: {  	[sflag:s6] =	ssyncset.done $0x0  }
0x22f: {  	[sflag:s6] =	ssyncadd.s32 $0xFFFFF800  }
0x230: {  	_ =	swait.ge [sflag:s18], $0x800  }
0x231: {  	[sflag:s18] =	ssyncset.done $0x0  }
0x232: {  	[sflag:s18] =	ssyncadd.s32 $0xFFFFF800  }
0x233: {  	_ =	swait.ge [sflag:s6], $0x800  }
0x234: {  	[sflag:s6] =	ssyncset.done $0x0  }
0x235: {  	[sflag:s6] =	ssyncadd.s32 $0xFFFFF800  }
0x236: {  	_ =	swait.ge [sflag:s18], $0x800  }
0x237: {  	[sflag:s18] =	ssyncset.done $0x0  }
0x238: {  	[sflag:s18] =	ssyncadd.s32 $0xFFFFF800  }
0x239: {  	_ =	swait.ge [sflag:s6], $0x800  }
0x23a: {  	[sflag:s6] =	ssyncset.done $0x0  }
0x23b: {  	[sflag:s6] =	ssyncadd.s32 $0xFFFFF800  }
0x23c: {  	_ =	swait.ge [sflag:s18], $0x800  }
0x23d: {  	[sflag:s18] =	ssyncset.done $0x0  }
0x23e: {  	[sflag:s18] =	ssyncadd.s32 $0xFFFFF800  }
0x23f: {  	_ =	swait.ge [sflag:s6], $0x800  }
0x240: {  	[sflag:s6] =	ssyncset.done $0x0  }
0x241: {  	[sflag:s6] =	ssyncadd.s32 $0xFFFFF800  }
0x242: {  	_ =	swait.ge [sflag:s18], $0x800  }
0x243: {  	[sflag:s18] =	ssyncset.done $0x0  }
0x244: {  	[sflag:s18] =	ssyncadd.s32 $0xFFFFF800  }
0x245: {  	_ =	swait.ge [sflag:s6], $0x800  }
0x246: {  	[sflag:s6] =	ssyncset.done $0x0  }
0x247: {  	[sflag:s6] =	ssyncadd.s32 $0xFFFFF800  }
0x248: {  	_ =	swait.ge [sflag:s18], $0x800  }
0x249: {  	[sflag:s18] =	ssyncset.done $0x0  }
0x24a: {  	[sflag:s18] =	ssyncadd.s32 $0xFFFFF800  }
0x24b: {  	_ =	swait.ge [sflag:s6], $0x800  }
0x24c: {  	[sflag:s6] =	ssyncset.done $0x0  }
0x24d: {  	[sflag:s6] =	ssyncadd.s32 $0xFFFFF800  }
0x24e: {  	_ =	swait.ge [sflag:s18], $0x800  }
0x24f: {  	[sflag:s18] =	ssyncset.done $0x0  }
0x250: {  	[sflag:s18] =	ssyncadd.s32 $0xFFFFF800  }
0x251: {  	_ =	swait.ge [sflag:s6], $0x800  }
0x252: {  	[sflag:s6] =	ssyncset.done $0x0  }
0x253: {  	[sflag:s6] =	ssyncadd.s32 $0xFFFFF800  }
0x254: {  	_ =	swait.ge [sflag:s18], $0x800  }
0x255: {  	[sflag:s18] =	ssyncset.done $0x0  }
0x256: {  	[sflag:s18] =	ssyncadd.s32 $0xFFFFF800  }
0x257: {  	_ =	swait.ge [sflag:s6], $0x800  }
0x258: {  	[sflag:s6] =	ssyncset.done $0x0  }
0x259: {  	[sflag:s6] =	ssyncadd.s32 $0xFFFFF800  }
0x25a: {  	_ =	swait.ge [sflag:s18], $0x800  }
0x25b: {  	[sflag:s18] =	ssyncset.done $0x0  }
0x25c: {  	s16 =	simm.s32 $0x100;
	[sflag:s18] =	ssyncadd.s32 $0xFFFFF800  }
0x25d: {  	s22 =	simm.s32 $0x300;
	v1 =	vld [tilespmem:s16+$0x0]  }
0x25e: {  	v2 =	vld [tilespmem:s22+$0x0];
	_ =	sdelay $0x1  }
0x25f: {  	s26 =	simm.s32 $0x0  }
0x260: {  	v3 =	vmov s26  }
0x261: {  	v3 =	vshll.u32 v3, $0x7;
	v1 =	vshll.u32 v1, $0x5  }
0x262: {  	v3 =	vor.u32 v0, v3;
	v2 =	vshll.u32 v2, $0x5;
	v1 =	vand.u32 $0x60, v1  }
0x263: {  	v35 =	vand.u32 $0x60, v2;
	v2 =	vor.u32 v3, v1  }
0x264: {  	v1 =	vor.u32 v3, v35  }
0x265: {  	v3 =	vor.u32 $0x1, v2  }
0x266: {  	v4 =	vor.u32 $0x1, v1  }
0x267: {  	v36 =	vor.u32 $0x2, v2  }
0x268: {  	v38 =	vor.u32 $0x2, v1;
	v37 =	vld.idx.msk [tilespmem:v2+s13+$0x0], $0xffff  }
0x269: {  	v40 =	vor.u32 $0x3, v2;
	v39 =	vld.idx.msk [tilespmem:v1+s15+$0x0], $0xffff  }
0x26a: {  	v41 =	vor.u32 $0x3, v1;
	v3 =	vld.idx.msk [tilespmem:v3+s13+$0x0], $0xffff  }
0x26b: {  	v42 =	vor.u32 $0x4, v2;
	v4 =	vld.idx.msk [tilespmem:v4+s15+$0x0], $0xffff  }
0x26c: {  	v43 =	vor.u32 $0x4, v1;
	v5 =	vld.idx.msk [tilespmem:v36+s13+$0x0], $0xffff  }
0x26d: {  	v44 =	vor.u32 $0x5, v2;
	v7 =	vld.idx.msk [tilespmem:v38+s15+$0x0], $0xffff  }
0x26e: {  	v45 =	vor.u32 $0x5, v1;
	v9 =	vld.idx.msk [tilespmem:v40+s13+$0x0], $0xffff;
	v6 =	vmul.f32 v39, v37  }
0x26f: {  	v47 =	vor.u32 $0x6, v2;
	v46 =	vld.idx.msk [tilespmem:v41+s15+$0x0], $0xffff  }
0x270: {  	v48 =	vor.u32 $0x6, v1;
	v11 =	vld.idx.msk [tilespmem:v42+s13+$0x0], $0xffff;
	v3 =	vmul.f32 v4, v3;
	v6 =	vadd.f32 $0.0e+00, v6  }
0x271: {  	v50 =	vor.u32 $0x7, v2;
	v49 =	vld.idx.msk [tilespmem:v43+s15+$0x0], $0xffff  }
0x272: {  	v51 =	vor.u32 $0x7, v1;
	v13 =	vld.idx.msk [tilespmem:v44+s13+$0x0], $0xffff;
	v5 =	vmul.f32 v7, v5;
	v3 =	vadd.f32 v3, v6  }
0x273: {  	v54 =	vor.u32 $0x8, v1;
	v52 =	vld.idx.msk [tilespmem:v45+s15+$0x0], $0xffff  }
0x274: {  	v53 =	vor.u32 $0x8, v2;
	v10 =	vld.idx.msk [tilespmem:v47+s13+$0x0], $0xffff;
	v55 =	vmul.f32 v46, v9;
	v3 =	vadd.f32 v5, v3  }
0x275: {  	v58 =	vor.u32 $0x9, v1;
	v56 =	vld.idx.msk [tilespmem:v48+s15+$0x0], $0xffff  }
0x276: {  	v57 =	vor.u32 $0x9, v2;
	v12 =	vld.idx.msk [tilespmem:v50+s13+$0x0], $0xffff;
	v4 =	vmul.f32 v49, v11;
	v3 =	vadd.f32 v55, v3  }
0x277: {  	v61 =	vor.u32 $0xA, v1;
	v59 =	vld.idx.msk [tilespmem:v51+s15+$0x0], $0xffff  }
0x278: {  	v60 =	vor.u32 $0xA, v2;
	v63 =	vld.idx.msk [tilespmem:v54+s15+$0x0], $0xffff;
	v62 =	vmul.f32 v52, v13;
	v3 =	vadd.f32 v4, v3  }
0x279: {  	v20 =	vor.u32 $0xB, v1;
	v7 =	vld.idx.msk [tilespmem:v53+s13+$0x0], $0xffff  }
0x27a: {  	v19 =	vor.u32 $0xB, v2;
	v22 =	vld.idx.msk [tilespmem:v58+s15+$0x0], $0xffff;
	v21 =	vmul.f32 v56, v10;
	v3 =	vadd.f32 v62, v3  }
0x27b: {  	v24 =	vor.u32 $0xC, v1;
	v9 =	vld.idx.msk [tilespmem:v57+s13+$0x0], $0xffff  }
0x27c: {  	v23 =	vor.u32 $0xC, v2;
	v26 =	vld.idx.msk [tilespmem:v61+s15+$0x0], $0xffff;
	v25 =	vmul.f32 v59, v12;
	v3 =	vadd.f32 v21, v3  }
0x27d: {  	v28 =	vor.u32 $0xD, v1;
	v11 =	vld.idx.msk [tilespmem:v60+s13+$0x0], $0xffff  }
0x27e: {  	v27 =	vor.u32 $0xD, v2;
	v30 =	vld.idx.msk [tilespmem:v20+s15+$0x0], $0xffff;
	v29 =	vmul.f32 v63, v7;
	v3 =	vadd.f32 v25, v3  }
0x27f: {  	v32 =	vor.u32 $0xE, v1;
	v13 =	vld.idx.msk [tilespmem:v19+s13+$0x0], $0xffff  }
0x280: {  	v31 =	vor.u32 $0xE, v2;
	v34 =	vld.idx.msk [tilespmem:v24+s15+$0x0], $0xffff;
	v33 =	vmul.f32 v22, v9;
	v3 =	vadd.f32 v29, v3  }
0x281: {  	v36 =	vor.u32 $0xF, v1;
	v10 =	vld.idx.msk [tilespmem:v23+s13+$0x0], $0xffff  }
0x282: {  	v35 =	vor.u32 $0xF, v2;
	v38 =	vld.idx.msk [tilespmem:v28+s15+$0x0], $0xffff;
	v37 =	vmul.f32 v26, v11;
	v3 =	vadd.f32 v33, v3  }
0x283: {  	v40 =	vor.u32 $0x10, v1;
	v12 =	vld.idx.msk [tilespmem:v27+s13+$0x0], $0xffff  }
0x284: {  	v42 =	vld.idx.msk [tilespmem:v32+s15+$0x0], $0xffff;
	v39 =	vor.u32 $0x10, v2;
	v41 =	vmul.f32 v30, v13;
	v3 =	vadd.f32 v37, v3  }
0x285: {  	v44 =	vor.u32 $0x11, v1;
	v7 =	vld.idx.msk [tilespmem:v31+s13+$0x0], $0xffff  }
0x286: {  	v43 =	vor.u32 $0x11, v2;
	v46 =	vld.idx.msk [tilespmem:v36+s15+$0x0], $0xffff;
	v45 =	vmul.f32 v34, v10;
	v3 =	vadd.f32 v41, v3  }
0x287: {  	v48 =	vor.u32 $0x12, v1;
	v9 =	vld.idx.msk [tilespmem:v35+s13+$0x0], $0xffff  }
0x288: {  	v47 =	vor.u32 $0x12, v2;
	v50 =	vld.idx.msk [tilespmem:v40+s15+$0x0], $0xffff;
	v49 =	vmul.f32 v38, v12;
	v3 =	vadd.f32 v45, v3  }
0x289: {  	v51 =	vor.u32 $0x13, v2;
	v11 =	vld.idx.msk [tilespmem:v39+s13+$0x0], $0xffff  }
0x28a: {  	v52 =	vor.u32 $0x13, v1;
	v54 =	vld.idx.msk [tilespmem:v44+s15+$0x0], $0xffff;
	v53 =	vmul.f32 v42, v7;
	v3 =	vadd.f32 v49, v3  }
0x28b: {  	v56 =	vor.u32 $0x14, v1;
	v13 =	vld.idx.msk [tilespmem:v43+s13+$0x0], $0xffff  }
0x28c: {  	v58 =	vld.idx.msk [tilespmem:v48+s15+$0x0], $0xffff;
	v55 =	vor.u32 $0x14, v2;
	v57 =	vmul.f32 v46, v9;
	v3 =	vadd.f32 v53, v3  }
0x28d: {  	v60 =	vor.u32 $0x15, v1;
	v10 =	vld.idx.msk [tilespmem:v47+s13+$0x0], $0xffff  }
0x28e: {  	v59 =	vor.u32 $0x15, v2;
	v12 =	vld.idx.msk [tilespmem:v51+s13+$0x0], $0xffff;
	v61 =	vmul.f32 v50, v11;
	v3 =	vadd.f32 v57, v3  }
0x28f: {  	v20 =	vor.u32 $0x16, v1;
	v62 =	vld.idx.msk [tilespmem:v52+s15+$0x0], $0xffff  }
0x290: {  	v63 =	vor.u32 $0x16, v2;
	v22 =	vld.idx.msk [tilespmem:v56+s15+$0x0], $0xffff;
	v21 =	vmul.f32 v54, v13;
	v3 =	vadd.f32 v61, v3  }
0x291: {  	v24 =	vor.u32 $0x17, v1;
	v7 =	vld.idx.msk [tilespmem:v55+s13+$0x0], $0xffff  }
0x292: {  	v23 =	vor.u32 $0x17, v2;
	v26 =	vld.idx.msk [tilespmem:v60+s15+$0x0], $0xffff;
	v25 =	vmul.f32 v58, v10;
	v3 =	vadd.f32 v21, v3  }
0x293: {  	v28 =	vor.u32 $0x18, v1;
	v9 =	vld.idx.msk [tilespmem:v59+s13+$0x0], $0xffff  }
0x294: {  	v27 =	vor.u32 $0x18, v2;
	v30 =	vld.idx.msk [tilespmem:v20+s15+$0x0], $0xffff;
	v29 =	vmul.f32 v62, v12;
	v3 =	vadd.f32 v25, v3  }
0x295: {  	v32 =	vor.u32 $0x19, v1;
	v11 =	vld.idx.msk [tilespmem:v63+s13+$0x0], $0xffff  }
0x296: {  	v31 =	vor.u32 $0x19, v2;
	v34 =	vld.idx.msk [tilespmem:v24+s15+$0x0], $0xffff;
	v33 =	vmul.f32 v22, v7;
	v3 =	vadd.f32 v29, v3  }
0x297: {  	v36 =	vor.u32 $0x1A, v1;
	v13 =	vld.idx.msk [tilespmem:v23+s13+$0x0], $0xffff  }
0x298: {  	v35 =	vor.u32 $0x1A, v2;
	v38 =	vld.idx.msk [tilespmem:v28+s15+$0x0], $0xffff;
	v37 =	vmul.f32 v26, v9;
	v3 =	vadd.f32 v33, v3  }
0x299: {  	v40 =	vor.u32 $0x1B, v1;
	v10 =	vld.idx.msk [tilespmem:v27+s13+$0x0], $0xffff  }
0x29a: {  	v39 =	vor.u32 $0x1B, v2;
	v42 =	vld.idx.msk [tilespmem:v32+s15+$0x0], $0xffff;
	v41 =	vmul.f32 v30, v11;
	v3 =	vadd.f32 v37, v3  }
0x29b: {  	v44 =	vor.u32 $0x1C, v1;
	v12 =	vld.idx.msk [tilespmem:v31+s13+$0x0], $0xffff  }
0x29c: {  	v43 =	vor.u32 $0x1C, v2;
	v46 =	vld.idx.msk [tilespmem:v36+s15+$0x0], $0xffff;
	v45 =	vmul.f32 v34, v13;
	v3 =	vadd.f32 v41, v3  }
0x29d: {  	v47 =	vor.u32 $0x1D, v2;
	v7 =	vld.idx.msk [tilespmem:v35+s13+$0x0], $0xffff  }
0x29e: {  	v48 =	vor.u32 $0x1D, v1;
	v50 =	vld.idx.msk [tilespmem:v40+s15+$0x0], $0xffff;
	v49 =	vmul.f32 v38, v10;
	v3 =	vadd.f32 v45, v3  }
0x29f: {  	v51 =	vor.u32 $0x1E, v2;
	v9 =	vld.idx.msk [tilespmem:v39+s13+$0x0], $0xffff  }
0x2a0: {  	v52 =	vor.u32 $0x1E, v1;
	v54 =	vld.idx.msk [tilespmem:v44+s15+$0x0], $0xffff;
	v53 =	vmul.f32 v42, v12;
	v3 =	vadd.f32 v49, v3  }
0x2a1: {  	v2 =	vor.u32 $0x1F, v2;
	v11 =	vld.idx.msk [tilespmem:v43+s13+$0x0], $0xffff  }
0x2a2: {  	v1 =	vor.u32 $0x1F, v1;
	v55 =	vld.idx.msk [tilespmem:v47+s13+$0x0], $0xffff;
	v56 =	vmul.f32 v46, v7;
	v3 =	vadd.f32 v53, v3  }
0x2a3: {  	v57 =	vld.idx.msk [tilespmem:v48+s15+$0x0], $0xffff  }
0x2a4: {  	v58 =	vld.idx.msk [tilespmem:v51+s13+$0x0], $0xffff;
	v59 =	vmul.f32 v50, v9;
	v3 =	vadd.f32 v56, v3  }
0x2a5: {  	v60 =	vld.idx.msk [tilespmem:v52+s15+$0x0], $0xffff  }
0x2a6: {  	v2 =	vld.idx.msk [tilespmem:v2+s13+$0x0], $0xffff;
	v61 =	vmul.f32 v54, v11;
	v3 =	vadd.f32 v59, v3  }
0x2a7: {  	v1 =	vld.idx.msk [tilespmem:v1+s15+$0x0], $0xffff  }
0x2a8: {  	v62 =	vmul.f32 v57, v55;
	v3 =	vadd.f32 v61, v3;
	_ =	sdelay $0x1  }
0x2a9: {  	v63 =	vmul.f32 v60, v58;
	v3 =	vadd.f32 v62, v3;
	_ =	sdelay $0x1  }
0x2aa: {  	v1 =	vmul.f32 v1, v2;
	v3 =	vadd.f32 v63, v3;
	_ =	sdelay $0x1  }
0x2ab: {  	v1 =	vadd.f32 v1, v3  }
0x2ac: {  	s8 =	simm.s32 $0x12500  }
0x2ad: {  	s22 =	simm.s32 $0x110;
	[tilespmem:s8+$0x0] =	vst v1  }
0x2ae: {  	s26 =	simm.s32 $0x310;
	v1 =	vld [tilespmem:s22+$0x0]  }
0x2af: {  	s31 =	simm.s32 $0x10;
	s16 =	simm.s32 $0x20;
	v2 =	vld [tilespmem:s26+$0x0]  }
.LBB2_6:
0x2b0: {  	p0 =	sne.s32 s16, $0xF0;
	_ =	sdelay $0x1  }
0x2b1: {  	v3 =	vmov s31;
	s31 =	smov.u32 s16  }
0x2b2: {  	v3 =	vshll.u32 v3, $0x7;
	v1 =	vshll.u32 v1, $0x5  }
0x2b3: {  	v3 =	vor.u32 v0, v3;
	v1 =	vand.u32 $0x60, v1;
	v2 =	vshll.u32 v2, $0x5  }
0x2b4: {  	v4 =	vand.u32 $0x60, v2;
	v2 =	vor.u32 v3, v1  }
0x2b5: {  	v1 =	vor.u32 v3, v4  }
0x2b6: {  	v3 =	vor.u32 $0x1, v2  }
0x2b7: {  	v4 =	vor.u32 $0x1, v1  }
0x2b8: {  	v5 =	vor.u32 $0x2, v2  }
0x2b9: {  	v7 =	vor.u32 $0x2, v1;
	v6 =	vld.idx.msk [tilespmem:v2+s13+$0x0], $0xffff  }
0x2ba: {  	v9 =	vor.u32 $0x3, v2;
	v8 =	vld.idx.msk [tilespmem:v1+s15+$0x0], $0xffff  }
0x2bb: {  	v10 =	vor.u32 $0x3, v1;
	v3 =	vld.idx.msk [tilespmem:v3+s13+$0x0], $0xffff  }
0x2bc: {  	v11 =	vor.u32 $0x4, v2;
	v4 =	vld.idx.msk [tilespmem:v4+s15+$0x0], $0xffff  }
0x2bd: {  	v12 =	vor.u32 $0x4, v1;
	v5 =	vld.idx.msk [tilespmem:v5+s13+$0x0], $0xffff  }
0x2be: {  	v13 =	vor.u32 $0x5, v2;
	v7 =	vld.idx.msk [tilespmem:v7+s15+$0x0], $0xffff  }
0x2bf: {  	v14 =	vor.u32 $0x5, v1;
	v9 =	vld.idx.msk [tilespmem:v9+s13+$0x0], $0xffff  }
0x2c0: {  	v6 =	vmul.f32 v8, v6;
	v8 =	vld.idx.msk [tilespmem:v10+s15+$0x0], $0xffff;
	v10 =	vor.u32 $0x6, v2  }
0x2c1: {  	v15 =	vor.u32 $0x6, v1;
	v11 =	vld.idx.msk [tilespmem:v11+s13+$0x0], $0xffff  }
0x2c2: {  	v6 =	vadd.f32 $0.0e+00, v6;
	v3 =	vmul.f32 v4, v3;
	v4 =	vld.idx.msk [tilespmem:v12+s15+$0x0], $0xffff;
	v12 =	vor.u32 $0x7, v2  }
0x2c3: {  	v16 =	vor.u32 $0x7, v1;
	v13 =	vld.idx.msk [tilespmem:v13+s13+$0x0], $0xffff  }
0x2c4: {  	v3 =	vadd.f32 v3, v6;
	v5 =	vmul.f32 v7, v5;
	v7 =	vor.u32 $0x8, v2;
	v6 =	vld.idx.msk [tilespmem:v14+s15+$0x0], $0xffff  }
0x2c5: {  	v14 =	vor.u32 $0x8, v1;
	v10 =	vld.idx.msk [tilespmem:v10+s13+$0x0], $0xffff  }
0x2c6: {  	v3 =	vadd.f32 v5, v3;
	v5 =	vmul.f32 v8, v9;
	v9 =	vor.u32 $0x9, v2;
	v8 =	vld.idx.msk [tilespmem:v15+s15+$0x0], $0xffff  }
0x2c7: {  	v15 =	vor.u32 $0x9, v1;
	v12 =	vld.idx.msk [tilespmem:v12+s13+$0x0], $0xffff  }
0x2c8: {  	v3 =	vadd.f32 v5, v3;
	v4 =	vmul.f32 v4, v11;
	v11 =	vor.u32 $0xA, v2;
	v5 =	vld.idx.msk [tilespmem:v16+s15+$0x0], $0xffff  }
0x2c9: {  	v16 =	vor.u32 $0xA, v1;
	v7 =	vld.idx.msk [tilespmem:v7+s13+$0x0], $0xffff  }
0x2ca: {  	v3 =	vadd.f32 v4, v3;
	v4 =	vmul.f32 v6, v13;
	v13 =	vor.u32 $0xB, v2;
	v6 =	vld.idx.msk [tilespmem:v14+s15+$0x0], $0xffff  }
0x2cb: {  	v14 =	vor.u32 $0xB, v1;
	v9 =	vld.idx.msk [tilespmem:v9+s13+$0x0], $0xffff  }
0x2cc: {  	v3 =	vadd.f32 v4, v3;
	v4 =	vmul.f32 v8, v10;
	v10 =	vor.u32 $0xC, v2;
	v8 =	vld.idx.msk [tilespmem:v15+s15+$0x0], $0xffff  }
0x2cd: {  	v15 =	vor.u32 $0xC, v1;
	v11 =	vld.idx.msk [tilespmem:v11+s13+$0x0], $0xffff  }
0x2ce: {  	v3 =	vadd.f32 v4, v3;
	v4 =	vmul.f32 v5, v12;
	v12 =	vor.u32 $0xD, v2;
	v5 =	vld.idx.msk [tilespmem:v16+s15+$0x0], $0xffff  }
0x2cf: {  	v16 =	vor.u32 $0xD, v1;
	v13 =	vld.idx.msk [tilespmem:v13+s13+$0x0], $0xffff  }
0x2d0: {  	v3 =	vadd.f32 v4, v3;
	v4 =	vmul.f32 v6, v7;
	v7 =	vor.u32 $0xE, v2;
	v6 =	vld.idx.msk [tilespmem:v14+s15+$0x0], $0xffff  }
0x2d1: {  	v14 =	vor.u32 $0xE, v1;
	v10 =	vld.idx.msk [tilespmem:v10+s13+$0x0], $0xffff  }
0x2d2: {  	v3 =	vadd.f32 v4, v3;
	v4 =	vmul.f32 v8, v9;
	v9 =	vor.u32 $0xF, v2;
	v8 =	vld.idx.msk [tilespmem:v15+s15+$0x0], $0xffff  }
0x2d3: {  	v15 =	vor.u32 $0xF, v1;
	v12 =	vld.idx.msk [tilespmem:v12+s13+$0x0], $0xffff  }
0x2d4: {  	v3 =	vadd.f32 v4, v3;
	v4 =	vmul.f32 v5, v11;
	v11 =	vor.u32 $0x10, v2;
	v5 =	vld.idx.msk [tilespmem:v16+s15+$0x0], $0xffff  }
0x2d5: {  	v16 =	vor.u32 $0x10, v1;
	v7 =	vld.idx.msk [tilespmem:v7+s13+$0x0], $0xffff  }
0x2d6: {  	v3 =	vadd.f32 v4, v3;
	v4 =	vmul.f32 v6, v13;
	v13 =	vor.u32 $0x11, v2;
	v6 =	vld.idx.msk [tilespmem:v14+s15+$0x0], $0xffff  }
0x2d7: {  	v14 =	vor.u32 $0x11, v1;
	v9 =	vld.idx.msk [tilespmem:v9+s13+$0x0], $0xffff  }
0x2d8: {  	v3 =	vadd.f32 v4, v3;
	v4 =	vmul.f32 v8, v10;
	v10 =	vor.u32 $0x12, v2;
	v8 =	vld.idx.msk [tilespmem:v15+s15+$0x0], $0xffff  }
0x2d9: {  	v15 =	vor.u32 $0x12, v1;
	v11 =	vld.idx.msk [tilespmem:v11+s13+$0x0], $0xffff  }
0x2da: {  	v3 =	vadd.f32 v4, v3;
	v4 =	vmul.f32 v5, v12;
	v12 =	vor.u32 $0x13, v2;
	v5 =	vld.idx.msk [tilespmem:v16+s15+$0x0], $0xffff  }
0x2db: {  	v16 =	vor.u32 $0x13, v1;
	v13 =	vld.idx.msk [tilespmem:v13+s13+$0x0], $0xffff  }
0x2dc: {  	v3 =	vadd.f32 v4, v3;
	v4 =	vmul.f32 v6, v7;
	v7 =	vor.u32 $0x14, v2;
	v6 =	vld.idx.msk [tilespmem:v14+s15+$0x0], $0xffff  }
0x2dd: {  	v14 =	vor.u32 $0x14, v1;
	v10 =	vld.idx.msk [tilespmem:v10+s13+$0x0], $0xffff  }
0x2de: {  	v3 =	vadd.f32 v4, v3;
	v4 =	vmul.f32 v8, v9;
	v9 =	vor.u32 $0x15, v2;
	v8 =	vld.idx.msk [tilespmem:v15+s15+$0x0], $0xffff  }
0x2df: {  	v15 =	vor.u32 $0x15, v1;
	v12 =	vld.idx.msk [tilespmem:v12+s13+$0x0], $0xffff  }
0x2e0: {  	v3 =	vadd.f32 v4, v3;
	v4 =	vmul.f32 v5, v11;
	v11 =	vor.u32 $0x16, v2;
	v5 =	vld.idx.msk [tilespmem:v16+s15+$0x0], $0xffff  }
0x2e1: {  	v16 =	vor.u32 $0x16, v1;
	v7 =	vld.idx.msk [tilespmem:v7+s13+$0x0], $0xffff  }
0x2e2: {  	v3 =	vadd.f32 v4, v3;
	v4 =	vmul.f32 v6, v13;
	v13 =	vor.u32 $0x17, v2;
	v6 =	vld.idx.msk [tilespmem:v14+s15+$0x0], $0xffff  }
0x2e3: {  	v14 =	vor.u32 $0x17, v1;
	v9 =	vld.idx.msk [tilespmem:v9+s13+$0x0], $0xffff  }
0x2e4: {  	v3 =	vadd.f32 v4, v3;
	v4 =	vmul.f32 v8, v10;
	v10 =	vor.u32 $0x18, v2;
	v8 =	vld.idx.msk [tilespmem:v15+s15+$0x0], $0xffff  }
0x2e5: {  	v15 =	vor.u32 $0x18, v1;
	v11 =	vld.idx.msk [tilespmem:v11+s13+$0x0], $0xffff  }
0x2e6: {  	v3 =	vadd.f32 v4, v3;
	v4 =	vmul.f32 v5, v12;
	v12 =	vor.u32 $0x19, v2;
	v5 =	vld.idx.msk [tilespmem:v16+s15+$0x0], $0xffff  }
0x2e7: {  	v16 =	vor.u32 $0x19, v1;
	v13 =	vld.idx.msk [tilespmem:v13+s13+$0x0], $0xffff  }
0x2e8: {  	v3 =	vadd.f32 v4, v3;
	v4 =	vmul.f32 v6, v7;
	v7 =	vor.u32 $0x1A, v2;
	v6 =	vld.idx.msk [tilespmem:v14+s15+$0x0], $0xffff  }
0x2e9: {  	v14 =	vor.u32 $0x1A, v1;
	v10 =	vld.idx.msk [tilespmem:v10+s13+$0x0], $0xffff  }
0x2ea: {  	v3 =	vadd.f32 v4, v3;
	v4 =	vmul.f32 v8, v9;
	v9 =	vor.u32 $0x1B, v2;
	v8 =	vld.idx.msk [tilespmem:v15+s15+$0x0], $0xffff  }
0x2eb: {  	v15 =	vor.u32 $0x1B, v1;
	v12 =	vld.idx.msk [tilespmem:v12+s13+$0x0], $0xffff  }
0x2ec: {  	v3 =	vadd.f32 v4, v3;
	v4 =	vmul.f32 v5, v11;
	v11 =	vor.u32 $0x1C, v2;
	v5 =	vld.idx.msk [tilespmem:v16+s15+$0x0], $0xffff  }
0x2ed: {  	v16 =	vor.u32 $0x1C, v1;
	v7 =	vld.idx.msk [tilespmem:v7+s13+$0x0], $0xffff  }
0x2ee: {  	v3 =	vadd.f32 v4, v3;
	v4 =	vmul.f32 v6, v13;
	v13 =	vor.u32 $0x1D, v2;
	v6 =	vld.idx.msk [tilespmem:v14+s15+$0x0], $0xffff  }
0x2ef: {  	v14 =	vor.u32 $0x1D, v1;
	v9 =	vld.idx.msk [tilespmem:v9+s13+$0x0], $0xffff  }
0x2f0: {  	v3 =	vadd.f32 v4, v3;
	v4 =	vmul.f32 v8, v10;
	v10 =	vor.u32 $0x1E, v2;
	v8 =	vld.idx.msk [tilespmem:v15+s15+$0x0], $0xffff  }
0x2f1: {  	v15 =	vor.u32 $0x1E, v1;
	v11 =	vld.idx.msk [tilespmem:v11+s13+$0x0], $0xffff  }
0x2f2: {  	v2 =	vor.u32 $0x1F, v2;
	v3 =	vadd.f32 v4, v3;
	v4 =	vmul.f32 v5, v12;
	v5 =	vld.idx.msk [tilespmem:v16+s15+$0x0], $0xffff  }
0x2f3: {  	v1 =	vor.u32 $0x1F, v1;
	v12 =	vld.idx.msk [tilespmem:v13+s13+$0x0], $0xffff  }
0x2f4: {  	v3 =	vadd.f32 v4, v3;
	v4 =	vmul.f32 v6, v7;
	v6 =	vld.idx.msk [tilespmem:v14+s15+$0x0], $0xffff  }
0x2f5: {  	v7 =	vld.idx.msk [tilespmem:v10+s13+$0x0], $0xffff  }
0x2f6: {  	v3 =	vadd.f32 v4, v3;
	v4 =	vmul.f32 v8, v9;
	v8 =	vld.idx.msk [tilespmem:v15+s15+$0x0], $0xffff  }
0x2f7: {  	v2 =	vld.idx.msk [tilespmem:v2+s13+$0x0], $0xffff  }
0x2f8: {  	v3 =	vadd.f32 v4, v3;
	v4 =	vmul.f32 v5, v11;
	v1 =	vld.idx.msk [tilespmem:v1+s15+$0x0], $0xffff;
	_ =	sdelay $0x1  }
0x2f9: {  	v3 =	vadd.f32 v4, v3;
	v4 =	vmul.f32 v6, v12;
	_ =	sdelay $0x1  }
0x2fa: {  	v3 =	vadd.f32 v4, v3;
	v4 =	vmul.f32 v8, v7;
	_ =	sdelay $0x1  }
0x2fb: {  	v3 =	vadd.f32 v4, v3;
	v1 =	vmul.f32 v1, v2;
	_ =	sdelay $0x1  }
.Ltmp2:
0x2fc: {  	v1 =	vadd.f32 v1, v3;
	(pc) =	sbr.rel @p0 .LBB2_6-.Ltmp2, $4  }
0x2fd: {  	s8 =	sadd.s32 $0x10, s8  }
0x2fe: {  	s22 =	sadd.s32 $0x10, s22;
	[tilespmem:s8+$0x0] =	vst v1  }
0x2ff: {  	s26 =	sadd.s32 $0x10, s26;
	v1 =	vld [tilespmem:s22+$0x0]  }
0x300: {  	s16 =	sadd.s32 $0x10, s16;
	v2 =	vld [tilespmem:s26+$0x0]  }
0x301: {  	_ =	sdelay $0x1  }
0x302: {  	v3 =	vmov s31  }
0x303: {  	v3 =	vshll.u32 v3, $0x7;
	v1 =	vshll.u32 v1, $0x5  }
0x304: {  	v3 =	vor.u32 v0, v3;
	v1 =	vand.u32 $0x60, v1;
	v2 =	vshll.u32 v2, $0x5  }
0x305: {  	v4 =	vand.u32 $0x60, v2;
	v2 =	vor.u32 v3, v1  }
0x306: {  	v1 =	vor.u32 v3, v4  }
0x307: {  	v3 =	vor.u32 $0x1, v2  }
0x308: {  	v4 =	vor.u32 $0x1, v1  }
0x309: {  	v5 =	vor.u32 $0x2, v2  }
0x30a: {  	v7 =	vor.u32 $0x2, v1;
	v6 =	vld.idx.msk [tilespmem:v2+s13+$0x0], $0xffff  }
0x30b: {  	v9 =	vor.u32 $0x3, v2;
	v8 =	vld.idx.msk [tilespmem:v1+s15+$0x0], $0xffff  }
0x30c: {  	v10 =	vor.u32 $0x3, v1;
	v3 =	vld.idx.msk [tilespmem:v3+s13+$0x0], $0xffff  }
0x30d: {  	v11 =	vor.u32 $0x4, v2;
	v4 =	vld.idx.msk [tilespmem:v4+s15+$0x0], $0xffff  }
0x30e: {  	v12 =	vor.u32 $0x4, v1;
	v5 =	vld.idx.msk [tilespmem:v5+s13+$0x0], $0xffff  }
0x30f: {  	v13 =	vor.u32 $0x5, v2;
	v7 =	vld.idx.msk [tilespmem:v7+s15+$0x0], $0xffff  }
0x310: {  	v14 =	vor.u32 $0x5, v1;
	v9 =	vld.idx.msk [tilespmem:v9+s13+$0x0], $0xffff;
	v6 =	vmul.f32 v8, v6  }
0x311: {  	v49 =	vor.u32 $0x6, v2;
	v48 =	vld.idx.msk [tilespmem:v10+s15+$0x0], $0xffff  }
0x312: {  	v15 =	vor.u32 $0x6, v1;
	v11 =	vld.idx.msk [tilespmem:v11+s13+$0x0], $0xffff;
	v3 =	vmul.f32 v4, v3;
	v6 =	vadd.f32 $0.0e+00, v6  }
0x313: {  	v51 =	vor.u32 $0x7, v2;
	v50 =	vld.idx.msk [tilespmem:v12+s15+$0x0], $0xffff  }
0x314: {  	v16 =	vor.u32 $0x7, v1;
	v13 =	vld.idx.msk [tilespmem:v13+s13+$0x0], $0xffff;
	v5 =	vmul.f32 v7, v5;
	v3 =	vadd.f32 v3, v6  }
0x315: {  	v54 =	vor.u32 $0x8, v1;
	v52 =	vld.idx.msk [tilespmem:v14+s15+$0x0], $0xffff  }
0x316: {  	v53 =	vor.u32 $0x8, v2;
	v10 =	vld.idx.msk [tilespmem:v49+s13+$0x0], $0xffff;
	v55 =	vmul.f32 v48, v9;
	v3 =	vadd.f32 v5, v3  }
0x317: {  	v58 =	vor.u32 $0x9, v1;
	v56 =	vld.idx.msk [tilespmem:v15+s15+$0x0], $0xffff  }
0x318: {  	v57 =	vor.u32 $0x9, v2;
	v12 =	vld.idx.msk [tilespmem:v51+s13+$0x0], $0xffff;
	v4 =	vmul.f32 v50, v11;
	v3 =	vadd.f32 v55, v3  }
0x319: {  	v61 =	vor.u32 $0xA, v1;
	v59 =	vld.idx.msk [tilespmem:v16+s15+$0x0], $0xffff  }
0x31a: {  	v60 =	vor.u32 $0xA, v2;
	v63 =	vld.idx.msk [tilespmem:v54+s15+$0x0], $0xffff;
	v62 =	vmul.f32 v52, v13;
	v3 =	vadd.f32 v4, v3  }
0x31b: {  	v20 =	vor.u32 $0xB, v1;
	v7 =	vld.idx.msk [tilespmem:v53+s13+$0x0], $0xffff  }
0x31c: {  	v19 =	vor.u32 $0xB, v2;
	v22 =	vld.idx.msk [tilespmem:v58+s15+$0x0], $0xffff;
	v21 =	vmul.f32 v56, v10;
	v3 =	vadd.f32 v62, v3  }
0x31d: {  	v24 =	vor.u32 $0xC, v1;
	v9 =	vld.idx.msk [tilespmem:v57+s13+$0x0], $0xffff  }
0x31e: {  	v23 =	vor.u32 $0xC, v2;
	v26 =	vld.idx.msk [tilespmem:v61+s15+$0x0], $0xffff;
	v25 =	vmul.f32 v59, v12;
	v3 =	vadd.f32 v21, v3  }
0x31f: {  	v28 =	vor.u32 $0xD, v1;
	v11 =	vld.idx.msk [tilespmem:v60+s13+$0x0], $0xffff  }
0x320: {  	v27 =	vor.u32 $0xD, v2;
	v30 =	vld.idx.msk [tilespmem:v20+s15+$0x0], $0xffff;
	v29 =	vmul.f32 v63, v7;
	v3 =	vadd.f32 v25, v3  }
0x321: {  	v32 =	vor.u32 $0xE, v1;
	v13 =	vld.idx.msk [tilespmem:v19+s13+$0x0], $0xffff  }
0x322: {  	v31 =	vor.u32 $0xE, v2;
	v34 =	vld.idx.msk [tilespmem:v24+s15+$0x0], $0xffff;
	v33 =	vmul.f32 v22, v9;
	v3 =	vadd.f32 v29, v3  }
0x323: {  	v36 =	vor.u32 $0xF, v1;
	v10 =	vld.idx.msk [tilespmem:v23+s13+$0x0], $0xffff  }
0x324: {  	v35 =	vor.u32 $0xF, v2;
	v38 =	vld.idx.msk [tilespmem:v28+s15+$0x0], $0xffff;
	v37 =	vmul.f32 v26, v11;
	v3 =	vadd.f32 v33, v3  }
0x325: {  	v40 =	vor.u32 $0x10, v1;
	v12 =	vld.idx.msk [tilespmem:v27+s13+$0x0], $0xffff  }
0x326: {  	v39 =	vor.u32 $0x10, v2;
	v42 =	vld.idx.msk [tilespmem:v32+s15+$0x0], $0xffff;
	v41 =	vmul.f32 v30, v13;
	v3 =	vadd.f32 v37, v3  }
0x327: {  	v44 =	vor.u32 $0x11, v1;
	v7 =	vld.idx.msk [tilespmem:v31+s13+$0x0], $0xffff  }
0x328: {  	v43 =	vor.u32 $0x11, v2;
	v46 =	vld.idx.msk [tilespmem:v36+s15+$0x0], $0xffff;
	v45 =	vmul.f32 v34, v10;
	v3 =	vadd.f32 v41, v3  }
0x329: {  	v47 =	vor.u32 $0x12, v2;
	v9 =	vld.idx.msk [tilespmem:v35+s13+$0x0], $0xffff  }
0x32a: {  	v48 =	vor.u32 $0x12, v1;
	v50 =	vld.idx.msk [tilespmem:v40+s15+$0x0], $0xffff;
	v49 =	vmul.f32 v38, v12;
	v3 =	vadd.f32 v45, v3  }
0x32b: {  	v51 =	vor.u32 $0x13, v2;
	v11 =	vld.idx.msk [tilespmem:v39+s13+$0x0], $0xffff  }
0x32c: {  	v54 =	vld.idx.msk [tilespmem:v44+s15+$0x0], $0xffff;
	v52 =	vor.u32 $0x13, v1;
	v53 =	vmul.f32 v42, v7;
	v3 =	vadd.f32 v49, v3  }
0x32d: {  	v56 =	vor.u32 $0x14, v1;
	v13 =	vld.idx.msk [tilespmem:v43+s13+$0x0], $0xffff  }
0x32e: {  	v10 =	vld.idx.msk [tilespmem:v47+s13+$0x0], $0xffff;
	v55 =	vor.u32 $0x14, v2;
	v57 =	vmul.f32 v46, v9;
	v3 =	vadd.f32 v53, v3  }
0x32f: {  	v60 =	vor.u32 $0x15, v1;
	v58 =	vld.idx.msk [tilespmem:v48+s15+$0x0], $0xffff  }
0x330: {  	v59 =	vor.u32 $0x15, v2;
	v12 =	vld.idx.msk [tilespmem:v51+s13+$0x0], $0xffff;
	v61 =	vmul.f32 v50, v11;
	v3 =	vadd.f32 v57, v3  }
0x331: {  	v20 =	vor.u32 $0x16, v1;
	v62 =	vld.idx.msk [tilespmem:v52+s15+$0x0], $0xffff  }
0x332: {  	v63 =	vor.u32 $0x16, v2;
	v22 =	vld.idx.msk [tilespmem:v56+s15+$0x0], $0xffff;
	v21 =	vmul.f32 v54, v13;
	v3 =	vadd.f32 v61, v3  }
0x333: {  	v24 =	vor.u32 $0x17, v1;
	v7 =	vld.idx.msk [tilespmem:v55+s13+$0x0], $0xffff  }
0x334: {  	v23 =	vor.u32 $0x17, v2;
	v26 =	vld.idx.msk [tilespmem:v60+s15+$0x0], $0xffff;
	v25 =	vmul.f32 v58, v10;
	v3 =	vadd.f32 v21, v3  }
0x335: {  	v28 =	vor.u32 $0x18, v1;
	v9 =	vld.idx.msk [tilespmem:v59+s13+$0x0], $0xffff  }
0x336: {  	v27 =	vor.u32 $0x18, v2;
	v30 =	vld.idx.msk [tilespmem:v20+s15+$0x0], $0xffff;
	v29 =	vmul.f32 v62, v12;
	v3 =	vadd.f32 v25, v3  }
0x337: {  	v32 =	vor.u32 $0x19, v1;
	v11 =	vld.idx.msk [tilespmem:v63+s13+$0x0], $0xffff  }
0x338: {  	v31 =	vor.u32 $0x19, v2;
	v34 =	vld.idx.msk [tilespmem:v24+s15+$0x0], $0xffff;
	v33 =	vmul.f32 v22, v7;
	v3 =	vadd.f32 v29, v3  }
0x339: {  	v36 =	vor.u32 $0x1A, v1;
	v13 =	vld.idx.msk [tilespmem:v23+s13+$0x0], $0xffff  }
0x33a: {  	v35 =	vor.u32 $0x1A, v2;
	v38 =	vld.idx.msk [tilespmem:v28+s15+$0x0], $0xffff;
	v37 =	vmul.f32 v26, v9;
	v3 =	vadd.f32 v33, v3  }
0x33b: {  	v40 =	vor.u32 $0x1B, v1;
	v10 =	vld.idx.msk [tilespmem:v27+s13+$0x0], $0xffff  }
0x33c: {  	v39 =	vor.u32 $0x1B, v2;
	v42 =	vld.idx.msk [tilespmem:v32+s15+$0x0], $0xffff;
	v41 =	vmul.f32 v30, v11;
	v3 =	vadd.f32 v37, v3  }
0x33d: {  	v44 =	vor.u32 $0x1C, v1;
	v12 =	vld.idx.msk [tilespmem:v31+s13+$0x0], $0xffff  }
0x33e: {  	v43 =	vor.u32 $0x1C, v2;
	v46 =	vld.idx.msk [tilespmem:v36+s15+$0x0], $0xffff;
	v45 =	vmul.f32 v34, v13;
	v3 =	vadd.f32 v41, v3  }
0x33f: {  	v47 =	vor.u32 $0x1D, v2;
	v7 =	vld.idx.msk [tilespmem:v35+s13+$0x0], $0xffff  }
0x340: {  	v48 =	vor.u32 $0x1D, v1;
	v50 =	vld.idx.msk [tilespmem:v40+s15+$0x0], $0xffff;
	v49 =	vmul.f32 v38, v10;
	v3 =	vadd.f32 v45, v3  }
0x341: {  	v51 =	vor.u32 $0x1E, v2;
	v9 =	vld.idx.msk [tilespmem:v39+s13+$0x0], $0xffff  }
0x342: {  	v52 =	vor.u32 $0x1E, v1;
	v54 =	vld.idx.msk [tilespmem:v44+s15+$0x0], $0xffff;
	v53 =	vmul.f32 v42, v12;
	v3 =	vadd.f32 v49, v3  }
0x343: {  	v2 =	vor.u32 $0x1F, v2;
	v11 =	vld.idx.msk [tilespmem:v43+s13+$0x0], $0xffff  }
0x344: {  	v1 =	vor.u32 $0x1F, v1;
	v55 =	vld.idx.msk [tilespmem:v47+s13+$0x0], $0xffff;
	v56 =	vmul.f32 v46, v7;
	v3 =	vadd.f32 v53, v3  }
0x345: {  	v57 =	vld.idx.msk [tilespmem:v48+s15+$0x0], $0xffff  }
0x346: {  	v58 =	vld.idx.msk [tilespmem:v51+s13+$0x0], $0xffff;
	v59 =	vmul.f32 v50, v9;
	v3 =	vadd.f32 v56, v3  }
0x347: {  	v60 =	vld.idx.msk [tilespmem:v52+s15+$0x0], $0xffff  }
0x348: {  	v2 =	vld.idx.msk [tilespmem:v2+s13+$0x0], $0xffff;
	v61 =	vmul.f32 v54, v11;
	v3 =	vadd.f32 v59, v3  }
0x349: {  	v1 =	vld.idx.msk [tilespmem:v1+s15+$0x0], $0xffff  }
0x34a: {  	v62 =	vmul.f32 v57, v55;
	v3 =	vadd.f32 v61, v3;
	_ =	sdelay $0x1  }
0x34b: {  	v63 =	vmul.f32 v60, v58;
	v3 =	vadd.f32 v62, v3;
	_ =	sdelay $0x1  }
0x34c: {  	v1 =	vmul.f32 v1, v2;
	v3 =	vadd.f32 v63, v3;
	_ =	sdelay $0x1  }
0x34d: {  	v1 =	vadd.f32 v1, v3  }
0x34e: {  	s8 =	sadd.s32 $0x10, s8  }
0x34f: {  	s22 =	rddreg [dreg:$0x7];
	s16 =	simm.s32 $0x12400;
	[tilespmem:s8+$0x0] =	vst v1  }
0x350: {  	[hbm4b:s22+s1] =	stream.linear.scatter [tilespmem:s16], [sflag:$0x3], $0x200, $0x38;
	[tilespmem:$0x12600] =	vst v63  }
0x351: {  	_ =	swait.ge [sflag:s9], $0x200  }
0x352: {  	s7 =	sadd.s32 $0x1, s7;
	s26 =	rddreg [dreg:$0x8]  }
0x353: {  	p0 =	sne.s32 s7, s26  }
.Ltmp3:
0x354: {  	_ = 	snop;
	(pc) =	sbr.rel @p0 .LBB2_1-.Ltmp3, $3  }
0x355: {  	_ =	sdelay $0x1  }
0x356: {  	[sflag:s9] =	ssyncset.done $0x0  }
0x357: {  	s31 =	simm.s32 $0x400;
	[sflag:s9] =	ssyncadd.s32 $0xFFFFFE00  }
0x358: {  	_ =	sfence.sel $0x180000  }
0x359: {  	[bflag:$0x0] =	sbarrier.arrive $0xFFFF  }
0x35a: {  	_ =	strace $0x90000047  }
0x35b: {  	s0 =	stileid.u32;
	[bflag:$0x2] =	sbarrier.arrive $0xFFFF  }
0x35c: {  	p0 =	sne.s32 s0, $0x0;
	s0 =	rddreg [dreg:$0x4]  }
0x35d: {  	s0 =	sadd.s32 @!p0 $0x100000, s0  }
0x35e: {  	[sflag:s0] =	ssyncadd.tile.s32 @!p0 $0x1;
	_ =	shalt  }
.Lfunc_end2:
_tile_overlayer_lowered:
.L_overlay_start_2:
0x35f: {  	(tag) =	ssettag $0x2  }
0x360: {  	s0 =	rddreg [dreg:$0x0];
	s2 =	stileid.u32  }
0x361: {  	s1 =	rddreg [dreg:$0x1];
	p0 =	sne.s32 s2, $0x0  }
0x362: {  	s3 =	rddreg [dreg:$0x2];
	[bflag:$0x3] =	sbarrier.arrive $0xFFFF;
	s2 =	simm.s32 @!p0 $0x1C03  }
0x363: {  	[timem:s3], [sflag:s2] =	dma.local @!p0 [hbm:s0], s1  }
0x364: {  	s0 =	simm.s32 @!p0 $0x3  }
0x365: {  	_ =	swait.ge @!p0 [sflag:s0], s1  }
0x366: {  	s1 =	ssub.s32 @!p0 $0x0, s1;
	[sflag:s0] =	ssyncset.done @!p0 $0x0  }
0x367: {  	[sflag:s0] =	ssyncadd.s32 @!p0 s1  }
0x368: {  	[bflag:$0x3] =	sbarrier.arrive $0xFFFF  }
0x369: {  	_ =	shalt  }

</sc_bundles>
